<compile_context>
chip_gen: v7x
topology: tpu7x:2x2x1
jax: 0.10.2.dev20260603
libtpu: 0.0.44.dev20260713+nightly
codegen_flags: <defaults>
</compile_context>

<pallas_src>
import functools

import jax
import jax.numpy as jnp
from jax import lax
from jax.experimental import pallas as pl
from jax.experimental.pallas import tpu as pltpu
from jax.experimental.pallas import tpu_sc as plsc

_NC = 2
_NS = 16
_NW = _NC * _NS

_ROWS = 4096
_NB = 8
_F = 128
_CH = 32
_SLOTS = 3
_PER_W = _ROWS // _NW
_NCHUNK = _PER_W // _CH


def _sc_body(x1_hbm, x2_hbm, out_hbm, v, lsem, wsem):
    wid = lax.axis_index("s") * _NC + lax.axis_index("c")
    base = wid * _PER_W

    jobs = []
    for src_is_x1 in (True, False):
        for c in range(_NCHUNK):
            jobs.append((src_is_x1, c))

    def start_load(t):
        src_is_x1, c = jobs[t]
        src = x1_hbm if src_is_x1 else x2_hbm
        return pltpu.async_copy(src.at[pl.ds(base + c * _CH, _CH)],
                                v.at[t % _SLOTS], lsem)

    loads = {0: start_load(0)}
    writes = {}
    for t in range(len(jobs)):
        s = t % _SLOTS
        if t + 1 - _SLOTS >= 0:
            for d in writes[t + 1 - _SLOTS]:
                d.wait()
        if t + 1 < len(jobs):
            loads[t + 1] = start_load(t + 1)
        loads[t].wait()
        src_is_x1, c = jobs[t]
        bk = base + c * _CH
        ws = []
        for r in range(_NB):
            if src_is_x1:
                dst = out_hbm.at[pl.ds(bk, _CH), r, :, pl.ds(0, _F)]
            else:
                dst = out_hbm.at[pl.ds(bk, _CH), :, r, pl.ds(_F, _F)]
            ws.append(pltpu.async_copy(v.at[s], dst, wsem))
        writes[t] = ws
    for t in range(max(0, len(jobs) - _SLOTS + 1), len(jobs)):
        for d in writes[t]:
            d.wait()


_sc_assemble = functools.partial(
    pl.kernel,
    out_type=jax.ShapeDtypeStruct((_ROWS, _NB, _NB, 2 * _F), jnp.float32),
    mesh=plsc.VectorSubcoreMesh(core_axis_name="c", subcore_axis_name="s"),
    scratch_types=[
        pltpu.VMEM((_SLOTS, _CH, _NB, _F), jnp.float32),
        pltpu.SemaphoreType.DMA,
        pltpu.SemaphoreType.DMA,
    ],
)(_sc_body)


def kernel(x1, x2):
    nbatch, nk, nb, f = x1.shape
    rows = nbatch * nk
    out = _sc_assemble(x1.reshape(rows, nb, f), x2.reshape(rows, nb, f))
    return out.reshape(nbatch, nk, nb, nb, 2 * f)

# --- scband reference (transcript-rebuilt; emitter-appended) ---
"""Pipeline reference for scband-electron-hole-basis-assembly-concatenate-2559800508921 (READ-ONLY COPY).

The authoritative reference and input builder live on the scoring server;
editing this copy changes nothing except your own understanding.
"""

import jax, jax.numpy as jnp
import numpy as np

def b1b2_grid(nb1, nb2):
    b1 = np.arange(nb1)
    b2 = np.arange(nb2)
    bb1, bb2 = np.meshgrid(b1, b2)
    return (bb1, bb2)

def setup_inputs(seed: int = 0) -> dict:
    key = jax.random.key(seed)
    k1, k2 = jax.random.split(key)
    x1 = jax.random.normal(k1, (4, 1024, 8, 128), dtype=jnp.float32)
    x2 = jax.random.normal(k2, (4, 1024, 8, 128), dtype=jnp.float32)
    return {"x1": x1, "x2": x2}

def reference(x1, x2):
    assert x1.shape[-3] == x2.shape[-3], 'The number of k-points should be the same'
    bb1, bb2 = b1b2_grid(x1.shape[-2], x2.shape[-2])
    # gather along the band axis with the meshgrid indices, then concat on feature dim
    cvk = jnp.concatenate([x1[..., bb1, :], x2[..., bb2, :]], axis=-1)
    return cvk

if __name__ == "__main__":
    import jax
    _d = setup_inputs()
    print(jax.jit(kernel)(*tuple(_d.values())))

</pallas_src>

<mosaic_0001>
#map = affine_map<(d0, d1) -> (0, 0, 0)>
#map1 = affine_map<(d0, d1) -> (0, 0, 0, 0)>
module attributes {stable_mosaic.version = 14 : i64} {
  func.func @_sc_body(%arg0: i32, %arg1: i32, %arg2: memref<4096x8x128xf32, #tpu.memory_space<hbm>>, %arg3: memref<4096x8x128xf32, #tpu.memory_space<hbm>>, %arg4: memref<4096x8x8x256xf32, #tpu.memory_space<hbm>>, %arg5: memref<3x32x8x128xf32, #tpu.memory_space<vmem>>, %arg6: memref<!tpu.dma_semaphore, #tpu.memory_space<semaphore_mem>>, %arg7: memref<!tpu.dma_semaphore, #tpu.memory_space<semaphore_mem>>) attributes {dimension_semantics = [#tpu.dimension_semantics<core_parallel>, #tpu.dimension_semantics<subcore_parallel>], iteration_bounds = array<i64: 2, 16>, scalar_prefetch = 0 : i64, scratch_operands = 3 : i64, tpu.core_type = #tpu.core_type<sc_vector_subcore>, window_params = [{transform_indices = #map}, {transform_indices = #map}, {transform_indices = #map1}]} {
    %mul3A = arith.constant 2 : i32
    %mul3A_0 = arith.muli %arg1, %mul3A : i32
    %add3A = arith.addi %mul3A_0, %arg0 : i32
    %mul3A_1 = arith.constant 128 : i32
    %mul3A_2 = arith.muli %add3A, %mul3A_1 : i32
    %add3A_3 = arith.constant 0 : i32
    %add3A_4 = arith.addi %mul3A_2, %add3A_3 : i32
    %dma_start3A = arith.constant 0 : i32
    %dma_start3A_5 = arith.constant 0 : i32
    %dma_start3A_6 = arith.constant 0 : i32
    %dma_start3A_7 = arith.constant 0 : i32
    %dma_start3A_8 = tpu.memref_slice %arg5[%dma_start3A, %dma_start3A_5, %dma_start3A_6, %dma_start3A_7] : memref<3x32x8x128xf32, #tpu.memory_space<vmem>> -> memref<1x32x8x128xf32, #tpu.memory_space<vmem>>
    %dma_start3A_9 = tpu.memref_squeeze %dma_start3A_8 : memref<1x32x8x128xf32, #tpu.memory_space<vmem>> -> memref<32x8x128xf32, #tpu.memory_space<vmem>>
    %dma_start3A_10 = arith.constant 0 : i32
    %dma_start3A_11 = arith.constant 0 : i32
    %dma_start3A_12 = tpu.memref_slice %arg2[%add3A_4, %dma_start3A_10, %dma_start3A_11] : memref<4096x8x128xf32, #tpu.memory_space<hbm>> -> memref<32x8x128xf32, #tpu.memory_space<hbm>>
    %dma_start3A_13 = arith.constant 0 : i32
    %dma_start3A_14 = arith.constant 0 : i32
    %dma_start3A_15 = arith.constant 0 : i32
    %dma_start3A_16 = tpu.memref_slice %arg5[%dma_start3A, %dma_start3A_13, %dma_start3A_14, %dma_start3A_15] : memref<3x32x8x128xf32, #tpu.memory_space<vmem>> -> memref<1x32x8x128xf32, #tpu.memory_space<vmem>>
    %dma_start3A_17 = tpu.memref_squeeze %dma_start3A_16 : memref<1x32x8x128xf32, #tpu.memory_space<vmem>> -> memref<32x8x128xf32, #tpu.memory_space<vmem>>
    %dma_start3A_18 = arith.constant 0 : i32
    %dma_start3A_19 = arith.constant 0 : i32
    %dma_start3A_20 = tpu.memref_slice %arg2[%add3A_4, %dma_start3A_18, %dma_start3A_19] : memref<4096x8x128xf32, #tpu.memory_space<hbm>> -> memref<32x8x128xf32, #tpu.memory_space<hbm>>
    tpu.enqueue_dma source(%dma_start3A_20 : memref<32x8x128xf32, #tpu.memory_space<hbm>>) target(%dma_start3A_17 : memref<32x8x128xf32, #tpu.memory_space<vmem>>) target_semaphore(%arg6 : memref<!tpu.dma_semaphore, #tpu.memory_space<semaphore_mem>>)
    %add3A_21 = arith.constant 32 : i32
    %add3A_22 = arith.addi %mul3A_2, %add3A_21 : i32
    %dma_start3A_23 = arith.constant 1 : i32
    %dma_start3A_24 = arith.constant 0 : i32
    %dma_start3A_25 = arith.constant 0 : i32
    %dma_start3A_26 = arith.constant 0 : i32
    %dma_start3A_27 = tpu.memref_slice %arg5[%dma_start3A_23, %dma_start3A_24, %dma_start3A_25, %dma_start3A_26] : memref<3x32x8x128xf32, #tpu.memory_space<vmem>> -> memref<1x32x8x128xf32, #tpu.memory_space<vmem>>
    %dma_start3A_28 = tpu.memref_squeeze %dma_start3A_27 : memref<1x32x8x128xf32, #tpu.memory_space<vmem>> -> memref<32x8x128xf32, #tpu.memory_space<vmem>>
    %dma_start3A_29 = arith.constant 0 : i32
    %dma_start3A_30 = arith.constant 0 : i32
    %dma_start3A_31 = tpu.memref_slice %arg2[%add3A_22, %dma_start3A_29, %dma_start3A_30] : memref<4096x8x128xf32, #tpu.memory_space<hbm>> -> memref<32x8x128xf32, #tpu.memory_space<hbm>>
    %dma_start3A_32 = arith.constant 0 : i32
    %dma_start3A_33 = arith.constant 0 : i32
    %dma_start3A_34 = arith.constant 0 : i32
    %dma_start3A_35 = tpu.memref_slice %arg5[%dma_start3A_23, %dma_start3A_32, %dma_start3A_33, %dma_start3A_34] : memref<3x32x8x128xf32, #tpu.memory_space<vmem>> -> memref<1x32x8x128xf32, #tpu.memory_space<vmem>>
    %dma_start3A_36 = tpu.memref_squeeze %dma_start3A_35 : memref<1x32x8x128xf32, #tpu.memory_space<vmem>> -> memref<32x8x128xf32, #tpu.memory_space<vmem>>
    %dma_start3A_37 = arith.constant 0 : i32
    %dma_start3A_38 = arith.constant 0 : i32
    %dma_start3A_39 = tpu.memref_slice %arg2[%add3A_22, %dma_start3A_37, %dma_start3A_38] : memref<4096x8x128xf32, #tpu.memory_space<hbm>> -> memref<32x8x128xf32, #tpu.memory_space<hbm>>
    tpu.enqueue_dma source(%dma_start3A_39 : memref<32x8x128xf32, #tpu.memory_space<hbm>>) target(%dma_start3A_36 : memref<32x8x128xf32, #tpu.memory_space<vmem>>) target_semaphore(%arg6 : memref<!tpu.dma_semaphore, #tpu.memory_space<semaphore_mem>>)
    %dma_wait3A = arith.constant 0 : i32
    %dma_wait3A_40 = arith.constant 0 : i32
    %dma_wait3A_41 = arith.constant 0 : i32
    %dma_wait3A_42 = arith.constant 0 : i32
    %dma_wait3A_43 = tpu.memref_slice %arg5[%dma_wait3A, %dma_wait3A_40, %dma_wait3A_41, %dma_wait3A_42] : memref<3x32x8x128xf32, #tpu.memory_space<vmem>> -> memref<1x32x8x128xf32, #tpu.memory_space<vmem>>
    %dma_wait3A_44 = tpu.memref_squeeze %dma_wait3A_43 : memref<1x32x8x128xf32, #tpu.memory_space<vmem>> -> memref<32x8x128xf32, #tpu.memory_space<vmem>>
    %dma_wait3A_45 = arith.constant 0 : i32
    %dma_wait3A_46 = arith.constant 0 : i32
    %dma_wait3A_47 = tpu.memref_slice %arg2[%add3A_4, %dma_wait3A_45, %dma_wait3A_46] : memref<4096x8x128xf32, #tpu.memory_space<hbm>> -> memref<32x8x128xf32, #tpu.memory_space<hbm>>
    %dma_wait3A_48 = arith.constant 0 : i32
    %dma_wait3A_49 = arith.constant 0 : i32
    %dma_wait3A_50 = arith.constant 0 : i32
    %dma_wait3A_51 = tpu.memref_slice %arg5[%dma_wait3A, %dma_wait3A_48, %dma_wait3A_49, %dma_wait3A_50] : memref<3x32x8x128xf32, #tpu.memory_space<vmem>> -> memref<1x32x8x128xf32, #tpu.memory_space<vmem>>
    %dma_wait3A_52 = tpu.memref_squeeze %dma_wait3A_51 : memref<1x32x8x128xf32, #tpu.memory_space<vmem>> -> memref<32x8x128xf32, #tpu.memory_space<vmem>>
    %dma_wait3A_53 = arith.constant 0 : i32
    %dma_wait3A_54 = arith.constant 0 : i32
    %dma_wait3A_55 = tpu.memref_slice %arg2[%add3A_4, %dma_wait3A_53, %dma_wait3A_54] : memref<4096x8x128xf32, #tpu.memory_space<hbm>> -> memref<32x8x128xf32, #tpu.memory_space<hbm>>
    tpu.wait_dma2 semaphore(%arg6 : memref<!tpu.dma_semaphore, #tpu.memory_space<semaphore_mem>>) src(%dma_wait3A_55 : memref<32x8x128xf32, #tpu.memory_space<hbm>>) dst(%dma_wait3A_52 : memref<32x8x128xf32, #tpu.memory_space<vmem>>)
    %add3A_56 = arith.constant 0 : i32
    %add3A_57 = arith.addi %mul3A_2, %add3A_56 : i32
    %dma_start3A_58 = arith.constant 0 : i32
    %dma_start3A_59 = arith.constant 0 : i32
    %dma_start3A_60 = arith.constant 0 : i32
    %dma_start3A_61 = arith.constant 0 : i32
    %dma_start3A_62 = arith.constant 0 : i32
    %dma_start3A_63 = tpu.memref_slice %arg5[%dma_start3A_58, %dma_start3A_60, %dma_start3A_61, %dma_start3A_62] : memref<3x32x8x128xf32, #tpu.memory_space<vmem>> -> memref<1x32x8x128xf32, #tpu.memory_space<vmem>>
    %dma_start3A_64 = tpu.memref_squeeze %dma_start3A_63 : memref<1x32x8x128xf32, #tpu.memory_space<vmem>> -> memref<32x8x128xf32, #tpu.memory_space<vmem>>
    %dma_start3A_65 = arith.constant 0 : i32
    %dma_start3A_66 = arith.constant 0 : i32
    %dma_start3A_67 = tpu.memref_slice %arg4[%add3A_57, %dma_start3A_59, %dma_start3A_65, %dma_start3A_66] : memref<4096x8x8x256xf32, #tpu.memory_space<hbm>> -> memref<32x1x8x128xf32, #tpu.memory_space<hbm>>
    %dma_start3A_68 = tpu.memref_squeeze %dma_start3A_67 : memref<32x1x8x128xf32, #tpu.memory_space<hbm>> -> memref<32x8x128xf32, #tpu.memory_space<hbm>>
    %dma_start3A_69 = arith.constant 0 : i32
    %dma_start3A_70 = arith.constant 0 : i32
    %dma_start3A_71 = tpu.memref_slice %arg4[%add3A_57, %dma_start3A_59, %dma_start3A_69, %dma_start3A_70] : memref<4096x8x8x256xf32, #tpu.memory_space<hbm>> -> memref<32x1x8x128xf32, #tpu.memory_space<hbm>>
    %dma_start3A_72 = tpu.memref_squeeze %dma_start3A_71 : memref<32x1x8x128xf32, #tpu.memory_space<hbm>> -> memref<32x8x128xf32, #tpu.memory_space<hbm>>
    %dma_start3A_73 = arith.constant 0 : i32
    %dma_start3A_74 = arith.constant 0 : i32
    %dma_start3A_75 = arith.constant 0 : i32
    %dma_start3A_76 = tpu.memref_slice %arg5[%dma_start3A_58, %dma_start3A_73, %dma_start3A_74, %dma_start3A_75] : memref<3x32x8x128xf32, #tpu.memory_space<vmem>> -> memref<1x32x8x128xf32, #tpu.memory_space<vmem>>
    %dma_start3A_77 = tpu.memref_squeeze %dma_start3A_76 : memref<1x32x8x128xf32, #tpu.memory_space<vmem>> -> memref<32x8x128xf32, #tpu.memory_space<vmem>>
    tpu.enqueue_dma source(%dma_start3A_77 : memref<32x8x128xf32, #tpu.memory_space<vmem>>) target(%dma_start3A_72 : memref<32x8x128xf32, #tpu.memory_space<hbm>>) target_semaphore(%arg7 : memref<!tpu.dma_semaphore, #tpu.memory_space<semaphore_mem>>)
    %dma_start3A_78 = arith.constant 0 : i32
    %dma_start3A_79 = arith.constant 1 : i32
    %dma_start3A_80 = arith.constant 0 : i32
    %dma_start3A_81 = arith.constant 0 : i32
    %dma_start3A_82 = arith.constant 0 : i32
    %dma_start3A_83 = tpu.memref_slice %arg5[%dma_start3A_78, %dma_start3A_80, %dma_start3A_81, %dma_start3A_82] : memref<3x32x8x128xf32, #tpu.memory_space<vmem>> -> memref<1x32x8x128xf32, #tpu.memory_space<vmem>>
    %dma_start3A_84 = tpu.memref_squeeze %dma_start3A_83 : memref<1x32x8x128xf32, #tpu.memory_space<vmem>> -> memref<32x8x128xf32, #tpu.memory_space<vmem>>
    %dma_start3A_85 = arith.constant 0 : i32
    %dma_start3A_86 = arith.constant 0 : i32
    %dma_start3A_87 = tpu.memref_slice %arg4[%add3A_57, %dma_start3A_79, %dma_start3A_85, %dma_start3A_86] : memref<4096x8x8x256xf32, #tpu.memory_space<hbm>> -> memref<32x1x8x128xf32, #tpu.memory_space<hbm>>
    %dma_start3A_88 = tpu.memref_squeeze %dma_start3A_87 : memref<32x1x8x128xf32, #tpu.memory_space<hbm>> -> memref<32x8x128xf32, #tpu.memory_space<hbm>>
    %dma_start3A_89 = arith.constant 0 : i32
    %dma_start3A_90 = arith.constant 0 : i32
    %dma_start3A_91 = tpu.memref_slice %arg4[%add3A_57, %dma_start3A_79, %dma_start3A_89, %dma_start3A_90] : memref<4096x8x8x256xf32, #tpu.memory_space<hbm>> -> memref<32x1x8x128xf32, #tpu.memory_space<hbm>>
    %dma_start3A_92 = tpu.memref_squeeze %dma_start3A_91 : memref<32x1x8x128xf32, #tpu.memory_space<hbm>> -> memref<32x8x128xf32, #tpu.memory_space<hbm>>
    %dma_start3A_93 = arith.constant 0 : i32
    %dma_start3A_94 = arith.constant 0 : i32
    %dma_start3A_95 = arith.constant 0 : i32
    %dma_start3A_96 = tpu.memref_slice %arg5[%dma_start3A_78, %dma_start3A_93, %dma_start3A_94, %dma_start3A_95] : memref<3x32x8x128xf32, #tpu.memory_space<vmem>> -> memref<1x32x8x128xf32, #tpu.memory_space<vmem>>
    %dma_start3A_97 = tpu.memref_squeeze %dma_start3A_96 : memref<1x32x8x128xf32, #tpu.memory_space<vmem>> -> memref<32x8x128xf32, #tpu.memory_space<vmem>>
    tpu.enqueue_dma source(%dma_start3A_97 : memref<32x8x128xf32, #tpu.memory_space<vmem>>) target(%dma_start3A_92 : memref<32x8x128xf32, #tpu.memory_space<hbm>>) target_semaphore(%arg7 : memref<!tpu.dma_semaphore, #tpu.memory_space<semaphore_mem>>)
    %dma_start3A_98 = arith.constant 0 : i32
    %dma_start3A_99 = arith.constant 2 : i32
    %dma_start3A_100 = arith.constant 0 : i32
    %dma_start3A_101 = arith.constant 0 : i32
    %dma_start3A_102 = arith.constant 0 : i32
    %dma_start3A_103 = tpu.memref_slice %arg5[%dma_start3A_98, %dma_start3A_100, %dma_start3A_101, %dma_start3A_102] : memref<3x32x8x128xf32, #tpu.memory_space<vmem>> -> memref<1x32x8x128xf32, #tpu.memory_space<vmem>>
    %dma_start3A_104 = tpu.memref_squeeze %dma_start3A_103 : memref<1x32x8x128xf32, #tpu.memory_space<vmem>> -> memref<32x8x128xf32, #tpu.memory_space<vmem>>
    %dma_start3A_105 = arith.constant 0 : i32
    %dma_start3A_106 = arith.constant 0 : i32
    %dma_start3A_107 = tpu.memref_slice %arg4[%add3A_57, %dma_start3A_99, %dma_start3A_105, %dma_start3A_106] : memref<4096x8x8x256xf32, #tpu.memory_space<hbm>> -> memref<32x1x8x128xf32, #tpu.memory_space<hbm>>
    %dma_start3A_108 = tpu.memref_squeeze %dma_start3A_107 : memref<32x1x8x128xf32, #tpu.memory_space<hbm>> -> memref<32x8x128xf32, #tpu.memory_space<hbm>>
    %dma_start3A_109 = arith.constant 0 : i32
    %dma_start3A_110 = arith.constant 0 : i32
    %dma_start3A_111 = tpu.memref_slice %arg4[%add3A_57, %dma_start3A_99, %dma_start3A_109, %dma_start3A_110] : memref<4096x8x8x256xf32, #tpu.memory_space<hbm>> -> memref<32x1x8x128xf32, #tpu.memory_space<hbm>>
    %dma_start3A_112 = tpu.memref_squeeze %dma_start3A_111 : memref<32x1x8x128xf32, #tpu.memory_space<hbm>> -> memref<32x8x128xf32, #tpu.memory_space<hbm>>
    %dma_start3A_113 = arith.constant 0 : i32
    %dma_start3A_114 = arith.constant 0 : i32
    %dma_start3A_115 = arith.constant 0 : i32
    %dma_start3A_116 = tpu.memref_slice %arg5[%dma_start3A_98, %dma_start3A_113, %dma_start3A_114, %dma_start3A_115] : memref<3x32x8x128xf32, #tpu.memory_space<vmem>> -> memref<1x32x8x128xf32, #tpu.memory_space<vmem>>
    %dma_start3A_117 = tpu.memref_squeeze %dma_start3A_116 : memref<1x32x8x128xf32, #tpu.memory_space<vmem>> -> memref<32x8x128xf32, #tpu.memory_space<vmem>>
    tpu.enqueue_dma source(%dma_start3A_117 : memref<32x8x128xf32, #tpu.memory_space<vmem>>) target(%dma_start3A_112 : memref<32x8x128xf32, #tpu.memory_space<hbm>>) target_semaphore(%arg7 : memref<!tpu.dma_semaphore, #tpu.memory_space<semaphore_mem>>)
    %dma_start3A_118 = arith.constant 0 : i32
    %dma_start3A_119 = arith.constant 3 : i32
    %dma_start3A_120 = arith.constant 0 : i32
    %dma_start3A_121 = arith.constant 0 : i32
    %dma_start3A_122 = arith.constant 0 : i32
    %dma_start3A_123 = tpu.memref_slice %arg5[%dma_start3A_118, %dma_start3A_120, %dma_start3A_121, %dma_start3A_122] : memref<3x32x8x128xf32, #tpu.memory_space<vmem>> -> memref<1x32x8x128xf32, #tpu.memory_space<vmem>>
    %dma_start3A_124 = tpu.memref_squeeze %dma_start3A_123 : memref<1x32x8x128xf32, #tpu.memory_space<vmem>> -> memref<32x8x128xf32, #tpu.memory_space<vmem>>
    %dma_start3A_125 = arith.constant 0 : i32
    %dma_start3A_126 = arith.constant 0 : i32
    %dma_start3A_127 = tpu.memref_slice %arg4[%add3A_57, %dma_start3A_119, %dma_start3A_125, %dma_start3A_126] : memref<4096x8x8x256xf32, #tpu.memory_space<hbm>> -> memref<32x1x8x128xf32, #tpu.memory_space<hbm>>
    %dma_start3A_128 = tpu.memref_squeeze %dma_start3A_127 : memref<32x1x8x128xf32, #tpu.memory_space<hbm>> -> memref<32x8x128xf32, #tpu.memory_space<hbm>>
    %dma_start3A_129 = arith.constant 0 : i32
    %dma_start3A_130 = arith.constant 0 : i32
    %dma_start3A_131 = tpu.memref_slice %arg4[%add3A_57, %dma_start3A_119, %dma_start3A_129, %dma_start3A_130] : memref<4096x8x8x256xf32, #tpu.memory_space<hbm>> -> memref<32x1x8x128xf32, #tpu.memory_space<hbm>>
    %dma_start3A_132 = tpu.memref_squeeze %dma_start3A_131 : memref<32x1x8x128xf32, #tpu.memory_space<hbm>> -> memref<32x8x128xf32, #tpu.memory_space<hbm>>
    %dma_start3A_133 = arith.constant 0 : i32
    %dma_start3A_134 = arith.constant 0 : i32
    %dma_start3A_135 = arith.constant 0 : i32
    %dma_start3A_136 = tpu.memref_slice %arg5[%dma_start3A_118, %dma_start3A_133, %dma_start3A_134, %dma_start3A_135] : memref<3x32x8x128xf32, #tpu.memory_space<vmem>> -> memref<1x32x8x128xf32, #tpu.memory_space<vmem>>
    %dma_start3A_137 = tpu.memref_squeeze %dma_start3A_136 : memref<1x32x8x128xf32, #tpu.memory_space<vmem>> -> memref<32x8x128xf32, #tpu.memory_space<vmem>>
    tpu.enqueue_dma source(%dma_start3A_137 : memref<32x8x128xf32, #tpu.memory_space<vmem>>) target(%dma_start3A_132 : memref<32x8x128xf32, #tpu.memory_space<hbm>>) target_semaphore(%arg7 : memref<!tpu.dma_semaphore, #tpu.memory_space<semaphore_mem>>)
    %dma_start3A_138 = arith.constant 0 : i32
    %dma_start3A_139 = arith.constant 4 : i32
    %dma_start3A_140 = arith.constant 0 : i32
    %dma_start3A_141 = arith.constant 0 : i32
    %dma_start3A_142 = arith.constant 0 : i32
    %dma_start3A_143 = tpu.memref_slice %arg5[%dma_start3A_138, %dma_start3A_140, %dma_start3A_141, %dma_start3A_142] : memref<3x32x8x128xf32, #tpu.memory_space<vmem>> -> memref<1x32x8x128xf32, #tpu.memory_space<vmem>>
    %dma_start3A_144 = tpu.memref_squeeze %dma_start3A_143 : memref<1x32x8x128xf32, #tpu.memory_space<vmem>> -> memref<32x8x128xf32, #tpu.memory_space<vmem>>
    %dma_start3A_145 = arith.constant 0 : i32
    %dma_start3A_146 = arith.constant 0 : i32
    %dma_start3A_147 = tpu.memref_slice %arg4[%add3A_57, %dma_start3A_139, %dma_start3A_145, %dma_start3A_146] : memref<4096x8x8x256xf32, #tpu.memory_space<hbm>> -> memref<32x1x8x128xf32, #tpu.memory_space<hbm>>
    %dma_start3A_148 = tpu.memref_squeeze %dma_start3A_147 : memref<32x1x8x128xf32, #tpu.memory_space<hbm>> -> memref<32x8x128xf32, #tpu.memory_space<hbm>>
    %dma_start3A_149 = arith.constant 0 : i32
    %dma_start3A_150 = arith.constant 0 : i32
    %dma_start3A_151 = tpu.memref_slice %arg4[%add3A_57, %dma_start3A_139, %dma_start3A_149, %dma_start3A_150] : memref<4096x8x8x256xf32, #tpu.memory_space<hbm>> -> memref<32x1x8x128xf32, #tpu.memory_space<hbm>>
    %dma_start3A_152 = tpu.memref_squeeze %dma_start3A_151 : memref<32x1x8x128xf32, #tpu.memory_space<hbm>> -> memref<32x8x128xf32, #tpu.memory_space<hbm>>
    %dma_start3A_153 = arith.constant 0 : i32
    %dma_start3A_154 = arith.constant 0 : i32
    %dma_start3A_155 = arith.constant 0 : i32
    %dma_start3A_156 = tpu.memref_slice %arg5[%dma_start3A_138, %dma_start3A_153, %dma_start3A_154, %dma_start3A_155] : memref<3x32x8x128xf32, #tpu.memory_space<vmem>> -> memref<1x32x8x128xf32, #tpu.memory_space<vmem>>
    %dma_start3A_157 = tpu.memref_squeeze %dma_start3A_156 : memref<1x32x8x128xf32, #tpu.memory_space<vmem>> -> memref<32x8x128xf32, #tpu.memory_space<vmem>>
    tpu.enqueue_dma source(%dma_start3A_157 : memref<32x8x128xf32, #tpu.memory_space<vmem>>) target(%dma_start3A_152 : memref<32x8x128xf32, #tpu.memory_space<hbm>>) target_semaphore(%arg7 : memref<!tpu.dma_semaphore, #tpu.memory_space<semaphore_mem>>)
    %dma_start3A_158 = arith.constant 0 : i32
    %dma_start3A_159 = arith.constant 5 : i32
    %dma_start3A_160 = arith.constant 0 : i32
    %dma_start3A_161 = arith.constant 0 : i32
    %dma_start3A_162 = arith.constant 0 : i32
    %dma_start3A_163 = tpu.memref_slice %arg5[%dma_start3A_158, %dma_start3A_160, %dma_start3A_161, %dma_start3A_162] : memref<3x32x8x128xf32, #tpu.memory_space<vmem>> -> memref<1x32x8x128xf32, #tpu.memory_space<vmem>>
    %dma_start3A_164 = tpu.memref_squeeze %dma_start3A_163 : memref<1x32x8x128xf32, #tpu.memory_space<vmem>> -> memref<32x8x128xf32, #tpu.memory_space<vmem>>
    %dma_start3A_165 = arith.constant 0 : i32
    %dma_start3A_166 = arith.constant 0 : i32
    %dma_start3A_167 = tpu.memref_slice %arg4[%add3A_57, %dma_start3A_159, %dma_start3A_165, %dma_start3A_166] : memref<4096x8x8x256xf32, #tpu.memory_space<hbm>> -> memref<32x1x8x128xf32, #tpu.memory_space<hbm>>
    %dma_start3A_168 = tpu.memref_squeeze %dma_start3A_167 : memref<32x1x8x128xf32, #tpu.memory_space<hbm>> -> memref<32x8x128xf32, #tpu.memory_space<hbm>>
    %dma_start3A_169 = arith.constant 0 : i32
    %dma_start3A_170 = arith.constant 0 : i32
    %dma_start3A_171 = tpu.memref_slice %arg4[%add3A_57, %dma_start3A_159, %dma_start3A_169, %dma_start3A_170] : memref<4096x8x8x256xf32, #tpu.memory_space<hbm>> -> memref<32x1x8x128xf32, #tpu.memory_space<hbm>>
    %dma_start3A_172 = tpu.memref_squeeze %dma_start3A_171 : memref<32x1x8x128xf32, #tpu.memory_space<hbm>> -> memref<32x8x128xf32, #tpu.memory_space<hbm>>
    %dma_start3A_173 = arith.constant 0 : i32
    %dma_start3A_174 = arith.constant 0 : i32
    %dma_start3A_175 = arith.constant 0 : i32
    %dma_start3A_176 = tpu.memref_slice %arg5[%dma_start3A_158, %dma_start3A_173, %dma_start3A_174, %dma_start3A_175] : memref<3x32x8x128xf32, #tpu.memory_space<vmem>> -> memref<1x32x8x128xf32, #tpu.memory_space<vmem>>
    %dma_start3A_177 = tpu.memref_squeeze %dma_start3A_176 : memref<1x32x8x128xf32, #tpu.memory_space<vmem>> -> memref<32x8x128xf32, #tpu.memory_space<vmem>>
    tpu.enqueue_dma source(%dma_start3A_177 : memref<32x8x128xf32, #tpu.memory_space<vmem>>) target(%dma_start3A_172 : memref<32x8x128xf32, #tpu.memory_space<hbm>>) target_semaphore(%arg7 : memref<!tpu.dma_semaphore, #tpu.memory_space<semaphore_mem>>)
    %dma_start3A_178 = arith.constant 0 : i32
    %dma_start3A_179 = arith.constant 6 : i32
    %dma_start3A_180 = arith.constant 0 : i32
    %dma_start3A_181 = arith.constant 0 : i32
    %dma_start3A_182 = arith.constant 0 : i32
    %dma_start3A_183 = tpu.memref_slice %arg5[%dma_start3A_178, %dma_start3A_180, %dma_start3A_181, %dma_start3A_182] : memref<3x32x8x128xf32, #tpu.memory_space<vmem>> -> memref<1x32x8x128xf32, #tpu.memory_space<vmem>>
    %dma_start3A_184 = tpu.memref_squeeze %dma_start3A_183 : memref<1x32x8x128xf32, #tpu.memory_space<vmem>> -> memref<32x8x128xf32, #tpu.memory_space<vmem>>
    %dma_start3A_185 = arith.constant 0 : i32
    %dma_start3A_186 = arith.constant 0 : i32
    %dma_start3A_187 = tpu.memref_slice %arg4[%add3A_57, %dma_start3A_179, %dma_start3A_185, %dma_start3A_186] : memref<4096x8x8x256xf32, #tpu.memory_space<hbm>> -> memref<32x1x8x128xf32, #tpu.memory_space<hbm>>
    %dma_start3A_188 = tpu.memref_squeeze %dma_start3A_187 : memref<32x1x8x128xf32, #tpu.memory_space<hbm>> -> memref<32x8x128xf32, #tpu.memory_space<hbm>>
    %dma_start3A_189 = arith.constant 0 : i32
    %dma_start3A_190 = arith.constant 0 : i32
    %dma_start3A_191 = tpu.memref_slice %arg4[%add3A_57, %dma_start3A_179, %dma_start3A_189, %dma_start3A_190] : memref<4096x8x8x256xf32, #tpu.memory_space<hbm>> -> memref<32x1x8x128xf32, #tpu.memory_space<hbm>>
    %dma_start3A_192 = tpu.memref_squeeze %dma_start3A_191 : memref<32x1x8x128xf32, #tpu.memory_space<hbm>> -> memref<32x8x128xf32, #tpu.memory_space<hbm>>
    %dma_start3A_193 = arith.constant 0 : i32
    %dma_start3A_194 = arith.constant 0 : i32
    %dma_start3A_195 = arith.constant 0 : i32
    %dma_start3A_196 = tpu.memref_slice %arg5[%dma_start3A_178, %dma_start3A_193, %dma_start3A_194, %dma_start3A_195] : memref<3x32x8x128xf32, #tpu.memory_space<vmem>> -> memref<1x32x8x128xf32, #tpu.memory_space<vmem>>
    %dma_start3A_197 = tpu.memref_squeeze %dma_start3A_196 : memref<1x32x8x128xf32, #tpu.memory_space<vmem>> -> memref<32x8x128xf32, #tpu.memory_space<vmem>>
    tpu.enqueue_dma source(%dma_start3A_197 : memref<32x8x128xf32, #tpu.memory_space<vmem>>) target(%dma_start3A_192 : memref<32x8x128xf32, #tpu.memory_space<hbm>>) target_semaphore(%arg7 : memref<!tpu.dma_semaphore, #tpu.memory_space<semaphore_mem>>)
    %dma_start3A_198 = arith.constant 0 : i32
    %dma_start3A_199 = arith.constant 7 : i32
    %dma_start3A_200 = arith.constant 0 : i32
    %dma_start3A_201 = arith.constant 0 : i32
    %dma_start3A_202 = arith.constant 0 : i32
    %dma_start3A_203 = tpu.memref_slice %arg5[%dma_start3A_198, %dma_start3A_200, %dma_start3A_201, %dma_start3A_202] : memref<3x32x8x128xf32, #tpu.memory_space<vmem>> -> memref<1x32x8x128xf32, #tpu.memory_space<vmem>>
    %dma_start3A_204 = tpu.memref_squeeze %dma_start3A_203 : memref<1x32x8x128xf32, #tpu.memory_space<vmem>> -> memref<32x8x128xf32, #tpu.memory_space<vmem>>
    %dma_start3A_205 = arith.constant 0 : i32
    %dma_start3A_206 = arith.constant 0 : i32
    %dma_start3A_207 = tpu.memref_slice %arg4[%add3A_57, %dma_start3A_199, %dma_start3A_205, %dma_start3A_206] : memref<4096x8x8x256xf32, #tpu.memory_space<hbm>> -> memref<32x1x8x128xf32, #tpu.memory_space<hbm>>
    %dma_start3A_208 = tpu.memref_squeeze %dma_start3A_207 : memref<32x1x8x128xf32, #tpu.memory_space<hbm>> -> memref<32x8x128xf32, #tpu.memory_space<hbm>>
    %dma_start3A_209 = arith.constant 0 : i32
    %dma_start3A_210 = arith.constant 0 : i32
    %dma_start3A_211 = tpu.memref_slice %arg4[%add3A_57, %dma_start3A_199, %dma_start3A_209, %dma_start3A_210] : memref<4096x8x8x256xf32, #tpu.memory_space<hbm>> -> memref<32x1x8x128xf32, #tpu.memory_space<hbm>>
    %dma_start3A_212 = tpu.memref_squeeze %dma_start3A_211 : memref<32x1x8x128xf32, #tpu.memory_space<hbm>> -> memref<32x8x128xf32, #tpu.memory_space<hbm>>
    %dma_start3A_213 = arith.constant 0 : i32
    %dma_start3A_214 = arith.constant 0 : i32
    %dma_start3A_215 = arith.constant 0 : i32
    %dma_start3A_216 = tpu.memref_slice %arg5[%dma_start3A_198, %dma_start3A_213, %dma_start3A_214, %dma_start3A_215] : memref<3x32x8x128xf32, #tpu.memory_space<vmem>> -> memref<1x32x8x128xf32, #tpu.memory_space<vmem>>
    %dma_start3A_217 = tpu.memref_squeeze %dma_start3A_216 : memref<1x32x8x128xf32, #tpu.memory_space<vmem>> -> memref<32x8x128xf32, #tpu.memory_space<vmem>>
    tpu.enqueue_dma source(%dma_start3A_217 : memref<32x8x128xf32, #tpu.memory_space<vmem>>) target(%dma_start3A_212 : memref<32x8x128xf32, #tpu.memory_space<hbm>>) target_semaphore(%arg7 : memref<!tpu.dma_semaphore, #tpu.memory_space<semaphore_mem>>)
    %add3A_218 = arith.constant 64 : i32
    %add3A_219 = arith.addi %mul3A_2, %add3A_218 : i32
    %dma_start3A_220 = arith.constant 2 : i32
    %dma_start3A_221 = arith.constant 0 : i32
    %dma_start3A_222 = arith.constant 0 : i32
    %dma_start3A_223 = arith.constant 0 : i32
    %dma_start3A_224 = tpu.memref_slice %arg5[%dma_start3A_220, %dma_start3A_221, %dma_start3A_222, %dma_start3A_223] : memref<3x32x8x128xf32, #tpu.memory_space<vmem>> -> memref<1x32x8x128xf32, #tpu.memory_space<vmem>>
    %dma_start3A_225 = tpu.memref_squeeze %dma_start3A_224 : memref<1x32x8x128xf32, #tpu.memory_space<vmem>> -> memref<32x8x128xf32, #tpu.memory_space<vmem>>
    %dma_start3A_226 = arith.constant 0 : i32
    %dma_start3A_227 = arith.constant 0 : i32
    %dma_start3A_228 = tpu.memref_slice %arg2[%add3A_219, %dma_start3A_226, %dma_start3A_227] : memref<4096x8x128xf32, #tpu.memory_space<hbm>> -> memref<32x8x128xf32, #tpu.memory_space<hbm>>
    %dma_start3A_229 = arith.constant 0 : i32
    %dma_start3A_230 = arith.constant 0 : i32
    %dma_start3A_231 = arith.constant 0 : i32
    %dma_start3A_232 = tpu.memref_slice %arg5[%dma_start3A_220, %dma_start3A_229, %dma_start3A_230, %dma_start3A_231] : memref<3x32x8x128xf32, #tpu.memory_space<vmem>> -> memref<1x32x8x128xf32, #tpu.memory_space<vmem>>
    %dma_start3A_233 = tpu.memref_squeeze %dma_start3A_232 : memref<1x32x8x128xf32, #tpu.memory_space<vmem>> -> memref<32x8x128xf32, #tpu.memory_space<vmem>>
    %dma_start3A_234 = arith.constant 0 : i32
    %dma_start3A_235 = arith.constant 0 : i32
    %dma_start3A_236 = tpu.memref_slice %arg2[%add3A_219, %dma_start3A_234, %dma_start3A_235] : memref<4096x8x128xf32, #tpu.memory_space<hbm>> -> memref<32x8x128xf32, #tpu.memory_space<hbm>>
    tpu.enqueue_dma source(%dma_start3A_236 : memref<32x8x128xf32, #tpu.memory_space<hbm>>) target(%dma_start3A_233 : memref<32x8x128xf32, #tpu.memory_space<vmem>>) target_semaphore(%arg6 : memref<!tpu.dma_semaphore, #tpu.memory_space<semaphore_mem>>)
    %dma_wait3A_237 = arith.constant 1 : i32
    %dma_wait3A_238 = arith.constant 0 : i32
    %dma_wait3A_239 = arith.constant 0 : i32
    %dma_wait3A_240 = arith.constant 0 : i32
    %dma_wait3A_241 = tpu.memref_slice %arg5[%dma_wait3A_237, %dma_wait3A_238, %dma_wait3A_239, %dma_wait3A_240] : memref<3x32x8x128xf32, #tpu.memory_space<vmem>> -> memref<1x32x8x128xf32, #tpu.memory_space<vmem>>
    %dma_wait3A_242 = tpu.memref_squeeze %dma_wait3A_241 : memref<1x32x8x128xf32, #tpu.memory_space<vmem>> -> memref<32x8x128xf32, #tpu.memory_space<vmem>>
    %dma_wait3A_243 = arith.constant 0 : i32
    %dma_wait3A_244 = arith.constant 0 : i32
    %dma_wait3A_245 = tpu.memref_slice %arg2[%add3A_22, %dma_wait3A_243, %dma_wait3A_244] : memref<4096x8x128xf32, #tpu.memory_space<hbm>> -> memref<32x8x128xf32, #tpu.memory_space<hbm>>
    %dma_wait3A_246 = arith.constant 0 : i32
    %dma_wait3A_247 = arith.constant 0 : i32
    %dma_wait3A_248 = arith.constant 0 : i32
    %dma_wait3A_249 = tpu.memref_slice %arg5[%dma_wait3A_237, %dma_wait3A_246, %dma_wait3A_247, %dma_wait3A_248] : memref<3x32x8x128xf32, #tpu.memory_space<vmem>> -> memref<1x32x8x128xf32, #tpu.memory_space<vmem>>
    %dma_wait3A_250 = tpu.memref_squeeze %dma_wait3A_249 : memref<1x32x8x128xf32, #tpu.memory_space<vmem>> -> memref<32x8x128xf32, #tpu.memory_space<vmem>>
    %dma_wait3A_251 = arith.constant 0 : i32
    %dma_wait3A_252 = arith.constant 0 : i32
    %dma_wait3A_253 = tpu.memref_slice %arg2[%add3A_22, %dma_wait3A_251, %dma_wait3A_252] : memref<4096x8x128xf32, #tpu.memory_space<hbm>> -> memref<32x8x128xf32, #tpu.memory_space<hbm>>
    tpu.wait_dma2 semaphore(%arg6 : memref<!tpu.dma_semaphore, #tpu.memory_space<semaphore_mem>>) src(%dma_wait3A_253 : memref<32x8x128xf32, #tpu.memory_space<hbm>>) dst(%dma_wait3A_250 : memref<32x8x128xf32, #tpu.memory_space<vmem>>)
    %add3A_254 = arith.constant 32 : i32
    %add3A_255 = arith.addi %mul3A_2, %add3A_254 : i32
    %dma_start3A_256 = arith.constant 1 : i32
    %dma_start3A_257 = arith.constant 0 : i32
    %dma_start3A_258 = arith.constant 0 : i32
    %dma_start3A_259 = arith.constant 0 : i32
    %dma_start3A_260 = arith.constant 0 : i32
    %dma_start3A_261 = tpu.memref_slice %arg5[%dma_start3A_256, %dma_start3A_258, %dma_start3A_259, %dma_start3A_260] : memref<3x32x8x128xf32, #tpu.memory_space<vmem>> -> memref<1x32x8x128xf32, #tpu.memory_space<vmem>>
    %dma_start3A_262 = tpu.memref_squeeze %dma_start3A_261 : memref<1x32x8x128xf32, #tpu.memory_space<vmem>> -> memref<32x8x128xf32, #tpu.memory_space<vmem>>
    %dma_start3A_263 = arith.constant 0 : i32
    %dma_start3A_264 = arith.constant 0 : i32
    %dma_start3A_265 = tpu.memref_slice %arg4[%add3A_255, %dma_start3A_257, %dma_start3A_263, %dma_start3A_264] : memref<4096x8x8x256xf32, #tpu.memory_space<hbm>> -> memref<32x1x8x128xf32, #tpu.memory_space<hbm>>
    %dma_start3A_266 = tpu.memref_squeeze %dma_start3A_265 : memref<32x1x8x128xf32, #tpu.memory_space<hbm>> -> memref<32x8x128xf32, #tpu.memory_space<hbm>>
    %dma_start3A_267 = arith.constant 0 : i32
    %dma_start3A_268 = arith.constant 0 : i32
    %dma_start3A_269 = tpu.memref_slice %arg4[%add3A_255, %dma_start3A_257, %dma_start3A_267, %dma_start3A_268] : memref<4096x8x8x256xf32, #tpu.memory_space<hbm>> -> memref<32x1x8x128xf32, #tpu.memory_space<hbm>>
    %dma_start3A_270 = tpu.memref_squeeze %dma_start3A_269 : memref<32x1x8x128xf32, #tpu.memory_space<hbm>> -> memref<32x8x128xf32, #tpu.memory_space<hbm>>
    %dma_start3A_271 = arith.constant 0 : i32
    %dma_start3A_272 = arith.constant 0 : i32
    %dma_start3A_273 = arith.constant 0 : i32
    %dma_start3A_274 = tpu.memref_slice %arg5[%dma_start3A_256, %dma_start3A_271, %dma_start3A_272, %dma_start3A_273] : memref<3x32x8x128xf32, #tpu.memory_space<vmem>> -> memref<1x32x8x128xf32, #tpu.memory_space<vmem>>
    %dma_start3A_275 = tpu.memref_squeeze %dma_start3A_274 : memref<1x32x8x128xf32, #tpu.memory_space<vmem>> -> memref<32x8x128xf32, #tpu.memory_space<vmem>>
    tpu.enqueue_dma source(%dma_start3A_275 : memref<32x8x128xf32, #tpu.memory_space<vmem>>) target(%dma_start3A_270 : memref<32x8x128xf32, #tpu.memory_space<hbm>>) target_semaphore(%arg7 : memref<!tpu.dma_semaphore, #tpu.memory_space<semaphore_mem>>)
    %dma_start3A_276 = arith.constant 1 : i32
    %dma_start3A_277 = arith.constant 1 : i32
    %dma_start3A_278 = arith.constant 0 : i32
    %dma_start3A_279 = arith.constant 0 : i32
    %dma_start3A_280 = arith.constant 0 : i32
    %dma_start3A_281 = tpu.memref_slice %arg5[%dma_start3A_276, %dma_start3A_278, %dma_start3A_279, %dma_start3A_280] : memref<3x32x8x128xf32, #tpu.memory_space<vmem>> -> memref<1x32x8x128xf32, #tpu.memory_space<vmem>>
    %dma_start3A_282 = tpu.memref_squeeze %dma_start3A_281 : memref<1x32x8x128xf32, #tpu.memory_space<vmem>> -> memref<32x8x128xf32, #tpu.memory_space<vmem>>
    %dma_start3A_283 = arith.constant 0 : i32
    %dma_start3A_284 = arith.constant 0 : i32
    %dma_start3A_285 = tpu.memref_slice %arg4[%add3A_255, %dma_start3A_277, %dma_start3A_283, %dma_start3A_284] : memref<4096x8x8x256xf32, #tpu.memory_space<hbm>> -> memref<32x1x8x128xf32, #tpu.memory_space<hbm>>
    %dma_start3A_286 = tpu.memref_squeeze %dma_start3A_285 : memref<32x1x8x128xf32, #tpu.memory_space<hbm>> -> memref<32x8x128xf32, #tpu.memory_space<hbm>>
    %dma_start3A_287 = arith.constant 0 : i32
    %dma_start3A_288 = arith.constant 0 : i32
    %dma_start3A_289 = tpu.memref_slice %arg4[%add3A_255, %dma_start3A_277, %dma_start3A_287, %dma_start3A_288] : memref<4096x8x8x256xf32, #tpu.memory_space<hbm>> -> memref<32x1x8x128xf32, #tpu.memory_space<hbm>>
    %dma_start3A_290 = tpu.memref_squeeze %dma_start3A_289 : memref<32x1x8x128xf32, #tpu.memory_space<hbm>> -> memref<32x8x128xf32, #tpu.memory_space<hbm>>
    %dma_start3A_291 = arith.constant 0 : i32
    %dma_start3A_292 = arith.constant 0 : i32
    %dma_start3A_293 = arith.constant 0 : i32
    %dma_start3A_294 = tpu.memref_slice %arg5[%dma_start3A_276, %dma_start3A_291, %dma_start3A_292, %dma_start3A_293] : memref<3x32x8x128xf32, #tpu.memory_space<vmem>> -> memref<1x32x8x128xf32, #tpu.memory_space<vmem>>
    %dma_start3A_295 = tpu.memref_squeeze %dma_start3A_294 : memref<1x32x8x128xf32, #tpu.memory_space<vmem>> -> memref<32x8x128xf32, #tpu.memory_space<vmem>>
    tpu.enqueue_dma source(%dma_start3A_295 : memref<32x8x128xf32, #tpu.memory_space<vmem>>) target(%dma_start3A_290 : memref<32x8x128xf32, #tpu.memory_space<hbm>>) target_semaphore(%arg7 : memref<!tpu.dma_semaphore, #tpu.memory_space<semaphore_mem>>)
    %dma_start3A_296 = arith.constant 1 : i32
    %dma_start3A_297 = arith.constant 2 : i32
    %dma_start3A_298 = arith.constant 0 : i32
    %dma_start3A_299 = arith.constant 0 : i32
    %dma_start3A_300 = arith.constant 0 : i32
    %dma_start3A_301 = tpu.memref_slice %arg5[%dma_start3A_296, %dma_start3A_298, %dma_start3A_299, %dma_start3A_300] : memref<3x32x8x128xf32, #tpu.memory_space<vmem>> -> memref<1x32x8x128xf32, #tpu.memory_space<vmem>>
    %dma_start3A_302 = tpu.memref_squeeze %dma_start3A_301 : memref<1x32x8x128xf32, #tpu.memory_space<vmem>> -> memref<32x8x128xf32, #tpu.memory_space<vmem>>
    %dma_start3A_303 = arith.constant 0 : i32
    %dma_start3A_304 = arith.constant 0 : i32
    %dma_start3A_305 = tpu.memref_slice %arg4[%add3A_255, %dma_start3A_297, %dma_start3A_303, %dma_start3A_304] : memref<4096x8x8x256xf32, #tpu.memory_space<hbm>> -> memref<32x1x8x128xf32, #tpu.memory_space<hbm>>
    %dma_start3A_306 = tpu.memref_squeeze %dma_start3A_305 : memref<32x1x8x128xf32, #tpu.memory_space<hbm>> -> memref<32x8x128xf32, #tpu.memory_space<hbm>>
    %dma_start3A_307 = arith.constant 0 : i32
    %dma_start3A_308 = arith.constant 0 : i32
    %dma_start3A_309 = tpu.memref_slice %arg4[%add3A_255, %dma_start3A_297, %dma_start3A_307, %dma_start3A_308] : memref<4096x8x8x256xf32, #tpu.memory_space<hbm>> -> memref<32x1x8x128xf32, #tpu.memory_space<hbm>>
    %dma_start3A_310 = tpu.memref_squeeze %dma_start3A_309 : memref<32x1x8x128xf32, #tpu.memory_space<hbm>> -> memref<32x8x128xf32, #tpu.memory_space<hbm>>
    %dma_start3A_311 = arith.constant 0 : i32
    %dma_start3A_312 = arith.constant 0 : i32
    %dma_start3A_313 = arith.constant 0 : i32
    %dma_start3A_314 = tpu.memref_slice %arg5[%dma_start3A_296, %dma_start3A_311, %dma_start3A_312, %dma_start3A_313] : memref<3x32x8x128xf32, #tpu.memory_space<vmem>> -> memref<1x32x8x128xf32, #tpu.memory_space<vmem>>
    %dma_start3A_315 = tpu.memref_squeeze %dma_start3A_314 : memref<1x32x8x128xf32, #tpu.memory_space<vmem>> -> memref<32x8x128xf32, #tpu.memory_space<vmem>>
    tpu.enqueue_dma source(%dma_start3A_315 : memref<32x8x128xf32, #tpu.memory_space<vmem>>) target(%dma_start3A_310 : memref<32x8x128xf32, #tpu.memory_space<hbm>>) target_semaphore(%arg7 : memref<!tpu.dma_semaphore, #tpu.memory_space<semaphore_mem>>)
    %dma_start3A_316 = arith.constant 1 : i32
    %dma_start3A_317 = arith.constant 3 : i32
    %dma_start3A_318 = arith.constant 0 : i32
    %dma_start3A_319 = arith.constant 0 : i32
    %dma_start3A_320 = arith.constant 0 : i32
    %dma_start3A_321 = tpu.memref_slice %arg5[%dma_start3A_316, %dma_start3A_318, %dma_start3A_319, %dma_start3A_320] : memref<3x32x8x128xf32, #tpu.memory_space<vmem>> -> memref<1x32x8x128xf32, #tpu.memory_space<vmem>>
    %dma_start3A_322 = tpu.memref_squeeze %dma_start3A_321 : memref<1x32x8x128xf32, #tpu.memory_space<vmem>> -> memref<32x8x128xf32, #tpu.memory_space<vmem>>
    %dma_start3A_323 = arith.constant 0 : i32
    %dma_start3A_324 = arith.constant 0 : i32
    %dma_start3A_325 = tpu.memref_slice %arg4[%add3A_255, %dma_start3A_317, %dma_start3A_323, %dma_start3A_324] : memref<4096x8x8x256xf32, #tpu.memory_space<hbm>> -> memref<32x1x8x128xf32, #tpu.memory_space<hbm>>
    %dma_start3A_326 = tpu.memref_squeeze %dma_start3A_325 : memref<32x1x8x128xf32, #tpu.memory_space<hbm>> -> memref<32x8x128xf32, #tpu.memory_space<hbm>>
    %dma_start3A_327 = arith.constant 0 : i32
    %dma_start3A_328 = arith.constant 0 : i32
    %dma_start3A_329 = tpu.memref_slice %arg4[%add3A_255, %dma_start3A_317, %dma_start3A_327, %dma_start3A_328] : memref<4096x8x8x256xf32, #tpu.memory_space<hbm>> -> memref<32x1x8x128xf32, #tpu.memory_space<hbm>>
    %dma_start3A_330 = tpu.memref_squeeze %dma_start3A_329 : memref<32x1x8x128xf32, #tpu.memory_space<hbm>> -> memref<32x8x128xf32, #tpu.memory_space<hbm>>
    %dma_start3A_331 = arith.constant 0 : i32
    %dma_start3A_332 = arith.constant 0 : i32
    %dma_start3A_333 = arith.constant 0 : i32
    %dma_start3A_334 = tpu.memref_slice %arg5[%dma_start3A_316, %dma_start3A_331, %dma_start3A_332, %dma_start3A_333] : memref<3x32x8x128xf32, #tpu.memory_space<vmem>> -> memref<1x32x8x128xf32, #tpu.memory_space<vmem>>
    %dma_start3A_335 = tpu.memref_squeeze %dma_start3A_334 : memref<1x32x8x128xf32, #tpu.memory_space<vmem>> -> memref<32x8x128xf32, #tpu.memory_space<vmem>>
    tpu.enqueue_dma source(%dma_start3A_335 : memref<32x8x128xf32, #tpu.memory_space<vmem>>) target(%dma_start3A_330 : memref<32x8x128xf32, #tpu.memory_space<hbm>>) target_semaphore(%arg7 : memref<!tpu.dma_semaphore, #tpu.memory_space<semaphore_mem>>)
    %dma_start3A_336 = arith.constant 1 : i32
    %dma_start3A_337 = arith.constant 4 : i32
    %dma_start3A_338 = arith.constant 0 : i32
    %dma_start3A_339 = arith.constant 0 : i32
    %dma_start3A_340 = arith.constant 0 : i32
    %dma_start3A_341 = tpu.memref_slice %arg5[%dma_start3A_336, %dma_start3A_338, %dma_start3A_339, %dma_start3A_340] : memref<3x32x8x128xf32, #tpu.memory_space<vmem>> -> memref<1x32x8x128xf32, #tpu.memory_space<vmem>>
    %dma_start3A_342 = tpu.memref_squeeze %dma_start3A_341 : memref<1x32x8x128xf32, #tpu.memory_space<vmem>> -> memref<32x8x128xf32, #tpu.memory_space<vmem>>
    %dma_start3A_343 = arith.constant 0 : i32
    %dma_start3A_344 = arith.constant 0 : i32
    %dma_start3A_345 = tpu.memref_slice %arg4[%add3A_255, %dma_start3A_337, %dma_start3A_343, %dma_start3A_344] : memref<4096x8x8x256xf32, #tpu.memory_space<hbm>> -> memref<32x1x8x128xf32, #tpu.memory_space<hbm>>
    %dma_start3A_346 = tpu.memref_squeeze %dma_start3A_345 : memref<32x1x8x128xf32, #tpu.memory_space<hbm>> -> memref<32x8x128xf32, #tpu.memory_space<hbm>>
    %dma_start3A_347 = arith.constant 0 : i32
    %dma_start3A_348 = arith.constant 0 : i32
    %dma_start3A_349 = tpu.memref_slice %arg4[%add3A_255, %dma_start3A_337, %dma_start3A_347, %dma_start3A_348] : memref<4096x8x8x256xf32, #tpu.memory_space<hbm>> -> memref<32x1x8x128xf32, #tpu.memory_space<hbm>>
    %dma_start3A_350 = tpu.memref_squeeze %dma_start3A_349 : memref<32x1x8x128xf32, #tpu.memory_space<hbm>> -> memref<32x8x128xf32, #tpu.memory_space<hbm>>
    %dma_start3A_351 = arith.constant 0 : i32
    %dma_start3A_352 = arith.constant 0 : i32
    %dma_start3A_353 = arith.constant 0 : i32
    %dma_start3A_354 = tpu.memref_slice %arg5[%dma_start3A_336, %dma_start3A_351, %dma_start3A_352, %dma_start3A_353] : memref<3x32x8x128xf32, #tpu.memory_space<vmem>> -> memref<1x32x8x128xf32, #tpu.memory_space<vmem>>
    %dma_start3A_355 = tpu.memref_squeeze %dma_start3A_354 : memref<1x32x8x128xf32, #tpu.memory_space<vmem>> -> memref<32x8x128xf32, #tpu.memory_space<vmem>>
    tpu.enqueue_dma source(%dma_start3A_355 : memref<32x8x128xf32, #tpu.memory_space<vmem>>) target(%dma_start3A_350 : memref<32x8x128xf32, #tpu.memory_space<hbm>>) target_semaphore(%arg7 : memref<!tpu.dma_semaphore, #tpu.memory_space<semaphore_mem>>)
    %dma_start3A_356 = arith.constant 1 : i32
    %dma_start3A_357 = arith.constant 5 : i32
    %dma_start3A_358 = arith.constant 0 : i32
    %dma_start3A_359 = arith.constant 0 : i32
    %dma_start3A_360 = arith.constant 0 : i32
    %dma_start3A_361 = tpu.memref_slice %arg5[%dma_start3A_356, %dma_start3A_358, %dma_start3A_359, %dma_start3A_360] : memref<3x32x8x128xf32, #tpu.memory_space<vmem>> -> memref<1x32x8x128xf32, #tpu.memory_space<vmem>>
    %dma_start3A_362 = tpu.memref_squeeze %dma_start3A_361 : memref<1x32x8x128xf32, #tpu.memory_space<vmem>> -> memref<32x8x128xf32, #tpu.memory_space<vmem>>
    %dma_start3A_363 = arith.constant 0 : i32
    %dma_start3A_364 = arith.constant 0 : i32
    %dma_start3A_365 = tpu.memref_slice %arg4[%add3A_255, %dma_start3A_357, %dma_start3A_363, %dma_start3A_364] : memref<4096x8x8x256xf32, #tpu.memory_space<hbm>> -> memref<32x1x8x128xf32, #tpu.memory_space<hbm>>
    %dma_start3A_366 = tpu.memref_squeeze %dma_start3A_365 : memref<32x1x8x128xf32, #tpu.memory_space<hbm>> -> memref<32x8x128xf32, #tpu.memory_space<hbm>>
    %dma_start3A_367 = arith.constant 0 : i32
    %dma_start3A_368 = arith.constant 0 : i32
    %dma_start3A_369 = tpu.memref_slice %arg4[%add3A_255, %dma_start3A_357, %dma_start3A_367, %dma_start3A_368] : memref<4096x8x8x256xf32, #tpu.memory_space<hbm>> -> memref<32x1x8x128xf32, #tpu.memory_space<hbm>>
    %dma_start3A_370 = tpu.memref_squeeze %dma_start3A_369 : memref<32x1x8x128xf32, #tpu.memory_space<hbm>> -> memref<32x8x128xf32, #tpu.memory_space<hbm>>
    %dma_start3A_371 = arith.constant 0 : i32
    %dma_start3A_372 = arith.constant 0 : i32
    %dma_start3A_373 = arith.constant 0 : i32
    %dma_start3A_374 = tpu.memref_slice %arg5[%dma_start3A_356, %dma_start3A_371, %dma_start3A_372, %dma_start3A_373] : memref<3x32x8x128xf32, #tpu.memory_space<vmem>> -> memref<1x32x8x128xf32, #tpu.memory_space<vmem>>
    %dma_start3A_375 = tpu.memref_squeeze %dma_start3A_374 : memref<1x32x8x128xf32, #tpu.memory_space<vmem>> -> memref<32x8x128xf32, #tpu.memory_space<vmem>>
    tpu.enqueue_dma source(%dma_start3A_375 : memref<32x8x128xf32, #tpu.memory_space<vmem>>) target(%dma_start3A_370 : memref<32x8x128xf32, #tpu.memory_space<hbm>>) target_semaphore(%arg7 : memref<!tpu.dma_semaphore, #tpu.memory_space<semaphore_mem>>)
    %dma_start3A_376 = arith.constant 1 : i32
    %dma_start3A_377 = arith.constant 6 : i32
    %dma_start3A_378 = arith.constant 0 : i32
    %dma_start3A_379 = arith.constant 0 : i32
    %dma_start3A_380 = arith.constant 0 : i32
    %dma_start3A_381 = tpu.memref_slice %arg5[%dma_start3A_376, %dma_start3A_378, %dma_start3A_379, %dma_start3A_380] : memref<3x32x8x128xf32, #tpu.memory_space<vmem>> -> memref<1x32x8x128xf32, #tpu.memory_space<vmem>>
    %dma_start3A_382 = tpu.memref_squeeze %dma_start3A_381 : memref<1x32x8x128xf32, #tpu.memory_space<vmem>> -> memref<32x8x128xf32, #tpu.memory_space<vmem>>
    %dma_start3A_383 = arith.constant 0 : i32
    %dma_start3A_384 = arith.constant 0 : i32
    %dma_start3A_385 = tpu.memref_slice %arg4[%add3A_255, %dma_start3A_377, %dma_start3A_383, %dma_start3A_384] : memref<4096x8x8x256xf32, #tpu.memory_space<hbm>> -> memref<32x1x8x128xf32, #tpu.memory_space<hbm>>
    %dma_start3A_386 = tpu.memref_squeeze %dma_start3A_385 : memref<32x1x8x128xf32, #tpu.memory_space<hbm>> -> memref<32x8x128xf32, #tpu.memory_space<hbm>>
    %dma_start3A_387 = arith.constant 0 : i32
    %dma_start3A_388 = arith.constant 0 : i32
    %dma_start3A_389 = tpu.memref_slice %arg4[%add3A_255, %dma_start3A_377, %dma_start3A_387, %dma_start3A_388] : memref<4096x8x8x256xf32, #tpu.memory_space<hbm>> -> memref<32x1x8x128xf32, #tpu.memory_space<hbm>>
    %dma_start3A_390 = tpu.memref_squeeze %dma_start3A_389 : memref<32x1x8x128xf32, #tpu.memory_space<hbm>> -> memref<32x8x128xf32, #tpu.memory_space<hbm>>
    %dma_start3A_391 = arith.constant 0 : i32
    %dma_start3A_392 = arith.constant 0 : i32
    %dma_start3A_393 = arith.constant 0 : i32
    %dma_start3A_394 = tpu.memref_slice %arg5[%dma_start3A_376, %dma_start3A_391, %dma_start3A_392, %dma_start3A_393] : memref<3x32x8x128xf32, #tpu.memory_space<vmem>> -> memref<1x32x8x128xf32, #tpu.memory_space<vmem>>
    %dma_start3A_395 = tpu.memref_squeeze %dma_start3A_394 : memref<1x32x8x128xf32, #tpu.memory_space<vmem>> -> memref<32x8x128xf32, #tpu.memory_space<vmem>>
    tpu.enqueue_dma source(%dma_start3A_395 : memref<32x8x128xf32, #tpu.memory_space<vmem>>) target(%dma_start3A_390 : memref<32x8x128xf32, #tpu.memory_space<hbm>>) target_semaphore(%arg7 : memref<!tpu.dma_semaphore, #tpu.memory_space<semaphore_mem>>)
    %dma_start3A_396 = arith.constant 1 : i32
    %dma_start3A_397 = arith.constant 7 : i32
    %dma_start3A_398 = arith.constant 0 : i32
    %dma_start3A_399 = arith.constant 0 : i32
    %dma_start3A_400 = arith.constant 0 : i32
    %dma_start3A_401 = tpu.memref_slice %arg5[%dma_start3A_396, %dma_start3A_398, %dma_start3A_399, %dma_start3A_400] : memref<3x32x8x128xf32, #tpu.memory_space<vmem>> -> memref<1x32x8x128xf32, #tpu.memory_space<vmem>>
    %dma_start3A_402 = tpu.memref_squeeze %dma_start3A_401 : memref<1x32x8x128xf32, #tpu.memory_space<vmem>> -> memref<32x8x128xf32, #tpu.memory_space<vmem>>
    %dma_start3A_403 = arith.constant 0 : i32
    %dma_start3A_404 = arith.constant 0 : i32
    %dma_start3A_405 = tpu.memref_slice %arg4[%add3A_255, %dma_start3A_397, %dma_start3A_403, %dma_start3A_404] : memref<4096x8x8x256xf32, #tpu.memory_space<hbm>> -> memref<32x1x8x128xf32, #tpu.memory_space<hbm>>
    %dma_start3A_406 = tpu.memref_squeeze %dma_start3A_405 : memref<32x1x8x128xf32, #tpu.memory_space<hbm>> -> memref<32x8x128xf32, #tpu.memory_space<hbm>>
    %dma_start3A_407 = arith.constant 0 : i32
    %dma_start3A_408 = arith.constant 0 : i32
    %dma_start3A_409 = tpu.memref_slice %arg4[%add3A_255, %dma_start3A_397, %dma_start3A_407, %dma_start3A_408] : memref<4096x8x8x256xf32, #tpu.memory_space<hbm>> -> memref<32x1x8x128xf32, #tpu.memory_space<hbm>>
    %dma_start3A_410 = tpu.memref_squeeze %dma_start3A_409 : memref<32x1x8x128xf32, #tpu.memory_space<hbm>> -> memref<32x8x128xf32, #tpu.memory_space<hbm>>
    %dma_start3A_411 = arith.constant 0 : i32
    %dma_start3A_412 = arith.constant 0 : i32
    %dma_start3A_413 = arith.constant 0 : i32
    %dma_start3A_414 = tpu.memref_slice %arg5[%dma_start3A_396, %dma_start3A_411, %dma_start3A_412, %dma_start3A_413] : memref<3x32x8x128xf32, #tpu.memory_space<vmem>> -> memref<1x32x8x128xf32, #tpu.memory_space<vmem>>
    %dma_start3A_415 = tpu.memref_squeeze %dma_start3A_414 : memref<1x32x8x128xf32, #tpu.memory_space<vmem>> -> memref<32x8x128xf32, #tpu.memory_space<vmem>>
    tpu.enqueue_dma source(%dma_start3A_415 : memref<32x8x128xf32, #tpu.memory_space<vmem>>) target(%dma_start3A_410 : memref<32x8x128xf32, #tpu.memory_space<hbm>>) target_semaphore(%arg7 : memref<!tpu.dma_semaphore, #tpu.memory_space<semaphore_mem>>)
    %dma_wait3A_416 = arith.constant 0 : i32
    %dma_wait3A_417 = arith.constant 0 : i32
    %dma_wait3A_418 = arith.constant 0 : i32
    %dma_wait3A_419 = arith.constant 0 : i32
    %dma_wait3A_420 = arith.constant 0 : i32
    %dma_wait3A_421 = tpu.memref_slice %arg5[%dma_wait3A_416, %dma_wait3A_418, %dma_wait3A_419, %dma_wait3A_420] : memref<3x32x8x128xf32, #tpu.memory_space<vmem>> -> memref<1x32x8x128xf32, #tpu.memory_space<vmem>>
    %dma_wait3A_422 = tpu.memref_squeeze %dma_wait3A_421 : memref<1x32x8x128xf32, #tpu.memory_space<vmem>> -> memref<32x8x128xf32, #tpu.memory_space<vmem>>
    %dma_wait3A_423 = arith.constant 0 : i32
    %dma_wait3A_424 = arith.constant 0 : i32
    %dma_wait3A_425 = tpu.memref_slice %arg4[%add3A_57, %dma_wait3A_417, %dma_wait3A_423, %dma_wait3A_424] : memref<4096x8x8x256xf32, #tpu.memory_space<hbm>> -> memref<32x1x8x128xf32, #tpu.memory_space<hbm>>
    %dma_wait3A_426 = tpu.memref_squeeze %dma_wait3A_425 : memref<32x1x8x128xf32, #tpu.memory_space<hbm>> -> memref<32x8x128xf32, #tpu.memory_space<hbm>>
    %dma_wait3A_427 = arith.constant 0 : i32
    %dma_wait3A_428 = arith.constant 0 : i32
    %dma_wait3A_429 = tpu.memref_slice %arg4[%add3A_57, %dma_wait3A_417, %dma_wait3A_427, %dma_wait3A_428] : memref<4096x8x8x256xf32, #tpu.memory_space<hbm>> -> memref<32x1x8x128xf32, #tpu.memory_space<hbm>>
    %dma_wait3A_430 = tpu.memref_squeeze %dma_wait3A_429 : memref<32x1x8x128xf32, #tpu.memory_space<hbm>> -> memref<32x8x128xf32, #tpu.memory_space<hbm>>
    %dma_wait3A_431 = arith.constant 0 : i32
    %dma_wait3A_432 = arith.constant 0 : i32
    %dma_wait3A_433 = arith.constant 0 : i32
    %dma_wait3A_434 = tpu.memref_slice %arg5[%dma_wait3A_416, %dma_wait3A_431, %dma_wait3A_432, %dma_wait3A_433] : memref<3x32x8x128xf32, #tpu.memory_space<vmem>> -> memref<1x32x8x128xf32, #tpu.memory_space<vmem>>
    %dma_wait3A_435 = tpu.memref_squeeze %dma_wait3A_434 : memref<1x32x8x128xf32, #tpu.memory_space<vmem>> -> memref<32x8x128xf32, #tpu.memory_space<vmem>>
    tpu.wait_dma2 semaphore(%arg7 : memref<!tpu.dma_semaphore, #tpu.memory_space<semaphore_mem>>) src(%dma_wait3A_435 : memref<32x8x128xf32, #tpu.memory_space<vmem>>) dst(%dma_wait3A_430 : memref<32x8x128xf32, #tpu.memory_space<hbm>>)
    %dma_wait3A_436 = arith.constant 0 : i32
    %dma_wait3A_437 = arith.constant 1 : i32
    %dma_wait3A_438 = arith.constant 0 : i32
    %dma_wait3A_439 = arith.constant 0 : i32
    %dma_wait3A_440 = arith.constant 0 : i32
    %dma_wait3A_441 = tpu.memref_slice %arg5[%dma_wait3A_436, %dma_wait3A_438, %dma_wait3A_439, %dma_wait3A_440] : memref<3x32x8x128xf32, #tpu.memory_space<vmem>> -> memref<1x32x8x128xf32, #tpu.memory_space<vmem>>
    %dma_wait3A_442 = tpu.memref_squeeze %dma_wait3A_441 : memref<1x32x8x128xf32, #tpu.memory_space<vmem>> -> memref<32x8x128xf32, #tpu.memory_space<vmem>>
    %dma_wait3A_443 = arith.constant 0 : i32
    %dma_wait3A_444 = arith.constant 0 : i32
    %dma_wait3A_445 = tpu.memref_slice %arg4[%add3A_57, %dma_wait3A_437, %dma_wait3A_443, %dma_wait3A_444] : memref<4096x8x8x256xf32, #tpu.memory_space<hbm>> -> memref<32x1x8x128xf32, #tpu.memory_space<hbm>>
    %dma_wait3A_446 = tpu.memref_squeeze %dma_wait3A_445 : memref<32x1x8x128xf32, #tpu.memory_space<hbm>> -> memref<32x8x128xf32, #tpu.memory_space<hbm>>
    %dma_wait3A_447 = arith.constant 0 : i32
    %dma_wait3A_448 = arith.constant 0 : i32
    %dma_wait3A_449 = tpu.memref_slice %arg4[%add3A_57, %dma_wait3A_437, %dma_wait3A_447, %dma_wait3A_448] : memref<4096x8x8x256xf32, #tpu.memory_space<hbm>> -> memref<32x1x8x128xf32, #tpu.memory_space<hbm>>
    %dma_wait3A_450 = tpu.memref_squeeze %dma_wait3A_449 : memref<32x1x8x128xf32, #tpu.memory_space<hbm>> -> memref<32x8x128xf32, #tpu.memory_space<hbm>>
    %dma_wait3A_451 = arith.constant 0 : i32
    %dma_wait3A_452 = arith.constant 0 : i32
    %dma_wait3A_453 = arith.constant 0 : i32
    %dma_wait3A_454 = tpu.memref_slice %arg5[%dma_wait3A_436, %dma_wait3A_451, %dma_wait3A_452, %dma_wait3A_453] : memref<3x32x8x128xf32, #tpu.memory_space<vmem>> -> memref<1x32x8x128xf32, #tpu.memory_space<vmem>>
    %dma_wait3A_455 = tpu.memref_squeeze %dma_wait3A_454 : memref<1x32x8x128xf32, #tpu.memory_space<vmem>> -> memref<32x8x128xf32, #tpu.memory_space<vmem>>
    tpu.wait_dma2 semaphore(%arg7 : memref<!tpu.dma_semaphore, #tpu.memory_space<semaphore_mem>>) src(%dma_wait3A_455 : memref<32x8x128xf32, #tpu.memory_space<vmem>>) dst(%dma_wait3A_450 : memref<32x8x128xf32, #tpu.memory_space<hbm>>)
    %dma_wait3A_456 = arith.constant 0 : i32
    %dma_wait3A_457 = arith.constant 2 : i32
    %dma_wait3A_458 = arith.constant 0 : i32
    %dma_wait3A_459 = arith.constant 0 : i32
    %dma_wait3A_460 = arith.constant 0 : i32
    %dma_wait3A_461 = tpu.memref_slice %arg5[%dma_wait3A_456, %dma_wait3A_458, %dma_wait3A_459, %dma_wait3A_460] : memref<3x32x8x128xf32, #tpu.memory_space<vmem>> -> memref<1x32x8x128xf32, #tpu.memory_space<vmem>>
    %dma_wait3A_462 = tpu.memref_squeeze %dma_wait3A_461 : memref<1x32x8x128xf32, #tpu.memory_space<vmem>> -> memref<32x8x128xf32, #tpu.memory_space<vmem>>
    %dma_wait3A_463 = arith.constant 0 : i32
    %dma_wait3A_464 = arith.constant 0 : i32
    %dma_wait3A_465 = tpu.memref_slice %arg4[%add3A_57, %dma_wait3A_457, %dma_wait3A_463, %dma_wait3A_464] : memref<4096x8x8x256xf32, #tpu.memory_space<hbm>> -> memref<32x1x8x128xf32, #tpu.memory_space<hbm>>
    %dma_wait3A_466 = tpu.memref_squeeze %dma_wait3A_465 : memref<32x1x8x128xf32, #tpu.memory_space<hbm>> -> memref<32x8x128xf32, #tpu.memory_space<hbm>>
    %dma_wait3A_467 = arith.constant 0 : i32
    %dma_wait3A_468 = arith.constant 0 : i32
    %dma_wait3A_469 = tpu.memref_slice %arg4[%add3A_57, %dma_wait3A_457, %dma_wait3A_467, %dma_wait3A_468] : memref<4096x8x8x256xf32, #tpu.memory_space<hbm>> -> memref<32x1x8x128xf32, #tpu.memory_space<hbm>>
    %dma_wait3A_470 = tpu.memref_squeeze %dma_wait3A_469 : memref<32x1x8x128xf32, #tpu.memory_space<hbm>> -> memref<32x8x128xf32, #tpu.memory_space<hbm>>
    %dma_wait3A_471 = arith.constant 0 : i32
    %dma_wait3A_472 = arith.constant 0 : i32
    %dma_wait3A_473 = arith.constant 0 : i32
    %dma_wait3A_474 = tpu.memref_slice %arg5[%dma_wait3A_456, %dma_wait3A_471, %dma_wait3A_472, %dma_wait3A_473] : memref<3x32x8x128xf32, #tpu.memory_space<vmem>> -> memref<1x32x8x128xf32, #tpu.memory_space<vmem>>
    %dma_wait3A_475 = tpu.memref_squeeze %dma_wait3A_474 : memref<1x32x8x128xf32, #tpu.memory_space<vmem>> -> memref<32x8x128xf32, #tpu.memory_space<vmem>>
    tpu.wait_dma2 semaphore(%arg7 : memref<!tpu.dma_semaphore, #tpu.memory_space<semaphore_mem>>) src(%dma_wait3A_475 : memref<32x8x128xf32, #tpu.memory_space<vmem>>) dst(%dma_wait3A_470 : memref<32x8x128xf32, #tpu.memory_space<hbm>>)
    %dma_wait3A_476 = arith.constant 0 : i32
    %dma_wait3A_477 = arith.constant 3 : i32
    %dma_wait3A_478 = arith.constant 0 : i32
    %dma_wait3A_479 = arith.constant 0 : i32
    %dma_wait3A_480 = arith.constant 0 : i32
    %dma_wait3A_481 = tpu.memref_slice %arg5[%dma_wait3A_476, %dma_wait3A_478, %dma_wait3A_479, %dma_wait3A_480] : memref<3x32x8x128xf32, #tpu.memory_space<vmem>> -> memref<1x32x8x128xf32, #tpu.memory_space<vmem>>
    %dma_wait3A_482 = tpu.memref_squeeze %dma_wait3A_481 : memref<1x32x8x128xf32, #tpu.memory_space<vmem>> -> memref<32x8x128xf32, #tpu.memory_space<vmem>>
    %dma_wait3A_483 = arith.constant 0 : i32
    %dma_wait3A_484 = arith.constant 0 : i32
    %dma_wait3A_485 = tpu.memref_slice %arg4[%add3A_57, %dma_wait3A_477, %dma_wait3A_483, %dma_wait3A_484] : memref<4096x8x8x256xf32, #tpu.memory_space<hbm>> -> memref<32x1x8x128xf32, #tpu.memory_space<hbm>>
    %dma_wait3A_486 = tpu.memref_squeeze %dma_wait3A_485 : memref<32x1x8x128xf32, #tpu.memory_space<hbm>> -> memref<32x8x128xf32, #tpu.memory_space<hbm>>
    %dma_wait3A_487 = arith.constant 0 : i32
    %dma_wait3A_488 = arith.constant 0 : i32
    %dma_wait3A_489 = tpu.memref_slice %arg4[%add3A_57, %dma_wait3A_477, %dma_wait3A_487, %dma_wait3A_488] : memref<4096x8x8x256xf32, #tpu.memory_space<hbm>> -> memref<32x1x8x128xf32, #tpu.memory_space<hbm>>
    %dma_wait3A_490 = tpu.memref_squeeze %dma_wait3A_489 : memref<32x1x8x128xf32, #tpu.memory_space<hbm>> -> memref<32x8x128xf32, #tpu.memory_space<hbm>>
    %dma_wait3A_491 = arith.constant 0 : i32
    %dma_wait3A_492 = arith.constant 0 : i32
    %dma_wait3A_493 = arith.constant 0 : i32
    %dma_wait3A_494 = tpu.memref_slice %arg5[%dma_wait3A_476, %dma_wait3A_491, %dma_wait3A_492, %dma_wait3A_493] : memref<3x32x8x128xf32, #tpu.memory_space<vmem>> -> memref<1x32x8x128xf32, #tpu.memory_space<vmem>>
    %dma_wait3A_495 = tpu.memref_squeeze %dma_wait3A_494 : memref<1x32x8x128xf32, #tpu.memory_space<vmem>> -> memref<32x8x128xf32, #tpu.memory_space<vmem>>
    tpu.wait_dma2 semaphore(%arg7 : memref<!tpu.dma_semaphore, #tpu.memory_space<semaphore_mem>>) src(%dma_wait3A_495 : memref<32x8x128xf32, #tpu.memory_space<vmem>>) dst(%dma_wait3A_490 : memref<32x8x128xf32, #tpu.memory_space<hbm>>)
    %dma_wait3A_496 = arith.constant 0 : i32
    %dma_wait3A_497 = arith.constant 4 : i32
    %dma_wait3A_498 = arith.constant 0 : i32
    %dma_wait3A_499 = arith.constant 0 : i32
    %dma_wait3A_500 = arith.constant 0 : i32
    %dma_wait3A_501 = tpu.memref_slice %arg5[%dma_wait3A_496, %dma_wait3A_498, %dma_wait3A_499, %dma_wait3A_500] : memref<3x32x8x128xf32, #tpu.memory_space<vmem>> -> memref<1x32x8x128xf32, #tpu.memory_space<vmem>>
    %dma_wait3A_502 = tpu.memref_squeeze %dma_wait3A_501 : memref<1x32x8x128xf32, #tpu.memory_space<vmem>> -> memref<32x8x128xf32, #tpu.memory_space<vmem>>
    %dma_wait3A_503 = arith.constant 0 : i32
    %dma_wait3A_504 = arith.constant 0 : i32
    %dma_wait3A_505 = tpu.memref_slice %arg4[%add3A_57, %dma_wait3A_497, %dma_wait3A_503, %dma_wait3A_504] : memref<4096x8x8x256xf32, #tpu.memory_space<hbm>> -> memref<32x1x8x128xf32, #tpu.memory_space<hbm>>
    %dma_wait3A_506 = tpu.memref_squeeze %dma_wait3A_505 : memref<32x1x8x128xf32, #tpu.memory_space<hbm>> -> memref<32x8x128xf32, #tpu.memory_space<hbm>>
    %dma_wait3A_507 = arith.constant 0 : i32
    %dma_wait3A_508 = arith.constant 0 : i32
    %dma_wait3A_509 = tpu.memref_slice %arg4[%add3A_57, %dma_wait3A_497, %dma_wait3A_507, %dma_wait3A_508] : memref<4096x8x8x256xf32, #tpu.memory_space<hbm>> -> memref<32x1x8x128xf32, #tpu.memory_space<hbm>>
    %dma_wait3A_510 = tpu.memref_squeeze %dma_wait3A_509 : memref<32x1x8x128xf32, #tpu.memory_space<hbm>> -> memref<32x8x128xf32, #tpu.memory_space<hbm>>
    %dma_wait3A_511 = arith.constant 0 : i32
    %dma_wait3A_512 = arith.constant 0 : i32
    %dma_wait3A_513 = arith.constant 0 : i32
    %dma_wait3A_514 = tpu.memref_slice %arg5[%dma_wait3A_496, %dma_wait3A_511, %dma_wait3A_512, %dma_wait3A_513] : memref<3x32x8x128xf32, #tpu.memory_space<vmem>> -> memref<1x32x8x128xf32, #tpu.memory_space<vmem>>
    %dma_wait3A_515 = tpu.memref_squeeze %dma_wait3A_514 : memref<1x32x8x128xf32, #tpu.memory_space<vmem>> -> memref<32x8x128xf32, #tpu.memory_space<vmem>>
    tpu.wait_dma2 semaphore(%arg7 : memref<!tpu.dma_semaphore, #tpu.memory_space<semaphore_mem>>) src(%dma_wait3A_515 : memref<32x8x128xf32, #tpu.memory_space<vmem>>) dst(%dma_wait3A_510 : memref<32x8x128xf32, #tpu.memory_space<hbm>>)
    %dma_wait3A_516 = arith.constant 0 : i32
    %dma_wait3A_517 = arith.constant 5 : i32
    %dma_wait3A_518 = arith.constant 0 : i32
    %dma_wait3A_519 = arith.constant 0 : i32
    %dma_wait3A_520 = arith.constant 0 : i32
    %dma_wait3A_521 = tpu.memref_slice %arg5[%dma_wait3A_516, %dma_wait3A_518, %dma_wait3A_519, %dma_wait3A_520] : memref<3x32x8x128xf32, #tpu.memory_space<vmem>> -> memref<1x32x8x128xf32, #tpu.memory_space<vmem>>
    %dma_wait3A_522 = tpu.memref_squeeze %dma_wait3A_521 : memref<1x32x8x128xf32, #tpu.memory_space<vmem>> -> memref<32x8x128xf32, #tpu.memory_space<vmem>>
    %dma_wait3A_523 = arith.constant 0 : i32
    %dma_wait3A_524 = arith.constant 0 : i32
    %dma_wait3A_525 = tpu.memref_slice %arg4[%add3A_57, %dma_wait3A_517, %dma_wait3A_523, %dma_wait3A_524] : memref<4096x8x8x256xf32, #tpu.memory_space<hbm>> -> memref<32x1x8x128xf32, #tpu.memory_space<hbm>>
    %dma_wait3A_526 = tpu.memref_squeeze %dma_wait3A_525 : memref<32x1x8x128xf32, #tpu.memory_space<hbm>> -> memref<32x8x128xf32, #tpu.memory_space<hbm>>
    %dma_wait3A_527 = arith.constant 0 : i32
    %dma_wait3A_528 = arith.constant 0 : i32
    %dma_wait3A_529 = tpu.memref_slice %arg4[%add3A_57, %dma_wait3A_517, %dma_wait3A_527, %dma_wait3A_528] : memref<4096x8x8x256xf32, #tpu.memory_space<hbm>> -> memref<32x1x8x128xf32, #tpu.memory_space<hbm>>
    %dma_wait3A_530 = tpu.memref_squeeze %dma_wait3A_529 : memref<32x1x8x128xf32, #tpu.memory_space<hbm>> -> memref<32x8x128xf32, #tpu.memory_space<hbm>>
    %dma_wait3A_531 = arith.constant 0 : i32
    %dma_wait3A_532 = arith.constant 0 : i32
    %dma_wait3A_533 = arith.constant 0 : i32
    %dma_wait3A_534 = tpu.memref_slice %arg5[%dma_wait3A_516, %dma_wait3A_531, %dma_wait3A_532, %dma_wait3A_533] : memref<3x32x8x128xf32, #tpu.memory_space<vmem>> -> memref<1x32x8x128xf32, #tpu.memory_space<vmem>>
    %dma_wait3A_535 = tpu.memref_squeeze %dma_wait3A_534 : memref<1x32x8x128xf32, #tpu.memory_space<vmem>> -> memref<32x8x128xf32, #tpu.memory_space<vmem>>
    tpu.wait_dma2 semaphore(%arg7 : memref<!tpu.dma_semaphore, #tpu.memory_space<semaphore_mem>>) src(%dma_wait3A_535 : memref<32x8x128xf32, #tpu.memory_space<vmem>>) dst(%dma_wait3A_530 : memref<32x8x128xf32, #tpu.memory_space<hbm>>)
    %dma_wait3A_536 = arith.constant 0 : i32
    %dma_wait3A_537 = arith.constant 6 : i32
    %dma_wait3A_538 = arith.constant 0 : i32
    %dma_wait3A_539 = arith.constant 0 : i32
    %dma_wait3A_540 = arith.constant 0 : i32
    %dma_wait3A_541 = tpu.memref_slice %arg5[%dma_wait3A_536, %dma_wait3A_538, %dma_wait3A_539, %dma_wait3A_540] : memref<3x32x8x128xf32, #tpu.memory_space<vmem>> -> memref<1x32x8x128xf32, #tpu.memory_space<vmem>>
    %dma_wait3A_542 = tpu.memref_squeeze %dma_wait3A_541 : memref<1x32x8x128xf32, #tpu.memory_space<vmem>> -> memref<32x8x128xf32, #tpu.memory_space<vmem>>
    %dma_wait3A_543 = arith.constant 0 : i32
    %dma_wait3A_544 = arith.constant 0 : i32
    %dma_wait3A_545 = tpu.memref_slice %arg4[%add3A_57, %dma_wait3A_537, %dma_wait3A_543, %dma_wait3A_544] : memref<4096x8x8x256xf32, #tpu.memory_space<hbm>> -> memref<32x1x8x128xf32, #tpu.memory_space<hbm>>
    %dma_wait3A_546 = tpu.memref_squeeze %dma_wait3A_545 : memref<32x1x8x128xf32, #tpu.memory_space<hbm>> -> memref<32x8x128xf32, #tpu.memory_space<hbm>>
    %dma_wait3A_547 = arith.constant 0 : i32
    %dma_wait3A_548 = arith.constant 0 : i32
    %dma_wait3A_549 = tpu.memref_slice %arg4[%add3A_57, %dma_wait3A_537, %dma_wait3A_547, %dma_wait3A_548] : memref<4096x8x8x256xf32, #tpu.memory_space<hbm>> -> memref<32x1x8x128xf32, #tpu.memory_space<hbm>>
    %dma_wait3A_550 = tpu.memref_squeeze %dma_wait3A_549 : memref<32x1x8x128xf32, #tpu.memory_space<hbm>> -> memref<32x8x128xf32, #tpu.memory_space<hbm>>
    %dma_wait3A_551 = arith.constant 0 : i32
    %dma_wait3A_552 = arith.constant 0 : i32
    %dma_wait3A_553 = arith.constant 0 : i32
    %dma_wait3A_554 = tpu.memref_slice %arg5[%dma_wait3A_536, %dma_wait3A_551, %dma_wait3A_552, %dma_wait3A_553] : memref<3x32x8x128xf32, #tpu.memory_space<vmem>> -> memref<1x32x8x128xf32, #tpu.memory_space<vmem>>
    %dma_wait3A_555 = tpu.memref_squeeze %dma_wait3A_554 : memref<1x32x8x128xf32, #tpu.memory_space<vmem>> -> memref<32x8x128xf32, #tpu.memory_space<vmem>>
    tpu.wait_dma2 semaphore(%arg7 : memref<!tpu.dma_semaphore, #tpu.memory_space<semaphore_mem>>) src(%dma_wait3A_555 : memref<32x8x128xf32, #tpu.memory_space<vmem>>) dst(%dma_wait3A_550 : memref<32x8x128xf32, #tpu.memory_space<hbm>>)
    %dma_wait3A_556 = arith.constant 0 : i32
    %dma_wait3A_557 = arith.constant 7 : i32
    %dma_wait3A_558 = arith.constant 0 : i32
    %dma_wait3A_559 = arith.constant 0 : i32
    %dma_wait3A_560 = arith.constant 0 : i32
    %dma_wait3A_561 = tpu.memref_slice %arg5[%dma_wait3A_556, %dma_wait3A_558, %dma_wait3A_559, %dma_wait3A_560] : memref<3x32x8x128xf32, #tpu.memory_space<vmem>> -> memref<1x32x8x128xf32, #tpu.memory_space<vmem>>
    %dma_wait3A_562 = tpu.memref_squeeze %dma_wait3A_561 : memref<1x32x8x128xf32, #tpu.memory_space<vmem>> -> memref<32x8x128xf32, #tpu.memory_space<vmem>>
    %dma_wait3A_563 = arith.constant 0 : i32
    %dma_wait3A_564 = arith.constant 0 : i32
    %dma_wait3A_565 = tpu.memref_slice %arg4[%add3A_57, %dma_wait3A_557, %dma_wait3A_563, %dma_wait3A_564] : memref<4096x8x8x256xf32, #tpu.memory_space<hbm>> -> memref<32x1x8x128xf32, #tpu.memory_space<hbm>>
    %dma_wait3A_566 = tpu.memref_squeeze %dma_wait3A_565 : memref<32x1x8x128xf32, #tpu.memory_space<hbm>> -> memref<32x8x128xf32, #tpu.memory_space<hbm>>
    %dma_wait3A_567 = arith.constant 0 : i32
    %dma_wait3A_568 = arith.constant 0 : i32
    %dma_wait3A_569 = tpu.memref_slice %arg4[%add3A_57, %dma_wait3A_557, %dma_wait3A_567, %dma_wait3A_568] : memref<4096x8x8x256xf32, #tpu.memory_space<hbm>> -> memref<32x1x8x128xf32, #tpu.memory_space<hbm>>
    %dma_wait3A_570 = tpu.memref_squeeze %dma_wait3A_569 : memref<32x1x8x128xf32, #tpu.memory_space<hbm>> -> memref<32x8x128xf32, #tpu.memory_space<hbm>>
    %dma_wait3A_571 = arith.constant 0 : i32
    %dma_wait3A_572 = arith.constant 0 : i32
    %dma_wait3A_573 = arith.constant 0 : i32
    %dma_wait3A_574 = tpu.memref_slice %arg5[%dma_wait3A_556, %dma_wait3A_571, %dma_wait3A_572, %dma_wait3A_573] : memref<3x32x8x128xf32, #tpu.memory_space<vmem>> -> memref<1x32x8x128xf32, #tpu.memory_space<vmem>>
    %dma_wait3A_575 = tpu.memref_squeeze %dma_wait3A_574 : memref<1x32x8x128xf32, #tpu.memory_space<vmem>> -> memref<32x8x128xf32, #tpu.memory_space<vmem>>
    tpu.wait_dma2 semaphore(%arg7 : memref<!tpu.dma_semaphore, #tpu.memory_space<semaphore_mem>>) src(%dma_wait3A_575 : memref<32x8x128xf32, #tpu.memory_space<vmem>>) dst(%dma_wait3A_570 : memref<32x8x128xf32, #tpu.memory_space<hbm>>)
    %add3A_576 = arith.constant 96 : i32
    %add3A_577 = arith.addi %mul3A_2, %add3A_576 : i32
    %dma_start3A_578 = arith.constant 0 : i32
    %dma_start3A_579 = arith.constant 0 : i32
    %dma_start3A_580 = arith.constant 0 : i32
    %dma_start3A_581 = arith.constant 0 : i32
    %dma_start3A_582 = tpu.memref_slice %arg5[%dma_start3A_578, %dma_start3A_579, %dma_start3A_580, %dma_start3A_581] : memref<3x32x8x128xf32, #tpu.memory_space<vmem>> -> memref<1x32x8x128xf32, #tpu.memory_space<vmem>>
    %dma_start3A_583 = tpu.memref_squeeze %dma_start3A_582 : memref<1x32x8x128xf32, #tpu.memory_space<vmem>> -> memref<32x8x128xf32, #tpu.memory_space<vmem>>
    %dma_start3A_584 = arith.constant 0 : i32
    %dma_start3A_585 = arith.constant 0 : i32
    %dma_start3A_586 = tpu.memref_slice %arg2[%add3A_577, %dma_start3A_584, %dma_start3A_585] : memref<4096x8x128xf32, #tpu.memory_space<hbm>> -> memref<32x8x128xf32, #tpu.memory_space<hbm>>
    %dma_start3A_587 = arith.constant 0 : i32
    %dma_start3A_588 = arith.constant 0 : i32
    %dma_start3A_589 = arith.constant 0 : i32
    %dma_start3A_590 = tpu.memref_slice %arg5[%dma_start3A_578, %dma_start3A_587, %dma_start3A_588, %dma_start3A_589] : memref<3x32x8x128xf32, #tpu.memory_space<vmem>> -> memref<1x32x8x128xf32, #tpu.memory_space<vmem>>
    %dma_start3A_591 = tpu.memref_squeeze %dma_start3A_590 : memref<1x32x8x128xf32, #tpu.memory_space<vmem>> -> memref<32x8x128xf32, #tpu.memory_space<vmem>>
    %dma_start3A_592 = arith.constant 0 : i32
    %dma_start3A_593 = arith.constant 0 : i32
    %dma_start3A_594 = tpu.memref_slice %arg2[%add3A_577, %dma_start3A_592, %dma_start3A_593] : memref<4096x8x128xf32, #tpu.memory_space<hbm>> -> memref<32x8x128xf32, #tpu.memory_space<hbm>>
    tpu.enqueue_dma source(%dma_start3A_594 : memref<32x8x128xf32, #tpu.memory_space<hbm>>) target(%dma_start3A_591 : memref<32x8x128xf32, #tpu.memory_space<vmem>>) target_semaphore(%arg6 : memref<!tpu.dma_semaphore, #tpu.memory_space<semaphore_mem>>)
    %dma_wait3A_595 = arith.constant 2 : i32
    %dma_wait3A_596 = arith.constant 0 : i32
    %dma_wait3A_597 = arith.constant 0 : i32
    %dma_wait3A_598 = arith.constant 0 : i32
    %dma_wait3A_599 = tpu.memref_slice %arg5[%dma_wait3A_595, %dma_wait3A_596, %dma_wait3A_597, %dma_wait3A_598] : memref<3x32x8x128xf32, #tpu.memory_space<vmem>> -> memref<1x32x8x128xf32, #tpu.memory_space<vmem>>
    %dma_wait3A_600 = tpu.memref_squeeze %dma_wait3A_599 : memref<1x32x8x128xf32, #tpu.memory_space<vmem>> -> memref<32x8x128xf32, #tpu.memory_space<vmem>>
    %dma_wait3A_601 = arith.constant 0 : i32
    %dma_wait3A_602 = arith.constant 0 : i32
    %dma_wait3A_603 = tpu.memref_slice %arg2[%add3A_219, %dma_wait3A_601, %dma_wait3A_602] : memref<4096x8x128xf32, #tpu.memory_space<hbm>> -> memref<32x8x128xf32, #tpu.memory_space<hbm>>
    %dma_wait3A_604 = arith.constant 0 : i32
    %dma_wait3A_605 = arith.constant 0 : i32
    %dma_wait3A_606 = arith.constant 0 : i32
    %dma_wait3A_607 = tpu.memref_slice %arg5[%dma_wait3A_595, %dma_wait3A_604, %dma_wait3A_605, %dma_wait3A_606] : memref<3x32x8x128xf32, #tpu.memory_space<vmem>> -> memref<1x32x8x128xf32, #tpu.memory_space<vmem>>
    %dma_wait3A_608 = tpu.memref_squeeze %dma_wait3A_607 : memref<1x32x8x128xf32, #tpu.memory_space<vmem>> -> memref<32x8x128xf32, #tpu.memory_space<vmem>>
    %dma_wait3A_609 = arith.constant 0 : i32
    %dma_wait3A_610 = arith.constant 0 : i32
    %dma_wait3A_611 = tpu.memref_slice %arg2[%add3A_219, %dma_wait3A_609, %dma_wait3A_610] : memref<4096x8x128xf32, #tpu.memory_space<hbm>> -> memref<32x8x128xf32, #tpu.memory_space<hbm>>
    tpu.wait_dma2 semaphore(%arg6 : memref<!tpu.dma_semaphore, #tpu.memory_space<semaphore_mem>>) src(%dma_wait3A_611 : memref<32x8x128xf32, #tpu.memory_space<hbm>>) dst(%dma_wait3A_608 : memref<32x8x128xf32, #tpu.memory_space<vmem>>)
    %add3A_612 = arith.constant 64 : i32
    %add3A_613 = arith.addi %mul3A_2, %add3A_612 : i32
    %dma_start3A_614 = arith.constant 2 : i32
    %dma_start3A_615 = arith.constant 0 : i32
    %dma_start3A_616 = arith.constant 0 : i32
    %dma_start3A_617 = arith.constant 0 : i32
    %dma_start3A_618 = arith.constant 0 : i32
    %dma_start3A_619 = tpu.memref_slice %arg5[%dma_start3A_614, %dma_start3A_616, %dma_start3A_617, %dma_start3A_618] : memref<3x32x8x128xf32, #tpu.memory_space<vmem>> -> memref<1x32x8x128xf32, #tpu.memory_space<vmem>>
    %dma_start3A_620 = tpu.memref_squeeze %dma_start3A_619 : memref<1x32x8x128xf32, #tpu.memory_space<vmem>> -> memref<32x8x128xf32, #tpu.memory_space<vmem>>
    %dma_start3A_621 = arith.constant 0 : i32
    %dma_start3A_622 = arith.constant 0 : i32
    %dma_start3A_623 = tpu.memref_slice %arg4[%add3A_613, %dma_start3A_615, %dma_start3A_621, %dma_start3A_622] : memref<4096x8x8x256xf32, #tpu.memory_space<hbm>> -> memref<32x1x8x128xf32, #tpu.memory_space<hbm>>
    %dma_start3A_624 = tpu.memref_squeeze %dma_start3A_623 : memref<32x1x8x128xf32, #tpu.memory_space<hbm>> -> memref<32x8x128xf32, #tpu.memory_space<hbm>>
    %dma_start3A_625 = arith.constant 0 : i32
    %dma_start3A_626 = arith.constant 0 : i32
    %dma_start3A_627 = tpu.memref_slice %arg4[%add3A_613, %dma_start3A_615, %dma_start3A_625, %dma_start3A_626] : memref<4096x8x8x256xf32, #tpu.memory_space<hbm>> -> memref<32x1x8x128xf32, #tpu.memory_space<hbm>>
    %dma_start3A_628 = tpu.memref_squeeze %dma_start3A_627 : memref<32x1x8x128xf32, #tpu.memory_space<hbm>> -> memref<32x8x128xf32, #tpu.memory_space<hbm>>
    %dma_start3A_629 = arith.constant 0 : i32
    %dma_start3A_630 = arith.constant 0 : i32
    %dma_start3A_631 = arith.constant 0 : i32
    %dma_start3A_632 = tpu.memref_slice %arg5[%dma_start3A_614, %dma_start3A_629, %dma_start3A_630, %dma_start3A_631] : memref<3x32x8x128xf32, #tpu.memory_space<vmem>> -> memref<1x32x8x128xf32, #tpu.memory_space<vmem>>
    %dma_start3A_633 = tpu.memref_squeeze %dma_start3A_632 : memref<1x32x8x128xf32, #tpu.memory_space<vmem>> -> memref<32x8x128xf32, #tpu.memory_space<vmem>>
    tpu.enqueue_dma source(%dma_start3A_633 : memref<32x8x128xf32, #tpu.memory_space<vmem>>) target(%dma_start3A_628 : memref<32x8x128xf32, #tpu.memory_space<hbm>>) target_semaphore(%arg7 : memref<!tpu.dma_semaphore, #tpu.memory_space<semaphore_mem>>)
    %dma_start3A_634 = arith.constant 2 : i32
    %dma_start3A_635 = arith.constant 1 : i32
    %dma_start3A_636 = arith.constant 0 : i32
    %dma_start3A_637 = arith.constant 0 : i32
    %dma_start3A_638 = arith.constant 0 : i32
    %dma_start3A_639 = tpu.memref_slice %arg5[%dma_start3A_634, %dma_start3A_636, %dma_start3A_637, %dma_start3A_638] : memref<3x32x8x128xf32, #tpu.memory_space<vmem>> -> memref<1x32x8x128xf32, #tpu.memory_space<vmem>>
    %dma_start3A_640 = tpu.memref_squeeze %dma_start3A_639 : memref<1x32x8x128xf32, #tpu.memory_space<vmem>> -> memref<32x8x128xf32, #tpu.memory_space<vmem>>
    %dma_start3A_641 = arith.constant 0 : i32
    %dma_start3A_642 = arith.constant 0 : i32
    %dma_start3A_643 = tpu.memref_slice %arg4[%add3A_613, %dma_start3A_635, %dma_start3A_641, %dma_start3A_642] : memref<4096x8x8x256xf32, #tpu.memory_space<hbm>> -> memref<32x1x8x128xf32, #tpu.memory_space<hbm>>
    %dma_start3A_644 = tpu.memref_squeeze %dma_start3A_643 : memref<32x1x8x128xf32, #tpu.memory_space<hbm>> -> memref<32x8x128xf32, #tpu.memory_space<hbm>>
    %dma_start3A_645 = arith.constant 0 : i32
    %dma_start3A_646 = arith.constant 0 : i32
    %dma_start3A_647 = tpu.memref_slice %arg4[%add3A_613, %dma_start3A_635, %dma_start3A_645, %dma_start3A_646] : memref<4096x8x8x256xf32, #tpu.memory_space<hbm>> -> memref<32x1x8x128xf32, #tpu.memory_space<hbm>>
    %dma_start3A_648 = tpu.memref_squeeze %dma_start3A_647 : memref<32x1x8x128xf32, #tpu.memory_space<hbm>> -> memref<32x8x128xf32, #tpu.memory_space<hbm>>
    %dma_start3A_649 = arith.constant 0 : i32
    %dma_start3A_650 = arith.constant 0 : i32
    %dma_start3A_651 = arith.constant 0 : i32
    %dma_start3A_652 = tpu.memref_slice %arg5[%dma_start3A_634, %dma_start3A_649, %dma_start3A_650, %dma_start3A_651] : memref<3x32x8x128xf32, #tpu.memory_space<vmem>> -> memref<1x32x8x128xf32, #tpu.memory_space<vmem>>
    %dma_start3A_653 = tpu.memref_squeeze %dma_start3A_652 : memref<1x32x8x128xf32, #tpu.memory_space<vmem>> -> memref<32x8x128xf32, #tpu.memory_space<vmem>>
    tpu.enqueue_dma source(%dma_start3A_653 : memref<32x8x128xf32, #tpu.memory_space<vmem>>) target(%dma_start3A_648 : memref<32x8x128xf32, #tpu.memory_space<hbm>>) target_semaphore(%arg7 : memref<!tpu.dma_semaphore, #tpu.memory_space<semaphore_mem>>)
    %dma_start3A_654 = arith.constant 2 : i32
    %dma_start3A_655 = arith.constant 2 : i32
    %dma_start3A_656 = arith.constant 0 : i32
    %dma_start3A_657 = arith.constant 0 : i32
    %dma_start3A_658 = arith.constant 0 : i32
    %dma_start3A_659 = tpu.memref_slice %arg5[%dma_start3A_654, %dma_start3A_656, %dma_start3A_657, %dma_start3A_658] : memref<3x32x8x128xf32, #tpu.memory_space<vmem>> -> memref<1x32x8x128xf32, #tpu.memory_space<vmem>>
    %dma_start3A_660 = tpu.memref_squeeze %dma_start3A_659 : memref<1x32x8x128xf32, #tpu.memory_space<vmem>> -> memref<32x8x128xf32, #tpu.memory_space<vmem>>
    %dma_start3A_661 = arith.constant 0 : i32
    %dma_start3A_662 = arith.constant 0 : i32
    %dma_start3A_663 = tpu.memref_slice %arg4[%add3A_613, %dma_start3A_655, %dma_start3A_661, %dma_start3A_662] : memref<4096x8x8x256xf32, #tpu.memory_space<hbm>> -> memref<32x1x8x128xf32, #tpu.memory_space<hbm>>
    %dma_start3A_664 = tpu.memref_squeeze %dma_start3A_663 : memref<32x1x8x128xf32, #tpu.memory_space<hbm>> -> memref<32x8x128xf32, #tpu.memory_space<hbm>>
    %dma_start3A_665 = arith.constant 0 : i32
    %dma_start3A_666 = arith.constant 0 : i32
    %dma_start3A_667 = tpu.memref_slice %arg4[%add3A_613, %dma_start3A_655, %dma_start3A_665, %dma_start3A_666] : memref<4096x8x8x256xf32, #tpu.memory_space<hbm>> -> memref<32x1x8x128xf32, #tpu.memory_space<hbm>>
    %dma_start3A_668 = tpu.memref_squeeze %dma_start3A_667 : memref<32x1x8x128xf32, #tpu.memory_space<hbm>> -> memref<32x8x128xf32, #tpu.memory_space<hbm>>
    %dma_start3A_669 = arith.constant 0 : i32
    %dma_start3A_670 = arith.constant 0 : i32
    %dma_start3A_671 = arith.constant 0 : i32
    %dma_start3A_672 = tpu.memref_slice %arg5[%dma_start3A_654, %dma_start3A_669, %dma_start3A_670, %dma_start3A_671] : memref<3x32x8x128xf32, #tpu.memory_space<vmem>> -> memref<1x32x8x128xf32, #tpu.memory_space<vmem>>
    %dma_start3A_673 = tpu.memref_squeeze %dma_start3A_672 : memref<1x32x8x128xf32, #tpu.memory_space<vmem>> -> memref<32x8x128xf32, #tpu.memory_space<vmem>>
    tpu.enqueue_dma source(%dma_start3A_673 : memref<32x8x128xf32, #tpu.memory_space<vmem>>) target(%dma_start3A_668 : memref<32x8x128xf32, #tpu.memory_space<hbm>>) target_semaphore(%arg7 : memref<!tpu.dma_semaphore, #tpu.memory_space<semaphore_mem>>)
    %dma_start3A_674 = arith.constant 2 : i32
    %dma_start3A_675 = arith.constant 3 : i32
    %dma_start3A_676 = arith.constant 0 : i32
    %dma_start3A_677 = arith.constant 0 : i32
    %dma_start3A_678 = arith.constant 0 : i32
    %dma_start3A_679 = tpu.memref_slice %arg5[%dma_start3A_674, %dma_start3A_676, %dma_start3A_677, %dma_start3A_678] : memref<3x32x8x128xf32, #tpu.memory_space<vmem>> -> memref<1x32x8x128xf32, #tpu.memory_space<vmem>>
    %dma_start3A_680 = tpu.memref_squeeze %dma_start3A_679 : memref<1x32x8x128xf32, #tpu.memory_space<vmem>> -> memref<32x8x128xf32, #tpu.memory_space<vmem>>
    %dma_start3A_681 = arith.constant 0 : i32
    %dma_start3A_682 = arith.constant 0 : i32
    %dma_start3A_683 = tpu.memref_slice %arg4[%add3A_613, %dma_start3A_675, %dma_start3A_681, %dma_start3A_682] : memref<4096x8x8x256xf32, #tpu.memory_space<hbm>> -> memref<32x1x8x128xf32, #tpu.memory_space<hbm>>
    %dma_start3A_684 = tpu.memref_squeeze %dma_start3A_683 : memref<32x1x8x128xf32, #tpu.memory_space<hbm>> -> memref<32x8x128xf32, #tpu.memory_space<hbm>>
    %dma_start3A_685 = arith.constant 0 : i32
    %dma_start3A_686 = arith.constant 0 : i32
    %dma_start3A_687 = tpu.memref_slice %arg4[%add3A_613, %dma_start3A_675, %dma_start3A_685, %dma_start3A_686] : memref<4096x8x8x256xf32, #tpu.memory_space<hbm>> -> memref<32x1x8x128xf32, #tpu.memory_space<hbm>>
    %dma_start3A_688 = tpu.memref_squeeze %dma_start3A_687 : memref<32x1x8x128xf32, #tpu.memory_space<hbm>> -> memref<32x8x128xf32, #tpu.memory_space<hbm>>
    %dma_start3A_689 = arith.constant 0 : i32
    %dma_start3A_690 = arith.constant 0 : i32
    %dma_start3A_691 = arith.constant 0 : i32
    %dma_start3A_692 = tpu.memref_slice %arg5[%dma_start3A_674, %dma_start3A_689, %dma_start3A_690, %dma_start3A_691] : memref<3x32x8x128xf32, #tpu.memory_space<vmem>> -> memref<1x32x8x128xf32, #tpu.memory_space<vmem>>
    %dma_start3A_693 = tpu.memref_squeeze %dma_start3A_692 : memref<1x32x8x128xf32, #tpu.memory_space<vmem>> -> memref<32x8x128xf32, #tpu.memory_space<vmem>>
    tpu.enqueue_dma source(%dma_start3A_693 : memref<32x8x128xf32, #tpu.memory_space<vmem>>) target(%dma_start3A_688 : memref<32x8x128xf32, #tpu.memory_space<hbm>>) target_semaphore(%arg7 : memref<!tpu.dma_semaphore, #tpu.memory_space<semaphore_mem>>)
    %dma_start3A_694 = arith.constant 2 : i32
    %dma_start3A_695 = arith.constant 4 : i32
    %dma_start3A_696 = arith.constant 0 : i32
    %dma_start3A_697 = arith.constant 0 : i32
    %dma_start3A_698 = arith.constant 0 : i32
    %dma_start3A_699 = tpu.memref_slice %arg5[%dma_start3A_694, %dma_start3A_696, %dma_start3A_697, %dma_start3A_698] : memref<3x32x8x128xf32, #tpu.memory_space<vmem>> -> memref<1x32x8x128xf32, #tpu.memory_space<vmem>>
    %dma_start3A_700 = tpu.memref_squeeze %dma_start3A_699 : memref<1x32x8x128xf32, #tpu.memory_space<vmem>> -> memref<32x8x128xf32, #tpu.memory_space<vmem>>
    %dma_start3A_701 = arith.constant 0 : i32
    %dma_start3A_702 = arith.constant 0 : i32
    %dma_start3A_703 = tpu.memref_slice %arg4[%add3A_613, %dma_start3A_695, %dma_start3A_701, %dma_start3A_702] : memref<4096x8x8x256xf32, #tpu.memory_space<hbm>> -> memref<32x1x8x128xf32, #tpu.memory_space<hbm>>
    %dma_start3A_704 = tpu.memref_squeeze %dma_start3A_703 : memref<32x1x8x128xf32, #tpu.memory_space<hbm>> -> memref<32x8x128xf32, #tpu.memory_space<hbm>>
    %dma_start3A_705 = arith.constant 0 : i32
    %dma_start3A_706 = arith.constant 0 : i32
    %dma_start3A_707 = tpu.memref_slice %arg4[%add3A_613, %dma_start3A_695, %dma_start3A_705, %dma_start3A_706] : memref<4096x8x8x256xf32, #tpu.memory_space<hbm>> -> memref<32x1x8x128xf32, #tpu.memory_space<hbm>>
    %dma_start3A_708 = tpu.memref_squeeze %dma_start3A_707 : memref<32x1x8x128xf32, #tpu.memory_space<hbm>> -> memref<32x8x128xf32, #tpu.memory_space<hbm>>
    %dma_start3A_709 = arith.constant 0 : i32
    %dma_start3A_710 = arith.constant 0 : i32
    %dma_start3A_711 = arith.constant 0 : i32
    %dma_start3A_712 = tpu.memref_slice %arg5[%dma_start3A_694, %dma_start3A_709, %dma_start3A_710, %dma_start3A_711] : memref<3x32x8x128xf32, #tpu.memory_space<vmem>> -> memref<1x32x8x128xf32, #tpu.memory_space<vmem>>
    %dma_start3A_713 = tpu.memref_squeeze %dma_start3A_712 : memref<1x32x8x128xf32, #tpu.memory_space<vmem>> -> memref<32x8x128xf32, #tpu.memory_space<vmem>>
    tpu.enqueue_dma source(%dma_start3A_713 : memref<32x8x128xf32, #tpu.memory_space<vmem>>) target(%dma_start3A_708 : memref<32x8x128xf32, #tpu.memory_space<hbm>>) target_semaphore(%arg7 : memref<!tpu.dma_semaphore, #tpu.memory_space<semaphore_mem>>)
    %dma_start3A_714 = arith.constant 2 : i32
    %dma_start3A_715 = arith.constant 5 : i32
    %dma_start3A_716 = arith.constant 0 : i32
    %dma_start3A_717 = arith.constant 0 : i32
    %dma_start3A_718 = arith.constant 0 : i32
    %dma_start3A_719 = tpu.memref_slice %arg5[%dma_start3A_714, %dma_start3A_716, %dma_start3A_717, %dma_start3A_718] : memref<3x32x8x128xf32, #tpu.memory_space<vmem>> -> memref<1x32x8x128xf32, #tpu.memory_space<vmem>>
    %dma_start3A_720 = tpu.memref_squeeze %dma_start3A_719 : memref<1x32x8x128xf32, #tpu.memory_space<vmem>> -> memref<32x8x128xf32, #tpu.memory_space<vmem>>
    %dma_start3A_721 = arith.constant 0 : i32
    %dma_start3A_722 = arith.constant 0 : i32
    %dma_start3A_723 = tpu.memref_slice %arg4[%add3A_613, %dma_start3A_715, %dma_start3A_721, %dma_start3A_722] : memref<4096x8x8x256xf32, #tpu.memory_space<hbm>> -> memref<32x1x8x128xf32, #tpu.memory_space<hbm>>
    %dma_start3A_724 = tpu.memref_squeeze %dma_start3A_723 : memref<32x1x8x128xf32, #tpu.memory_space<hbm>> -> memref<32x8x128xf32, #tpu.memory_space<hbm>>
    %dma_start3A_725 = arith.constant 0 : i32
    %dma_start3A_726 = arith.constant 0 : i32
    %dma_start3A_727 = tpu.memref_slice %arg4[%add3A_613, %dma_start3A_715, %dma_start3A_725, %dma_start3A_726] : memref<4096x8x8x256xf32, #tpu.memory_space<hbm>> -> memref<32x1x8x128xf32, #tpu.memory_space<hbm>>
    %dma_start3A_728 = tpu.memref_squeeze %dma_start3A_727 : memref<32x1x8x128xf32, #tpu.memory_space<hbm>> -> memref<32x8x128xf32, #tpu.memory_space<hbm>>
    %dma_start3A_729 = arith.constant 0 : i32
    %dma_start3A_730 = arith.constant 0 : i32
    %dma_start3A_731 = arith.constant 0 : i32
    %dma_start3A_732 = tpu.memref_slice %arg5[%dma_start3A_714, %dma_start3A_729, %dma_start3A_730, %dma_start3A_731] : memref<3x32x8x128xf32, #tpu.memory_space<vmem>> -> memref<1x32x8x128xf32, #tpu.memory_space<vmem>>
    %dma_start3A_733 = tpu.memref_squeeze %dma_start3A_732 : memref<1x32x8x128xf32, #tpu.memory_space<vmem>> -> memref<32x8x128xf32, #tpu.memory_space<vmem>>
    tpu.enqueue_dma source(%dma_start3A_733 : memref<32x8x128xf32, #tpu.memory_space<vmem>>) target(%dma_start3A_728 : memref<32x8x128xf32, #tpu.memory_space<hbm>>) target_semaphore(%arg7 : memref<!tpu.dma_semaphore, #tpu.memory_space<semaphore_mem>>)
    %dma_start3A_734 = arith.constant 2 : i32
    %dma_start3A_735 = arith.constant 6 : i32
    %dma_start3A_736 = arith.constant 0 : i32
    %dma_start3A_737 = arith.constant 0 : i32
    %dma_start3A_738 = arith.constant 0 : i32
    %dma_start3A_739 = tpu.memref_slice %arg5[%dma_start3A_734, %dma_start3A_736, %dma_start3A_737, %dma_start3A_738] : memref<3x32x8x128xf32, #tpu.memory_space<vmem>> -> memref<1x32x8x128xf32, #tpu.memory_space<vmem>>
    %dma_start3A_740 = tpu.memref_squeeze %dma_start3A_739 : memref<1x32x8x128xf32, #tpu.memory_space<vmem>> -> memref<32x8x128xf32, #tpu.memory_space<vmem>>
    %dma_start3A_741 = arith.constant 0 : i32
    %dma_start3A_742 = arith.constant 0 : i32
    %dma_start3A_743 = tpu.memref_slice %arg4[%add3A_613, %dma_start3A_735, %dma_start3A_741, %dma_start3A_742] : memref<4096x8x8x256xf32, #tpu.memory_space<hbm>> -> memref<32x1x8x128xf32, #tpu.memory_space<hbm>>
    %dma_start3A_744 = tpu.memref_squeeze %dma_start3A_743 : memref<32x1x8x128xf32, #tpu.memory_space<hbm>> -> memref<32x8x128xf32, #tpu.memory_space<hbm>>
    %dma_start3A_745 = arith.constant 0 : i32
    %dma_start3A_746 = arith.constant 0 : i32
    %dma_start3A_747 = tpu.memref_slice %arg4[%add3A_613, %dma_start3A_735, %dma_start3A_745, %dma_start3A_746] : memref<4096x8x8x256xf32, #tpu.memory_space<hbm>> -> memref<32x1x8x128xf32, #tpu.memory_space<hbm>>
    %dma_start3A_748 = tpu.memref_squeeze %dma_start3A_747 : memref<32x1x8x128xf32, #tpu.memory_space<hbm>> -> memref<32x8x128xf32, #tpu.memory_space<hbm>>
    %dma_start3A_749 = arith.constant 0 : i32
    %dma_start3A_750 = arith.constant 0 : i32
    %dma_start3A_751 = arith.constant 0 : i32
    %dma_start3A_752 = tpu.memref_slice %arg5[%dma_start3A_734, %dma_start3A_749, %dma_start3A_750, %dma_start3A_751] : memref<3x32x8x128xf32, #tpu.memory_space<vmem>> -> memref<1x32x8x128xf32, #tpu.memory_space<vmem>>
    %dma_start3A_753 = tpu.memref_squeeze %dma_start3A_752 : memref<1x32x8x128xf32, #tpu.memory_space<vmem>> -> memref<32x8x128xf32, #tpu.memory_space<vmem>>
    tpu.enqueue_dma source(%dma_start3A_753 : memref<32x8x128xf32, #tpu.memory_space<vmem>>) target(%dma_start3A_748 : memref<32x8x128xf32, #tpu.memory_space<hbm>>) target_semaphore(%arg7 : memref<!tpu.dma_semaphore, #tpu.memory_space<semaphore_mem>>)
    %dma_start3A_754 = arith.constant 2 : i32
    %dma_start3A_755 = arith.constant 7 : i32
    %dma_start3A_756 = arith.constant 0 : i32
    %dma_start3A_757 = arith.constant 0 : i32
    %dma_start3A_758 = arith.constant 0 : i32
    %dma_start3A_759 = tpu.memref_slice %arg5[%dma_start3A_754, %dma_start3A_756, %dma_start3A_757, %dma_start3A_758] : memref<3x32x8x128xf32, #tpu.memory_space<vmem>> -> memref<1x32x8x128xf32, #tpu.memory_space<vmem>>
    %dma_start3A_760 = tpu.memref_squeeze %dma_start3A_759 : memref<1x32x8x128xf32, #tpu.memory_space<vmem>> -> memref<32x8x128xf32, #tpu.memory_space<vmem>>
    %dma_start3A_761 = arith.constant 0 : i32
    %dma_start3A_762 = arith.constant 0 : i32
    %dma_start3A_763 = tpu.memref_slice %arg4[%add3A_613, %dma_start3A_755, %dma_start3A_761, %dma_start3A_762] : memref<4096x8x8x256xf32, #tpu.memory_space<hbm>> -> memref<32x1x8x128xf32, #tpu.memory_space<hbm>>
    %dma_start3A_764 = tpu.memref_squeeze %dma_start3A_763 : memref<32x1x8x128xf32, #tpu.memory_space<hbm>> -> memref<32x8x128xf32, #tpu.memory_space<hbm>>
    %dma_start3A_765 = arith.constant 0 : i32
    %dma_start3A_766 = arith.constant 0 : i32
    %dma_start3A_767 = tpu.memref_slice %arg4[%add3A_613, %dma_start3A_755, %dma_start3A_765, %dma_start3A_766] : memref<4096x8x8x256xf32, #tpu.memory_space<hbm>> -> memref<32x1x8x128xf32, #tpu.memory_space<hbm>>
    %dma_start3A_768 = tpu.memref_squeeze %dma_start3A_767 : memref<32x1x8x128xf32, #tpu.memory_space<hbm>> -> memref<32x8x128xf32, #tpu.memory_space<hbm>>
    %dma_start3A_769 = arith.constant 0 : i32
    %dma_start3A_770 = arith.constant 0 : i32
    %dma_start3A_771 = arith.constant 0 : i32
    %dma_start3A_772 = tpu.memref_slice %arg5[%dma_start3A_754, %dma_start3A_769, %dma_start3A_770, %dma_start3A_771] : memref<3x32x8x128xf32, #tpu.memory_space<vmem>> -> memref<1x32x8x128xf32, #tpu.memory_space<vmem>>
    %dma_start3A_773 = tpu.memref_squeeze %dma_start3A_772 : memref<1x32x8x128xf32, #tpu.memory_space<vmem>> -> memref<32x8x128xf32, #tpu.memory_space<vmem>>
    tpu.enqueue_dma source(%dma_start3A_773 : memref<32x8x128xf32, #tpu.memory_space<vmem>>) target(%dma_start3A_768 : memref<32x8x128xf32, #tpu.memory_space<hbm>>) target_semaphore(%arg7 : memref<!tpu.dma_semaphore, #tpu.memory_space<semaphore_mem>>)
    %dma_wait3A_774 = arith.constant 1 : i32
    %dma_wait3A_775 = arith.constant 0 : i32
    %dma_wait3A_776 = arith.constant 0 : i32
    %dma_wait3A_777 = arith.constant 0 : i32
    %dma_wait3A_778 = arith.constant 0 : i32
    %dma_wait3A_779 = tpu.memref_slice %arg5[%dma_wait3A_774, %dma_wait3A_776, %dma_wait3A_777, %dma_wait3A_778] : memref<3x32x8x128xf32, #tpu.memory_space<vmem>> -> memref<1x32x8x128xf32, #tpu.memory_space<vmem>>
    %dma_wait3A_780 = tpu.memref_squeeze %dma_wait3A_779 : memref<1x32x8x128xf32, #tpu.memory_space<vmem>> -> memref<32x8x128xf32, #tpu.memory_space<vmem>>
    %dma_wait3A_781 = arith.constant 0 : i32
    %dma_wait3A_782 = arith.constant 0 : i32
    %dma_wait3A_783 = tpu.memref_slice %arg4[%add3A_255, %dma_wait3A_775, %dma_wait3A_781, %dma_wait3A_782] : memref<4096x8x8x256xf32, #tpu.memory_space<hbm>> -> memref<32x1x8x128xf32, #tpu.memory_space<hbm>>
    %dma_wait3A_784 = tpu.memref_squeeze %dma_wait3A_783 : memref<32x1x8x128xf32, #tpu.memory_space<hbm>> -> memref<32x8x128xf32, #tpu.memory_space<hbm>>
    %dma_wait3A_785 = arith.constant 0 : i32
    %dma_wait3A_786 = arith.constant 0 : i32
    %dma_wait3A_787 = tpu.memref_slice %arg4[%add3A_255, %dma_wait3A_775, %dma_wait3A_785, %dma_wait3A_786] : memref<4096x8x8x256xf32, #tpu.memory_space<hbm>> -> memref<32x1x8x128xf32, #tpu.memory_space<hbm>>
    %dma_wait3A_788 = tpu.memref_squeeze %dma_wait3A_787 : memref<32x1x8x128xf32, #tpu.memory_space<hbm>> -> memref<32x8x128xf32, #tpu.memory_space<hbm>>
    %dma_wait3A_789 = arith.constant 0 : i32
    %dma_wait3A_790 = arith.constant 0 : i32
    %dma_wait3A_791 = arith.constant 0 : i32
    %dma_wait3A_792 = tpu.memref_slice %arg5[%dma_wait3A_774, %dma_wait3A_789, %dma_wait3A_790, %dma_wait3A_791] : memref<3x32x8x128xf32, #tpu.memory_space<vmem>> -> memref<1x32x8x128xf32, #tpu.memory_space<vmem>>
    %dma_wait3A_793 = tpu.memref_squeeze %dma_wait3A_792 : memref<1x32x8x128xf32, #tpu.memory_space<vmem>> -> memref<32x8x128xf32, #tpu.memory_space<vmem>>
    tpu.wait_dma2 semaphore(%arg7 : memref<!tpu.dma_semaphore, #tpu.memory_space<semaphore_mem>>) src(%dma_wait3A_793 : memref<32x8x128xf32, #tpu.memory_space<vmem>>) dst(%dma_wait3A_788 : memref<32x8x128xf32, #tpu.memory_space<hbm>>)
    %dma_wait3A_794 = arith.constant 1 : i32
    %dma_wait3A_795 = arith.constant 1 : i32
    %dma_wait3A_796 = arith.constant 0 : i32
    %dma_wait3A_797 = arith.constant 0 : i32
    %dma_wait3A_798 = arith.constant 0 : i32
    %dma_wait3A_799 = tpu.memref_slice %arg5[%dma_wait3A_794, %dma_wait3A_796, %dma_wait3A_797, %dma_wait3A_798] : memref<3x32x8x128xf32, #tpu.memory_space<vmem>> -> memref<1x32x8x128xf32, #tpu.memory_space<vmem>>
    %dma_wait3A_800 = tpu.memref_squeeze %dma_wait3A_799 : memref<1x32x8x128xf32, #tpu.memory_space<vmem>> -> memref<32x8x128xf32, #tpu.memory_space<vmem>>
    %dma_wait3A_801 = arith.constant 0 : i32
    %dma_wait3A_802 = arith.constant 0 : i32
    %dma_wait3A_803 = tpu.memref_slice %arg4[%add3A_255, %dma_wait3A_795, %dma_wait3A_801, %dma_wait3A_802] : memref<4096x8x8x256xf32, #tpu.memory_space<hbm>> -> memref<32x1x8x128xf32, #tpu.memory_space<hbm>>
    %dma_wait3A_804 = tpu.memref_squeeze %dma_wait3A_803 : memref<32x1x8x128xf32, #tpu.memory_space<hbm>> -> memref<32x8x128xf32, #tpu.memory_space<hbm>>
    %dma_wait3A_805 = arith.constant 0 : i32
    %dma_wait3A_806 = arith.constant 0 : i32
    %dma_wait3A_807 = tpu.memref_slice %arg4[%add3A_255, %dma_wait3A_795, %dma_wait3A_805, %dma_wait3A_806] : memref<4096x8x8x256xf32, #tpu.memory_space<hbm>> -> memref<32x1x8x128xf32, #tpu.memory_space<hbm>>
    %dma_wait3A_808 = tpu.memref_squeeze %dma_wait3A_807 : memref<32x1x8x128xf32, #tpu.memory_space<hbm>> -> memref<32x8x128xf32, #tpu.memory_space<hbm>>
    %dma_wait3A_809 = arith.constant 0 : i32
    %dma_wait3A_810 = arith.constant 0 : i32
    %dma_wait3A_811 = arith.constant 0 : i32
    %dma_wait3A_812 = tpu.memref_slice %arg5[%dma_wait3A_794, %dma_wait3A_809, %dma_wait3A_810, %dma_wait3A_811] : memref<3x32x8x128xf32, #tpu.memory_space<vmem>> -> memref<1x32x8x128xf32, #tpu.memory_space<vmem>>
    %dma_wait3A_813 = tpu.memref_squeeze %dma_wait3A_812 : memref<1x32x8x128xf32, #tpu.memory_space<vmem>> -> memref<32x8x128xf32, #tpu.memory_space<vmem>>
    tpu.wait_dma2 semaphore(%arg7 : memref<!tpu.dma_semaphore, #tpu.memory_space<semaphore_mem>>) src(%dma_wait3A_813 : memref<32x8x128xf32, #tpu.memory_space<vmem>>) dst(%dma_wait3A_808 : memref<32x8x128xf32, #tpu.memory_space<hbm>>)
    %dma_wait3A_814 = arith.constant 1 : i32
    %dma_wait3A_815 = arith.constant 2 : i32
    %dma_wait3A_816 = arith.constant 0 : i32
    %dma_wait3A_817 = arith.constant 0 : i32
    %dma_wait3A_818 = arith.constant 0 : i32
    %dma_wait3A_819 = tpu.memref_slice %arg5[%dma_wait3A_814, %dma_wait3A_816, %dma_wait3A_817, %dma_wait3A_818] : memref<3x32x8x128xf32, #tpu.memory_space<vmem>> -> memref<1x32x8x128xf32, #tpu.memory_space<vmem>>
    %dma_wait3A_820 = tpu.memref_squeeze %dma_wait3A_819 : memref<1x32x8x128xf32, #tpu.memory_space<vmem>> -> memref<32x8x128xf32, #tpu.memory_space<vmem>>
    %dma_wait3A_821 = arith.constant 0 : i32
    %dma_wait3A_822 = arith.constant 0 : i32
    %dma_wait3A_823 = tpu.memref_slice %arg4[%add3A_255, %dma_wait3A_815, %dma_wait3A_821, %dma_wait3A_822] : memref<4096x8x8x256xf32, #tpu.memory_space<hbm>> -> memref<32x1x8x128xf32, #tpu.memory_space<hbm>>
    %dma_wait3A_824 = tpu.memref_squeeze %dma_wait3A_823 : memref<32x1x8x128xf32, #tpu.memory_space<hbm>> -> memref<32x8x128xf32, #tpu.memory_space<hbm>>
    %dma_wait3A_825 = arith.constant 0 : i32
    %dma_wait3A_826 = arith.constant 0 : i32
    %dma_wait3A_827 = tpu.memref_slice %arg4[%add3A_255, %dma_wait3A_815, %dma_wait3A_825, %dma_wait3A_826] : memref<4096x8x8x256xf32, #tpu.memory_space<hbm>> -> memref<32x1x8x128xf32, #tpu.memory_space<hbm>>
    %dma_wait3A_828 = tpu.memref_squeeze %dma_wait3A_827 : memref<32x1x8x128xf32, #tpu.memory_space<hbm>> -> memref<32x8x128xf32, #tpu.memory_space<hbm>>
    %dma_wait3A_829 = arith.constant 0 : i32
    %dma_wait3A_830 = arith.constant 0 : i32
    %dma_wait3A_831 = arith.constant 0 : i32
    %dma_wait3A_832 = tpu.memref_slice %arg5[%dma_wait3A_814, %dma_wait3A_829, %dma_wait3A_830, %dma_wait3A_831] : memref<3x32x8x128xf32, #tpu.memory_space<vmem>> -> memref<1x32x8x128xf32, #tpu.memory_space<vmem>>
    %dma_wait3A_833 = tpu.memref_squeeze %dma_wait3A_832 : memref<1x32x8x128xf32, #tpu.memory_space<vmem>> -> memref<32x8x128xf32, #tpu.memory_space<vmem>>
    tpu.wait_dma2 semaphore(%arg7 : memref<!tpu.dma_semaphore, #tpu.memory_space<semaphore_mem>>) src(%dma_wait3A_833 : memref<32x8x128xf32, #tpu.memory_space<vmem>>) dst(%dma_wait3A_828 : memref<32x8x128xf32, #tpu.memory_space<hbm>>)
    %dma_wait3A_834 = arith.constant 1 : i32
    %dma_wait3A_835 = arith.constant 3 : i32
    %dma_wait3A_836 = arith.constant 0 : i32
    %dma_wait3A_837 = arith.constant 0 : i32
    %dma_wait3A_838 = arith.constant 0 : i32
    %dma_wait3A_839 = tpu.memref_slice %arg5[%dma_wait3A_834, %dma_wait3A_836, %dma_wait3A_837, %dma_wait3A_838] : memref<3x32x8x128xf32, #tpu.memory_space<vmem>> -> memref<1x32x8x128xf32, #tpu.memory_space<vmem>>
    %dma_wait3A_840 = tpu.memref_squeeze %dma_wait3A_839 : memref<1x32x8x128xf32, #tpu.memory_space<vmem>> -> memref<32x8x128xf32, #tpu.memory_space<vmem>>
    %dma_wait3A_841 = arith.constant 0 : i32
    %dma_wait3A_842 = arith.constant 0 : i32
    %dma_wait3A_843 = tpu.memref_slice %arg4[%add3A_255, %dma_wait3A_835, %dma_wait3A_841, %dma_wait3A_842] : memref<4096x8x8x256xf32, #tpu.memory_space<hbm>> -> memref<32x1x8x128xf32, #tpu.memory_space<hbm>>
    %dma_wait3A_844 = tpu.memref_squeeze %dma_wait3A_843 : memref<32x1x8x128xf32, #tpu.memory_space<hbm>> -> memref<32x8x128xf32, #tpu.memory_space<hbm>>
    %dma_wait3A_845 = arith.constant 0 : i32
    %dma_wait3A_846 = arith.constant 0 : i32
    %dma_wait3A_847 = tpu.memref_slice %arg4[%add3A_255, %dma_wait3A_835, %dma_wait3A_845, %dma_wait3A_846] : memref<4096x8x8x256xf32, #tpu.memory_space<hbm>> -> memref<32x1x8x128xf32, #tpu.memory_space<hbm>>
    %dma_wait3A_848 = tpu.memref_squeeze %dma_wait3A_847 : memref<32x1x8x128xf32, #tpu.memory_space<hbm>> -> memref<32x8x128xf32, #tpu.memory_space<hbm>>
    %dma_wait3A_849 = arith.constant 0 : i32
    %dma_wait3A_850 = arith.constant 0 : i32
    %dma_wait3A_851 = arith.constant 0 : i32
    %dma_wait3A_852 = tpu.memref_slice %arg5[%dma_wait3A_834, %dma_wait3A_849, %dma_wait3A_850, %dma_wait3A_851] : memref<3x32x8x128xf32, #tpu.memory_space<vmem>> -> memref<1x32x8x128xf32, #tpu.memory_space<vmem>>
    %dma_wait3A_853 = tpu.memref_squeeze %dma_wait3A_852 : memref<1x32x8x128xf32, #tpu.memory_space<vmem>> -> memref<32x8x128xf32, #tpu.memory_space<vmem>>
    tpu.wait_dma2 semaphore(%arg7 : memref<!tpu.dma_semaphore, #tpu.memory_space<semaphore_mem>>) src(%dma_wait3A_853 : memref<32x8x128xf32, #tpu.memory_space<vmem>>) dst(%dma_wait3A_848 : memref<32x8x128xf32, #tpu.memory_space<hbm>>)
    %dma_wait3A_854 = arith.constant 1 : i32
    %dma_wait3A_855 = arith.constant 4 : i32
    %dma_wait3A_856 = arith.constant 0 : i32
    %dma_wait3A_857 = arith.constant 0 : i32
    %dma_wait3A_858 = arith.constant 0 : i32
    %dma_wait3A_859 = tpu.memref_slice %arg5[%dma_wait3A_854, %dma_wait3A_856, %dma_wait3A_857, %dma_wait3A_858] : memref<3x32x8x128xf32, #tpu.memory_space<vmem>> -> memref<1x32x8x128xf32, #tpu.memory_space<vmem>>
    %dma_wait3A_860 = tpu.memref_squeeze %dma_wait3A_859 : memref<1x32x8x128xf32, #tpu.memory_space<vmem>> -> memref<32x8x128xf32, #tpu.memory_space<vmem>>
    %dma_wait3A_861 = arith.constant 0 : i32
    %dma_wait3A_862 = arith.constant 0 : i32
    %dma_wait3A_863 = tpu.memref_slice %arg4[%add3A_255, %dma_wait3A_855, %dma_wait3A_861, %dma_wait3A_862] : memref<4096x8x8x256xf32, #tpu.memory_space<hbm>> -> memref<32x1x8x128xf32, #tpu.memory_space<hbm>>
    %dma_wait3A_864 = tpu.memref_squeeze %dma_wait3A_863 : memref<32x1x8x128xf32, #tpu.memory_space<hbm>> -> memref<32x8x128xf32, #tpu.memory_space<hbm>>
    %dma_wait3A_865 = arith.constant 0 : i32
    %dma_wait3A_866 = arith.constant 0 : i32
    %dma_wait3A_867 = tpu.memref_slice %arg4[%add3A_255, %dma_wait3A_855, %dma_wait3A_865, %dma_wait3A_866] : memref<4096x8x8x256xf32, #tpu.memory_space<hbm>> -> memref<32x1x8x128xf32, #tpu.memory_space<hbm>>
    %dma_wait3A_868 = tpu.memref_squeeze %dma_wait3A_867 : memref<32x1x8x128xf32, #tpu.memory_space<hbm>> -> memref<32x8x128xf32, #tpu.memory_space<hbm>>
    %dma_wait3A_869 = arith.constant 0 : i32
    %dma_wait3A_870 = arith.constant 0 : i32
    %dma_wait3A_871 = arith.constant 0 : i32
    %dma_wait3A_872 = tpu.memref_slice %arg5[%dma_wait3A_854, %dma_wait3A_869, %dma_wait3A_870, %dma_wait3A_871] : memref<3x32x8x128xf32, #tpu.memory_space<vmem>> -> memref<1x32x8x128xf32, #tpu.memory_space<vmem>>
    %dma_wait3A_873 = tpu.memref_squeeze %dma_wait3A_872 : memref<1x32x8x128xf32, #tpu.memory_space<vmem>> -> memref<32x8x128xf32, #tpu.memory_space<vmem>>
    tpu.wait_dma2 semaphore(%arg7 : memref<!tpu.dma_semaphore, #tpu.memory_space<semaphore_mem>>) src(%dma_wait3A_873 : memref<32x8x128xf32, #tpu.memory_space<vmem>>) dst(%dma_wait3A_868 : memref<32x8x128xf32, #tpu.memory_space<hbm>>)
    %dma_wait3A_874 = arith.constant 1 : i32
    %dma_wait3A_875 = arith.constant 5 : i32
    %dma_wait3A_876 = arith.constant 0 : i32
    %dma_wait3A_877 = arith.constant 0 : i32
    %dma_wait3A_878 = arith.constant 0 : i32
    %dma_wait3A_879 = tpu.memref_slice %arg5[%dma_wait3A_874, %dma_wait3A_876, %dma_wait3A_877, %dma_wait3A_878] : memref<3x32x8x128xf32, #tpu.memory_space<vmem>> -> memref<1x32x8x128xf32, #tpu.memory_space<vmem>>
    %dma_wait3A_880 = tpu.memref_squeeze %dma_wait3A_879 : memref<1x32x8x128xf32, #tpu.memory_space<vmem>> -> memref<32x8x128xf32, #tpu.memory_space<vmem>>
    %dma_wait3A_881 = arith.constant 0 : i32
    %dma_wait3A_882 = arith.constant 0 : i32
    %dma_wait3A_883 = tpu.memref_slice %arg4[%add3A_255, %dma_wait3A_875, %dma_wait3A_881, %dma_wait3A_882] : memref<4096x8x8x256xf32, #tpu.memory_space<hbm>> -> memref<32x1x8x128xf32, #tpu.memory_space<hbm>>
    %dma_wait3A_884 = tpu.memref_squeeze %dma_wait3A_883 : memref<32x1x8x128xf32, #tpu.memory_space<hbm>> -> memref<32x8x128xf32, #tpu.memory_space<hbm>>
    %dma_wait3A_885 = arith.constant 0 : i32
    %dma_wait3A_886 = arith.constant 0 : i32
    %dma_wait3A_887 = tpu.memref_slice %arg4[%add3A_255, %dma_wait3A_875, %dma_wait3A_885, %dma_wait3A_886] : memref<4096x8x8x256xf32, #tpu.memory_space<hbm>> -> memref<32x1x8x128xf32, #tpu.memory_space<hbm>>
    %dma_wait3A_888 = tpu.memref_squeeze %dma_wait3A_887 : memref<32x1x8x128xf32, #tpu.memory_space<hbm>> -> memref<32x8x128xf32, #tpu.memory_space<hbm>>
    %dma_wait3A_889 = arith.constant 0 : i32
    %dma_wait3A_890 = arith.constant 0 : i32
    %dma_wait3A_891 = arith.constant 0 : i32
    %dma_wait3A_892 = tpu.memref_slice %arg5[%dma_wait3A_874, %dma_wait3A_889, %dma_wait3A_890, %dma_wait3A_891] : memref<3x32x8x128xf32, #tpu.memory_space<vmem>> -> memref<1x32x8x128xf32, #tpu.memory_space<vmem>>
    %dma_wait3A_893 = tpu.memref_squeeze %dma_wait3A_892 : memref<1x32x8x128xf32, #tpu.memory_space<vmem>> -> memref<32x8x128xf32, #tpu.memory_space<vmem>>
    tpu.wait_dma2 semaphore(%arg7 : memref<!tpu.dma_semaphore, #tpu.memory_space<semaphore_mem>>) src(%dma_wait3A_893 : memref<32x8x128xf32, #tpu.memory_space<vmem>>) dst(%dma_wait3A_888 : memref<32x8x128xf32, #tpu.memory_space<hbm>>)
    %dma_wait3A_894 = arith.constant 1 : i32
    %dma_wait3A_895 = arith.constant 6 : i32
    %dma_wait3A_896 = arith.constant 0 : i32
    %dma_wait3A_897 = arith.constant 0 : i32
    %dma_wait3A_898 = arith.constant 0 : i32
    %dma_wait3A_899 = tpu.memref_slice %arg5[%dma_wait3A_894, %dma_wait3A_896, %dma_wait3A_897, %dma_wait3A_898] : memref<3x32x8x128xf32, #tpu.memory_space<vmem>> -> memref<1x32x8x128xf32, #tpu.memory_space<vmem>>
    %dma_wait3A_900 = tpu.memref_squeeze %dma_wait3A_899 : memref<1x32x8x128xf32, #tpu.memory_space<vmem>> -> memref<32x8x128xf32, #tpu.memory_space<vmem>>
    %dma_wait3A_901 = arith.constant 0 : i32
    %dma_wait3A_902 = arith.constant 0 : i32
    %dma_wait3A_903 = tpu.memref_slice %arg4[%add3A_255, %dma_wait3A_895, %dma_wait3A_901, %dma_wait3A_902] : memref<4096x8x8x256xf32, #tpu.memory_space<hbm>> -> memref<32x1x8x128xf32, #tpu.memory_space<hbm>>
    %dma_wait3A_904 = tpu.memref_squeeze %dma_wait3A_903 : memref<32x1x8x128xf32, #tpu.memory_space<hbm>> -> memref<32x8x128xf32, #tpu.memory_space<hbm>>
    %dma_wait3A_905 = arith.constant 0 : i32
    %dma_wait3A_906 = arith.constant 0 : i32
    %dma_wait3A_907 = tpu.memref_slice %arg4[%add3A_255, %dma_wait3A_895, %dma_wait3A_905, %dma_wait3A_906] : memref<4096x8x8x256xf32, #tpu.memory_space<hbm>> -> memref<32x1x8x128xf32, #tpu.memory_space<hbm>>
    %dma_wait3A_908 = tpu.memref_squeeze %dma_wait3A_907 : memref<32x1x8x128xf32, #tpu.memory_space<hbm>> -> memref<32x8x128xf32, #tpu.memory_space<hbm>>
    %dma_wait3A_909 = arith.constant 0 : i32
    %dma_wait3A_910 = arith.constant 0 : i32
    %dma_wait3A_911 = arith.constant 0 : i32
    %dma_wait3A_912 = tpu.memref_slice %arg5[%dma_wait3A_894, %dma_wait3A_909, %dma_wait3A_910, %dma_wait3A_911] : memref<3x32x8x128xf32, #tpu.memory_space<vmem>> -> memref<1x32x8x128xf32, #tpu.memory_space<vmem>>
    %dma_wait3A_913 = tpu.memref_squeeze %dma_wait3A_912 : memref<1x32x8x128xf32, #tpu.memory_space<vmem>> -> memref<32x8x128xf32, #tpu.memory_space<vmem>>
    tpu.wait_dma2 semaphore(%arg7 : memref<!tpu.dma_semaphore, #tpu.memory_space<semaphore_mem>>) src(%dma_wait3A_913 : memref<32x8x128xf32, #tpu.memory_space<vmem>>) dst(%dma_wait3A_908 : memref<32x8x128xf32, #tpu.memory_space<hbm>>)
    %dma_wait3A_914 = arith.constant 1 : i32
    %dma_wait3A_915 = arith.constant 7 : i32
    %dma_wait3A_916 = arith.constant 0 : i32
    %dma_wait3A_917 = arith.constant 0 : i32
    %dma_wait3A_918 = arith.constant 0 : i32
    %dma_wait3A_919 = tpu.memref_slice %arg5[%dma_wait3A_914, %dma_wait3A_916, %dma_wait3A_917, %dma_wait3A_918] : memref<3x32x8x128xf32, #tpu.memory_space<vmem>> -> memref<1x32x8x128xf32, #tpu.memory_space<vmem>>
    %dma_wait3A_920 = tpu.memref_squeeze %dma_wait3A_919 : memref<1x32x8x128xf32, #tpu.memory_space<vmem>> -> memref<32x8x128xf32, #tpu.memory_space<vmem>>
    %dma_wait3A_921 = arith.constant 0 : i32
    %dma_wait3A_922 = arith.constant 0 : i32
    %dma_wait3A_923 = tpu.memref_slice %arg4[%add3A_255, %dma_wait3A_915, %dma_wait3A_921, %dma_wait3A_922] : memref<4096x8x8x256xf32, #tpu.memory_space<hbm>> -> memref<32x1x8x128xf32, #tpu.memory_space<hbm>>
    %dma_wait3A_924 = tpu.memref_squeeze %dma_wait3A_923 : memref<32x1x8x128xf32, #tpu.memory_space<hbm>> -> memref<32x8x128xf32, #tpu.memory_space<hbm>>
    %dma_wait3A_925 = arith.constant 0 : i32
    %dma_wait3A_926 = arith.constant 0 : i32
    %dma_wait3A_927 = tpu.memref_slice %arg4[%add3A_255, %dma_wait3A_915, %dma_wait3A_925, %dma_wait3A_926] : memref<4096x8x8x256xf32, #tpu.memory_space<hbm>> -> memref<32x1x8x128xf32, #tpu.memory_space<hbm>>
    %dma_wait3A_928 = tpu.memref_squeeze %dma_wait3A_927 : memref<32x1x8x128xf32, #tpu.memory_space<hbm>> -> memref<32x8x128xf32, #tpu.memory_space<hbm>>
    %dma_wait3A_929 = arith.constant 0 : i32
    %dma_wait3A_930 = arith.constant 0 : i32
    %dma_wait3A_931 = arith.constant 0 : i32
    %dma_wait3A_932 = tpu.memref_slice %arg5[%dma_wait3A_914, %dma_wait3A_929, %dma_wait3A_930, %dma_wait3A_931] : memref<3x32x8x128xf32, #tpu.memory_space<vmem>> -> memref<1x32x8x128xf32, #tpu.memory_space<vmem>>
    %dma_wait3A_933 = tpu.memref_squeeze %dma_wait3A_932 : memref<1x32x8x128xf32, #tpu.memory_space<vmem>> -> memref<32x8x128xf32, #tpu.memory_space<vmem>>
    tpu.wait_dma2 semaphore(%arg7 : memref<!tpu.dma_semaphore, #tpu.memory_space<semaphore_mem>>) src(%dma_wait3A_933 : memref<32x8x128xf32, #tpu.memory_space<vmem>>) dst(%dma_wait3A_928 : memref<32x8x128xf32, #tpu.memory_space<hbm>>)
    %add3A_934 = arith.constant 0 : i32
    %add3A_935 = arith.addi %mul3A_2, %add3A_934 : i32
    %dma_start3A_936 = arith.constant 1 : i32
    %dma_start3A_937 = arith.constant 0 : i32
    %dma_start3A_938 = arith.constant 0 : i32
    %dma_start3A_939 = arith.constant 0 : i32
    %dma_start3A_940 = tpu.memref_slice %arg5[%dma_start3A_936, %dma_start3A_937, %dma_start3A_938, %dma_start3A_939] : memref<3x32x8x128xf32, #tpu.memory_space<vmem>> -> memref<1x32x8x128xf32, #tpu.memory_space<vmem>>
    %dma_start3A_941 = tpu.memref_squeeze %dma_start3A_940 : memref<1x32x8x128xf32, #tpu.memory_space<vmem>> -> memref<32x8x128xf32, #tpu.memory_space<vmem>>
    %dma_start3A_942 = arith.constant 0 : i32
    %dma_start3A_943 = arith.constant 0 : i32
    %dma_start3A_944 = tpu.memref_slice %arg3[%add3A_935, %dma_start3A_942, %dma_start3A_943] : memref<4096x8x128xf32, #tpu.memory_space<hbm>> -> memref<32x8x128xf32, #tpu.memory_space<hbm>>
    %dma_start3A_945 = arith.constant 0 : i32
    %dma_start3A_946 = arith.constant 0 : i32
    %dma_start3A_947 = arith.constant 0 : i32
    %dma_start3A_948 = tpu.memref_slice %arg5[%dma_start3A_936, %dma_start3A_945, %dma_start3A_946, %dma_start3A_947] : memref<3x32x8x128xf32, #tpu.memory_space<vmem>> -> memref<1x32x8x128xf32, #tpu.memory_space<vmem>>
    %dma_start3A_949 = tpu.memref_squeeze %dma_start3A_948 : memref<1x32x8x128xf32, #tpu.memory_space<vmem>> -> memref<32x8x128xf32, #tpu.memory_space<vmem>>
    %dma_start3A_950 = arith.constant 0 : i32
    %dma_start3A_951 = arith.constant 0 : i32
    %dma_start3A_952 = tpu.memref_slice %arg3[%add3A_935, %dma_start3A_950, %dma_start3A_951] : memref<4096x8x128xf32, #tpu.memory_space<hbm>> -> memref<32x8x128xf32, #tpu.memory_space<hbm>>
    tpu.enqueue_dma source(%dma_start3A_952 : memref<32x8x128xf32, #tpu.memory_space<hbm>>) target(%dma_start3A_949 : memref<32x8x128xf32, #tpu.memory_space<vmem>>) target_semaphore(%arg6 : memref<!tpu.dma_semaphore, #tpu.memory_space<semaphore_mem>>)
    %dma_wait3A_953 = arith.constant 0 : i32
    %dma_wait3A_954 = arith.constant 0 : i32
    %dma_wait3A_955 = arith.constant 0 : i32
    %dma_wait3A_956 = arith.constant 0 : i32
    %dma_wait3A_957 = tpu.memref_slice %arg5[%dma_wait3A_953, %dma_wait3A_954, %dma_wait3A_955, %dma_wait3A_956] : memref<3x32x8x128xf32, #tpu.memory_space<vmem>> -> memref<1x32x8x128xf32, #tpu.memory_space<vmem>>
    %dma_wait3A_958 = tpu.memref_squeeze %dma_wait3A_957 : memref<1x32x8x128xf32, #tpu.memory_space<vmem>> -> memref<32x8x128xf32, #tpu.memory_space<vmem>>
    %dma_wait3A_959 = arith.constant 0 : i32
    %dma_wait3A_960 = arith.constant 0 : i32
    %dma_wait3A_961 = tpu.memref_slice %arg2[%add3A_577, %dma_wait3A_959, %dma_wait3A_960] : memref<4096x8x128xf32, #tpu.memory_space<hbm>> -> memref<32x8x128xf32, #tpu.memory_space<hbm>>
    %dma_wait3A_962 = arith.constant 0 : i32
    %dma_wait3A_963 = arith.constant 0 : i32
    %dma_wait3A_964 = arith.constant 0 : i32
    %dma_wait3A_965 = tpu.memref_slice %arg5[%dma_wait3A_953, %dma_wait3A_962, %dma_wait3A_963, %dma_wait3A_964] : memref<3x32x8x128xf32, #tpu.memory_space<vmem>> -> memref<1x32x8x128xf32, #tpu.memory_space<vmem>>
    %dma_wait3A_966 = tpu.memref_squeeze %dma_wait3A_965 : memref<1x32x8x128xf32, #tpu.memory_space<vmem>> -> memref<32x8x128xf32, #tpu.memory_space<vmem>>
    %dma_wait3A_967 = arith.constant 0 : i32
    %dma_wait3A_968 = arith.constant 0 : i32
    %dma_wait3A_969 = tpu.memref_slice %arg2[%add3A_577, %dma_wait3A_967, %dma_wait3A_968] : memref<4096x8x128xf32, #tpu.memory_space<hbm>> -> memref<32x8x128xf32, #tpu.memory_space<hbm>>
    tpu.wait_dma2 semaphore(%arg6 : memref<!tpu.dma_semaphore, #tpu.memory_space<semaphore_mem>>) src(%dma_wait3A_969 : memref<32x8x128xf32, #tpu.memory_space<hbm>>) dst(%dma_wait3A_966 : memref<32x8x128xf32, #tpu.memory_space<vmem>>)
    %add3A_970 = arith.constant 96 : i32
    %add3A_971 = arith.addi %mul3A_2, %add3A_970 : i32
    %dma_start3A_972 = arith.constant 0 : i32
    %dma_start3A_973 = arith.constant 0 : i32
    %dma_start3A_974 = arith.constant 0 : i32
    %dma_start3A_975 = arith.constant 0 : i32
    %dma_start3A_976 = arith.constant 0 : i32
    %dma_start3A_977 = tpu.memref_slice %arg5[%dma_start3A_972, %dma_start3A_974, %dma_start3A_975, %dma_start3A_976] : memref<3x32x8x128xf32, #tpu.memory_space<vmem>> -> memref<1x32x8x128xf32, #tpu.memory_space<vmem>>
    %dma_start3A_978 = tpu.memref_squeeze %dma_start3A_977 : memref<1x32x8x128xf32, #tpu.memory_space<vmem>> -> memref<32x8x128xf32, #tpu.memory_space<vmem>>
    %dma_start3A_979 = arith.constant 0 : i32
    %dma_start3A_980 = arith.constant 0 : i32
    %dma_start3A_981 = tpu.memref_slice %arg4[%add3A_971, %dma_start3A_973, %dma_start3A_979, %dma_start3A_980] : memref<4096x8x8x256xf32, #tpu.memory_space<hbm>> -> memref<32x1x8x128xf32, #tpu.memory_space<hbm>>
    %dma_start3A_982 = tpu.memref_squeeze %dma_start3A_981 : memref<32x1x8x128xf32, #tpu.memory_space<hbm>> -> memref<32x8x128xf32, #tpu.memory_space<hbm>>
    %dma_start3A_983 = arith.constant 0 : i32
    %dma_start3A_984 = arith.constant 0 : i32
    %dma_start3A_985 = tpu.memref_slice %arg4[%add3A_971, %dma_start3A_973, %dma_start3A_983, %dma_start3A_984] : memref<4096x8x8x256xf32, #tpu.memory_space<hbm>> -> memref<32x1x8x128xf32, #tpu.memory_space<hbm>>
    %dma_start3A_986 = tpu.memref_squeeze %dma_start3A_985 : memref<32x1x8x128xf32, #tpu.memory_space<hbm>> -> memref<32x8x128xf32, #tpu.memory_space<hbm>>
    %dma_start3A_987 = arith.constant 0 : i32
    %dma_start3A_988 = arith.constant 0 : i32
    %dma_start3A_989 = arith.constant 0 : i32
    %dma_start3A_990 = tpu.memref_slice %arg5[%dma_start3A_972, %dma_start3A_987, %dma_start3A_988, %dma_start3A_989] : memref<3x32x8x128xf32, #tpu.memory_space<vmem>> -> memref<1x32x8x128xf32, #tpu.memory_space<vmem>>
    %dma_start3A_991 = tpu.memref_squeeze %dma_start3A_990 : memref<1x32x8x128xf32, #tpu.memory_space<vmem>> -> memref<32x8x128xf32, #tpu.memory_space<vmem>>
    tpu.enqueue_dma source(%dma_start3A_991 : memref<32x8x128xf32, #tpu.memory_space<vmem>>) target(%dma_start3A_986 : memref<32x8x128xf32, #tpu.memory_space<hbm>>) target_semaphore(%arg7 : memref<!tpu.dma_semaphore, #tpu.memory_space<semaphore_mem>>)
    %dma_start3A_992 = arith.constant 0 : i32
    %dma_start3A_993 = arith.constant 1 : i32
    %dma_start3A_994 = arith.constant 0 : i32
    %dma_start3A_995 = arith.constant 0 : i32
    %dma_start3A_996 = arith.constant 0 : i32
    %dma_start3A_997 = tpu.memref_slice %arg5[%dma_start3A_992, %dma_start3A_994, %dma_start3A_995, %dma_start3A_996] : memref<3x32x8x128xf32, #tpu.memory_space<vmem>> -> memref<1x32x8x128xf32, #tpu.memory_space<vmem>>
    %dma_start3A_998 = tpu.memref_squeeze %dma_start3A_997 : memref<1x32x8x128xf32, #tpu.memory_space<vmem>> -> memref<32x8x128xf32, #tpu.memory_space<vmem>>
    %dma_start3A_999 = arith.constant 0 : i32
    %dma_start3A_1000 = arith.constant 0 : i32
    %dma_start3A_1001 = tpu.memref_slice %arg4[%add3A_971, %dma_start3A_993, %dma_start3A_999, %dma_start3A_1000] : memref<4096x8x8x256xf32, #tpu.memory_space<hbm>> -> memref<32x1x8x128xf32, #tpu.memory_space<hbm>>
    %dma_start3A_1002 = tpu.memref_squeeze %dma_start3A_1001 : memref<32x1x8x128xf32, #tpu.memory_space<hbm>> -> memref<32x8x128xf32, #tpu.memory_space<hbm>>
    %dma_start3A_1003 = arith.constant 0 : i32
    %dma_start3A_1004 = arith.constant 0 : i32
    %dma_start3A_1005 = tpu.memref_slice %arg4[%add3A_971, %dma_start3A_993, %dma_start3A_1003, %dma_start3A_1004] : memref<4096x8x8x256xf32, #tpu.memory_space<hbm>> -> memref<32x1x8x128xf32, #tpu.memory_space<hbm>>
    %dma_start3A_1006 = tpu.memref_squeeze %dma_start3A_1005 : memref<32x1x8x128xf32, #tpu.memory_space<hbm>> -> memref<32x8x128xf32, #tpu.memory_space<hbm>>
    %dma_start3A_1007 = arith.constant 0 : i32
    %dma_start3A_1008 = arith.constant 0 : i32
    %dma_start3A_1009 = arith.constant 0 : i32
    %dma_start3A_1010 = tpu.memref_slice %arg5[%dma_start3A_992, %dma_start3A_1007, %dma_start3A_1008, %dma_start3A_1009] : memref<3x32x8x128xf32, #tpu.memory_space<vmem>> -> memref<1x32x8x128xf32, #tpu.memory_space<vmem>>
    %dma_start3A_1011 = tpu.memref_squeeze %dma_start3A_1010 : memref<1x32x8x128xf32, #tpu.memory_space<vmem>> -> memref<32x8x128xf32, #tpu.memory_space<vmem>>
    tpu.enqueue_dma source(%dma_start3A_1011 : memref<32x8x128xf32, #tpu.memory_space<vmem>>) target(%dma_start3A_1006 : memref<32x8x128xf32, #tpu.memory_space<hbm>>) target_semaphore(%arg7 : memref<!tpu.dma_semaphore, #tpu.memory_space<semaphore_mem>>)
    %dma_start3A_1012 = arith.constant 0 : i32
    %dma_start3A_1013 = arith.constant 2 : i32
    %dma_start3A_1014 = arith.constant 0 : i32
    %dma_start3A_1015 = arith.constant 0 : i32
    %dma_start3A_1016 = arith.constant 0 : i32
    %dma_start3A_1017 = tpu.memref_slice %arg5[%dma_start3A_1012, %dma_start3A_1014, %dma_start3A_1015, %dma_start3A_1016] : memref<3x32x8x128xf32, #tpu.memory_space<vmem>> -> memref<1x32x8x128xf32, #tpu.memory_space<vmem>>
    %dma_start3A_1018 = tpu.memref_squeeze %dma_start3A_1017 : memref<1x32x8x128xf32, #tpu.memory_space<vmem>> -> memref<32x8x128xf32, #tpu.memory_space<vmem>>
    %dma_start3A_1019 = arith.constant 0 : i32
    %dma_start3A_1020 = arith.constant 0 : i32
    %dma_start3A_1021 = tpu.memref_slice %arg4[%add3A_971, %dma_start3A_1013, %dma_start3A_1019, %dma_start3A_1020] : memref<4096x8x8x256xf32, #tpu.memory_space<hbm>> -> memref<32x1x8x128xf32, #tpu.memory_space<hbm>>
    %dma_start3A_1022 = tpu.memref_squeeze %dma_start3A_1021 : memref<32x1x8x128xf32, #tpu.memory_space<hbm>> -> memref<32x8x128xf32, #tpu.memory_space<hbm>>
    %dma_start3A_1023 = arith.constant 0 : i32
    %dma_start3A_1024 = arith.constant 0 : i32
    %dma_start3A_1025 = tpu.memref_slice %arg4[%add3A_971, %dma_start3A_1013, %dma_start3A_1023, %dma_start3A_1024] : memref<4096x8x8x256xf32, #tpu.memory_space<hbm>> -> memref<32x1x8x128xf32, #tpu.memory_space<hbm>>
    %dma_start3A_1026 = tpu.memref_squeeze %dma_start3A_1025 : memref<32x1x8x128xf32, #tpu.memory_space<hbm>> -> memref<32x8x128xf32, #tpu.memory_space<hbm>>
    %dma_start3A_1027 = arith.constant 0 : i32
    %dma_start3A_1028 = arith.constant 0 : i32
    %dma_start3A_1029 = arith.constant 0 : i32
    %dma_start3A_1030 = tpu.memref_slice %arg5[%dma_start3A_1012, %dma_start3A_1027, %dma_start3A_1028, %dma_start3A_1029] : memref<3x32x8x128xf32, #tpu.memory_space<vmem>> -> memref<1x32x8x128xf32, #tpu.memory_space<vmem>>
    %dma_start3A_1031 = tpu.memref_squeeze %dma_start3A_1030 : memref<1x32x8x128xf32, #tpu.memory_space<vmem>> -> memref<32x8x128xf32, #tpu.memory_space<vmem>>
    tpu.enqueue_dma source(%dma_start3A_1031 : memref<32x8x128xf32, #tpu.memory_space<vmem>>) target(%dma_start3A_1026 : memref<32x8x128xf32, #tpu.memory_space<hbm>>) target_semaphore(%arg7 : memref<!tpu.dma_semaphore, #tpu.memory_space<semaphore_mem>>)
    %dma_start3A_1032 = arith.constant 0 : i32
    %dma_start3A_1033 = arith.constant 3 : i32
    %dma_start3A_1034 = arith.constant 0 : i32
    %dma_start3A_1035 = arith.constant 0 : i32
    %dma_start3A_1036 = arith.constant 0 : i32
    %dma_start3A_1037 = tpu.memref_slice %arg5[%dma_start3A_1032, %dma_start3A_1034, %dma_start3A_1035, %dma_start3A_1036] : memref<3x32x8x128xf32, #tpu.memory_space<vmem>> -> memref<1x32x8x128xf32, #tpu.memory_space<vmem>>
    %dma_start3A_1038 = tpu.memref_squeeze %dma_start3A_1037 : memref<1x32x8x128xf32, #tpu.memory_space<vmem>> -> memref<32x8x128xf32, #tpu.memory_space<vmem>>
    %dma_start3A_1039 = arith.constant 0 : i32
    %dma_start3A_1040 = arith.constant 0 : i32
    %dma_start3A_1041 = tpu.memref_slice %arg4[%add3A_971, %dma_start3A_1033, %dma_start3A_1039, %dma_start3A_1040] : memref<4096x8x8x256xf32, #tpu.memory_space<hbm>> -> memref<32x1x8x128xf32, #tpu.memory_space<hbm>>
    %dma_start3A_1042 = tpu.memref_squeeze %dma_start3A_1041 : memref<32x1x8x128xf32, #tpu.memory_space<hbm>> -> memref<32x8x128xf32, #tpu.memory_space<hbm>>
    %dma_start3A_1043 = arith.constant 0 : i32
    %dma_start3A_1044 = arith.constant 0 : i32
    %dma_start3A_1045 = tpu.memref_slice %arg4[%add3A_971, %dma_start3A_1033, %dma_start3A_1043, %dma_start3A_1044] : memref<4096x8x8x256xf32, #tpu.memory_space<hbm>> -> memref<32x1x8x128xf32, #tpu.memory_space<hbm>>
    %dma_start3A_1046 = tpu.memref_squeeze %dma_start3A_1045 : memref<32x1x8x128xf32, #tpu.memory_space<hbm>> -> memref<32x8x128xf32, #tpu.memory_space<hbm>>
    %dma_start3A_1047 = arith.constant 0 : i32
    %dma_start3A_1048 = arith.constant 0 : i32
    %dma_start3A_1049 = arith.constant 0 : i32
    %dma_start3A_1050 = tpu.memref_slice %arg5[%dma_start3A_1032, %dma_start3A_1047, %dma_start3A_1048, %dma_start3A_1049] : memref<3x32x8x128xf32, #tpu.memory_space<vmem>> -> memref<1x32x8x128xf32, #tpu.memory_space<vmem>>
    %dma_start3A_1051 = tpu.memref_squeeze %dma_start3A_1050 : memref<1x32x8x128xf32, #tpu.memory_space<vmem>> -> memref<32x8x128xf32, #tpu.memory_space<vmem>>
    tpu.enqueue_dma source(%dma_start3A_1051 : memref<32x8x128xf32, #tpu.memory_space<vmem>>) target(%dma_start3A_1046 : memref<32x8x128xf32, #tpu.memory_space<hbm>>) target_semaphore(%arg7 : memref<!tpu.dma_semaphore, #tpu.memory_space<semaphore_mem>>)
    %dma_start3A_1052 = arith.constant 0 : i32
    %dma_start3A_1053 = arith.constant 4 : i32
    %dma_start3A_1054 = arith.constant 0 : i32
    %dma_start3A_1055 = arith.constant 0 : i32
    %dma_start3A_1056 = arith.constant 0 : i32
    %dma_start3A_1057 = tpu.memref_slice %arg5[%dma_start3A_1052, %dma_start3A_1054, %dma_start3A_1055, %dma_start3A_1056] : memref<3x32x8x128xf32, #tpu.memory_space<vmem>> -> memref<1x32x8x128xf32, #tpu.memory_space<vmem>>
    %dma_start3A_1058 = tpu.memref_squeeze %dma_start3A_1057 : memref<1x32x8x128xf32, #tpu.memory_space<vmem>> -> memref<32x8x128xf32, #tpu.memory_space<vmem>>
    %dma_start3A_1059 = arith.constant 0 : i32
    %dma_start3A_1060 = arith.constant 0 : i32
    %dma_start3A_1061 = tpu.memref_slice %arg4[%add3A_971, %dma_start3A_1053, %dma_start3A_1059, %dma_start3A_1060] : memref<4096x8x8x256xf32, #tpu.memory_space<hbm>> -> memref<32x1x8x128xf32, #tpu.memory_space<hbm>>
    %dma_start3A_1062 = tpu.memref_squeeze %dma_start3A_1061 : memref<32x1x8x128xf32, #tpu.memory_space<hbm>> -> memref<32x8x128xf32, #tpu.memory_space<hbm>>
    %dma_start3A_1063 = arith.constant 0 : i32
    %dma_start3A_1064 = arith.constant 0 : i32
    %dma_start3A_1065 = tpu.memref_slice %arg4[%add3A_971, %dma_start3A_1053, %dma_start3A_1063, %dma_start3A_1064] : memref<4096x8x8x256xf32, #tpu.memory_space<hbm>> -> memref<32x1x8x128xf32, #tpu.memory_space<hbm>>
    %dma_start3A_1066 = tpu.memref_squeeze %dma_start3A_1065 : memref<32x1x8x128xf32, #tpu.memory_space<hbm>> -> memref<32x8x128xf32, #tpu.memory_space<hbm>>
    %dma_start3A_1067 = arith.constant 0 : i32
    %dma_start3A_1068 = arith.constant 0 : i32
    %dma_start3A_1069 = arith.constant 0 : i32
    %dma_start3A_1070 = tpu.memref_slice %arg5[%dma_start3A_1052, %dma_start3A_1067, %dma_start3A_1068, %dma_start3A_1069] : memref<3x32x8x128xf32, #tpu.memory_space<vmem>> -> memref<1x32x8x128xf32, #tpu.memory_space<vmem>>
    %dma_start3A_1071 = tpu.memref_squeeze %dma_start3A_1070 : memref<1x32x8x128xf32, #tpu.memory_space<vmem>> -> memref<32x8x128xf32, #tpu.memory_space<vmem>>
    tpu.enqueue_dma source(%dma_start3A_1071 : memref<32x8x128xf32, #tpu.memory_space<vmem>>) target(%dma_start3A_1066 : memref<32x8x128xf32, #tpu.memory_space<hbm>>) target_semaphore(%arg7 : memref<!tpu.dma_semaphore, #tpu.memory_space<semaphore_mem>>)
    %dma_start3A_1072 = arith.constant 0 : i32
    %dma_start3A_1073 = arith.constant 5 : i32
    %dma_start3A_1074 = arith.constant 0 : i32
    %dma_start3A_1075 = arith.constant 0 : i32
    %dma_start3A_1076 = arith.constant 0 : i32
    %dma_start3A_1077 = tpu.memref_slice %arg5[%dma_start3A_1072, %dma_start3A_1074, %dma_start3A_1075, %dma_start3A_1076] : memref<3x32x8x128xf32, #tpu.memory_space<vmem>> -> memref<1x32x8x128xf32, #tpu.memory_space<vmem>>
    %dma_start3A_1078 = tpu.memref_squeeze %dma_start3A_1077 : memref<1x32x8x128xf32, #tpu.memory_space<vmem>> -> memref<32x8x128xf32, #tpu.memory_space<vmem>>
    %dma_start3A_1079 = arith.constant 0 : i32
    %dma_start3A_1080 = arith.constant 0 : i32
    %dma_start3A_1081 = tpu.memref_slice %arg4[%add3A_971, %dma_start3A_1073, %dma_start3A_1079, %dma_start3A_1080] : memref<4096x8x8x256xf32, #tpu.memory_space<hbm>> -> memref<32x1x8x128xf32, #tpu.memory_space<hbm>>
    %dma_start3A_1082 = tpu.memref_squeeze %dma_start3A_1081 : memref<32x1x8x128xf32, #tpu.memory_space<hbm>> -> memref<32x8x128xf32, #tpu.memory_space<hbm>>
    %dma_start3A_1083 = arith.constant 0 : i32
    %dma_start3A_1084 = arith.constant 0 : i32
    %dma_start3A_1085 = tpu.memref_slice %arg4[%add3A_971, %dma_start3A_1073, %dma_start3A_1083, %dma_start3A_1084] : memref<4096x8x8x256xf32, #tpu.memory_space<hbm>> -> memref<32x1x8x128xf32, #tpu.memory_space<hbm>>
    %dma_start3A_1086 = tpu.memref_squeeze %dma_start3A_1085 : memref<32x1x8x128xf32, #tpu.memory_space<hbm>> -> memref<32x8x128xf32, #tpu.memory_space<hbm>>
    %dma_start3A_1087 = arith.constant 0 : i32
    %dma_start3A_1088 = arith.constant 0 : i32
    %dma_start3A_1089 = arith.constant 0 : i32
    %dma_start3A_1090 = tpu.memref_slice %arg5[%dma_start3A_1072, %dma_start3A_1087, %dma_start3A_1088, %dma_start3A_1089] : memref<3x32x8x128xf32, #tpu.memory_space<vmem>> -> memref<1x32x8x128xf32, #tpu.memory_space<vmem>>
    %dma_start3A_1091 = tpu.memref_squeeze %dma_start3A_1090 : memref<1x32x8x128xf32, #tpu.memory_space<vmem>> -> memref<32x8x128xf32, #tpu.memory_space<vmem>>
    tpu.enqueue_dma source(%dma_start3A_1091 : memref<32x8x128xf32, #tpu.memory_space<vmem>>) target(%dma_start3A_1086 : memref<32x8x128xf32, #tpu.memory_space<hbm>>) target_semaphore(%arg7 : memref<!tpu.dma_semaphore, #tpu.memory_space<semaphore_mem>>)
    %dma_start3A_1092 = arith.constant 0 : i32
    %dma_start3A_1093 = arith.constant 6 : i32
    %dma_start3A_1094 = arith.constant 0 : i32
    %dma_start3A_1095 = arith.constant 0 : i32
    %dma_start3A_1096 = arith.constant 0 : i32
    %dma_start3A_1097 = tpu.memref_slice %arg5[%dma_start3A_1092, %dma_start3A_1094, %dma_start3A_1095, %dma_start3A_1096] : memref<3x32x8x128xf32, #tpu.memory_space<vmem>> -> memref<1x32x8x128xf32, #tpu.memory_space<vmem>>
    %dma_start3A_1098 = tpu.memref_squeeze %dma_start3A_1097 : memref<1x32x8x128xf32, #tpu.memory_space<vmem>> -> memref<32x8x128xf32, #tpu.memory_space<vmem>>
    %dma_start3A_1099 = arith.constant 0 : i32
    %dma_start3A_1100 = arith.constant 0 : i32
    %dma_start3A_1101 = tpu.memref_slice %arg4[%add3A_971, %dma_start3A_1093, %dma_start3A_1099, %dma_start3A_1100] : memref<4096x8x8x256xf32, #tpu.memory_space<hbm>> -> memref<32x1x8x128xf32, #tpu.memory_space<hbm>>
    %dma_start3A_1102 = tpu.memref_squeeze %dma_start3A_1101 : memref<32x1x8x128xf32, #tpu.memory_space<hbm>> -> memref<32x8x128xf32, #tpu.memory_space<hbm>>
    %dma_start3A_1103 = arith.constant 0 : i32
    %dma_start3A_1104 = arith.constant 0 : i32
    %dma_start3A_1105 = tpu.memref_slice %arg4[%add3A_971, %dma_start3A_1093, %dma_start3A_1103, %dma_start3A_1104] : memref<4096x8x8x256xf32, #tpu.memory_space<hbm>> -> memref<32x1x8x128xf32, #tpu.memory_space<hbm>>
    %dma_start3A_1106 = tpu.memref_squeeze %dma_start3A_1105 : memref<32x1x8x128xf32, #tpu.memory_space<hbm>> -> memref<32x8x128xf32, #tpu.memory_space<hbm>>
    %dma_start3A_1107 = arith.constant 0 : i32
    %dma_start3A_1108 = arith.constant 0 : i32
    %dma_start3A_1109 = arith.constant 0 : i32
    %dma_start3A_1110 = tpu.memref_slice %arg5[%dma_start3A_1092, %dma_start3A_1107, %dma_start3A_1108, %dma_start3A_1109] : memref<3x32x8x128xf32, #tpu.memory_space<vmem>> -> memref<1x32x8x128xf32, #tpu.memory_space<vmem>>
    %dma_start3A_1111 = tpu.memref_squeeze %dma_start3A_1110 : memref<1x32x8x128xf32, #tpu.memory_space<vmem>> -> memref<32x8x128xf32, #tpu.memory_space<vmem>>
    tpu.enqueue_dma source(%dma_start3A_1111 : memref<32x8x128xf32, #tpu.memory_space<vmem>>) target(%dma_start3A_1106 : memref<32x8x128xf32, #tpu.memory_space<hbm>>) target_semaphore(%arg7 : memref<!tpu.dma_semaphore, #tpu.memory_space<semaphore_mem>>)
    %dma_start3A_1112 = arith.constant 0 : i32
    %dma_start3A_1113 = arith.constant 7 : i32
    %dma_start3A_1114 = arith.constant 0 : i32
    %dma_start3A_1115 = arith.constant 0 : i32
    %dma_start3A_1116 = arith.constant 0 : i32
    %dma_start3A_1117 = tpu.memref_slice %arg5[%dma_start3A_1112, %dma_start3A_1114, %dma_start3A_1115, %dma_start3A_1116] : memref<3x32x8x128xf32, #tpu.memory_space<vmem>> -> memref<1x32x8x128xf32, #tpu.memory_space<vmem>>
    %dma_start3A_1118 = tpu.memref_squeeze %dma_start3A_1117 : memref<1x32x8x128xf32, #tpu.memory_space<vmem>> -> memref<32x8x128xf32, #tpu.memory_space<vmem>>
    %dma_start3A_1119 = arith.constant 0 : i32
    %dma_start3A_1120 = arith.constant 0 : i32
    %dma_start3A_1121 = tpu.memref_slice %arg4[%add3A_971, %dma_start3A_1113, %dma_start3A_1119, %dma_start3A_1120] : memref<4096x8x8x256xf32, #tpu.memory_space<hbm>> -> memref<32x1x8x128xf32, #tpu.memory_space<hbm>>
    %dma_start3A_1122 = tpu.memref_squeeze %dma_start3A_1121 : memref<32x1x8x128xf32, #tpu.memory_space<hbm>> -> memref<32x8x128xf32, #tpu.memory_space<hbm>>
    %dma_start3A_1123 = arith.constant 0 : i32
    %dma_start3A_1124 = arith.constant 0 : i32
    %dma_start3A_1125 = tpu.memref_slice %arg4[%add3A_971, %dma_start3A_1113, %dma_start3A_1123, %dma_start3A_1124] : memref<4096x8x8x256xf32, #tpu.memory_space<hbm>> -> memref<32x1x8x128xf32, #tpu.memory_space<hbm>>
    %dma_start3A_1126 = tpu.memref_squeeze %dma_start3A_1125 : memref<32x1x8x128xf32, #tpu.memory_space<hbm>> -> memref<32x8x128xf32, #tpu.memory_space<hbm>>
    %dma_start3A_1127 = arith.constant 0 : i32
    %dma_start3A_1128 = arith.constant 0 : i32
    %dma_start3A_1129 = arith.constant 0 : i32
    %dma_start3A_1130 = tpu.memref_slice %arg5[%dma_start3A_1112, %dma_start3A_1127, %dma_start3A_1128, %dma_start3A_1129] : memref<3x32x8x128xf32, #tpu.memory_space<vmem>> -> memref<1x32x8x128xf32, #tpu.memory_space<vmem>>
    %dma_start3A_1131 = tpu.memref_squeeze %dma_start3A_1130 : memref<1x32x8x128xf32, #tpu.memory_space<vmem>> -> memref<32x8x128xf32, #tpu.memory_space<vmem>>
    tpu.enqueue_dma source(%dma_start3A_1131 : memref<32x8x128xf32, #tpu.memory_space<vmem>>) target(%dma_start3A_1126 : memref<32x8x128xf32, #tpu.memory_space<hbm>>) target_semaphore(%arg7 : memref<!tpu.dma_semaphore, #tpu.memory_space<semaphore_mem>>)
    %dma_wait3A_1132 = arith.constant 2 : i32
    %dma_wait3A_1133 = arith.constant 0 : i32
    %dma_wait3A_1134 = arith.constant 0 : i32
    %dma_wait3A_1135 = arith.constant 0 : i32
    %dma_wait3A_1136 = arith.constant 0 : i32
    %dma_wait3A_1137 = tpu.memref_slice %arg5[%dma_wait3A_1132, %dma_wait3A_1134, %dma_wait3A_1135, %dma_wait3A_1136] : memref<3x32x8x128xf32, #tpu.memory_space<vmem>> -> memref<1x32x8x128xf32, #tpu.memory_space<vmem>>
    %dma_wait3A_1138 = tpu.memref_squeeze %dma_wait3A_1137 : memref<1x32x8x128xf32, #tpu.memory_space<vmem>> -> memref<32x8x128xf32, #tpu.memory_space<vmem>>
    %dma_wait3A_1139 = arith.constant 0 : i32
    %dma_wait3A_1140 = arith.constant 0 : i32
    %dma_wait3A_1141 = tpu.memref_slice %arg4[%add3A_613, %dma_wait3A_1133, %dma_wait3A_1139, %dma_wait3A_1140] : memref<4096x8x8x256xf32, #tpu.memory_space<hbm>> -> memref<32x1x8x128xf32, #tpu.memory_space<hbm>>
    %dma_wait3A_1142 = tpu.memref_squeeze %dma_wait3A_1141 : memref<32x1x8x128xf32, #tpu.memory_space<hbm>> -> memref<32x8x128xf32, #tpu.memory_space<hbm>>
    %dma_wait3A_1143 = arith.constant 0 : i32
    %dma_wait3A_1144 = arith.constant 0 : i32
    %dma_wait3A_1145 = tpu.memref_slice %arg4[%add3A_613, %dma_wait3A_1133, %dma_wait3A_1143, %dma_wait3A_1144] : memref<4096x8x8x256xf32, #tpu.memory_space<hbm>> -> memref<32x1x8x128xf32, #tpu.memory_space<hbm>>
    %dma_wait3A_1146 = tpu.memref_squeeze %dma_wait3A_1145 : memref<32x1x8x128xf32, #tpu.memory_space<hbm>> -> memref<32x8x128xf32, #tpu.memory_space<hbm>>
    %dma_wait3A_1147 = arith.constant 0 : i32
    %dma_wait3A_1148 = arith.constant 0 : i32
    %dma_wait3A_1149 = arith.constant 0 : i32
    %dma_wait3A_1150 = tpu.memref_slice %arg5[%dma_wait3A_1132, %dma_wait3A_1147, %dma_wait3A_1148, %dma_wait3A_1149] : memref<3x32x8x128xf32, #tpu.memory_space<vmem>> -> memref<1x32x8x128xf32, #tpu.memory_space<vmem>>
    %dma_wait3A_1151 = tpu.memref_squeeze %dma_wait3A_1150 : memref<1x32x8x128xf32, #tpu.memory_space<vmem>> -> memref<32x8x128xf32, #tpu.memory_space<vmem>>
    tpu.wait_dma2 semaphore(%arg7 : memref<!tpu.dma_semaphore, #tpu.memory_space<semaphore_mem>>) src(%dma_wait3A_1151 : memref<32x8x128xf32, #tpu.memory_space<vmem>>) dst(%dma_wait3A_1146 : memref<32x8x128xf32, #tpu.memory_space<hbm>>)
    %dma_wait3A_1152 = arith.constant 2 : i32
    %dma_wait3A_1153 = arith.constant 1 : i32
    %dma_wait3A_1154 = arith.constant 0 : i32
    %dma_wait3A_1155 = arith.constant 0 : i32
    %dma_wait3A_1156 = arith.constant 0 : i32
    %dma_wait3A_1157 = tpu.memref_slice %arg5[%dma_wait3A_1152, %dma_wait3A_1154, %dma_wait3A_1155, %dma_wait3A_1156] : memref<3x32x8x128xf32, #tpu.memory_space<vmem>> -> memref<1x32x8x128xf32, #tpu.memory_space<vmem>>
    %dma_wait3A_1158 = tpu.memref_squeeze %dma_wait3A_1157 : memref<1x32x8x128xf32, #tpu.memory_space<vmem>> -> memref<32x8x128xf32, #tpu.memory_space<vmem>>
    %dma_wait3A_1159 = arith.constant 0 : i32
    %dma_wait3A_1160 = arith.constant 0 : i32
    %dma_wait3A_1161 = tpu.memref_slice %arg4[%add3A_613, %dma_wait3A_1153, %dma_wait3A_1159, %dma_wait3A_1160] : memref<4096x8x8x256xf32, #tpu.memory_space<hbm>> -> memref<32x1x8x128xf32, #tpu.memory_space<hbm>>
    %dma_wait3A_1162 = tpu.memref_squeeze %dma_wait3A_1161 : memref<32x1x8x128xf32, #tpu.memory_space<hbm>> -> memref<32x8x128xf32, #tpu.memory_space<hbm>>
    %dma_wait3A_1163 = arith.constant 0 : i32
    %dma_wait3A_1164 = arith.constant 0 : i32
    %dma_wait3A_1165 = tpu.memref_slice %arg4[%add3A_613, %dma_wait3A_1153, %dma_wait3A_1163, %dma_wait3A_1164] : memref<4096x8x8x256xf32, #tpu.memory_space<hbm>> -> memref<32x1x8x128xf32, #tpu.memory_space<hbm>>
    %dma_wait3A_1166 = tpu.memref_squeeze %dma_wait3A_1165 : memref<32x1x8x128xf32, #tpu.memory_space<hbm>> -> memref<32x8x128xf32, #tpu.memory_space<hbm>>
    %dma_wait3A_1167 = arith.constant 0 : i32
    %dma_wait3A_1168 = arith.constant 0 : i32
    %dma_wait3A_1169 = arith.constant 0 : i32
    %dma_wait3A_1170 = tpu.memref_slice %arg5[%dma_wait3A_1152, %dma_wait3A_1167, %dma_wait3A_1168, %dma_wait3A_1169] : memref<3x32x8x128xf32, #tpu.memory_space<vmem>> -> memref<1x32x8x128xf32, #tpu.memory_space<vmem>>
    %dma_wait3A_1171 = tpu.memref_squeeze %dma_wait3A_1170 : memref<1x32x8x128xf32, #tpu.memory_space<vmem>> -> memref<32x8x128xf32, #tpu.memory_space<vmem>>
    tpu.wait_dma2 semaphore(%arg7 : memref<!tpu.dma_semaphore, #tpu.memory_space<semaphore_mem>>) src(%dma_wait3A_1171 : memref<32x8x128xf32, #tpu.memory_space<vmem>>) dst(%dma_wait3A_1166 : memref<32x8x128xf32, #tpu.memory_space<hbm>>)
    %dma_wait3A_1172 = arith.constant 2 : i32
    %dma_wait3A_1173 = arith.constant 2 : i32
    %dma_wait3A_1174 = arith.constant 0 : i32
    %dma_wait3A_1175 = arith.constant 0 : i32
    %dma_wait3A_1176 = arith.constant 0 : i32
    %dma_wait3A_1177 = tpu.memref_slice %arg5[%dma_wait3A_1172, %dma_wait3A_1174, %dma_wait3A_1175, %dma_wait3A_1176] : memref<3x32x8x128xf32, #tpu.memory_space<vmem>> -> memref<1x32x8x128xf32, #tpu.memory_space<vmem>>
    %dma_wait3A_1178 = tpu.memref_squeeze %dma_wait3A_1177 : memref<1x32x8x128xf32, #tpu.memory_space<vmem>> -> memref<32x8x128xf32, #tpu.memory_space<vmem>>
    %dma_wait3A_1179 = arith.constant 0 : i32
    %dma_wait3A_1180 = arith.constant 0 : i32
    %dma_wait3A_1181 = tpu.memref_slice %arg4[%add3A_613, %dma_wait3A_1173, %dma_wait3A_1179, %dma_wait3A_1180] : memref<4096x8x8x256xf32, #tpu.memory_space<hbm>> -> memref<32x1x8x128xf32, #tpu.memory_space<hbm>>
    %dma_wait3A_1182 = tpu.memref_squeeze %dma_wait3A_1181 : memref<32x1x8x128xf32, #tpu.memory_space<hbm>> -> memref<32x8x128xf32, #tpu.memory_space<hbm>>
    %dma_wait3A_1183 = arith.constant 0 : i32
    %dma_wait3A_1184 = arith.constant 0 : i32
    %dma_wait3A_1185 = tpu.memref_slice %arg4[%add3A_613, %dma_wait3A_1173, %dma_wait3A_1183, %dma_wait3A_1184] : memref<4096x8x8x256xf32, #tpu.memory_space<hbm>> -> memref<32x1x8x128xf32, #tpu.memory_space<hbm>>
    %dma_wait3A_1186 = tpu.memref_squeeze %dma_wait3A_1185 : memref<32x1x8x128xf32, #tpu.memory_space<hbm>> -> memref<32x8x128xf32, #tpu.memory_space<hbm>>
    %dma_wait3A_1187 = arith.constant 0 : i32
    %dma_wait3A_1188 = arith.constant 0 : i32
    %dma_wait3A_1189 = arith.constant 0 : i32
    %dma_wait3A_1190 = tpu.memref_slice %arg5[%dma_wait3A_1172, %dma_wait3A_1187, %dma_wait3A_1188, %dma_wait3A_1189] : memref<3x32x8x128xf32, #tpu.memory_space<vmem>> -> memref<1x32x8x128xf32, #tpu.memory_space<vmem>>
    %dma_wait3A_1191 = tpu.memref_squeeze %dma_wait3A_1190 : memref<1x32x8x128xf32, #tpu.memory_space<vmem>> -> memref<32x8x128xf32, #tpu.memory_space<vmem>>
    tpu.wait_dma2 semaphore(%arg7 : memref<!tpu.dma_semaphore, #tpu.memory_space<semaphore_mem>>) src(%dma_wait3A_1191 : memref<32x8x128xf32, #tpu.memory_space<vmem>>) dst(%dma_wait3A_1186 : memref<32x8x128xf32, #tpu.memory_space<hbm>>)
    %dma_wait3A_1192 = arith.constant 2 : i32
    %dma_wait3A_1193 = arith.constant 3 : i32
    %dma_wait3A_1194 = arith.constant 0 : i32
    %dma_wait3A_1195 = arith.constant 0 : i32
    %dma_wait3A_1196 = arith.constant 0 : i32
    %dma_wait3A_1197 = tpu.memref_slice %arg5[%dma_wait3A_1192, %dma_wait3A_1194, %dma_wait3A_1195, %dma_wait3A_1196] : memref<3x32x8x128xf32, #tpu.memory_space<vmem>> -> memref<1x32x8x128xf32, #tpu.memory_space<vmem>>
    %dma_wait3A_1198 = tpu.memref_squeeze %dma_wait3A_1197 : memref<1x32x8x128xf32, #tpu.memory_space<vmem>> -> memref<32x8x128xf32, #tpu.memory_space<vmem>>
    %dma_wait3A_1199 = arith.constant 0 : i32
    %dma_wait3A_1200 = arith.constant 0 : i32
    %dma_wait3A_1201 = tpu.memref_slice %arg4[%add3A_613, %dma_wait3A_1193, %dma_wait3A_1199, %dma_wait3A_1200] : memref<4096x8x8x256xf32, #tpu.memory_space<hbm>> -> memref<32x1x8x128xf32, #tpu.memory_space<hbm>>
    %dma_wait3A_1202 = tpu.memref_squeeze %dma_wait3A_1201 : memref<32x1x8x128xf32, #tpu.memory_space<hbm>> -> memref<32x8x128xf32, #tpu.memory_space<hbm>>
    %dma_wait3A_1203 = arith.constant 0 : i32
    %dma_wait3A_1204 = arith.constant 0 : i32
    %dma_wait3A_1205 = tpu.memref_slice %arg4[%add3A_613, %dma_wait3A_1193, %dma_wait3A_1203, %dma_wait3A_1204] : memref<4096x8x8x256xf32, #tpu.memory_space<hbm>> -> memref<32x1x8x128xf32, #tpu.memory_space<hbm>>
    %dma_wait3A_1206 = tpu.memref_squeeze %dma_wait3A_1205 : memref<32x1x8x128xf32, #tpu.memory_space<hbm>> -> memref<32x8x128xf32, #tpu.memory_space<hbm>>
    %dma_wait3A_1207 = arith.constant 0 : i32
    %dma_wait3A_1208 = arith.constant 0 : i32
    %dma_wait3A_1209 = arith.constant 0 : i32
    %dma_wait3A_1210 = tpu.memref_slice %arg5[%dma_wait3A_1192, %dma_wait3A_1207, %dma_wait3A_1208, %dma_wait3A_1209] : memref<3x32x8x128xf32, #tpu.memory_space<vmem>> -> memref<1x32x8x128xf32, #tpu.memory_space<vmem>>
    %dma_wait3A_1211 = tpu.memref_squeeze %dma_wait3A_1210 : memref<1x32x8x128xf32, #tpu.memory_space<vmem>> -> memref<32x8x128xf32, #tpu.memory_space<vmem>>
    tpu.wait_dma2 semaphore(%arg7 : memref<!tpu.dma_semaphore, #tpu.memory_space<semaphore_mem>>) src(%dma_wait3A_1211 : memref<32x8x128xf32, #tpu.memory_space<vmem>>) dst(%dma_wait3A_1206 : memref<32x8x128xf32, #tpu.memory_space<hbm>>)
    %dma_wait3A_1212 = arith.constant 2 : i32
    %dma_wait3A_1213 = arith.constant 4 : i32
    %dma_wait3A_1214 = arith.constant 0 : i32
    %dma_wait3A_1215 = arith.constant 0 : i32
    %dma_wait3A_1216 = arith.constant 0 : i32
    %dma_wait3A_1217 = tpu.memref_slice %arg5[%dma_wait3A_1212, %dma_wait3A_1214, %dma_wait3A_1215, %dma_wait3A_1216] : memref<3x32x8x128xf32, #tpu.memory_space<vmem>> -> memref<1x32x8x128xf32, #tpu.memory_space<vmem>>
    %dma_wait3A_1218 = tpu.memref_squeeze %dma_wait3A_1217 : memref<1x32x8x128xf32, #tpu.memory_space<vmem>> -> memref<32x8x128xf32, #tpu.memory_space<vmem>>
    %dma_wait3A_1219 = arith.constant 0 : i32
    %dma_wait3A_1220 = arith.constant 0 : i32
    %dma_wait3A_1221 = tpu.memref_slice %arg4[%add3A_613, %dma_wait3A_1213, %dma_wait3A_1219, %dma_wait3A_1220] : memref<4096x8x8x256xf32, #tpu.memory_space<hbm>> -> memref<32x1x8x128xf32, #tpu.memory_space<hbm>>
    %dma_wait3A_1222 = tpu.memref_squeeze %dma_wait3A_1221 : memref<32x1x8x128xf32, #tpu.memory_space<hbm>> -> memref<32x8x128xf32, #tpu.memory_space<hbm>>
    %dma_wait3A_1223 = arith.constant 0 : i32
    %dma_wait3A_1224 = arith.constant 0 : i32
    %dma_wait3A_1225 = tpu.memref_slice %arg4[%add3A_613, %dma_wait3A_1213, %dma_wait3A_1223, %dma_wait3A_1224] : memref<4096x8x8x256xf32, #tpu.memory_space<hbm>> -> memref<32x1x8x128xf32, #tpu.memory_space<hbm>>
    %dma_wait3A_1226 = tpu.memref_squeeze %dma_wait3A_1225 : memref<32x1x8x128xf32, #tpu.memory_space<hbm>> -> memref<32x8x128xf32, #tpu.memory_space<hbm>>
    %dma_wait3A_1227 = arith.constant 0 : i32
    %dma_wait3A_1228 = arith.constant 0 : i32
    %dma_wait3A_1229 = arith.constant 0 : i32
    %dma_wait3A_1230 = tpu.memref_slice %arg5[%dma_wait3A_1212, %dma_wait3A_1227, %dma_wait3A_1228, %dma_wait3A_1229] : memref<3x32x8x128xf32, #tpu.memory_space<vmem>> -> memref<1x32x8x128xf32, #tpu.memory_space<vmem>>
    %dma_wait3A_1231 = tpu.memref_squeeze %dma_wait3A_1230 : memref<1x32x8x128xf32, #tpu.memory_space<vmem>> -> memref<32x8x128xf32, #tpu.memory_space<vmem>>
    tpu.wait_dma2 semaphore(%arg7 : memref<!tpu.dma_semaphore, #tpu.memory_space<semaphore_mem>>) src(%dma_wait3A_1231 : memref<32x8x128xf32, #tpu.memory_space<vmem>>) dst(%dma_wait3A_1226 : memref<32x8x128xf32, #tpu.memory_space<hbm>>)
    %dma_wait3A_1232 = arith.constant 2 : i32
    %dma_wait3A_1233 = arith.constant 5 : i32
    %dma_wait3A_1234 = arith.constant 0 : i32
    %dma_wait3A_1235 = arith.constant 0 : i32
    %dma_wait3A_1236 = arith.constant 0 : i32
    %dma_wait3A_1237 = tpu.memref_slice %arg5[%dma_wait3A_1232, %dma_wait3A_1234, %dma_wait3A_1235, %dma_wait3A_1236] : memref<3x32x8x128xf32, #tpu.memory_space<vmem>> -> memref<1x32x8x128xf32, #tpu.memory_space<vmem>>
    %dma_wait3A_1238 = tpu.memref_squeeze %dma_wait3A_1237 : memref<1x32x8x128xf32, #tpu.memory_space<vmem>> -> memref<32x8x128xf32, #tpu.memory_space<vmem>>
    %dma_wait3A_1239 = arith.constant 0 : i32
    %dma_wait3A_1240 = arith.constant 0 : i32
    %dma_wait3A_1241 = tpu.memref_slice %arg4[%add3A_613, %dma_wait3A_1233, %dma_wait3A_1239, %dma_wait3A_1240] : memref<4096x8x8x256xf32, #tpu.memory_space<hbm>> -> memref<32x1x8x128xf32, #tpu.memory_space<hbm>>
    %dma_wait3A_1242 = tpu.memref_squeeze %dma_wait3A_1241 : memref<32x1x8x128xf32, #tpu.memory_space<hbm>> -> memref<32x8x128xf32, #tpu.memory_space<hbm>>
    %dma_wait3A_1243 = arith.constant 0 : i32
    %dma_wait3A_1244 = arith.constant 0 : i32
    %dma_wait3A_1245 = tpu.memref_slice %arg4[%add3A_613, %dma_wait3A_1233, %dma_wait3A_1243, %dma_wait3A_1244] : memref<4096x8x8x256xf32, #tpu.memory_space<hbm>> -> memref<32x1x8x128xf32, #tpu.memory_space<hbm>>
    %dma_wait3A_1246 = tpu.memref_squeeze %dma_wait3A_1245 : memref<32x1x8x128xf32, #tpu.memory_space<hbm>> -> memref<32x8x128xf32, #tpu.memory_space<hbm>>
    %dma_wait3A_1247 = arith.constant 0 : i32
    %dma_wait3A_1248 = arith.constant 0 : i32
    %dma_wait3A_1249 = arith.constant 0 : i32
    %dma_wait3A_1250 = tpu.memref_slice %arg5[%dma_wait3A_1232, %dma_wait3A_1247, %dma_wait3A_1248, %dma_wait3A_1249] : memref<3x32x8x128xf32, #tpu.memory_space<vmem>> -> memref<1x32x8x128xf32, #tpu.memory_space<vmem>>
    %dma_wait3A_1251 = tpu.memref_squeeze %dma_wait3A_1250 : memref<1x32x8x128xf32, #tpu.memory_space<vmem>> -> memref<32x8x128xf32, #tpu.memory_space<vmem>>
    tpu.wait_dma2 semaphore(%arg7 : memref<!tpu.dma_semaphore, #tpu.memory_space<semaphore_mem>>) src(%dma_wait3A_1251 : memref<32x8x128xf32, #tpu.memory_space<vmem>>) dst(%dma_wait3A_1246 : memref<32x8x128xf32, #tpu.memory_space<hbm>>)
    %dma_wait3A_1252 = arith.constant 2 : i32
    %dma_wait3A_1253 = arith.constant 6 : i32
    %dma_wait3A_1254 = arith.constant 0 : i32
    %dma_wait3A_1255 = arith.constant 0 : i32
    %dma_wait3A_1256 = arith.constant 0 : i32
    %dma_wait3A_1257 = tpu.memref_slice %arg5[%dma_wait3A_1252, %dma_wait3A_1254, %dma_wait3A_1255, %dma_wait3A_1256] : memref<3x32x8x128xf32, #tpu.memory_space<vmem>> -> memref<1x32x8x128xf32, #tpu.memory_space<vmem>>
    %dma_wait3A_1258 = tpu.memref_squeeze %dma_wait3A_1257 : memref<1x32x8x128xf32, #tpu.memory_space<vmem>> -> memref<32x8x128xf32, #tpu.memory_space<vmem>>
    %dma_wait3A_1259 = arith.constant 0 : i32
    %dma_wait3A_1260 = arith.constant 0 : i32
    %dma_wait3A_1261 = tpu.memref_slice %arg4[%add3A_613, %dma_wait3A_1253, %dma_wait3A_1259, %dma_wait3A_1260] : memref<4096x8x8x256xf32, #tpu.memory_space<hbm>> -> memref<32x1x8x128xf32, #tpu.memory_space<hbm>>
    %dma_wait3A_1262 = tpu.memref_squeeze %dma_wait3A_1261 : memref<32x1x8x128xf32, #tpu.memory_space<hbm>> -> memref<32x8x128xf32, #tpu.memory_space<hbm>>
    %dma_wait3A_1263 = arith.constant 0 : i32
    %dma_wait3A_1264 = arith.constant 0 : i32
    %dma_wait3A_1265 = tpu.memref_slice %arg4[%add3A_613, %dma_wait3A_1253, %dma_wait3A_1263, %dma_wait3A_1264] : memref<4096x8x8x256xf32, #tpu.memory_space<hbm>> -> memref<32x1x8x128xf32, #tpu.memory_space<hbm>>
    %dma_wait3A_1266 = tpu.memref_squeeze %dma_wait3A_1265 : memref<32x1x8x128xf32, #tpu.memory_space<hbm>> -> memref<32x8x128xf32, #tpu.memory_space<hbm>>
    %dma_wait3A_1267 = arith.constant 0 : i32
    %dma_wait3A_1268 = arith.constant 0 : i32
    %dma_wait3A_1269 = arith.constant 0 : i32
    %dma_wait3A_1270 = tpu.memref_slice %arg5[%dma_wait3A_1252, %dma_wait3A_1267, %dma_wait3A_1268, %dma_wait3A_1269] : memref<3x32x8x128xf32, #tpu.memory_space<vmem>> -> memref<1x32x8x128xf32, #tpu.memory_space<vmem>>
    %dma_wait3A_1271 = tpu.memref_squeeze %dma_wait3A_1270 : memref<1x32x8x128xf32, #tpu.memory_space<vmem>> -> memref<32x8x128xf32, #tpu.memory_space<vmem>>
    tpu.wait_dma2 semaphore(%arg7 : memref<!tpu.dma_semaphore, #tpu.memory_space<semaphore_mem>>) src(%dma_wait3A_1271 : memref<32x8x128xf32, #tpu.memory_space<vmem>>) dst(%dma_wait3A_1266 : memref<32x8x128xf32, #tpu.memory_space<hbm>>)
    %dma_wait3A_1272 = arith.constant 2 : i32
    %dma_wait3A_1273 = arith.constant 7 : i32
    %dma_wait3A_1274 = arith.constant 0 : i32
    %dma_wait3A_1275 = arith.constant 0 : i32
    %dma_wait3A_1276 = arith.constant 0 : i32
    %dma_wait3A_1277 = tpu.memref_slice %arg5[%dma_wait3A_1272, %dma_wait3A_1274, %dma_wait3A_1275, %dma_wait3A_1276] : memref<3x32x8x128xf32, #tpu.memory_space<vmem>> -> memref<1x32x8x128xf32, #tpu.memory_space<vmem>>
    %dma_wait3A_1278 = tpu.memref_squeeze %dma_wait3A_1277 : memref<1x32x8x128xf32, #tpu.memory_space<vmem>> -> memref<32x8x128xf32, #tpu.memory_space<vmem>>
    %dma_wait3A_1279 = arith.constant 0 : i32
    %dma_wait3A_1280 = arith.constant 0 : i32
    %dma_wait3A_1281 = tpu.memref_slice %arg4[%add3A_613, %dma_wait3A_1273, %dma_wait3A_1279, %dma_wait3A_1280] : memref<4096x8x8x256xf32, #tpu.memory_space<hbm>> -> memref<32x1x8x128xf32, #tpu.memory_space<hbm>>
    %dma_wait3A_1282 = tpu.memref_squeeze %dma_wait3A_1281 : memref<32x1x8x128xf32, #tpu.memory_space<hbm>> -> memref<32x8x128xf32, #tpu.memory_space<hbm>>
    %dma_wait3A_1283 = arith.constant 0 : i32
    %dma_wait3A_1284 = arith.constant 0 : i32
    %dma_wait3A_1285 = tpu.memref_slice %arg4[%add3A_613, %dma_wait3A_1273, %dma_wait3A_1283, %dma_wait3A_1284] : memref<4096x8x8x256xf32, #tpu.memory_space<hbm>> -> memref<32x1x8x128xf32, #tpu.memory_space<hbm>>
    %dma_wait3A_1286 = tpu.memref_squeeze %dma_wait3A_1285 : memref<32x1x8x128xf32, #tpu.memory_space<hbm>> -> memref<32x8x128xf32, #tpu.memory_space<hbm>>
    %dma_wait3A_1287 = arith.constant 0 : i32
    %dma_wait3A_1288 = arith.constant 0 : i32
    %dma_wait3A_1289 = arith.constant 0 : i32
    %dma_wait3A_1290 = tpu.memref_slice %arg5[%dma_wait3A_1272, %dma_wait3A_1287, %dma_wait3A_1288, %dma_wait3A_1289] : memref<3x32x8x128xf32, #tpu.memory_space<vmem>> -> memref<1x32x8x128xf32, #tpu.memory_space<vmem>>
    %dma_wait3A_1291 = tpu.memref_squeeze %dma_wait3A_1290 : memref<1x32x8x128xf32, #tpu.memory_space<vmem>> -> memref<32x8x128xf32, #tpu.memory_space<vmem>>
    tpu.wait_dma2 semaphore(%arg7 : memref<!tpu.dma_semaphore, #tpu.memory_space<semaphore_mem>>) src(%dma_wait3A_1291 : memref<32x8x128xf32, #tpu.memory_space<vmem>>) dst(%dma_wait3A_1286 : memref<32x8x128xf32, #tpu.memory_space<hbm>>)
    %add3A_1292 = arith.constant 32 : i32
    %add3A_1293 = arith.addi %mul3A_2, %add3A_1292 : i32
    %dma_start3A_1294 = arith.constant 2 : i32
    %dma_start3A_1295 = arith.constant 0 : i32
    %dma_start3A_1296 = arith.constant 0 : i32
    %dma_start3A_1297 = arith.constant 0 : i32
    %dma_start3A_1298 = tpu.memref_slice %arg5[%dma_start3A_1294, %dma_start3A_1295, %dma_start3A_1296, %dma_start3A_1297] : memref<3x32x8x128xf32, #tpu.memory_space<vmem>> -> memref<1x32x8x128xf32, #tpu.memory_space<vmem>>
    %dma_start3A_1299 = tpu.memref_squeeze %dma_start3A_1298 : memref<1x32x8x128xf32, #tpu.memory_space<vmem>> -> memref<32x8x128xf32, #tpu.memory_space<vmem>>
    %dma_start3A_1300 = arith.constant 0 : i32
    %dma_start3A_1301 = arith.constant 0 : i32
    %dma_start3A_1302 = tpu.memref_slice %arg3[%add3A_1293, %dma_start3A_1300, %dma_start3A_1301] : memref<4096x8x128xf32, #tpu.memory_space<hbm>> -> memref<32x8x128xf32, #tpu.memory_space<hbm>>
    %dma_start3A_1303 = arith.constant 0 : i32
    %dma_start3A_1304 = arith.constant 0 : i32
    %dma_start3A_1305 = arith.constant 0 : i32
    %dma_start3A_1306 = tpu.memref_slice %arg5[%dma_start3A_1294, %dma_start3A_1303, %dma_start3A_1304, %dma_start3A_1305] : memref<3x32x8x128xf32, #tpu.memory_space<vmem>> -> memref<1x32x8x128xf32, #tpu.memory_space<vmem>>
    %dma_start3A_1307 = tpu.memref_squeeze %dma_start3A_1306 : memref<1x32x8x128xf32, #tpu.memory_space<vmem>> -> memref<32x8x128xf32, #tpu.memory_space<vmem>>
    %dma_start3A_1308 = arith.constant 0 : i32
    %dma_start3A_1309 = arith.constant 0 : i32
    %dma_start3A_1310 = tpu.memref_slice %arg3[%add3A_1293, %dma_start3A_1308, %dma_start3A_1309] : memref<4096x8x128xf32, #tpu.memory_space<hbm>> -> memref<32x8x128xf32, #tpu.memory_space<hbm>>
    tpu.enqueue_dma source(%dma_start3A_1310 : memref<32x8x128xf32, #tpu.memory_space<hbm>>) target(%dma_start3A_1307 : memref<32x8x128xf32, #tpu.memory_space<vmem>>) target_semaphore(%arg6 : memref<!tpu.dma_semaphore, #tpu.memory_space<semaphore_mem>>)
    %dma_wait3A_1311 = arith.constant 1 : i32
    %dma_wait3A_1312 = arith.constant 0 : i32
    %dma_wait3A_1313 = arith.constant 0 : i32
    %dma_wait3A_1314 = arith.constant 0 : i32
    %dma_wait3A_1315 = tpu.memref_slice %arg5[%dma_wait3A_1311, %dma_wait3A_1312, %dma_wait3A_1313, %dma_wait3A_1314] : memref<3x32x8x128xf32, #tpu.memory_space<vmem>> -> memref<1x32x8x128xf32, #tpu.memory_space<vmem>>
    %dma_wait3A_1316 = tpu.memref_squeeze %dma_wait3A_1315 : memref<1x32x8x128xf32, #tpu.memory_space<vmem>> -> memref<32x8x128xf32, #tpu.memory_space<vmem>>
    %dma_wait3A_1317 = arith.constant 0 : i32
    %dma_wait3A_1318 = arith.constant 0 : i32
    %dma_wait3A_1319 = tpu.memref_slice %arg3[%add3A_935, %dma_wait3A_1317, %dma_wait3A_1318] : memref<4096x8x128xf32, #tpu.memory_space<hbm>> -> memref<32x8x128xf32, #tpu.memory_space<hbm>>
    %dma_wait3A_1320 = arith.constant 0 : i32
    %dma_wait3A_1321 = arith.constant 0 : i32
    %dma_wait3A_1322 = arith.constant 0 : i32
    %dma_wait3A_1323 = tpu.memref_slice %arg5[%dma_wait3A_1311, %dma_wait3A_1320, %dma_wait3A_1321, %dma_wait3A_1322] : memref<3x32x8x128xf32, #tpu.memory_space<vmem>> -> memref<1x32x8x128xf32, #tpu.memory_space<vmem>>
    %dma_wait3A_1324 = tpu.memref_squeeze %dma_wait3A_1323 : memref<1x32x8x128xf32, #tpu.memory_space<vmem>> -> memref<32x8x128xf32, #tpu.memory_space<vmem>>
    %dma_wait3A_1325 = arith.constant 0 : i32
    %dma_wait3A_1326 = arith.constant 0 : i32
    %dma_wait3A_1327 = tpu.memref_slice %arg3[%add3A_935, %dma_wait3A_1325, %dma_wait3A_1326] : memref<4096x8x128xf32, #tpu.memory_space<hbm>> -> memref<32x8x128xf32, #tpu.memory_space<hbm>>
    tpu.wait_dma2 semaphore(%arg6 : memref<!tpu.dma_semaphore, #tpu.memory_space<semaphore_mem>>) src(%dma_wait3A_1327 : memref<32x8x128xf32, #tpu.memory_space<hbm>>) dst(%dma_wait3A_1324 : memref<32x8x128xf32, #tpu.memory_space<vmem>>)
    %add3A_1328 = arith.constant 0 : i32
    %add3A_1329 = arith.addi %mul3A_2, %add3A_1328 : i32
    %dma_start3A_1330 = arith.constant 1 : i32
    %dma_start3A_1331 = arith.constant 0 : i32
    %dma_start3A_1332 = arith.constant 0 : i32
    %dma_start3A_1333 = arith.constant 0 : i32
    %dma_start3A_1334 = arith.constant 0 : i32
    %dma_start3A_1335 = tpu.memref_slice %arg5[%dma_start3A_1330, %dma_start3A_1332, %dma_start3A_1333, %dma_start3A_1334] : memref<3x32x8x128xf32, #tpu.memory_space<vmem>> -> memref<1x32x8x128xf32, #tpu.memory_space<vmem>>
    %dma_start3A_1336 = tpu.memref_squeeze %dma_start3A_1335 : memref<1x32x8x128xf32, #tpu.memory_space<vmem>> -> memref<32x8x128xf32, #tpu.memory_space<vmem>>
    %dma_start3A_1337 = arith.constant 0 : i32
    %dma_start3A_1338 = arith.constant 128 : i32
    %dma_start3A_1339 = tpu.memref_slice %arg4[%add3A_1329, %dma_start3A_1337, %dma_start3A_1331, %dma_start3A_1338] : memref<4096x8x8x256xf32, #tpu.memory_space<hbm>> -> memref<32x8x1x128xf32, #tpu.memory_space<hbm>>
    %dma_start3A_1340 = tpu.memref_squeeze %dma_start3A_1339 : memref<32x8x1x128xf32, #tpu.memory_space<hbm>> -> memref<32x8x128xf32, #tpu.memory_space<hbm>>
    %dma_start3A_1341 = arith.constant 0 : i32
    %dma_start3A_1342 = arith.constant 128 : i32
    %dma_start3A_1343 = tpu.memref_slice %arg4[%add3A_1329, %dma_start3A_1341, %dma_start3A_1331, %dma_start3A_1342] : memref<4096x8x8x256xf32, #tpu.memory_space<hbm>> -> memref<32x8x1x128xf32, #tpu.memory_space<hbm>>
    %dma_start3A_1344 = tpu.memref_squeeze %dma_start3A_1343 : memref<32x8x1x128xf32, #tpu.memory_space<hbm>> -> memref<32x8x128xf32, #tpu.memory_space<hbm>>
    %dma_start3A_1345 = arith.constant 0 : i32
    %dma_start3A_1346 = arith.constant 0 : i32
    %dma_start3A_1347 = arith.constant 0 : i32
    %dma_start3A_1348 = tpu.memref_slice %arg5[%dma_start3A_1330, %dma_start3A_1345, %dma_start3A_1346, %dma_start3A_1347] : memref<3x32x8x128xf32, #tpu.memory_space<vmem>> -> memref<1x32x8x128xf32, #tpu.memory_space<vmem>>
    %dma_start3A_1349 = tpu.memref_squeeze %dma_start3A_1348 : memref<1x32x8x128xf32, #tpu.memory_space<vmem>> -> memref<32x8x128xf32, #tpu.memory_space<vmem>>
    tpu.enqueue_dma source(%dma_start3A_1349 : memref<32x8x128xf32, #tpu.memory_space<vmem>>) target(%dma_start3A_1344 : memref<32x8x128xf32, #tpu.memory_space<hbm>>) target_semaphore(%arg7 : memref<!tpu.dma_semaphore, #tpu.memory_space<semaphore_mem>>)
    %dma_start3A_1350 = arith.constant 1 : i32
    %dma_start3A_1351 = arith.constant 1 : i32
    %dma_start3A_1352 = arith.constant 0 : i32
    %dma_start3A_1353 = arith.constant 0 : i32
    %dma_start3A_1354 = arith.constant 0 : i32
    %dma_start3A_1355 = tpu.memref_slice %arg5[%dma_start3A_1350, %dma_start3A_1352, %dma_start3A_1353, %dma_start3A_1354] : memref<3x32x8x128xf32, #tpu.memory_space<vmem>> -> memref<1x32x8x128xf32, #tpu.memory_space<vmem>>
    %dma_start3A_1356 = tpu.memref_squeeze %dma_start3A_1355 : memref<1x32x8x128xf32, #tpu.memory_space<vmem>> -> memref<32x8x128xf32, #tpu.memory_space<vmem>>
    %dma_start3A_1357 = arith.constant 0 : i32
    %dma_start3A_1358 = arith.constant 128 : i32
    %dma_start3A_1359 = tpu.memref_slice %arg4[%add3A_1329, %dma_start3A_1357, %dma_start3A_1351, %dma_start3A_1358] : memref<4096x8x8x256xf32, #tpu.memory_space<hbm>> -> memref<32x8x1x128xf32, #tpu.memory_space<hbm>>
    %dma_start3A_1360 = tpu.memref_squeeze %dma_start3A_1359 : memref<32x8x1x128xf32, #tpu.memory_space<hbm>> -> memref<32x8x128xf32, #tpu.memory_space<hbm>>
    %dma_start3A_1361 = arith.constant 0 : i32
    %dma_start3A_1362 = arith.constant 128 : i32
    %dma_start3A_1363 = tpu.memref_slice %arg4[%add3A_1329, %dma_start3A_1361, %dma_start3A_1351, %dma_start3A_1362] : memref<4096x8x8x256xf32, #tpu.memory_space<hbm>> -> memref<32x8x1x128xf32, #tpu.memory_space<hbm>>
    %dma_start3A_1364 = tpu.memref_squeeze %dma_start3A_1363 : memref<32x8x1x128xf32, #tpu.memory_space<hbm>> -> memref<32x8x128xf32, #tpu.memory_space<hbm>>
    %dma_start3A_1365 = arith.constant 0 : i32
    %dma_start3A_1366 = arith.constant 0 : i32
    %dma_start3A_1367 = arith.constant 0 : i32
    %dma_start3A_1368 = tpu.memref_slice %arg5[%dma_start3A_1350, %dma_start3A_1365, %dma_start3A_1366, %dma_start3A_1367] : memref<3x32x8x128xf32, #tpu.memory_space<vmem>> -> memref<1x32x8x128xf32, #tpu.memory_space<vmem>>
    %dma_start3A_1369 = tpu.memref_squeeze %dma_start3A_1368 : memref<1x32x8x128xf32, #tpu.memory_space<vmem>> -> memref<32x8x128xf32, #tpu.memory_space<vmem>>
    tpu.enqueue_dma source(%dma_start3A_1369 : memref<32x8x128xf32, #tpu.memory_space<vmem>>) target(%dma_start3A_1364 : memref<32x8x128xf32, #tpu.memory_space<hbm>>) target_semaphore(%arg7 : memref<!tpu.dma_semaphore, #tpu.memory_space<semaphore_mem>>)
    %dma_start3A_1370 = arith.constant 1 : i32
    %dma_start3A_1371 = arith.constant 2 : i32
    %dma_start3A_1372 = arith.constant 0 : i32
    %dma_start3A_1373 = arith.constant 0 : i32
    %dma_start3A_1374 = arith.constant 0 : i32
    %dma_start3A_1375 = tpu.memref_slice %arg5[%dma_start3A_1370, %dma_start3A_1372, %dma_start3A_1373, %dma_start3A_1374] : memref<3x32x8x128xf32, #tpu.memory_space<vmem>> -> memref<1x32x8x128xf32, #tpu.memory_space<vmem>>
    %dma_start3A_1376 = tpu.memref_squeeze %dma_start3A_1375 : memref<1x32x8x128xf32, #tpu.memory_space<vmem>> -> memref<32x8x128xf32, #tpu.memory_space<vmem>>
    %dma_start3A_1377 = arith.constant 0 : i32
    %dma_start3A_1378 = arith.constant 128 : i32
    %dma_start3A_1379 = tpu.memref_slice %arg4[%add3A_1329, %dma_start3A_1377, %dma_start3A_1371, %dma_start3A_1378] : memref<4096x8x8x256xf32, #tpu.memory_space<hbm>> -> memref<32x8x1x128xf32, #tpu.memory_space<hbm>>
    %dma_start3A_1380 = tpu.memref_squeeze %dma_start3A_1379 : memref<32x8x1x128xf32, #tpu.memory_space<hbm>> -> memref<32x8x128xf32, #tpu.memory_space<hbm>>
    %dma_start3A_1381 = arith.constant 0 : i32
    %dma_start3A_1382 = arith.constant 128 : i32
    %dma_start3A_1383 = tpu.memref_slice %arg4[%add3A_1329, %dma_start3A_1381, %dma_start3A_1371, %dma_start3A_1382] : memref<4096x8x8x256xf32, #tpu.memory_space<hbm>> -> memref<32x8x1x128xf32, #tpu.memory_space<hbm>>
    %dma_start3A_1384 = tpu.memref_squeeze %dma_start3A_1383 : memref<32x8x1x128xf32, #tpu.memory_space<hbm>> -> memref<32x8x128xf32, #tpu.memory_space<hbm>>
    %dma_start3A_1385 = arith.constant 0 : i32
    %dma_start3A_1386 = arith.constant 0 : i32
    %dma_start3A_1387 = arith.constant 0 : i32
    %dma_start3A_1388 = tpu.memref_slice %arg5[%dma_start3A_1370, %dma_start3A_1385, %dma_start3A_1386, %dma_start3A_1387] : memref<3x32x8x128xf32, #tpu.memory_space<vmem>> -> memref<1x32x8x128xf32, #tpu.memory_space<vmem>>
    %dma_start3A_1389 = tpu.memref_squeeze %dma_start3A_1388 : memref<1x32x8x128xf32, #tpu.memory_space<vmem>> -> memref<32x8x128xf32, #tpu.memory_space<vmem>>
    tpu.enqueue_dma source(%dma_start3A_1389 : memref<32x8x128xf32, #tpu.memory_space<vmem>>) target(%dma_start3A_1384 : memref<32x8x128xf32, #tpu.memory_space<hbm>>) target_semaphore(%arg7 : memref<!tpu.dma_semaphore, #tpu.memory_space<semaphore_mem>>)
    %dma_start3A_1390 = arith.constant 1 : i32
    %dma_start3A_1391 = arith.constant 3 : i32
    %dma_start3A_1392 = arith.constant 0 : i32
    %dma_start3A_1393 = arith.constant 0 : i32
    %dma_start3A_1394 = arith.constant 0 : i32
    %dma_start3A_1395 = tpu.memref_slice %arg5[%dma_start3A_1390, %dma_start3A_1392, %dma_start3A_1393, %dma_start3A_1394] : memref<3x32x8x128xf32, #tpu.memory_space<vmem>> -> memref<1x32x8x128xf32, #tpu.memory_space<vmem>>
    %dma_start3A_1396 = tpu.memref_squeeze %dma_start3A_1395 : memref<1x32x8x128xf32, #tpu.memory_space<vmem>> -> memref<32x8x128xf32, #tpu.memory_space<vmem>>
    %dma_start3A_1397 = arith.constant 0 : i32
    %dma_start3A_1398 = arith.constant 128 : i32
    %dma_start3A_1399 = tpu.memref_slice %arg4[%add3A_1329, %dma_start3A_1397, %dma_start3A_1391, %dma_start3A_1398] : memref<4096x8x8x256xf32, #tpu.memory_space<hbm>> -> memref<32x8x1x128xf32, #tpu.memory_space<hbm>>
    %dma_start3A_1400 = tpu.memref_squeeze %dma_start3A_1399 : memref<32x8x1x128xf32, #tpu.memory_space<hbm>> -> memref<32x8x128xf32, #tpu.memory_space<hbm>>
    %dma_start3A_1401 = arith.constant 0 : i32
    %dma_start3A_1402 = arith.constant 128 : i32
    %dma_start3A_1403 = tpu.memref_slice %arg4[%add3A_1329, %dma_start3A_1401, %dma_start3A_1391, %dma_start3A_1402] : memref<4096x8x8x256xf32, #tpu.memory_space<hbm>> -> memref<32x8x1x128xf32, #tpu.memory_space<hbm>>
    %dma_start3A_1404 = tpu.memref_squeeze %dma_start3A_1403 : memref<32x8x1x128xf32, #tpu.memory_space<hbm>> -> memref<32x8x128xf32, #tpu.memory_space<hbm>>
    %dma_start3A_1405 = arith.constant 0 : i32
    %dma_start3A_1406 = arith.constant 0 : i32
    %dma_start3A_1407 = arith.constant 0 : i32
    %dma_start3A_1408 = tpu.memref_slice %arg5[%dma_start3A_1390, %dma_start3A_1405, %dma_start3A_1406, %dma_start3A_1407] : memref<3x32x8x128xf32, #tpu.memory_space<vmem>> -> memref<1x32x8x128xf32, #tpu.memory_space<vmem>>
    %dma_start3A_1409 = tpu.memref_squeeze %dma_start3A_1408 : memref<1x32x8x128xf32, #tpu.memory_space<vmem>> -> memref<32x8x128xf32, #tpu.memory_space<vmem>>
    tpu.enqueue_dma source(%dma_start3A_1409 : memref<32x8x128xf32, #tpu.memory_space<vmem>>) target(%dma_start3A_1404 : memref<32x8x128xf32, #tpu.memory_space<hbm>>) target_semaphore(%arg7 : memref<!tpu.dma_semaphore, #tpu.memory_space<semaphore_mem>>)
    %dma_start3A_1410 = arith.constant 1 : i32
    %dma_start3A_1411 = arith.constant 4 : i32
    %dma_start3A_1412 = arith.constant 0 : i32
    %dma_start3A_1413 = arith.constant 0 : i32
    %dma_start3A_1414 = arith.constant 0 : i32
    %dma_start3A_1415 = tpu.memref_slice %arg5[%dma_start3A_1410, %dma_start3A_1412, %dma_start3A_1413, %dma_start3A_1414] : memref<3x32x8x128xf32, #tpu.memory_space<vmem>> -> memref<1x32x8x128xf32, #tpu.memory_space<vmem>>
    %dma_start3A_1416 = tpu.memref_squeeze %dma_start3A_1415 : memref<1x32x8x128xf32, #tpu.memory_space<vmem>> -> memref<32x8x128xf32, #tpu.memory_space<vmem>>
    %dma_start3A_1417 = arith.constant 0 : i32
    %dma_start3A_1418 = arith.constant 128 : i32
    %dma_start3A_1419 = tpu.memref_slice %arg4[%add3A_1329, %dma_start3A_1417, %dma_start3A_1411, %dma_start3A_1418] : memref<4096x8x8x256xf32, #tpu.memory_space<hbm>> -> memref<32x8x1x128xf32, #tpu.memory_space<hbm>>
    %dma_start3A_1420 = tpu.memref_squeeze %dma_start3A_1419 : memref<32x8x1x128xf32, #tpu.memory_space<hbm>> -> memref<32x8x128xf32, #tpu.memory_space<hbm>>
    %dma_start3A_1421 = arith.constant 0 : i32
    %dma_start3A_1422 = arith.constant 128 : i32
    %dma_start3A_1423 = tpu.memref_slice %arg4[%add3A_1329, %dma_start3A_1421, %dma_start3A_1411, %dma_start3A_1422] : memref<4096x8x8x256xf32, #tpu.memory_space<hbm>> -> memref<32x8x1x128xf32, #tpu.memory_space<hbm>>
    %dma_start3A_1424 = tpu.memref_squeeze %dma_start3A_1423 : memref<32x8x1x128xf32, #tpu.memory_space<hbm>> -> memref<32x8x128xf32, #tpu.memory_space<hbm>>
    %dma_start3A_1425 = arith.constant 0 : i32
    %dma_start3A_1426 = arith.constant 0 : i32
    %dma_start3A_1427 = arith.constant 0 : i32
    %dma_start3A_1428 = tpu.memref_slice %arg5[%dma_start3A_1410, %dma_start3A_1425, %dma_start3A_1426, %dma_start3A_1427] : memref<3x32x8x128xf32, #tpu.memory_space<vmem>> -> memref<1x32x8x128xf32, #tpu.memory_space<vmem>>
    %dma_start3A_1429 = tpu.memref_squeeze %dma_start3A_1428 : memref<1x32x8x128xf32, #tpu.memory_space<vmem>> -> memref<32x8x128xf32, #tpu.memory_space<vmem>>
    tpu.enqueue_dma source(%dma_start3A_1429 : memref<32x8x128xf32, #tpu.memory_space<vmem>>) target(%dma_start3A_1424 : memref<32x8x128xf32, #tpu.memory_space<hbm>>) target_semaphore(%arg7 : memref<!tpu.dma_semaphore, #tpu.memory_space<semaphore_mem>>)
    %dma_start3A_1430 = arith.constant 1 : i32
    %dma_start3A_1431 = arith.constant 5 : i32
    %dma_start3A_1432 = arith.constant 0 : i32
    %dma_start3A_1433 = arith.constant 0 : i32
    %dma_start3A_1434 = arith.constant 0 : i32
    %dma_start3A_1435 = tpu.memref_slice %arg5[%dma_start3A_1430, %dma_start3A_1432, %dma_start3A_1433, %dma_start3A_1434] : memref<3x32x8x128xf32, #tpu.memory_space<vmem>> -> memref<1x32x8x128xf32, #tpu.memory_space<vmem>>
    %dma_start3A_1436 = tpu.memref_squeeze %dma_start3A_1435 : memref<1x32x8x128xf32, #tpu.memory_space<vmem>> -> memref<32x8x128xf32, #tpu.memory_space<vmem>>
    %dma_start3A_1437 = arith.constant 0 : i32
    %dma_start3A_1438 = arith.constant 128 : i32
    %dma_start3A_1439 = tpu.memref_slice %arg4[%add3A_1329, %dma_start3A_1437, %dma_start3A_1431, %dma_start3A_1438] : memref<4096x8x8x256xf32, #tpu.memory_space<hbm>> -> memref<32x8x1x128xf32, #tpu.memory_space<hbm>>
    %dma_start3A_1440 = tpu.memref_squeeze %dma_start3A_1439 : memref<32x8x1x128xf32, #tpu.memory_space<hbm>> -> memref<32x8x128xf32, #tpu.memory_space<hbm>>
    %dma_start3A_1441 = arith.constant 0 : i32
    %dma_start3A_1442 = arith.constant 128 : i32
    %dma_start3A_1443 = tpu.memref_slice %arg4[%add3A_1329, %dma_start3A_1441, %dma_start3A_1431, %dma_start3A_1442] : memref<4096x8x8x256xf32, #tpu.memory_space<hbm>> -> memref<32x8x1x128xf32, #tpu.memory_space<hbm>>
    %dma_start3A_1444 = tpu.memref_squeeze %dma_start3A_1443 : memref<32x8x1x128xf32, #tpu.memory_space<hbm>> -> memref<32x8x128xf32, #tpu.memory_space<hbm>>
    %dma_start3A_1445 = arith.constant 0 : i32
    %dma_start3A_1446 = arith.constant 0 : i32
    %dma_start3A_1447 = arith.constant 0 : i32
    %dma_start3A_1448 = tpu.memref_slice %arg5[%dma_start3A_1430, %dma_start3A_1445, %dma_start3A_1446, %dma_start3A_1447] : memref<3x32x8x128xf32, #tpu.memory_space<vmem>> -> memref<1x32x8x128xf32, #tpu.memory_space<vmem>>
    %dma_start3A_1449 = tpu.memref_squeeze %dma_start3A_1448 : memref<1x32x8x128xf32, #tpu.memory_space<vmem>> -> memref<32x8x128xf32, #tpu.memory_space<vmem>>
    tpu.enqueue_dma source(%dma_start3A_1449 : memref<32x8x128xf32, #tpu.memory_space<vmem>>) target(%dma_start3A_1444 : memref<32x8x128xf32, #tpu.memory_space<hbm>>) target_semaphore(%arg7 : memref<!tpu.dma_semaphore, #tpu.memory_space<semaphore_mem>>)
    %dma_start3A_1450 = arith.constant 1 : i32
    %dma_start3A_1451 = arith.constant 6 : i32
    %dma_start3A_1452 = arith.constant 0 : i32
    %dma_start3A_1453 = arith.constant 0 : i32
    %dma_start3A_1454 = arith.constant 0 : i32
    %dma_start3A_1455 = tpu.memref_slice %arg5[%dma_start3A_1450, %dma_start3A_1452, %dma_start3A_1453, %dma_start3A_1454] : memref<3x32x8x128xf32, #tpu.memory_space<vmem>> -> memref<1x32x8x128xf32, #tpu.memory_space<vmem>>
    %dma_start3A_1456 = tpu.memref_squeeze %dma_start3A_1455 : memref<1x32x8x128xf32, #tpu.memory_space<vmem>> -> memref<32x8x128xf32, #tpu.memory_space<vmem>>
    %dma_start3A_1457 = arith.constant 0 : i32
    %dma_start3A_1458 = arith.constant 128 : i32
    %dma_start3A_1459 = tpu.memref_slice %arg4[%add3A_1329, %dma_start3A_1457, %dma_start3A_1451, %dma_start3A_1458] : memref<4096x8x8x256xf32, #tpu.memory_space<hbm>> -> memref<32x8x1x128xf32, #tpu.memory_space<hbm>>
    %dma_start3A_1460 = tpu.memref_squeeze %dma_start3A_1459 : memref<32x8x1x128xf32, #tpu.memory_space<hbm>> -> memref<32x8x128xf32, #tpu.memory_space<hbm>>
    %dma_start3A_1461 = arith.constant 0 : i32
    %dma_start3A_1462 = arith.constant 128 : i32
    %dma_start3A_1463 = tpu.memref_slice %arg4[%add3A_1329, %dma_start3A_1461, %dma_start3A_1451, %dma_start3A_1462] : memref<4096x8x8x256xf32, #tpu.memory_space<hbm>> -> memref<32x8x1x128xf32, #tpu.memory_space<hbm>>
    %dma_start3A_1464 = tpu.memref_squeeze %dma_start3A_1463 : memref<32x8x1x128xf32, #tpu.memory_space<hbm>> -> memref<32x8x128xf32, #tpu.memory_space<hbm>>
    %dma_start3A_1465 = arith.constant 0 : i32
    %dma_start3A_1466 = arith.constant 0 : i32
    %dma_start3A_1467 = arith.constant 0 : i32
    %dma_start3A_1468 = tpu.memref_slice %arg5[%dma_start3A_1450, %dma_start3A_1465, %dma_start3A_1466, %dma_start3A_1467] : memref<3x32x8x128xf32, #tpu.memory_space<vmem>> -> memref<1x32x8x128xf32, #tpu.memory_space<vmem>>
    %dma_start3A_1469 = tpu.memref_squeeze %dma_start3A_1468 : memref<1x32x8x128xf32, #tpu.memory_space<vmem>> -> memref<32x8x128xf32, #tpu.memory_space<vmem>>
    tpu.enqueue_dma source(%dma_start3A_1469 : memref<32x8x128xf32, #tpu.memory_space<vmem>>) target(%dma_start3A_1464 : memref<32x8x128xf32, #tpu.memory_space<hbm>>) target_semaphore(%arg7 : memref<!tpu.dma_semaphore, #tpu.memory_space<semaphore_mem>>)
    %dma_start3A_1470 = arith.constant 1 : i32
    %dma_start3A_1471 = arith.constant 7 : i32
    %dma_start3A_1472 = arith.constant 0 : i32
    %dma_start3A_1473 = arith.constant 0 : i32
    %dma_start3A_1474 = arith.constant 0 : i32
    %dma_start3A_1475 = tpu.memref_slice %arg5[%dma_start3A_1470, %dma_start3A_1472, %dma_start3A_1473, %dma_start3A_1474] : memref<3x32x8x128xf32, #tpu.memory_space<vmem>> -> memref<1x32x8x128xf32, #tpu.memory_space<vmem>>
    %dma_start3A_1476 = tpu.memref_squeeze %dma_start3A_1475 : memref<1x32x8x128xf32, #tpu.memory_space<vmem>> -> memref<32x8x128xf32, #tpu.memory_space<vmem>>
    %dma_start3A_1477 = arith.constant 0 : i32
    %dma_start3A_1478 = arith.constant 128 : i32
    %dma_start3A_1479 = tpu.memref_slice %arg4[%add3A_1329, %dma_start3A_1477, %dma_start3A_1471, %dma_start3A_1478] : memref<4096x8x8x256xf32, #tpu.memory_space<hbm>> -> memref<32x8x1x128xf32, #tpu.memory_space<hbm>>
    %dma_start3A_1480 = tpu.memref_squeeze %dma_start3A_1479 : memref<32x8x1x128xf32, #tpu.memory_space<hbm>> -> memref<32x8x128xf32, #tpu.memory_space<hbm>>
    %dma_start3A_1481 = arith.constant 0 : i32
    %dma_start3A_1482 = arith.constant 128 : i32
    %dma_start3A_1483 = tpu.memref_slice %arg4[%add3A_1329, %dma_start3A_1481, %dma_start3A_1471, %dma_start3A_1482] : memref<4096x8x8x256xf32, #tpu.memory_space<hbm>> -> memref<32x8x1x128xf32, #tpu.memory_space<hbm>>
    %dma_start3A_1484 = tpu.memref_squeeze %dma_start3A_1483 : memref<32x8x1x128xf32, #tpu.memory_space<hbm>> -> memref<32x8x128xf32, #tpu.memory_space<hbm>>
    %dma_start3A_1485 = arith.constant 0 : i32
    %dma_start3A_1486 = arith.constant 0 : i32
    %dma_start3A_1487 = arith.constant 0 : i32
    %dma_start3A_1488 = tpu.memref_slice %arg5[%dma_start3A_1470, %dma_start3A_1485, %dma_start3A_1486, %dma_start3A_1487] : memref<3x32x8x128xf32, #tpu.memory_space<vmem>> -> memref<1x32x8x128xf32, #tpu.memory_space<vmem>>
    %dma_start3A_1489 = tpu.memref_squeeze %dma_start3A_1488 : memref<1x32x8x128xf32, #tpu.memory_space<vmem>> -> memref<32x8x128xf32, #tpu.memory_space<vmem>>
    tpu.enqueue_dma source(%dma_start3A_1489 : memref<32x8x128xf32, #tpu.memory_space<vmem>>) target(%dma_start3A_1484 : memref<32x8x128xf32, #tpu.memory_space<hbm>>) target_semaphore(%arg7 : memref<!tpu.dma_semaphore, #tpu.memory_space<semaphore_mem>>)
    %dma_wait3A_1490 = arith.constant 0 : i32
    %dma_wait3A_1491 = arith.constant 0 : i32
    %dma_wait3A_1492 = arith.constant 0 : i32
    %dma_wait3A_1493 = arith.constant 0 : i32
    %dma_wait3A_1494 = arith.constant 0 : i32
    %dma_wait3A_1495 = tpu.memref_slice %arg5[%dma_wait3A_1490, %dma_wait3A_1492, %dma_wait3A_1493, %dma_wait3A_1494] : memref<3x32x8x128xf32, #tpu.memory_space<vmem>> -> memref<1x32x8x128xf32, #tpu.memory_space<vmem>>
    %dma_wait3A_1496 = tpu.memref_squeeze %dma_wait3A_1495 : memref<1x32x8x128xf32, #tpu.memory_space<vmem>> -> memref<32x8x128xf32, #tpu.memory_space<vmem>>
    %dma_wait3A_1497 = arith.constant 0 : i32
    %dma_wait3A_1498 = arith.constant 0 : i32
    %dma_wait3A_1499 = tpu.memref_slice %arg4[%add3A_971, %dma_wait3A_1491, %dma_wait3A_1497, %dma_wait3A_1498] : memref<4096x8x8x256xf32, #tpu.memory_space<hbm>> -> memref<32x1x8x128xf32, #tpu.memory_space<hbm>>
    %dma_wait3A_1500 = tpu.memref_squeeze %dma_wait3A_1499 : memref<32x1x8x128xf32, #tpu.memory_space<hbm>> -> memref<32x8x128xf32, #tpu.memory_space<hbm>>
    %dma_wait3A_1501 = arith.constant 0 : i32
    %dma_wait3A_1502 = arith.constant 0 : i32
    %dma_wait3A_1503 = tpu.memref_slice %arg4[%add3A_971, %dma_wait3A_1491, %dma_wait3A_1501, %dma_wait3A_1502] : memref<4096x8x8x256xf32, #tpu.memory_space<hbm>> -> memref<32x1x8x128xf32, #tpu.memory_space<hbm>>
    %dma_wait3A_1504 = tpu.memref_squeeze %dma_wait3A_1503 : memref<32x1x8x128xf32, #tpu.memory_space<hbm>> -> memref<32x8x128xf32, #tpu.memory_space<hbm>>
    %dma_wait3A_1505 = arith.constant 0 : i32
    %dma_wait3A_1506 = arith.constant 0 : i32
    %dma_wait3A_1507 = arith.constant 0 : i32
    %dma_wait3A_1508 = tpu.memref_slice %arg5[%dma_wait3A_1490, %dma_wait3A_1505, %dma_wait3A_1506, %dma_wait3A_1507] : memref<3x32x8x128xf32, #tpu.memory_space<vmem>> -> memref<1x32x8x128xf32, #tpu.memory_space<vmem>>
    %dma_wait3A_1509 = tpu.memref_squeeze %dma_wait3A_1508 : memref<1x32x8x128xf32, #tpu.memory_space<vmem>> -> memref<32x8x128xf32, #tpu.memory_space<vmem>>
    tpu.wait_dma2 semaphore(%arg7 : memref<!tpu.dma_semaphore, #tpu.memory_space<semaphore_mem>>) src(%dma_wait3A_1509 : memref<32x8x128xf32, #tpu.memory_space<vmem>>) dst(%dma_wait3A_1504 : memref<32x8x128xf32, #tpu.memory_space<hbm>>)
    %dma_wait3A_1510 = arith.constant 0 : i32
    %dma_wait3A_1511 = arith.constant 1 : i32
    %dma_wait3A_1512 = arith.constant 0 : i32
    %dma_wait3A_1513 = arith.constant 0 : i32
    %dma_wait3A_1514 = arith.constant 0 : i32
    %dma_wait3A_1515 = tpu.memref_slice %arg5[%dma_wait3A_1510, %dma_wait3A_1512, %dma_wait3A_1513, %dma_wait3A_1514] : memref<3x32x8x128xf32, #tpu.memory_space<vmem>> -> memref<1x32x8x128xf32, #tpu.memory_space<vmem>>
    %dma_wait3A_1516 = tpu.memref_squeeze %dma_wait3A_1515 : memref<1x32x8x128xf32, #tpu.memory_space<vmem>> -> memref<32x8x128xf32, #tpu.memory_space<vmem>>
    %dma_wait3A_1517 = arith.constant 0 : i32
    %dma_wait3A_1518 = arith.constant 0 : i32
    %dma_wait3A_1519 = tpu.memref_slice %arg4[%add3A_971, %dma_wait3A_1511, %dma_wait3A_1517, %dma_wait3A_1518] : memref<4096x8x8x256xf32, #tpu.memory_space<hbm>> -> memref<32x1x8x128xf32, #tpu.memory_space<hbm>>
    %dma_wait3A_1520 = tpu.memref_squeeze %dma_wait3A_1519 : memref<32x1x8x128xf32, #tpu.memory_space<hbm>> -> memref<32x8x128xf32, #tpu.memory_space<hbm>>
    %dma_wait3A_1521 = arith.constant 0 : i32
    %dma_wait3A_1522 = arith.constant 0 : i32
    %dma_wait3A_1523 = tpu.memref_slice %arg4[%add3A_971, %dma_wait3A_1511, %dma_wait3A_1521, %dma_wait3A_1522] : memref<4096x8x8x256xf32, #tpu.memory_space<hbm>> -> memref<32x1x8x128xf32, #tpu.memory_space<hbm>>
    %dma_wait3A_1524 = tpu.memref_squeeze %dma_wait3A_1523 : memref<32x1x8x128xf32, #tpu.memory_space<hbm>> -> memref<32x8x128xf32, #tpu.memory_space<hbm>>
    %dma_wait3A_1525 = arith.constant 0 : i32
    %dma_wait3A_1526 = arith.constant 0 : i32
    %dma_wait3A_1527 = arith.constant 0 : i32
    %dma_wait3A_1528 = tpu.memref_slice %arg5[%dma_wait3A_1510, %dma_wait3A_1525, %dma_wait3A_1526, %dma_wait3A_1527] : memref<3x32x8x128xf32, #tpu.memory_space<vmem>> -> memref<1x32x8x128xf32, #tpu.memory_space<vmem>>
    %dma_wait3A_1529 = tpu.memref_squeeze %dma_wait3A_1528 : memref<1x32x8x128xf32, #tpu.memory_space<vmem>> -> memref<32x8x128xf32, #tpu.memory_space<vmem>>
    tpu.wait_dma2 semaphore(%arg7 : memref<!tpu.dma_semaphore, #tpu.memory_space<semaphore_mem>>) src(%dma_wait3A_1529 : memref<32x8x128xf32, #tpu.memory_space<vmem>>) dst(%dma_wait3A_1524 : memref<32x8x128xf32, #tpu.memory_space<hbm>>)
    %dma_wait3A_1530 = arith.constant 0 : i32
    %dma_wait3A_1531 = arith.constant 2 : i32
    %dma_wait3A_1532 = arith.constant 0 : i32
    %dma_wait3A_1533 = arith.constant 0 : i32
    %dma_wait3A_1534 = arith.constant 0 : i32
    %dma_wait3A_1535 = tpu.memref_slice %arg5[%dma_wait3A_1530, %dma_wait3A_1532, %dma_wait3A_1533, %dma_wait3A_1534] : memref<3x32x8x128xf32, #tpu.memory_space<vmem>> -> memref<1x32x8x128xf32, #tpu.memory_space<vmem>>
    %dma_wait3A_1536 = tpu.memref_squeeze %dma_wait3A_1535 : memref<1x32x8x128xf32, #tpu.memory_space<vmem>> -> memref<32x8x128xf32, #tpu.memory_space<vmem>>
    %dma_wait3A_1537 = arith.constant 0 : i32
    %dma_wait3A_1538 = arith.constant 0 : i32
    %dma_wait3A_1539 = tpu.memref_slice %arg4[%add3A_971, %dma_wait3A_1531, %dma_wait3A_1537, %dma_wait3A_1538] : memref<4096x8x8x256xf32, #tpu.memory_space<hbm>> -> memref<32x1x8x128xf32, #tpu.memory_space<hbm>>
    %dma_wait3A_1540 = tpu.memref_squeeze %dma_wait3A_1539 : memref<32x1x8x128xf32, #tpu.memory_space<hbm>> -> memref<32x8x128xf32, #tpu.memory_space<hbm>>
    %dma_wait3A_1541 = arith.constant 0 : i32
    %dma_wait3A_1542 = arith.constant 0 : i32
    %dma_wait3A_1543 = tpu.memref_slice %arg4[%add3A_971, %dma_wait3A_1531, %dma_wait3A_1541, %dma_wait3A_1542] : memref<4096x8x8x256xf32, #tpu.memory_space<hbm>> -> memref<32x1x8x128xf32, #tpu.memory_space<hbm>>
    %dma_wait3A_1544 = tpu.memref_squeeze %dma_wait3A_1543 : memref<32x1x8x128xf32, #tpu.memory_space<hbm>> -> memref<32x8x128xf32, #tpu.memory_space<hbm>>
    %dma_wait3A_1545 = arith.constant 0 : i32
    %dma_wait3A_1546 = arith.constant 0 : i32
    %dma_wait3A_1547 = arith.constant 0 : i32
    %dma_wait3A_1548 = tpu.memref_slice %arg5[%dma_wait3A_1530, %dma_wait3A_1545, %dma_wait3A_1546, %dma_wait3A_1547] : memref<3x32x8x128xf32, #tpu.memory_space<vmem>> -> memref<1x32x8x128xf32, #tpu.memory_space<vmem>>
    %dma_wait3A_1549 = tpu.memref_squeeze %dma_wait3A_1548 : memref<1x32x8x128xf32, #tpu.memory_space<vmem>> -> memref<32x8x128xf32, #tpu.memory_space<vmem>>
    tpu.wait_dma2 semaphore(%arg7 : memref<!tpu.dma_semaphore, #tpu.memory_space<semaphore_mem>>) src(%dma_wait3A_1549 : memref<32x8x128xf32, #tpu.memory_space<vmem>>) dst(%dma_wait3A_1544 : memref<32x8x128xf32, #tpu.memory_space<hbm>>)
    %dma_wait3A_1550 = arith.constant 0 : i32
    %dma_wait3A_1551 = arith.constant 3 : i32
    %dma_wait3A_1552 = arith.constant 0 : i32
    %dma_wait3A_1553 = arith.constant 0 : i32
    %dma_wait3A_1554 = arith.constant 0 : i32
    %dma_wait3A_1555 = tpu.memref_slice %arg5[%dma_wait3A_1550, %dma_wait3A_1552, %dma_wait3A_1553, %dma_wait3A_1554] : memref<3x32x8x128xf32, #tpu.memory_space<vmem>> -> memref<1x32x8x128xf32, #tpu.memory_space<vmem>>
    %dma_wait3A_1556 = tpu.memref_squeeze %dma_wait3A_1555 : memref<1x32x8x128xf32, #tpu.memory_space<vmem>> -> memref<32x8x128xf32, #tpu.memory_space<vmem>>
    %dma_wait3A_1557 = arith.constant 0 : i32
    %dma_wait3A_1558 = arith.constant 0 : i32
    %dma_wait3A_1559 = tpu.memref_slice %arg4[%add3A_971, %dma_wait3A_1551, %dma_wait3A_1557, %dma_wait3A_1558] : memref<4096x8x8x256xf32, #tpu.memory_space<hbm>> -> memref<32x1x8x128xf32, #tpu.memory_space<hbm>>
    %dma_wait3A_1560 = tpu.memref_squeeze %dma_wait3A_1559 : memref<32x1x8x128xf32, #tpu.memory_space<hbm>> -> memref<32x8x128xf32, #tpu.memory_space<hbm>>
    %dma_wait3A_1561 = arith.constant 0 : i32
    %dma_wait3A_1562 = arith.constant 0 : i32
    %dma_wait3A_1563 = tpu.memref_slice %arg4[%add3A_971, %dma_wait3A_1551, %dma_wait3A_1561, %dma_wait3A_1562] : memref<4096x8x8x256xf32, #tpu.memory_space<hbm>> -> memref<32x1x8x128xf32, #tpu.memory_space<hbm>>
    %dma_wait3A_1564 = tpu.memref_squeeze %dma_wait3A_1563 : memref<32x1x8x128xf32, #tpu.memory_space<hbm>> -> memref<32x8x128xf32, #tpu.memory_space<hbm>>
    %dma_wait3A_1565 = arith.constant 0 : i32
    %dma_wait3A_1566 = arith.constant 0 : i32
    %dma_wait3A_1567 = arith.constant 0 : i32
    %dma_wait3A_1568 = tpu.memref_slice %arg5[%dma_wait3A_1550, %dma_wait3A_1565, %dma_wait3A_1566, %dma_wait3A_1567] : memref<3x32x8x128xf32, #tpu.memory_space<vmem>> -> memref<1x32x8x128xf32, #tpu.memory_space<vmem>>
    %dma_wait3A_1569 = tpu.memref_squeeze %dma_wait3A_1568 : memref<1x32x8x128xf32, #tpu.memory_space<vmem>> -> memref<32x8x128xf32, #tpu.memory_space<vmem>>
    tpu.wait_dma2 semaphore(%arg7 : memref<!tpu.dma_semaphore, #tpu.memory_space<semaphore_mem>>) src(%dma_wait3A_1569 : memref<32x8x128xf32, #tpu.memory_space<vmem>>) dst(%dma_wait3A_1564 : memref<32x8x128xf32, #tpu.memory_space<hbm>>)
    %dma_wait3A_1570 = arith.constant 0 : i32
    %dma_wait3A_1571 = arith.constant 4 : i32
    %dma_wait3A_1572 = arith.constant 0 : i32
    %dma_wait3A_1573 = arith.constant 0 : i32
    %dma_wait3A_1574 = arith.constant 0 : i32
    %dma_wait3A_1575 = tpu.memref_slice %arg5[%dma_wait3A_1570, %dma_wait3A_1572, %dma_wait3A_1573, %dma_wait3A_1574] : memref<3x32x8x128xf32, #tpu.memory_space<vmem>> -> memref<1x32x8x128xf32, #tpu.memory_space<vmem>>
    %dma_wait3A_1576 = tpu.memref_squeeze %dma_wait3A_1575 : memref<1x32x8x128xf32, #tpu.memory_space<vmem>> -> memref<32x8x128xf32, #tpu.memory_space<vmem>>
    %dma_wait3A_1577 = arith.constant 0 : i32
    %dma_wait3A_1578 = arith.constant 0 : i32
    %dma_wait3A_1579 = tpu.memref_slice %arg4[%add3A_971, %dma_wait3A_1571, %dma_wait3A_1577, %dma_wait3A_1578] : memref<4096x8x8x256xf32, #tpu.memory_space<hbm>> -> memref<32x1x8x128xf32, #tpu.memory_space<hbm>>
    %dma_wait3A_1580 = tpu.memref_squeeze %dma_wait3A_1579 : memref<32x1x8x128xf32, #tpu.memory_space<hbm>> -> memref<32x8x128xf32, #tpu.memory_space<hbm>>
    %dma_wait3A_1581 = arith.constant 0 : i32
    %dma_wait3A_1582 = arith.constant 0 : i32
    %dma_wait3A_1583 = tpu.memref_slice %arg4[%add3A_971, %dma_wait3A_1571, %dma_wait3A_1581, %dma_wait3A_1582] : memref<4096x8x8x256xf32, #tpu.memory_space<hbm>> -> memref<32x1x8x128xf32, #tpu.memory_space<hbm>>
    %dma_wait3A_1584 = tpu.memref_squeeze %dma_wait3A_1583 : memref<32x1x8x128xf32, #tpu.memory_space<hbm>> -> memref<32x8x128xf32, #tpu.memory_space<hbm>>
    %dma_wait3A_1585 = arith.constant 0 : i32
    %dma_wait3A_1586 = arith.constant 0 : i32
    %dma_wait3A_1587 = arith.constant 0 : i32
    %dma_wait3A_1588 = tpu.memref_slice %arg5[%dma_wait3A_1570, %dma_wait3A_1585, %dma_wait3A_1586, %dma_wait3A_1587] : memref<3x32x8x128xf32, #tpu.memory_space<vmem>> -> memref<1x32x8x128xf32, #tpu.memory_space<vmem>>
    %dma_wait3A_1589 = tpu.memref_squeeze %dma_wait3A_1588 : memref<1x32x8x128xf32, #tpu.memory_space<vmem>> -> memref<32x8x128xf32, #tpu.memory_space<vmem>>
    tpu.wait_dma2 semaphore(%arg7 : memref<!tpu.dma_semaphore, #tpu.memory_space<semaphore_mem>>) src(%dma_wait3A_1589 : memref<32x8x128xf32, #tpu.memory_space<vmem>>) dst(%dma_wait3A_1584 : memref<32x8x128xf32, #tpu.memory_space<hbm>>)
    %dma_wait3A_1590 = arith.constant 0 : i32
    %dma_wait3A_1591 = arith.constant 5 : i32
    %dma_wait3A_1592 = arith.constant 0 : i32
    %dma_wait3A_1593 = arith.constant 0 : i32
    %dma_wait3A_1594 = arith.constant 0 : i32
    %dma_wait3A_1595 = tpu.memref_slice %arg5[%dma_wait3A_1590, %dma_wait3A_1592, %dma_wait3A_1593, %dma_wait3A_1594] : memref<3x32x8x128xf32, #tpu.memory_space<vmem>> -> memref<1x32x8x128xf32, #tpu.memory_space<vmem>>
    %dma_wait3A_1596 = tpu.memref_squeeze %dma_wait3A_1595 : memref<1x32x8x128xf32, #tpu.memory_space<vmem>> -> memref<32x8x128xf32, #tpu.memory_space<vmem>>
    %dma_wait3A_1597 = arith.constant 0 : i32
    %dma_wait3A_1598 = arith.constant 0 : i32
    %dma_wait3A_1599 = tpu.memref_slice %arg4[%add3A_971, %dma_wait3A_1591, %dma_wait3A_1597, %dma_wait3A_1598] : memref<4096x8x8x256xf32, #tpu.memory_space<hbm>> -> memref<32x1x8x128xf32, #tpu.memory_space<hbm>>
    %dma_wait3A_1600 = tpu.memref_squeeze %dma_wait3A_1599 : memref<32x1x8x128xf32, #tpu.memory_space<hbm>> -> memref<32x8x128xf32, #tpu.memory_space<hbm>>
    %dma_wait3A_1601 = arith.constant 0 : i32
    %dma_wait3A_1602 = arith.constant 0 : i32
    %dma_wait3A_1603 = tpu.memref_slice %arg4[%add3A_971, %dma_wait3A_1591, %dma_wait3A_1601, %dma_wait3A_1602] : memref<4096x8x8x256xf32, #tpu.memory_space<hbm>> -> memref<32x1x8x128xf32, #tpu.memory_space<hbm>>
    %dma_wait3A_1604 = tpu.memref_squeeze %dma_wait3A_1603 : memref<32x1x8x128xf32, #tpu.memory_space<hbm>> -> memref<32x8x128xf32, #tpu.memory_space<hbm>>
    %dma_wait3A_1605 = arith.constant 0 : i32
    %dma_wait3A_1606 = arith.constant 0 : i32
    %dma_wait3A_1607 = arith.constant 0 : i32
    %dma_wait3A_1608 = tpu.memref_slice %arg5[%dma_wait3A_1590, %dma_wait3A_1605, %dma_wait3A_1606, %dma_wait3A_1607] : memref<3x32x8x128xf32, #tpu.memory_space<vmem>> -> memref<1x32x8x128xf32, #tpu.memory_space<vmem>>
    %dma_wait3A_1609 = tpu.memref_squeeze %dma_wait3A_1608 : memref<1x32x8x128xf32, #tpu.memory_space<vmem>> -> memref<32x8x128xf32, #tpu.memory_space<vmem>>
    tpu.wait_dma2 semaphore(%arg7 : memref<!tpu.dma_semaphore, #tpu.memory_space<semaphore_mem>>) src(%dma_wait3A_1609 : memref<32x8x128xf32, #tpu.memory_space<vmem>>) dst(%dma_wait3A_1604 : memref<32x8x128xf32, #tpu.memory_space<hbm>>)
    %dma_wait3A_1610 = arith.constant 0 : i32
    %dma_wait3A_1611 = arith.constant 6 : i32
    %dma_wait3A_1612 = arith.constant 0 : i32
    %dma_wait3A_1613 = arith.constant 0 : i32
    %dma_wait3A_1614 = arith.constant 0 : i32
    %dma_wait3A_1615 = tpu.memref_slice %arg5[%dma_wait3A_1610, %dma_wait3A_1612, %dma_wait3A_1613, %dma_wait3A_1614] : memref<3x32x8x128xf32, #tpu.memory_space<vmem>> -> memref<1x32x8x128xf32, #tpu.memory_space<vmem>>
    %dma_wait3A_1616 = tpu.memref_squeeze %dma_wait3A_1615 : memref<1x32x8x128xf32, #tpu.memory_space<vmem>> -> memref<32x8x128xf32, #tpu.memory_space<vmem>>
    %dma_wait3A_1617 = arith.constant 0 : i32
    %dma_wait3A_1618 = arith.constant 0 : i32
    %dma_wait3A_1619 = tpu.memref_slice %arg4[%add3A_971, %dma_wait3A_1611, %dma_wait3A_1617, %dma_wait3A_1618] : memref<4096x8x8x256xf32, #tpu.memory_space<hbm>> -> memref<32x1x8x128xf32, #tpu.memory_space<hbm>>
    %dma_wait3A_1620 = tpu.memref_squeeze %dma_wait3A_1619 : memref<32x1x8x128xf32, #tpu.memory_space<hbm>> -> memref<32x8x128xf32, #tpu.memory_space<hbm>>
    %dma_wait3A_1621 = arith.constant 0 : i32
    %dma_wait3A_1622 = arith.constant 0 : i32
    %dma_wait3A_1623 = tpu.memref_slice %arg4[%add3A_971, %dma_wait3A_1611, %dma_wait3A_1621, %dma_wait3A_1622] : memref<4096x8x8x256xf32, #tpu.memory_space<hbm>> -> memref<32x1x8x128xf32, #tpu.memory_space<hbm>>
    %dma_wait3A_1624 = tpu.memref_squeeze %dma_wait3A_1623 : memref<32x1x8x128xf32, #tpu.memory_space<hbm>> -> memref<32x8x128xf32, #tpu.memory_space<hbm>>
    %dma_wait3A_1625 = arith.constant 0 : i32
    %dma_wait3A_1626 = arith.constant 0 : i32
    %dma_wait3A_1627 = arith.constant 0 : i32
    %dma_wait3A_1628 = tpu.memref_slice %arg5[%dma_wait3A_1610, %dma_wait3A_1625, %dma_wait3A_1626, %dma_wait3A_1627] : memref<3x32x8x128xf32, #tpu.memory_space<vmem>> -> memref<1x32x8x128xf32, #tpu.memory_space<vmem>>
    %dma_wait3A_1629 = tpu.memref_squeeze %dma_wait3A_1628 : memref<1x32x8x128xf32, #tpu.memory_space<vmem>> -> memref<32x8x128xf32, #tpu.memory_space<vmem>>
    tpu.wait_dma2 semaphore(%arg7 : memref<!tpu.dma_semaphore, #tpu.memory_space<semaphore_mem>>) src(%dma_wait3A_1629 : memref<32x8x128xf32, #tpu.memory_space<vmem>>) dst(%dma_wait3A_1624 : memref<32x8x128xf32, #tpu.memory_space<hbm>>)
    %dma_wait3A_1630 = arith.constant 0 : i32
    %dma_wait3A_1631 = arith.constant 7 : i32
    %dma_wait3A_1632 = arith.constant 0 : i32
    %dma_wait3A_1633 = arith.constant 0 : i32
    %dma_wait3A_1634 = arith.constant 0 : i32
    %dma_wait3A_1635 = tpu.memref_slice %arg5[%dma_wait3A_1630, %dma_wait3A_1632, %dma_wait3A_1633, %dma_wait3A_1634] : memref<3x32x8x128xf32, #tpu.memory_space<vmem>> -> memref<1x32x8x128xf32, #tpu.memory_space<vmem>>
    %dma_wait3A_1636 = tpu.memref_squeeze %dma_wait3A_1635 : memref<1x32x8x128xf32, #tpu.memory_space<vmem>> -> memref<32x8x128xf32, #tpu.memory_space<vmem>>
    %dma_wait3A_1637 = arith.constant 0 : i32
    %dma_wait3A_1638 = arith.constant 0 : i32
    %dma_wait3A_1639 = tpu.memref_slice %arg4[%add3A_971, %dma_wait3A_1631, %dma_wait3A_1637, %dma_wait3A_1638] : memref<4096x8x8x256xf32, #tpu.memory_space<hbm>> -> memref<32x1x8x128xf32, #tpu.memory_space<hbm>>
    %dma_wait3A_1640 = tpu.memref_squeeze %dma_wait3A_1639 : memref<32x1x8x128xf32, #tpu.memory_space<hbm>> -> memref<32x8x128xf32, #tpu.memory_space<hbm>>
    %dma_wait3A_1641 = arith.constant 0 : i32
    %dma_wait3A_1642 = arith.constant 0 : i32
    %dma_wait3A_1643 = tpu.memref_slice %arg4[%add3A_971, %dma_wait3A_1631, %dma_wait3A_1641, %dma_wait3A_1642] : memref<4096x8x8x256xf32, #tpu.memory_space<hbm>> -> memref<32x1x8x128xf32, #tpu.memory_space<hbm>>
    %dma_wait3A_1644 = tpu.memref_squeeze %dma_wait3A_1643 : memref<32x1x8x128xf32, #tpu.memory_space<hbm>> -> memref<32x8x128xf32, #tpu.memory_space<hbm>>
    %dma_wait3A_1645 = arith.constant 0 : i32
    %dma_wait3A_1646 = arith.constant 0 : i32
    %dma_wait3A_1647 = arith.constant 0 : i32
    %dma_wait3A_1648 = tpu.memref_slice %arg5[%dma_wait3A_1630, %dma_wait3A_1645, %dma_wait3A_1646, %dma_wait3A_1647] : memref<3x32x8x128xf32, #tpu.memory_space<vmem>> -> memref<1x32x8x128xf32, #tpu.memory_space<vmem>>
    %dma_wait3A_1649 = tpu.memref_squeeze %dma_wait3A_1648 : memref<1x32x8x128xf32, #tpu.memory_space<vmem>> -> memref<32x8x128xf32, #tpu.memory_space<vmem>>
    tpu.wait_dma2 semaphore(%arg7 : memref<!tpu.dma_semaphore, #tpu.memory_space<semaphore_mem>>) src(%dma_wait3A_1649 : memref<32x8x128xf32, #tpu.memory_space<vmem>>) dst(%dma_wait3A_1644 : memref<32x8x128xf32, #tpu.memory_space<hbm>>)
    %add3A_1650 = arith.constant 64 : i32
    %add3A_1651 = arith.addi %mul3A_2, %add3A_1650 : i32
    %dma_start3A_1652 = arith.constant 0 : i32
    %dma_start3A_1653 = arith.constant 0 : i32
    %dma_start3A_1654 = arith.constant 0 : i32
    %dma_start3A_1655 = arith.constant 0 : i32
    %dma_start3A_1656 = tpu.memref_slice %arg5[%dma_start3A_1652, %dma_start3A_1653, %dma_start3A_1654, %dma_start3A_1655] : memref<3x32x8x128xf32, #tpu.memory_space<vmem>> -> memref<1x32x8x128xf32, #tpu.memory_space<vmem>>
    %dma_start3A_1657 = tpu.memref_squeeze %dma_start3A_1656 : memref<1x32x8x128xf32, #tpu.memory_space<vmem>> -> memref<32x8x128xf32, #tpu.memory_space<vmem>>
    %dma_start3A_1658 = arith.constant 0 : i32
    %dma_start3A_1659 = arith.constant 0 : i32
    %dma_start3A_1660 = tpu.memref_slice %arg3[%add3A_1651, %dma_start3A_1658, %dma_start3A_1659] : memref<4096x8x128xf32, #tpu.memory_space<hbm>> -> memref<32x8x128xf32, #tpu.memory_space<hbm>>
    %dma_start3A_1661 = arith.constant 0 : i32
    %dma_start3A_1662 = arith.constant 0 : i32
    %dma_start3A_1663 = arith.constant 0 : i32
    %dma_start3A_1664 = tpu.memref_slice %arg5[%dma_start3A_1652, %dma_start3A_1661, %dma_start3A_1662, %dma_start3A_1663] : memref<3x32x8x128xf32, #tpu.memory_space<vmem>> -> memref<1x32x8x128xf32, #tpu.memory_space<vmem>>
    %dma_start3A_1665 = tpu.memref_squeeze %dma_start3A_1664 : memref<1x32x8x128xf32, #tpu.memory_space<vmem>> -> memref<32x8x128xf32, #tpu.memory_space<vmem>>
    %dma_start3A_1666 = arith.constant 0 : i32
    %dma_start3A_1667 = arith.constant 0 : i32
    %dma_start3A_1668 = tpu.memref_slice %arg3[%add3A_1651, %dma_start3A_1666, %dma_start3A_1667] : memref<4096x8x128xf32, #tpu.memory_space<hbm>> -> memref<32x8x128xf32, #tpu.memory_space<hbm>>
    tpu.enqueue_dma source(%dma_start3A_1668 : memref<32x8x128xf32, #tpu.memory_space<hbm>>) target(%dma_start3A_1665 : memref<32x8x128xf32, #tpu.memory_space<vmem>>) target_semaphore(%arg6 : memref<!tpu.dma_semaphore, #tpu.memory_space<semaphore_mem>>)
    %dma_wait3A_1669 = arith.constant 2 : i32
    %dma_wait3A_1670 = arith.constant 0 : i32
    %dma_wait3A_1671 = arith.constant 0 : i32
    %dma_wait3A_1672 = arith.constant 0 : i32
    %dma_wait3A_1673 = tpu.memref_slice %arg5[%dma_wait3A_1669, %dma_wait3A_1670, %dma_wait3A_1671, %dma_wait3A_1672] : memref<3x32x8x128xf32, #tpu.memory_space<vmem>> -> memref<1x32x8x128xf32, #tpu.memory_space<vmem>>
    %dma_wait3A_1674 = tpu.memref_squeeze %dma_wait3A_1673 : memref<1x32x8x128xf32, #tpu.memory_space<vmem>> -> memref<32x8x128xf32, #tpu.memory_space<vmem>>
    %dma_wait3A_1675 = arith.constant 0 : i32
    %dma_wait3A_1676 = arith.constant 0 : i32
    %dma_wait3A_1677 = tpu.memref_slice %arg3[%add3A_1293, %dma_wait3A_1675, %dma_wait3A_1676] : memref<4096x8x128xf32, #tpu.memory_space<hbm>> -> memref<32x8x128xf32, #tpu.memory_space<hbm>>
    %dma_wait3A_1678 = arith.constant 0 : i32
    %dma_wait3A_1679 = arith.constant 0 : i32
    %dma_wait3A_1680 = arith.constant 0 : i32
    %dma_wait3A_1681 = tpu.memref_slice %arg5[%dma_wait3A_1669, %dma_wait3A_1678, %dma_wait3A_1679, %dma_wait3A_1680] : memref<3x32x8x128xf32, #tpu.memory_space<vmem>> -> memref<1x32x8x128xf32, #tpu.memory_space<vmem>>
    %dma_wait3A_1682 = tpu.memref_squeeze %dma_wait3A_1681 : memref<1x32x8x128xf32, #tpu.memory_space<vmem>> -> memref<32x8x128xf32, #tpu.memory_space<vmem>>
    %dma_wait3A_1683 = arith.constant 0 : i32
    %dma_wait3A_1684 = arith.constant 0 : i32
    %dma_wait3A_1685 = tpu.memref_slice %arg3[%add3A_1293, %dma_wait3A_1683, %dma_wait3A_1684] : memref<4096x8x128xf32, #tpu.memory_space<hbm>> -> memref<32x8x128xf32, #tpu.memory_space<hbm>>
    tpu.wait_dma2 semaphore(%arg6 : memref<!tpu.dma_semaphore, #tpu.memory_space<semaphore_mem>>) src(%dma_wait3A_1685 : memref<32x8x128xf32, #tpu.memory_space<hbm>>) dst(%dma_wait3A_1682 : memref<32x8x128xf32, #tpu.memory_space<vmem>>)
    %add3A_1686 = arith.constant 32 : i32
    %add3A_1687 = arith.addi %mul3A_2, %add3A_1686 : i32
    %dma_start3A_1688 = arith.constant 2 : i32
    %dma_start3A_1689 = arith.constant 0 : i32
    %dma_start3A_1690 = arith.constant 0 : i32
    %dma_start3A_1691 = arith.constant 0 : i32
    %dma_start3A_1692 = arith.constant 0 : i32
    %dma_start3A_1693 = tpu.memref_slice %arg5[%dma_start3A_1688, %dma_start3A_1690, %dma_start3A_1691, %dma_start3A_1692] : memref<3x32x8x128xf32, #tpu.memory_space<vmem>> -> memref<1x32x8x128xf32, #tpu.memory_space<vmem>>
    %dma_start3A_1694 = tpu.memref_squeeze %dma_start3A_1693 : memref<1x32x8x128xf32, #tpu.memory_space<vmem>> -> memref<32x8x128xf32, #tpu.memory_space<vmem>>
    %dma_start3A_1695 = arith.constant 0 : i32
    %dma_start3A_1696 = arith.constant 128 : i32
    %dma_start3A_1697 = tpu.memref_slice %arg4[%add3A_1687, %dma_start3A_1695, %dma_start3A_1689, %dma_start3A_1696] : memref<4096x8x8x256xf32, #tpu.memory_space<hbm>> -> memref<32x8x1x128xf32, #tpu.memory_space<hbm>>
    %dma_start3A_1698 = tpu.memref_squeeze %dma_start3A_1697 : memref<32x8x1x128xf32, #tpu.memory_space<hbm>> -> memref<32x8x128xf32, #tpu.memory_space<hbm>>
    %dma_start3A_1699 = arith.constant 0 : i32
    %dma_start3A_1700 = arith.constant 128 : i32
    %dma_start3A_1701 = tpu.memref_slice %arg4[%add3A_1687, %dma_start3A_1699, %dma_start3A_1689, %dma_start3A_1700] : memref<4096x8x8x256xf32, #tpu.memory_space<hbm>> -> memref<32x8x1x128xf32, #tpu.memory_space<hbm>>
    %dma_start3A_1702 = tpu.memref_squeeze %dma_start3A_1701 : memref<32x8x1x128xf32, #tpu.memory_space<hbm>> -> memref<32x8x128xf32, #tpu.memory_space<hbm>>
    %dma_start3A_1703 = arith.constant 0 : i32
    %dma_start3A_1704 = arith.constant 0 : i32
    %dma_start3A_1705 = arith.constant 0 : i32
    %dma_start3A_1706 = tpu.memref_slice %arg5[%dma_start3A_1688, %dma_start3A_1703, %dma_start3A_1704, %dma_start3A_1705] : memref<3x32x8x128xf32, #tpu.memory_space<vmem>> -> memref<1x32x8x128xf32, #tpu.memory_space<vmem>>
    %dma_start3A_1707 = tpu.memref_squeeze %dma_start3A_1706 : memref<1x32x8x128xf32, #tpu.memory_space<vmem>> -> memref<32x8x128xf32, #tpu.memory_space<vmem>>
    tpu.enqueue_dma source(%dma_start3A_1707 : memref<32x8x128xf32, #tpu.memory_space<vmem>>) target(%dma_start3A_1702 : memref<32x8x128xf32, #tpu.memory_space<hbm>>) target_semaphore(%arg7 : memref<!tpu.dma_semaphore, #tpu.memory_space<semaphore_mem>>)
    %dma_start3A_1708 = arith.constant 2 : i32
    %dma_start3A_1709 = arith.constant 1 : i32
    %dma_start3A_1710 = arith.constant 0 : i32
    %dma_start3A_1711 = arith.constant 0 : i32
    %dma_start3A_1712 = arith.constant 0 : i32
    %dma_start3A_1713 = tpu.memref_slice %arg5[%dma_start3A_1708, %dma_start3A_1710, %dma_start3A_1711, %dma_start3A_1712] : memref<3x32x8x128xf32, #tpu.memory_space<vmem>> -> memref<1x32x8x128xf32, #tpu.memory_space<vmem>>
    %dma_start3A_1714 = tpu.memref_squeeze %dma_start3A_1713 : memref<1x32x8x128xf32, #tpu.memory_space<vmem>> -> memref<32x8x128xf32, #tpu.memory_space<vmem>>
    %dma_start3A_1715 = arith.constant 0 : i32
    %dma_start3A_1716 = arith.constant 128 : i32
    %dma_start3A_1717 = tpu.memref_slice %arg4[%add3A_1687, %dma_start3A_1715, %dma_start3A_1709, %dma_start3A_1716] : memref<4096x8x8x256xf32, #tpu.memory_space<hbm>> -> memref<32x8x1x128xf32, #tpu.memory_space<hbm>>
    %dma_start3A_1718 = tpu.memref_squeeze %dma_start3A_1717 : memref<32x8x1x128xf32, #tpu.memory_space<hbm>> -> memref<32x8x128xf32, #tpu.memory_space<hbm>>
    %dma_start3A_1719 = arith.constant 0 : i32
    %dma_start3A_1720 = arith.constant 128 : i32
    %dma_start3A_1721 = tpu.memref_slice %arg4[%add3A_1687, %dma_start3A_1719, %dma_start3A_1709, %dma_start3A_1720] : memref<4096x8x8x256xf32, #tpu.memory_space<hbm>> -> memref<32x8x1x128xf32, #tpu.memory_space<hbm>>
    %dma_start3A_1722 = tpu.memref_squeeze %dma_start3A_1721 : memref<32x8x1x128xf32, #tpu.memory_space<hbm>> -> memref<32x8x128xf32, #tpu.memory_space<hbm>>
    %dma_start3A_1723 = arith.constant 0 : i32
    %dma_start3A_1724 = arith.constant 0 : i32
    %dma_start3A_1725 = arith.constant 0 : i32
    %dma_start3A_1726 = tpu.memref_slice %arg5[%dma_start3A_1708, %dma_start3A_1723, %dma_start3A_1724, %dma_start3A_1725] : memref<3x32x8x128xf32, #tpu.memory_space<vmem>> -> memref<1x32x8x128xf32, #tpu.memory_space<vmem>>
    %dma_start3A_1727 = tpu.memref_squeeze %dma_start3A_1726 : memref<1x32x8x128xf32, #tpu.memory_space<vmem>> -> memref<32x8x128xf32, #tpu.memory_space<vmem>>
    tpu.enqueue_dma source(%dma_start3A_1727 : memref<32x8x128xf32, #tpu.memory_space<vmem>>) target(%dma_start3A_1722 : memref<32x8x128xf32, #tpu.memory_space<hbm>>) target_semaphore(%arg7 : memref<!tpu.dma_semaphore, #tpu.memory_space<semaphore_mem>>)
    %dma_start3A_1728 = arith.constant 2 : i32
    %dma_start3A_1729 = arith.constant 2 : i32
    %dma_start3A_1730 = arith.constant 0 : i32
    %dma_start3A_1731 = arith.constant 0 : i32
    %dma_start3A_1732 = arith.constant 0 : i32
    %dma_start3A_1733 = tpu.memref_slice %arg5[%dma_start3A_1728, %dma_start3A_1730, %dma_start3A_1731, %dma_start3A_1732] : memref<3x32x8x128xf32, #tpu.memory_space<vmem>> -> memref<1x32x8x128xf32, #tpu.memory_space<vmem>>
    %dma_start3A_1734 = tpu.memref_squeeze %dma_start3A_1733 : memref<1x32x8x128xf32, #tpu.memory_space<vmem>> -> memref<32x8x128xf32, #tpu.memory_space<vmem>>
    %dma_start3A_1735 = arith.constant 0 : i32
    %dma_start3A_1736 = arith.constant 128 : i32
    %dma_start3A_1737 = tpu.memref_slice %arg4[%add3A_1687, %dma_start3A_1735, %dma_start3A_1729, %dma_start3A_1736] : memref<4096x8x8x256xf32, #tpu.memory_space<hbm>> -> memref<32x8x1x128xf32, #tpu.memory_space<hbm>>
    %dma_start3A_1738 = tpu.memref_squeeze %dma_start3A_1737 : memref<32x8x1x128xf32, #tpu.memory_space<hbm>> -> memref<32x8x128xf32, #tpu.memory_space<hbm>>
    %dma_start3A_1739 = arith.constant 0 : i32
    %dma_start3A_1740 = arith.constant 128 : i32
    %dma_start3A_1741 = tpu.memref_slice %arg4[%add3A_1687, %dma_start3A_1739, %dma_start3A_1729, %dma_start3A_1740] : memref<4096x8x8x256xf32, #tpu.memory_space<hbm>> -> memref<32x8x1x128xf32, #tpu.memory_space<hbm>>
    %dma_start3A_1742 = tpu.memref_squeeze %dma_start3A_1741 : memref<32x8x1x128xf32, #tpu.memory_space<hbm>> -> memref<32x8x128xf32, #tpu.memory_space<hbm>>
    %dma_start3A_1743 = arith.constant 0 : i32
    %dma_start3A_1744 = arith.constant 0 : i32
    %dma_start3A_1745 = arith.constant 0 : i32
    %dma_start3A_1746 = tpu.memref_slice %arg5[%dma_start3A_1728, %dma_start3A_1743, %dma_start3A_1744, %dma_start3A_1745] : memref<3x32x8x128xf32, #tpu.memory_space<vmem>> -> memref<1x32x8x128xf32, #tpu.memory_space<vmem>>
    %dma_start3A_1747 = tpu.memref_squeeze %dma_start3A_1746 : memref<1x32x8x128xf32, #tpu.memory_space<vmem>> -> memref<32x8x128xf32, #tpu.memory_space<vmem>>
    tpu.enqueue_dma source(%dma_start3A_1747 : memref<32x8x128xf32, #tpu.memory_space<vmem>>) target(%dma_start3A_1742 : memref<32x8x128xf32, #tpu.memory_space<hbm>>) target_semaphore(%arg7 : memref<!tpu.dma_semaphore, #tpu.memory_space<semaphore_mem>>)
    %dma_start3A_1748 = arith.constant 2 : i32
    %dma_start3A_1749 = arith.constant 3 : i32
    %dma_start3A_1750 = arith.constant 0 : i32
    %dma_start3A_1751 = arith.constant 0 : i32
    %dma_start3A_1752 = arith.constant 0 : i32
    %dma_start3A_1753 = tpu.memref_slice %arg5[%dma_start3A_1748, %dma_start3A_1750, %dma_start3A_1751, %dma_start3A_1752] : memref<3x32x8x128xf32, #tpu.memory_space<vmem>> -> memref<1x32x8x128xf32, #tpu.memory_space<vmem>>
    %dma_start3A_1754 = tpu.memref_squeeze %dma_start3A_1753 : memref<1x32x8x128xf32, #tpu.memory_space<vmem>> -> memref<32x8x128xf32, #tpu.memory_space<vmem>>
    %dma_start3A_1755 = arith.constant 0 : i32
    %dma_start3A_1756 = arith.constant 128 : i32
    %dma_start3A_1757 = tpu.memref_slice %arg4[%add3A_1687, %dma_start3A_1755, %dma_start3A_1749, %dma_start3A_1756] : memref<4096x8x8x256xf32, #tpu.memory_space<hbm>> -> memref<32x8x1x128xf32, #tpu.memory_space<hbm>>
    %dma_start3A_1758 = tpu.memref_squeeze %dma_start3A_1757 : memref<32x8x1x128xf32, #tpu.memory_space<hbm>> -> memref<32x8x128xf32, #tpu.memory_space<hbm>>
    %dma_start3A_1759 = arith.constant 0 : i32
    %dma_start3A_1760 = arith.constant 128 : i32
    %dma_start3A_1761 = tpu.memref_slice %arg4[%add3A_1687, %dma_start3A_1759, %dma_start3A_1749, %dma_start3A_1760] : memref<4096x8x8x256xf32, #tpu.memory_space<hbm>> -> memref<32x8x1x128xf32, #tpu.memory_space<hbm>>
    %dma_start3A_1762 = tpu.memref_squeeze %dma_start3A_1761 : memref<32x8x1x128xf32, #tpu.memory_space<hbm>> -> memref<32x8x128xf32, #tpu.memory_space<hbm>>
    %dma_start3A_1763 = arith.constant 0 : i32
    %dma_start3A_1764 = arith.constant 0 : i32
    %dma_start3A_1765 = arith.constant 0 : i32
    %dma_start3A_1766 = tpu.memref_slice %arg5[%dma_start3A_1748, %dma_start3A_1763, %dma_start3A_1764, %dma_start3A_1765] : memref<3x32x8x128xf32, #tpu.memory_space<vmem>> -> memref<1x32x8x128xf32, #tpu.memory_space<vmem>>
    %dma_start3A_1767 = tpu.memref_squeeze %dma_start3A_1766 : memref<1x32x8x128xf32, #tpu.memory_space<vmem>> -> memref<32x8x128xf32, #tpu.memory_space<vmem>>
    tpu.enqueue_dma source(%dma_start3A_1767 : memref<32x8x128xf32, #tpu.memory_space<vmem>>) target(%dma_start3A_1762 : memref<32x8x128xf32, #tpu.memory_space<hbm>>) target_semaphore(%arg7 : memref<!tpu.dma_semaphore, #tpu.memory_space<semaphore_mem>>)
    %dma_start3A_1768 = arith.constant 2 : i32
    %dma_start3A_1769 = arith.constant 4 : i32
    %dma_start3A_1770 = arith.constant 0 : i32
    %dma_start3A_1771 = arith.constant 0 : i32
    %dma_start3A_1772 = arith.constant 0 : i32
    %dma_start3A_1773 = tpu.memref_slice %arg5[%dma_start3A_1768, %dma_start3A_1770, %dma_start3A_1771, %dma_start3A_1772] : memref<3x32x8x128xf32, #tpu.memory_space<vmem>> -> memref<1x32x8x128xf32, #tpu.memory_space<vmem>>
    %dma_start3A_1774 = tpu.memref_squeeze %dma_start3A_1773 : memref<1x32x8x128xf32, #tpu.memory_space<vmem>> -> memref<32x8x128xf32, #tpu.memory_space<vmem>>
    %dma_start3A_1775 = arith.constant 0 : i32
    %dma_start3A_1776 = arith.constant 128 : i32
    %dma_start3A_1777 = tpu.memref_slice %arg4[%add3A_1687, %dma_start3A_1775, %dma_start3A_1769, %dma_start3A_1776] : memref<4096x8x8x256xf32, #tpu.memory_space<hbm>> -> memref<32x8x1x128xf32, #tpu.memory_space<hbm>>
    %dma_start3A_1778 = tpu.memref_squeeze %dma_start3A_1777 : memref<32x8x1x128xf32, #tpu.memory_space<hbm>> -> memref<32x8x128xf32, #tpu.memory_space<hbm>>
    %dma_start3A_1779 = arith.constant 0 : i32
    %dma_start3A_1780 = arith.constant 128 : i32
    %dma_start3A_1781 = tpu.memref_slice %arg4[%add3A_1687, %dma_start3A_1779, %dma_start3A_1769, %dma_start3A_1780] : memref<4096x8x8x256xf32, #tpu.memory_space<hbm>> -> memref<32x8x1x128xf32, #tpu.memory_space<hbm>>
    %dma_start3A_1782 = tpu.memref_squeeze %dma_start3A_1781 : memref<32x8x1x128xf32, #tpu.memory_space<hbm>> -> memref<32x8x128xf32, #tpu.memory_space<hbm>>
    %dma_start3A_1783 = arith.constant 0 : i32
    %dma_start3A_1784 = arith.constant 0 : i32
    %dma_start3A_1785 = arith.constant 0 : i32
    %dma_start3A_1786 = tpu.memref_slice %arg5[%dma_start3A_1768, %dma_start3A_1783, %dma_start3A_1784, %dma_start3A_1785] : memref<3x32x8x128xf32, #tpu.memory_space<vmem>> -> memref<1x32x8x128xf32, #tpu.memory_space<vmem>>
    %dma_start3A_1787 = tpu.memref_squeeze %dma_start3A_1786 : memref<1x32x8x128xf32, #tpu.memory_space<vmem>> -> memref<32x8x128xf32, #tpu.memory_space<vmem>>
    tpu.enqueue_dma source(%dma_start3A_1787 : memref<32x8x128xf32, #tpu.memory_space<vmem>>) target(%dma_start3A_1782 : memref<32x8x128xf32, #tpu.memory_space<hbm>>) target_semaphore(%arg7 : memref<!tpu.dma_semaphore, #tpu.memory_space<semaphore_mem>>)
    %dma_start3A_1788 = arith.constant 2 : i32
    %dma_start3A_1789 = arith.constant 5 : i32
    %dma_start3A_1790 = arith.constant 0 : i32
    %dma_start3A_1791 = arith.constant 0 : i32
    %dma_start3A_1792 = arith.constant 0 : i32
    %dma_start3A_1793 = tpu.memref_slice %arg5[%dma_start3A_1788, %dma_start3A_1790, %dma_start3A_1791, %dma_start3A_1792] : memref<3x32x8x128xf32, #tpu.memory_space<vmem>> -> memref<1x32x8x128xf32, #tpu.memory_space<vmem>>
    %dma_start3A_1794 = tpu.memref_squeeze %dma_start3A_1793 : memref<1x32x8x128xf32, #tpu.memory_space<vmem>> -> memref<32x8x128xf32, #tpu.memory_space<vmem>>
    %dma_start3A_1795 = arith.constant 0 : i32
    %dma_start3A_1796 = arith.constant 128 : i32
    %dma_start3A_1797 = tpu.memref_slice %arg4[%add3A_1687, %dma_start3A_1795, %dma_start3A_1789, %dma_start3A_1796] : memref<4096x8x8x256xf32, #tpu.memory_space<hbm>> -> memref<32x8x1x128xf32, #tpu.memory_space<hbm>>
    %dma_start3A_1798 = tpu.memref_squeeze %dma_start3A_1797 : memref<32x8x1x128xf32, #tpu.memory_space<hbm>> -> memref<32x8x128xf32, #tpu.memory_space<hbm>>
    %dma_start3A_1799 = arith.constant 0 : i32
    %dma_start3A_1800 = arith.constant 128 : i32
    %dma_start3A_1801 = tpu.memref_slice %arg4[%add3A_1687, %dma_start3A_1799, %dma_start3A_1789, %dma_start3A_1800] : memref<4096x8x8x256xf32, #tpu.memory_space<hbm>> -> memref<32x8x1x128xf32, #tpu.memory_space<hbm>>
    %dma_start3A_1802 = tpu.memref_squeeze %dma_start3A_1801 : memref<32x8x1x128xf32, #tpu.memory_space<hbm>> -> memref<32x8x128xf32, #tpu.memory_space<hbm>>
    %dma_start3A_1803 = arith.constant 0 : i32
    %dma_start3A_1804 = arith.constant 0 : i32
    %dma_start3A_1805 = arith.constant 0 : i32
    %dma_start3A_1806 = tpu.memref_slice %arg5[%dma_start3A_1788, %dma_start3A_1803, %dma_start3A_1804, %dma_start3A_1805] : memref<3x32x8x128xf32, #tpu.memory_space<vmem>> -> memref<1x32x8x128xf32, #tpu.memory_space<vmem>>
    %dma_start3A_1807 = tpu.memref_squeeze %dma_start3A_1806 : memref<1x32x8x128xf32, #tpu.memory_space<vmem>> -> memref<32x8x128xf32, #tpu.memory_space<vmem>>
    tpu.enqueue_dma source(%dma_start3A_1807 : memref<32x8x128xf32, #tpu.memory_space<vmem>>) target(%dma_start3A_1802 : memref<32x8x128xf32, #tpu.memory_space<hbm>>) target_semaphore(%arg7 : memref<!tpu.dma_semaphore, #tpu.memory_space<semaphore_mem>>)
    %dma_start3A_1808 = arith.constant 2 : i32
    %dma_start3A_1809 = arith.constant 6 : i32
    %dma_start3A_1810 = arith.constant 0 : i32
    %dma_start3A_1811 = arith.constant 0 : i32
    %dma_start3A_1812 = arith.constant 0 : i32
    %dma_start3A_1813 = tpu.memref_slice %arg5[%dma_start3A_1808, %dma_start3A_1810, %dma_start3A_1811, %dma_start3A_1812] : memref<3x32x8x128xf32, #tpu.memory_space<vmem>> -> memref<1x32x8x128xf32, #tpu.memory_space<vmem>>
    %dma_start3A_1814 = tpu.memref_squeeze %dma_start3A_1813 : memref<1x32x8x128xf32, #tpu.memory_space<vmem>> -> memref<32x8x128xf32, #tpu.memory_space<vmem>>
    %dma_start3A_1815 = arith.constant 0 : i32
    %dma_start3A_1816 = arith.constant 128 : i32
    %dma_start3A_1817 = tpu.memref_slice %arg4[%add3A_1687, %dma_start3A_1815, %dma_start3A_1809, %dma_start3A_1816] : memref<4096x8x8x256xf32, #tpu.memory_space<hbm>> -> memref<32x8x1x128xf32, #tpu.memory_space<hbm>>
    %dma_start3A_1818 = tpu.memref_squeeze %dma_start3A_1817 : memref<32x8x1x128xf32, #tpu.memory_space<hbm>> -> memref<32x8x128xf32, #tpu.memory_space<hbm>>
    %dma_start3A_1819 = arith.constant 0 : i32
    %dma_start3A_1820 = arith.constant 128 : i32
    %dma_start3A_1821 = tpu.memref_slice %arg4[%add3A_1687, %dma_start3A_1819, %dma_start3A_1809, %dma_start3A_1820] : memref<4096x8x8x256xf32, #tpu.memory_space<hbm>> -> memref<32x8x1x128xf32, #tpu.memory_space<hbm>>
    %dma_start3A_1822 = tpu.memref_squeeze %dma_start3A_1821 : memref<32x8x1x128xf32, #tpu.memory_space<hbm>> -> memref<32x8x128xf32, #tpu.memory_space<hbm>>
    %dma_start3A_1823 = arith.constant 0 : i32
    %dma_start3A_1824 = arith.constant 0 : i32
    %dma_start3A_1825 = arith.constant 0 : i32
    %dma_start3A_1826 = tpu.memref_slice %arg5[%dma_start3A_1808, %dma_start3A_1823, %dma_start3A_1824, %dma_start3A_1825] : memref<3x32x8x128xf32, #tpu.memory_space<vmem>> -> memref<1x32x8x128xf32, #tpu.memory_space<vmem>>
    %dma_start3A_1827 = tpu.memref_squeeze %dma_start3A_1826 : memref<1x32x8x128xf32, #tpu.memory_space<vmem>> -> memref<32x8x128xf32, #tpu.memory_space<vmem>>
    tpu.enqueue_dma source(%dma_start3A_1827 : memref<32x8x128xf32, #tpu.memory_space<vmem>>) target(%dma_start3A_1822 : memref<32x8x128xf32, #tpu.memory_space<hbm>>) target_semaphore(%arg7 : memref<!tpu.dma_semaphore, #tpu.memory_space<semaphore_mem>>)
    %dma_start3A_1828 = arith.constant 2 : i32
    %dma_start3A_1829 = arith.constant 7 : i32
    %dma_start3A_1830 = arith.constant 0 : i32
    %dma_start3A_1831 = arith.constant 0 : i32
    %dma_start3A_1832 = arith.constant 0 : i32
    %dma_start3A_1833 = tpu.memref_slice %arg5[%dma_start3A_1828, %dma_start3A_1830, %dma_start3A_1831, %dma_start3A_1832] : memref<3x32x8x128xf32, #tpu.memory_space<vmem>> -> memref<1x32x8x128xf32, #tpu.memory_space<vmem>>
    %dma_start3A_1834 = tpu.memref_squeeze %dma_start3A_1833 : memref<1x32x8x128xf32, #tpu.memory_space<vmem>> -> memref<32x8x128xf32, #tpu.memory_space<vmem>>
    %dma_start3A_1835 = arith.constant 0 : i32
    %dma_start3A_1836 = arith.constant 128 : i32
    %dma_start3A_1837 = tpu.memref_slice %arg4[%add3A_1687, %dma_start3A_1835, %dma_start3A_1829, %dma_start3A_1836] : memref<4096x8x8x256xf32, #tpu.memory_space<hbm>> -> memref<32x8x1x128xf32, #tpu.memory_space<hbm>>
    %dma_start3A_1838 = tpu.memref_squeeze %dma_start3A_1837 : memref<32x8x1x128xf32, #tpu.memory_space<hbm>> -> memref<32x8x128xf32, #tpu.memory_space<hbm>>
    %dma_start3A_1839 = arith.constant 0 : i32
    %dma_start3A_1840 = arith.constant 128 : i32
    %dma_start3A_1841 = tpu.memref_slice %arg4[%add3A_1687, %dma_start3A_1839, %dma_start3A_1829, %dma_start3A_1840] : memref<4096x8x8x256xf32, #tpu.memory_space<hbm>> -> memref<32x8x1x128xf32, #tpu.memory_space<hbm>>
    %dma_start3A_1842 = tpu.memref_squeeze %dma_start3A_1841 : memref<32x8x1x128xf32, #tpu.memory_space<hbm>> -> memref<32x8x128xf32, #tpu.memory_space<hbm>>
    %dma_start3A_1843 = arith.constant 0 : i32
    %dma_start3A_1844 = arith.constant 0 : i32
    %dma_start3A_1845 = arith.constant 0 : i32
    %dma_start3A_1846 = tpu.memref_slice %arg5[%dma_start3A_1828, %dma_start3A_1843, %dma_start3A_1844, %dma_start3A_1845] : memref<3x32x8x128xf32, #tpu.memory_space<vmem>> -> memref<1x32x8x128xf32, #tpu.memory_space<vmem>>
    %dma_start3A_1847 = tpu.memref_squeeze %dma_start3A_1846 : memref<1x32x8x128xf32, #tpu.memory_space<vmem>> -> memref<32x8x128xf32, #tpu.memory_space<vmem>>
    tpu.enqueue_dma source(%dma_start3A_1847 : memref<32x8x128xf32, #tpu.memory_space<vmem>>) target(%dma_start3A_1842 : memref<32x8x128xf32, #tpu.memory_space<hbm>>) target_semaphore(%arg7 : memref<!tpu.dma_semaphore, #tpu.memory_space<semaphore_mem>>)
    %dma_wait3A_1848 = arith.constant 1 : i32
    %dma_wait3A_1849 = arith.constant 0 : i32
    %dma_wait3A_1850 = arith.constant 0 : i32
    %dma_wait3A_1851 = arith.constant 0 : i32
    %dma_wait3A_1852 = arith.constant 0 : i32
    %dma_wait3A_1853 = tpu.memref_slice %arg5[%dma_wait3A_1848, %dma_wait3A_1850, %dma_wait3A_1851, %dma_wait3A_1852] : memref<3x32x8x128xf32, #tpu.memory_space<vmem>> -> memref<1x32x8x128xf32, #tpu.memory_space<vmem>>
    %dma_wait3A_1854 = tpu.memref_squeeze %dma_wait3A_1853 : memref<1x32x8x128xf32, #tpu.memory_space<vmem>> -> memref<32x8x128xf32, #tpu.memory_space<vmem>>
    %dma_wait3A_1855 = arith.constant 0 : i32
    %dma_wait3A_1856 = arith.constant 128 : i32
    %dma_wait3A_1857 = tpu.memref_slice %arg4[%add3A_1329, %dma_wait3A_1855, %dma_wait3A_1849, %dma_wait3A_1856] : memref<4096x8x8x256xf32, #tpu.memory_space<hbm>> -> memref<32x8x1x128xf32, #tpu.memory_space<hbm>>
    %dma_wait3A_1858 = tpu.memref_squeeze %dma_wait3A_1857 : memref<32x8x1x128xf32, #tpu.memory_space<hbm>> -> memref<32x8x128xf32, #tpu.memory_space<hbm>>
    %dma_wait3A_1859 = arith.constant 0 : i32
    %dma_wait3A_1860 = arith.constant 128 : i32
    %dma_wait3A_1861 = tpu.memref_slice %arg4[%add3A_1329, %dma_wait3A_1859, %dma_wait3A_1849, %dma_wait3A_1860] : memref<4096x8x8x256xf32, #tpu.memory_space<hbm>> -> memref<32x8x1x128xf32, #tpu.memory_space<hbm>>
    %dma_wait3A_1862 = tpu.memref_squeeze %dma_wait3A_1861 : memref<32x8x1x128xf32, #tpu.memory_space<hbm>> -> memref<32x8x128xf32, #tpu.memory_space<hbm>>
    %dma_wait3A_1863 = arith.constant 0 : i32
    %dma_wait3A_1864 = arith.constant 0 : i32
    %dma_wait3A_1865 = arith.constant 0 : i32
    %dma_wait3A_1866 = tpu.memref_slice %arg5[%dma_wait3A_1848, %dma_wait3A_1863, %dma_wait3A_1864, %dma_wait3A_1865] : memref<3x32x8x128xf32, #tpu.memory_space<vmem>> -> memref<1x32x8x128xf32, #tpu.memory_space<vmem>>
    %dma_wait3A_1867 = tpu.memref_squeeze %dma_wait3A_1866 : memref<1x32x8x128xf32, #tpu.memory_space<vmem>> -> memref<32x8x128xf32, #tpu.memory_space<vmem>>
    tpu.wait_dma2 semaphore(%arg7 : memref<!tpu.dma_semaphore, #tpu.memory_space<semaphore_mem>>) src(%dma_wait3A_1867 : memref<32x8x128xf32, #tpu.memory_space<vmem>>) dst(%dma_wait3A_1862 : memref<32x8x128xf32, #tpu.memory_space<hbm>>)
    %dma_wait3A_1868 = arith.constant 1 : i32
    %dma_wait3A_1869 = arith.constant 1 : i32
    %dma_wait3A_1870 = arith.constant 0 : i32
    %dma_wait3A_1871 = arith.constant 0 : i32
    %dma_wait3A_1872 = arith.constant 0 : i32
    %dma_wait3A_1873 = tpu.memref_slice %arg5[%dma_wait3A_1868, %dma_wait3A_1870, %dma_wait3A_1871, %dma_wait3A_1872] : memref<3x32x8x128xf32, #tpu.memory_space<vmem>> -> memref<1x32x8x128xf32, #tpu.memory_space<vmem>>
    %dma_wait3A_1874 = tpu.memref_squeeze %dma_wait3A_1873 : memref<1x32x8x128xf32, #tpu.memory_space<vmem>> -> memref<32x8x128xf32, #tpu.memory_space<vmem>>
    %dma_wait3A_1875 = arith.constant 0 : i32
    %dma_wait3A_1876 = arith.constant 128 : i32
    %dma_wait3A_1877 = tpu.memref_slice %arg4[%add3A_1329, %dma_wait3A_1875, %dma_wait3A_1869, %dma_wait3A_1876] : memref<4096x8x8x256xf32, #tpu.memory_space<hbm>> -> memref<32x8x1x128xf32, #tpu.memory_space<hbm>>
    %dma_wait3A_1878 = tpu.memref_squeeze %dma_wait3A_1877 : memref<32x8x1x128xf32, #tpu.memory_space<hbm>> -> memref<32x8x128xf32, #tpu.memory_space<hbm>>
    %dma_wait3A_1879 = arith.constant 0 : i32
    %dma_wait3A_1880 = arith.constant 128 : i32
    %dma_wait3A_1881 = tpu.memref_slice %arg4[%add3A_1329, %dma_wait3A_1879, %dma_wait3A_1869, %dma_wait3A_1880] : memref<4096x8x8x256xf32, #tpu.memory_space<hbm>> -> memref<32x8x1x128xf32, #tpu.memory_space<hbm>>
    %dma_wait3A_1882 = tpu.memref_squeeze %dma_wait3A_1881 : memref<32x8x1x128xf32, #tpu.memory_space<hbm>> -> memref<32x8x128xf32, #tpu.memory_space<hbm>>
    %dma_wait3A_1883 = arith.constant 0 : i32
    %dma_wait3A_1884 = arith.constant 0 : i32
    %dma_wait3A_1885 = arith.constant 0 : i32
    %dma_wait3A_1886 = tpu.memref_slice %arg5[%dma_wait3A_1868, %dma_wait3A_1883, %dma_wait3A_1884, %dma_wait3A_1885] : memref<3x32x8x128xf32, #tpu.memory_space<vmem>> -> memref<1x32x8x128xf32, #tpu.memory_space<vmem>>
    %dma_wait3A_1887 = tpu.memref_squeeze %dma_wait3A_1886 : memref<1x32x8x128xf32, #tpu.memory_space<vmem>> -> memref<32x8x128xf32, #tpu.memory_space<vmem>>
    tpu.wait_dma2 semaphore(%arg7 : memref<!tpu.dma_semaphore, #tpu.memory_space<semaphore_mem>>) src(%dma_wait3A_1887 : memref<32x8x128xf32, #tpu.memory_space<vmem>>) dst(%dma_wait3A_1882 : memref<32x8x128xf32, #tpu.memory_space<hbm>>)
    %dma_wait3A_1888 = arith.constant 1 : i32
    %dma_wait3A_1889 = arith.constant 2 : i32
    %dma_wait3A_1890 = arith.constant 0 : i32
    %dma_wait3A_1891 = arith.constant 0 : i32
    %dma_wait3A_1892 = arith.constant 0 : i32
    %dma_wait3A_1893 = tpu.memref_slice %arg5[%dma_wait3A_1888, %dma_wait3A_1890, %dma_wait3A_1891, %dma_wait3A_1892] : memref<3x32x8x128xf32, #tpu.memory_space<vmem>> -> memref<1x32x8x128xf32, #tpu.memory_space<vmem>>
    %dma_wait3A_1894 = tpu.memref_squeeze %dma_wait3A_1893 : memref<1x32x8x128xf32, #tpu.memory_space<vmem>> -> memref<32x8x128xf32, #tpu.memory_space<vmem>>
    %dma_wait3A_1895 = arith.constant 0 : i32
    %dma_wait3A_1896 = arith.constant 128 : i32
    %dma_wait3A_1897 = tpu.memref_slice %arg4[%add3A_1329, %dma_wait3A_1895, %dma_wait3A_1889, %dma_wait3A_1896] : memref<4096x8x8x256xf32, #tpu.memory_space<hbm>> -> memref<32x8x1x128xf32, #tpu.memory_space<hbm>>
    %dma_wait3A_1898 = tpu.memref_squeeze %dma_wait3A_1897 : memref<32x8x1x128xf32, #tpu.memory_space<hbm>> -> memref<32x8x128xf32, #tpu.memory_space<hbm>>
    %dma_wait3A_1899 = arith.constant 0 : i32
    %dma_wait3A_1900 = arith.constant 128 : i32
    %dma_wait3A_1901 = tpu.memref_slice %arg4[%add3A_1329, %dma_wait3A_1899, %dma_wait3A_1889, %dma_wait3A_1900] : memref<4096x8x8x256xf32, #tpu.memory_space<hbm>> -> memref<32x8x1x128xf32, #tpu.memory_space<hbm>>
    %dma_wait3A_1902 = tpu.memref_squeeze %dma_wait3A_1901 : memref<32x8x1x128xf32, #tpu.memory_space<hbm>> -> memref<32x8x128xf32, #tpu.memory_space<hbm>>
    %dma_wait3A_1903 = arith.constant 0 : i32
    %dma_wait3A_1904 = arith.constant 0 : i32
    %dma_wait3A_1905 = arith.constant 0 : i32
    %dma_wait3A_1906 = tpu.memref_slice %arg5[%dma_wait3A_1888, %dma_wait3A_1903, %dma_wait3A_1904, %dma_wait3A_1905] : memref<3x32x8x128xf32, #tpu.memory_space<vmem>> -> memref<1x32x8x128xf32, #tpu.memory_space<vmem>>
    %dma_wait3A_1907 = tpu.memref_squeeze %dma_wait3A_1906 : memref<1x32x8x128xf32, #tpu.memory_space<vmem>> -> memref<32x8x128xf32, #tpu.memory_space<vmem>>
    tpu.wait_dma2 semaphore(%arg7 : memref<!tpu.dma_semaphore, #tpu.memory_space<semaphore_mem>>) src(%dma_wait3A_1907 : memref<32x8x128xf32, #tpu.memory_space<vmem>>) dst(%dma_wait3A_1902 : memref<32x8x128xf32, #tpu.memory_space<hbm>>)
    %dma_wait3A_1908 = arith.constant 1 : i32
    %dma_wait3A_1909 = arith.constant 3 : i32
    %dma_wait3A_1910 = arith.constant 0 : i32
    %dma_wait3A_1911 = arith.constant 0 : i32
    %dma_wait3A_1912 = arith.constant 0 : i32
    %dma_wait3A_1913 = tpu.memref_slice %arg5[%dma_wait3A_1908, %dma_wait3A_1910, %dma_wait3A_1911, %dma_wait3A_1912] : memref<3x32x8x128xf32, #tpu.memory_space<vmem>> -> memref<1x32x8x128xf32, #tpu.memory_space<vmem>>
    %dma_wait3A_1914 = tpu.memref_squeeze %dma_wait3A_1913 : memref<1x32x8x128xf32, #tpu.memory_space<vmem>> -> memref<32x8x128xf32, #tpu.memory_space<vmem>>
    %dma_wait3A_1915 = arith.constant 0 : i32
    %dma_wait3A_1916 = arith.constant 128 : i32
    %dma_wait3A_1917 = tpu.memref_slice %arg4[%add3A_1329, %dma_wait3A_1915, %dma_wait3A_1909, %dma_wait3A_1916] : memref<4096x8x8x256xf32, #tpu.memory_space<hbm>> -> memref<32x8x1x128xf32, #tpu.memory_space<hbm>>
    %dma_wait3A_1918 = tpu.memref_squeeze %dma_wait3A_1917 : memref<32x8x1x128xf32, #tpu.memory_space<hbm>> -> memref<32x8x128xf32, #tpu.memory_space<hbm>>
    %dma_wait3A_1919 = arith.constant 0 : i32
    %dma_wait3A_1920 = arith.constant 128 : i32
    %dma_wait3A_1921 = tpu.memref_slice %arg4[%add3A_1329, %dma_wait3A_1919, %dma_wait3A_1909, %dma_wait3A_1920] : memref<4096x8x8x256xf32, #tpu.memory_space<hbm>> -> memref<32x8x1x128xf32, #tpu.memory_space<hbm>>
    %dma_wait3A_1922 = tpu.memref_squeeze %dma_wait3A_1921 : memref<32x8x1x128xf32, #tpu.memory_space<hbm>> -> memref<32x8x128xf32, #tpu.memory_space<hbm>>
    %dma_wait3A_1923 = arith.constant 0 : i32
    %dma_wait3A_1924 = arith.constant 0 : i32
    %dma_wait3A_1925 = arith.constant 0 : i32
    %dma_wait3A_1926 = tpu.memref_slice %arg5[%dma_wait3A_1908, %dma_wait3A_1923, %dma_wait3A_1924, %dma_wait3A_1925] : memref<3x32x8x128xf32, #tpu.memory_space<vmem>> -> memref<1x32x8x128xf32, #tpu.memory_space<vmem>>
    %dma_wait3A_1927 = tpu.memref_squeeze %dma_wait3A_1926 : memref<1x32x8x128xf32, #tpu.memory_space<vmem>> -> memref<32x8x128xf32, #tpu.memory_space<vmem>>
    tpu.wait_dma2 semaphore(%arg7 : memref<!tpu.dma_semaphore, #tpu.memory_space<semaphore_mem>>) src(%dma_wait3A_1927 : memref<32x8x128xf32, #tpu.memory_space<vmem>>) dst(%dma_wait3A_1922 : memref<32x8x128xf32, #tpu.memory_space<hbm>>)
    %dma_wait3A_1928 = arith.constant 1 : i32
    %dma_wait3A_1929 = arith.constant 4 : i32
    %dma_wait3A_1930 = arith.constant 0 : i32
    %dma_wait3A_1931 = arith.constant 0 : i32
    %dma_wait3A_1932 = arith.constant 0 : i32
    %dma_wait3A_1933 = tpu.memref_slice %arg5[%dma_wait3A_1928, %dma_wait3A_1930, %dma_wait3A_1931, %dma_wait3A_1932] : memref<3x32x8x128xf32, #tpu.memory_space<vmem>> -> memref<1x32x8x128xf32, #tpu.memory_space<vmem>>
    %dma_wait3A_1934 = tpu.memref_squeeze %dma_wait3A_1933 : memref<1x32x8x128xf32, #tpu.memory_space<vmem>> -> memref<32x8x128xf32, #tpu.memory_space<vmem>>
    %dma_wait3A_1935 = arith.constant 0 : i32
    %dma_wait3A_1936 = arith.constant 128 : i32
    %dma_wait3A_1937 = tpu.memref_slice %arg4[%add3A_1329, %dma_wait3A_1935, %dma_wait3A_1929, %dma_wait3A_1936] : memref<4096x8x8x256xf32, #tpu.memory_space<hbm>> -> memref<32x8x1x128xf32, #tpu.memory_space<hbm>>
    %dma_wait3A_1938 = tpu.memref_squeeze %dma_wait3A_1937 : memref<32x8x1x128xf32, #tpu.memory_space<hbm>> -> memref<32x8x128xf32, #tpu.memory_space<hbm>>
    %dma_wait3A_1939 = arith.constant 0 : i32
    %dma_wait3A_1940 = arith.constant 128 : i32
    %dma_wait3A_1941 = tpu.memref_slice %arg4[%add3A_1329, %dma_wait3A_1939, %dma_wait3A_1929, %dma_wait3A_1940] : memref<4096x8x8x256xf32, #tpu.memory_space<hbm>> -> memref<32x8x1x128xf32, #tpu.memory_space<hbm>>
    %dma_wait3A_1942 = tpu.memref_squeeze %dma_wait3A_1941 : memref<32x8x1x128xf32, #tpu.memory_space<hbm>> -> memref<32x8x128xf32, #tpu.memory_space<hbm>>
    %dma_wait3A_1943 = arith.constant 0 : i32
    %dma_wait3A_1944 = arith.constant 0 : i32
    %dma_wait3A_1945 = arith.constant 0 : i32
    %dma_wait3A_1946 = tpu.memref_slice %arg5[%dma_wait3A_1928, %dma_wait3A_1943, %dma_wait3A_1944, %dma_wait3A_1945] : memref<3x32x8x128xf32, #tpu.memory_space<vmem>> -> memref<1x32x8x128xf32, #tpu.memory_space<vmem>>
    %dma_wait3A_1947 = tpu.memref_squeeze %dma_wait3A_1946 : memref<1x32x8x128xf32, #tpu.memory_space<vmem>> -> memref<32x8x128xf32, #tpu.memory_space<vmem>>
    tpu.wait_dma2 semaphore(%arg7 : memref<!tpu.dma_semaphore, #tpu.memory_space<semaphore_mem>>) src(%dma_wait3A_1947 : memref<32x8x128xf32, #tpu.memory_space<vmem>>) dst(%dma_wait3A_1942 : memref<32x8x128xf32, #tpu.memory_space<hbm>>)
    %dma_wait3A_1948 = arith.constant 1 : i32
    %dma_wait3A_1949 = arith.constant 5 : i32
    %dma_wait3A_1950 = arith.constant 0 : i32
    %dma_wait3A_1951 = arith.constant 0 : i32
    %dma_wait3A_1952 = arith.constant 0 : i32
    %dma_wait3A_1953 = tpu.memref_slice %arg5[%dma_wait3A_1948, %dma_wait3A_1950, %dma_wait3A_1951, %dma_wait3A_1952] : memref<3x32x8x128xf32, #tpu.memory_space<vmem>> -> memref<1x32x8x128xf32, #tpu.memory_space<vmem>>
    %dma_wait3A_1954 = tpu.memref_squeeze %dma_wait3A_1953 : memref<1x32x8x128xf32, #tpu.memory_space<vmem>> -> memref<32x8x128xf32, #tpu.memory_space<vmem>>
    %dma_wait3A_1955 = arith.constant 0 : i32
    %dma_wait3A_1956 = arith.constant 128 : i32
    %dma_wait3A_1957 = tpu.memref_slice %arg4[%add3A_1329, %dma_wait3A_1955, %dma_wait3A_1949, %dma_wait3A_1956] : memref<4096x8x8x256xf32, #tpu.memory_space<hbm>> -> memref<32x8x1x128xf32, #tpu.memory_space<hbm>>
    %dma_wait3A_1958 = tpu.memref_squeeze %dma_wait3A_1957 : memref<32x8x1x128xf32, #tpu.memory_space<hbm>> -> memref<32x8x128xf32, #tpu.memory_space<hbm>>
    %dma_wait3A_1959 = arith.constant 0 : i32
    %dma_wait3A_1960 = arith.constant 128 : i32
    %dma_wait3A_1961 = tpu.memref_slice %arg4[%add3A_1329, %dma_wait3A_1959, %dma_wait3A_1949, %dma_wait3A_1960] : memref<4096x8x8x256xf32, #tpu.memory_space<hbm>> -> memref<32x8x1x128xf32, #tpu.memory_space<hbm>>
    %dma_wait3A_1962 = tpu.memref_squeeze %dma_wait3A_1961 : memref<32x8x1x128xf32, #tpu.memory_space<hbm>> -> memref<32x8x128xf32, #tpu.memory_space<hbm>>
    %dma_wait3A_1963 = arith.constant 0 : i32
    %dma_wait3A_1964 = arith.constant 0 : i32
    %dma_wait3A_1965 = arith.constant 0 : i32
    %dma_wait3A_1966 = tpu.memref_slice %arg5[%dma_wait3A_1948, %dma_wait3A_1963, %dma_wait3A_1964, %dma_wait3A_1965] : memref<3x32x8x128xf32, #tpu.memory_space<vmem>> -> memref<1x32x8x128xf32, #tpu.memory_space<vmem>>
    %dma_wait3A_1967 = tpu.memref_squeeze %dma_wait3A_1966 : memref<1x32x8x128xf32, #tpu.memory_space<vmem>> -> memref<32x8x128xf32, #tpu.memory_space<vmem>>
    tpu.wait_dma2 semaphore(%arg7 : memref<!tpu.dma_semaphore, #tpu.memory_space<semaphore_mem>>) src(%dma_wait3A_1967 : memref<32x8x128xf32, #tpu.memory_space<vmem>>) dst(%dma_wait3A_1962 : memref<32x8x128xf32, #tpu.memory_space<hbm>>)
    %dma_wait3A_1968 = arith.constant 1 : i32
    %dma_wait3A_1969 = arith.constant 6 : i32
    %dma_wait3A_1970 = arith.constant 0 : i32
    %dma_wait3A_1971 = arith.constant 0 : i32
    %dma_wait3A_1972 = arith.constant 0 : i32
    %dma_wait3A_1973 = tpu.memref_slice %arg5[%dma_wait3A_1968, %dma_wait3A_1970, %dma_wait3A_1971, %dma_wait3A_1972] : memref<3x32x8x128xf32, #tpu.memory_space<vmem>> -> memref<1x32x8x128xf32, #tpu.memory_space<vmem>>
    %dma_wait3A_1974 = tpu.memref_squeeze %dma_wait3A_1973 : memref<1x32x8x128xf32, #tpu.memory_space<vmem>> -> memref<32x8x128xf32, #tpu.memory_space<vmem>>
    %dma_wait3A_1975 = arith.constant 0 : i32
    %dma_wait3A_1976 = arith.constant 128 : i32
    %dma_wait3A_1977 = tpu.memref_slice %arg4[%add3A_1329, %dma_wait3A_1975, %dma_wait3A_1969, %dma_wait3A_1976] : memref<4096x8x8x256xf32, #tpu.memory_space<hbm>> -> memref<32x8x1x128xf32, #tpu.memory_space<hbm>>
    %dma_wait3A_1978 = tpu.memref_squeeze %dma_wait3A_1977 : memref<32x8x1x128xf32, #tpu.memory_space<hbm>> -> memref<32x8x128xf32, #tpu.memory_space<hbm>>
    %dma_wait3A_1979 = arith.constant 0 : i32
    %dma_wait3A_1980 = arith.constant 128 : i32
    %dma_wait3A_1981 = tpu.memref_slice %arg4[%add3A_1329, %dma_wait3A_1979, %dma_wait3A_1969, %dma_wait3A_1980] : memref<4096x8x8x256xf32, #tpu.memory_space<hbm>> -> memref<32x8x1x128xf32, #tpu.memory_space<hbm>>
    %dma_wait3A_1982 = tpu.memref_squeeze %dma_wait3A_1981 : memref<32x8x1x128xf32, #tpu.memory_space<hbm>> -> memref<32x8x128xf32, #tpu.memory_space<hbm>>
    %dma_wait3A_1983 = arith.constant 0 : i32
    %dma_wait3A_1984 = arith.constant 0 : i32
    %dma_wait3A_1985 = arith.constant 0 : i32
    %dma_wait3A_1986 = tpu.memref_slice %arg5[%dma_wait3A_1968, %dma_wait3A_1983, %dma_wait3A_1984, %dma_wait3A_1985] : memref<3x32x8x128xf32, #tpu.memory_space<vmem>> -> memref<1x32x8x128xf32, #tpu.memory_space<vmem>>
    %dma_wait3A_1987 = tpu.memref_squeeze %dma_wait3A_1986 : memref<1x32x8x128xf32, #tpu.memory_space<vmem>> -> memref<32x8x128xf32, #tpu.memory_space<vmem>>
    tpu.wait_dma2 semaphore(%arg7 : memref<!tpu.dma_semaphore, #tpu.memory_space<semaphore_mem>>) src(%dma_wait3A_1987 : memref<32x8x128xf32, #tpu.memory_space<vmem>>) dst(%dma_wait3A_1982 : memref<32x8x128xf32, #tpu.memory_space<hbm>>)
    %dma_wait3A_1988 = arith.constant 1 : i32
    %dma_wait3A_1989 = arith.constant 7 : i32
    %dma_wait3A_1990 = arith.constant 0 : i32
    %dma_wait3A_1991 = arith.constant 0 : i32
    %dma_wait3A_1992 = arith.constant 0 : i32
    %dma_wait3A_1993 = tpu.memref_slice %arg5[%dma_wait3A_1988, %dma_wait3A_1990, %dma_wait3A_1991, %dma_wait3A_1992] : memref<3x32x8x128xf32, #tpu.memory_space<vmem>> -> memref<1x32x8x128xf32, #tpu.memory_space<vmem>>
    %dma_wait3A_1994 = tpu.memref_squeeze %dma_wait3A_1993 : memref<1x32x8x128xf32, #tpu.memory_space<vmem>> -> memref<32x8x128xf32, #tpu.memory_space<vmem>>
    %dma_wait3A_1995 = arith.constant 0 : i32
    %dma_wait3A_1996 = arith.constant 128 : i32
    %dma_wait3A_1997 = tpu.memref_slice %arg4[%add3A_1329, %dma_wait3A_1995, %dma_wait3A_1989, %dma_wait3A_1996] : memref<4096x8x8x256xf32, #tpu.memory_space<hbm>> -> memref<32x8x1x128xf32, #tpu.memory_space<hbm>>
    %dma_wait3A_1998 = tpu.memref_squeeze %dma_wait3A_1997 : memref<32x8x1x128xf32, #tpu.memory_space<hbm>> -> memref<32x8x128xf32, #tpu.memory_space<hbm>>
    %dma_wait3A_1999 = arith.constant 0 : i32
    %dma_wait3A_2000 = arith.constant 128 : i32
    %dma_wait3A_2001 = tpu.memref_slice %arg4[%add3A_1329, %dma_wait3A_1999, %dma_wait3A_1989, %dma_wait3A_2000] : memref<4096x8x8x256xf32, #tpu.memory_space<hbm>> -> memref<32x8x1x128xf32, #tpu.memory_space<hbm>>
    %dma_wait3A_2002 = tpu.memref_squeeze %dma_wait3A_2001 : memref<32x8x1x128xf32, #tpu.memory_space<hbm>> -> memref<32x8x128xf32, #tpu.memory_space<hbm>>
    %dma_wait3A_2003 = arith.constant 0 : i32
    %dma_wait3A_2004 = arith.constant 0 : i32
    %dma_wait3A_2005 = arith.constant 0 : i32
    %dma_wait3A_2006 = tpu.memref_slice %arg5[%dma_wait3A_1988, %dma_wait3A_2003, %dma_wait3A_2004, %dma_wait3A_2005] : memref<3x32x8x128xf32, #tpu.memory_space<vmem>> -> memref<1x32x8x128xf32, #tpu.memory_space<vmem>>
    %dma_wait3A_2007 = tpu.memref_squeeze %dma_wait3A_2006 : memref<1x32x8x128xf32, #tpu.memory_space<vmem>> -> memref<32x8x128xf32, #tpu.memory_space<vmem>>
    tpu.wait_dma2 semaphore(%arg7 : memref<!tpu.dma_semaphore, #tpu.memory_space<semaphore_mem>>) src(%dma_wait3A_2007 : memref<32x8x128xf32, #tpu.memory_space<vmem>>) dst(%dma_wait3A_2002 : memref<32x8x128xf32, #tpu.memory_space<hbm>>)
    %add3A_2008 = arith.constant 96 : i32
    %add3A_2009 = arith.addi %mul3A_2, %add3A_2008 : i32
    %dma_start3A_2010 = arith.constant 1 : i32
    %dma_start3A_2011 = arith.constant 0 : i32
    %dma_start3A_2012 = arith.constant 0 : i32
    %dma_start3A_2013 = arith.constant 0 : i32
    %dma_start3A_2014 = tpu.memref_slice %arg5[%dma_start3A_2010, %dma_start3A_2011, %dma_start3A_2012, %dma_start3A_2013] : memref<3x32x8x128xf32, #tpu.memory_space<vmem>> -> memref<1x32x8x128xf32, #tpu.memory_space<vmem>>
    %dma_start3A_2015 = tpu.memref_squeeze %dma_start3A_2014 : memref<1x32x8x128xf32, #tpu.memory_space<vmem>> -> memref<32x8x128xf32, #tpu.memory_space<vmem>>
    %dma_start3A_2016 = arith.constant 0 : i32
    %dma_start3A_2017 = arith.constant 0 : i32
    %dma_start3A_2018 = tpu.memref_slice %arg3[%add3A_2009, %dma_start3A_2016, %dma_start3A_2017] : memref<4096x8x128xf32, #tpu.memory_space<hbm>> -> memref<32x8x128xf32, #tpu.memory_space<hbm>>
    %dma_start3A_2019 = arith.constant 0 : i32
    %dma_start3A_2020 = arith.constant 0 : i32
    %dma_start3A_2021 = arith.constant 0 : i32
    %dma_start3A_2022 = tpu.memref_slice %arg5[%dma_start3A_2010, %dma_start3A_2019, %dma_start3A_2020, %dma_start3A_2021] : memref<3x32x8x128xf32, #tpu.memory_space<vmem>> -> memref<1x32x8x128xf32, #tpu.memory_space<vmem>>
    %dma_start3A_2023 = tpu.memref_squeeze %dma_start3A_2022 : memref<1x32x8x128xf32, #tpu.memory_space<vmem>> -> memref<32x8x128xf32, #tpu.memory_space<vmem>>
    %dma_start3A_2024 = arith.constant 0 : i32
    %dma_start3A_2025 = arith.constant 0 : i32
    %dma_start3A_2026 = tpu.memref_slice %arg3[%add3A_2009, %dma_start3A_2024, %dma_start3A_2025] : memref<4096x8x128xf32, #tpu.memory_space<hbm>> -> memref<32x8x128xf32, #tpu.memory_space<hbm>>
    tpu.enqueue_dma source(%dma_start3A_2026 : memref<32x8x128xf32, #tpu.memory_space<hbm>>) target(%dma_start3A_2023 : memref<32x8x128xf32, #tpu.memory_space<vmem>>) target_semaphore(%arg6 : memref<!tpu.dma_semaphore, #tpu.memory_space<semaphore_mem>>)
    %dma_wait3A_2027 = arith.constant 0 : i32
    %dma_wait3A_2028 = arith.constant 0 : i32
    %dma_wait3A_2029 = arith.constant 0 : i32
    %dma_wait3A_2030 = arith.constant 0 : i32
    %dma_wait3A_2031 = tpu.memref_slice %arg5[%dma_wait3A_2027, %dma_wait3A_2028, %dma_wait3A_2029, %dma_wait3A_2030] : memref<3x32x8x128xf32, #tpu.memory_space<vmem>> -> memref<1x32x8x128xf32, #tpu.memory_space<vmem>>
    %dma_wait3A_2032 = tpu.memref_squeeze %dma_wait3A_2031 : memref<1x32x8x128xf32, #tpu.memory_space<vmem>> -> memref<32x8x128xf32, #tpu.memory_space<vmem>>
    %dma_wait3A_2033 = arith.constant 0 : i32
    %dma_wait3A_2034 = arith.constant 0 : i32
    %dma_wait3A_2035 = tpu.memref_slice %arg3[%add3A_1651, %dma_wait3A_2033, %dma_wait3A_2034] : memref<4096x8x128xf32, #tpu.memory_space<hbm>> -> memref<32x8x128xf32, #tpu.memory_space<hbm>>
    %dma_wait3A_2036 = arith.constant 0 : i32
    %dma_wait3A_2037 = arith.constant 0 : i32
    %dma_wait3A_2038 = arith.constant 0 : i32
    %dma_wait3A_2039 = tpu.memref_slice %arg5[%dma_wait3A_2027, %dma_wait3A_2036, %dma_wait3A_2037, %dma_wait3A_2038] : memref<3x32x8x128xf32, #tpu.memory_space<vmem>> -> memref<1x32x8x128xf32, #tpu.memory_space<vmem>>
    %dma_wait3A_2040 = tpu.memref_squeeze %dma_wait3A_2039 : memref<1x32x8x128xf32, #tpu.memory_space<vmem>> -> memref<32x8x128xf32, #tpu.memory_space<vmem>>
    %dma_wait3A_2041 = arith.constant 0 : i32
    %dma_wait3A_2042 = arith.constant 0 : i32
    %dma_wait3A_2043 = tpu.memref_slice %arg3[%add3A_1651, %dma_wait3A_2041, %dma_wait3A_2042] : memref<4096x8x128xf32, #tpu.memory_space<hbm>> -> memref<32x8x128xf32, #tpu.memory_space<hbm>>
    tpu.wait_dma2 semaphore(%arg6 : memref<!tpu.dma_semaphore, #tpu.memory_space<semaphore_mem>>) src(%dma_wait3A_2043 : memref<32x8x128xf32, #tpu.memory_space<hbm>>) dst(%dma_wait3A_2040 : memref<32x8x128xf32, #tpu.memory_space<vmem>>)
    %add3A_2044 = arith.constant 64 : i32
    %add3A_2045 = arith.addi %mul3A_2, %add3A_2044 : i32
    %dma_start3A_2046 = arith.constant 0 : i32
    %dma_start3A_2047 = arith.constant 0 : i32
    %dma_start3A_2048 = arith.constant 0 : i32
    %dma_start3A_2049 = arith.constant 0 : i32
    %dma_start3A_2050 = arith.constant 0 : i32
    %dma_start3A_2051 = tpu.memref_slice %arg5[%dma_start3A_2046, %dma_start3A_2048, %dma_start3A_2049, %dma_start3A_2050] : memref<3x32x8x128xf32, #tpu.memory_space<vmem>> -> memref<1x32x8x128xf32, #tpu.memory_space<vmem>>
    %dma_start3A_2052 = tpu.memref_squeeze %dma_start3A_2051 : memref<1x32x8x128xf32, #tpu.memory_space<vmem>> -> memref<32x8x128xf32, #tpu.memory_space<vmem>>
    %dma_start3A_2053 = arith.constant 0 : i32
    %dma_start3A_2054 = arith.constant 128 : i32
    %dma_start3A_2055 = tpu.memref_slice %arg4[%add3A_2045, %dma_start3A_2053, %dma_start3A_2047, %dma_start3A_2054] : memref<4096x8x8x256xf32, #tpu.memory_space<hbm>> -> memref<32x8x1x128xf32, #tpu.memory_space<hbm>>
    %dma_start3A_2056 = tpu.memref_squeeze %dma_start3A_2055 : memref<32x8x1x128xf32, #tpu.memory_space<hbm>> -> memref<32x8x128xf32, #tpu.memory_space<hbm>>
    %dma_start3A_2057 = arith.constant 0 : i32
    %dma_start3A_2058 = arith.constant 128 : i32
    %dma_start3A_2059 = tpu.memref_slice %arg4[%add3A_2045, %dma_start3A_2057, %dma_start3A_2047, %dma_start3A_2058] : memref<4096x8x8x256xf32, #tpu.memory_space<hbm>> -> memref<32x8x1x128xf32, #tpu.memory_space<hbm>>
    %dma_start3A_2060 = tpu.memref_squeeze %dma_start3A_2059 : memref<32x8x1x128xf32, #tpu.memory_space<hbm>> -> memref<32x8x128xf32, #tpu.memory_space<hbm>>
    %dma_start3A_2061 = arith.constant 0 : i32
    %dma_start3A_2062 = arith.constant 0 : i32
    %dma_start3A_2063 = arith.constant 0 : i32
    %dma_start3A_2064 = tpu.memref_slice %arg5[%dma_start3A_2046, %dma_start3A_2061, %dma_start3A_2062, %dma_start3A_2063] : memref<3x32x8x128xf32, #tpu.memory_space<vmem>> -> memref<1x32x8x128xf32, #tpu.memory_space<vmem>>
    %dma_start3A_2065 = tpu.memref_squeeze %dma_start3A_2064 : memref<1x32x8x128xf32, #tpu.memory_space<vmem>> -> memref<32x8x128xf32, #tpu.memory_space<vmem>>
    tpu.enqueue_dma source(%dma_start3A_2065 : memref<32x8x128xf32, #tpu.memory_space<vmem>>) target(%dma_start3A_2060 : memref<32x8x128xf32, #tpu.memory_space<hbm>>) target_semaphore(%arg7 : memref<!tpu.dma_semaphore, #tpu.memory_space<semaphore_mem>>)
    %dma_start3A_2066 = arith.constant 0 : i32
    %dma_start3A_2067 = arith.constant 1 : i32
    %dma_start3A_2068 = arith.constant 0 : i32
    %dma_start3A_2069 = arith.constant 0 : i32
    %dma_start3A_2070 = arith.constant 0 : i32
    %dma_start3A_2071 = tpu.memref_slice %arg5[%dma_start3A_2066, %dma_start3A_2068, %dma_start3A_2069, %dma_start3A_2070] : memref<3x32x8x128xf32, #tpu.memory_space<vmem>> -> memref<1x32x8x128xf32, #tpu.memory_space<vmem>>
    %dma_start3A_2072 = tpu.memref_squeeze %dma_start3A_2071 : memref<1x32x8x128xf32, #tpu.memory_space<vmem>> -> memref<32x8x128xf32, #tpu.memory_space<vmem>>
    %dma_start3A_2073 = arith.constant 0 : i32
    %dma_start3A_2074 = arith.constant 128 : i32
    %dma_start3A_2075 = tpu.memref_slice %arg4[%add3A_2045, %dma_start3A_2073, %dma_start3A_2067, %dma_start3A_2074] : memref<4096x8x8x256xf32, #tpu.memory_space<hbm>> -> memref<32x8x1x128xf32, #tpu.memory_space<hbm>>
    %dma_start3A_2076 = tpu.memref_squeeze %dma_start3A_2075 : memref<32x8x1x128xf32, #tpu.memory_space<hbm>> -> memref<32x8x128xf32, #tpu.memory_space<hbm>>
    %dma_start3A_2077 = arith.constant 0 : i32
    %dma_start3A_2078 = arith.constant 128 : i32
    %dma_start3A_2079 = tpu.memref_slice %arg4[%add3A_2045, %dma_start3A_2077, %dma_start3A_2067, %dma_start3A_2078] : memref<4096x8x8x256xf32, #tpu.memory_space<hbm>> -> memref<32x8x1x128xf32, #tpu.memory_space<hbm>>
    %dma_start3A_2080 = tpu.memref_squeeze %dma_start3A_2079 : memref<32x8x1x128xf32, #tpu.memory_space<hbm>> -> memref<32x8x128xf32, #tpu.memory_space<hbm>>
    %dma_start3A_2081 = arith.constant 0 : i32
    %dma_start3A_2082 = arith.constant 0 : i32
    %dma_start3A_2083 = arith.constant 0 : i32
    %dma_start3A_2084 = tpu.memref_slice %arg5[%dma_start3A_2066, %dma_start3A_2081, %dma_start3A_2082, %dma_start3A_2083] : memref<3x32x8x128xf32, #tpu.memory_space<vmem>> -> memref<1x32x8x128xf32, #tpu.memory_space<vmem>>
    %dma_start3A_2085 = tpu.memref_squeeze %dma_start3A_2084 : memref<1x32x8x128xf32, #tpu.memory_space<vmem>> -> memref<32x8x128xf32, #tpu.memory_space<vmem>>
    tpu.enqueue_dma source(%dma_start3A_2085 : memref<32x8x128xf32, #tpu.memory_space<vmem>>) target(%dma_start3A_2080 : memref<32x8x128xf32, #tpu.memory_space<hbm>>) target_semaphore(%arg7 : memref<!tpu.dma_semaphore, #tpu.memory_space<semaphore_mem>>)
    %dma_start3A_2086 = arith.constant 0 : i32
    %dma_start3A_2087 = arith.constant 2 : i32
    %dma_start3A_2088 = arith.constant 0 : i32
    %dma_start3A_2089 = arith.constant 0 : i32
    %dma_start3A_2090 = arith.constant 0 : i32
    %dma_start3A_2091 = tpu.memref_slice %arg5[%dma_start3A_2086, %dma_start3A_2088, %dma_start3A_2089, %dma_start3A_2090] : memref<3x32x8x128xf32, #tpu.memory_space<vmem>> -> memref<1x32x8x128xf32, #tpu.memory_space<vmem>>
    %dma_start3A_2092 = tpu.memref_squeeze %dma_start3A_2091 : memref<1x32x8x128xf32, #tpu.memory_space<vmem>> -> memref<32x8x128xf32, #tpu.memory_space<vmem>>
    %dma_start3A_2093 = arith.constant 0 : i32
    %dma_start3A_2094 = arith.constant 128 : i32
    %dma_start3A_2095 = tpu.memref_slice %arg4[%add3A_2045, %dma_start3A_2093, %dma_start3A_2087, %dma_start3A_2094] : memref<4096x8x8x256xf32, #tpu.memory_space<hbm>> -> memref<32x8x1x128xf32, #tpu.memory_space<hbm>>
    %dma_start3A_2096 = tpu.memref_squeeze %dma_start3A_2095 : memref<32x8x1x128xf32, #tpu.memory_space<hbm>> -> memref<32x8x128xf32, #tpu.memory_space<hbm>>
    %dma_start3A_2097 = arith.constant 0 : i32
    %dma_start3A_2098 = arith.constant 128 : i32
    %dma_start3A_2099 = tpu.memref_slice %arg4[%add3A_2045, %dma_start3A_2097, %dma_start3A_2087, %dma_start3A_2098] : memref<4096x8x8x256xf32, #tpu.memory_space<hbm>> -> memref<32x8x1x128xf32, #tpu.memory_space<hbm>>
    %dma_start3A_2100 = tpu.memref_squeeze %dma_start3A_2099 : memref<32x8x1x128xf32, #tpu.memory_space<hbm>> -> memref<32x8x128xf32, #tpu.memory_space<hbm>>
    %dma_start3A_2101 = arith.constant 0 : i32
    %dma_start3A_2102 = arith.constant 0 : i32
    %dma_start3A_2103 = arith.constant 0 : i32
    %dma_start3A_2104 = tpu.memref_slice %arg5[%dma_start3A_2086, %dma_start3A_2101, %dma_start3A_2102, %dma_start3A_2103] : memref<3x32x8x128xf32, #tpu.memory_space<vmem>> -> memref<1x32x8x128xf32, #tpu.memory_space<vmem>>
    %dma_start3A_2105 = tpu.memref_squeeze %dma_start3A_2104 : memref<1x32x8x128xf32, #tpu.memory_space<vmem>> -> memref<32x8x128xf32, #tpu.memory_space<vmem>>
    tpu.enqueue_dma source(%dma_start3A_2105 : memref<32x8x128xf32, #tpu.memory_space<vmem>>) target(%dma_start3A_2100 : memref<32x8x128xf32, #tpu.memory_space<hbm>>) target_semaphore(%arg7 : memref<!tpu.dma_semaphore, #tpu.memory_space<semaphore_mem>>)
    %dma_start3A_2106 = arith.constant 0 : i32
    %dma_start3A_2107 = arith.constant 3 : i32
    %dma_start3A_2108 = arith.constant 0 : i32
    %dma_start3A_2109 = arith.constant 0 : i32
    %dma_start3A_2110 = arith.constant 0 : i32
    %dma_start3A_2111 = tpu.memref_slice %arg5[%dma_start3A_2106, %dma_start3A_2108, %dma_start3A_2109, %dma_start3A_2110] : memref<3x32x8x128xf32, #tpu.memory_space<vmem>> -> memref<1x32x8x128xf32, #tpu.memory_space<vmem>>
    %dma_start3A_2112 = tpu.memref_squeeze %dma_start3A_2111 : memref<1x32x8x128xf32, #tpu.memory_space<vmem>> -> memref<32x8x128xf32, #tpu.memory_space<vmem>>
    %dma_start3A_2113 = arith.constant 0 : i32
    %dma_start3A_2114 = arith.constant 128 : i32
    %dma_start3A_2115 = tpu.memref_slice %arg4[%add3A_2045, %dma_start3A_2113, %dma_start3A_2107, %dma_start3A_2114] : memref<4096x8x8x256xf32, #tpu.memory_space<hbm>> -> memref<32x8x1x128xf32, #tpu.memory_space<hbm>>
    %dma_start3A_2116 = tpu.memref_squeeze %dma_start3A_2115 : memref<32x8x1x128xf32, #tpu.memory_space<hbm>> -> memref<32x8x128xf32, #tpu.memory_space<hbm>>
    %dma_start3A_2117 = arith.constant 0 : i32
    %dma_start3A_2118 = arith.constant 128 : i32
    %dma_start3A_2119 = tpu.memref_slice %arg4[%add3A_2045, %dma_start3A_2117, %dma_start3A_2107, %dma_start3A_2118] : memref<4096x8x8x256xf32, #tpu.memory_space<hbm>> -> memref<32x8x1x128xf32, #tpu.memory_space<hbm>>
    %dma_start3A_2120 = tpu.memref_squeeze %dma_start3A_2119 : memref<32x8x1x128xf32, #tpu.memory_space<hbm>> -> memref<32x8x128xf32, #tpu.memory_space<hbm>>
    %dma_start3A_2121 = arith.constant 0 : i32
    %dma_start3A_2122 = arith.constant 0 : i32
    %dma_start3A_2123 = arith.constant 0 : i32
    %dma_start3A_2124 = tpu.memref_slice %arg5[%dma_start3A_2106, %dma_start3A_2121, %dma_start3A_2122, %dma_start3A_2123] : memref<3x32x8x128xf32, #tpu.memory_space<vmem>> -> memref<1x32x8x128xf32, #tpu.memory_space<vmem>>
    %dma_start3A_2125 = tpu.memref_squeeze %dma_start3A_2124 : memref<1x32x8x128xf32, #tpu.memory_space<vmem>> -> memref<32x8x128xf32, #tpu.memory_space<vmem>>
    tpu.enqueue_dma source(%dma_start3A_2125 : memref<32x8x128xf32, #tpu.memory_space<vmem>>) target(%dma_start3A_2120 : memref<32x8x128xf32, #tpu.memory_space<hbm>>) target_semaphore(%arg7 : memref<!tpu.dma_semaphore, #tpu.memory_space<semaphore_mem>>)
    %dma_start3A_2126 = arith.constant 0 : i32
    %dma_start3A_2127 = arith.constant 4 : i32
    %dma_start3A_2128 = arith.constant 0 : i32
    %dma_start3A_2129 = arith.constant 0 : i32
    %dma_start3A_2130 = arith.constant 0 : i32
    %dma_start3A_2131 = tpu.memref_slice %arg5[%dma_start3A_2126, %dma_start3A_2128, %dma_start3A_2129, %dma_start3A_2130] : memref<3x32x8x128xf32, #tpu.memory_space<vmem>> -> memref<1x32x8x128xf32, #tpu.memory_space<vmem>>
    %dma_start3A_2132 = tpu.memref_squeeze %dma_start3A_2131 : memref<1x32x8x128xf32, #tpu.memory_space<vmem>> -> memref<32x8x128xf32, #tpu.memory_space<vmem>>
    %dma_start3A_2133 = arith.constant 0 : i32
    %dma_start3A_2134 = arith.constant 128 : i32
    %dma_start3A_2135 = tpu.memref_slice %arg4[%add3A_2045, %dma_start3A_2133, %dma_start3A_2127, %dma_start3A_2134] : memref<4096x8x8x256xf32, #tpu.memory_space<hbm>> -> memref<32x8x1x128xf32, #tpu.memory_space<hbm>>
    %dma_start3A_2136 = tpu.memref_squeeze %dma_start3A_2135 : memref<32x8x1x128xf32, #tpu.memory_space<hbm>> -> memref<32x8x128xf32, #tpu.memory_space<hbm>>
    %dma_start3A_2137 = arith.constant 0 : i32
    %dma_start3A_2138 = arith.constant 128 : i32
    %dma_start3A_2139 = tpu.memref_slice %arg4[%add3A_2045, %dma_start3A_2137, %dma_start3A_2127, %dma_start3A_2138] : memref<4096x8x8x256xf32, #tpu.memory_space<hbm>> -> memref<32x8x1x128xf32, #tpu.memory_space<hbm>>
    %dma_start3A_2140 = tpu.memref_squeeze %dma_start3A_2139 : memref<32x8x1x128xf32, #tpu.memory_space<hbm>> -> memref<32x8x128xf32, #tpu.memory_space<hbm>>
    %dma_start3A_2141 = arith.constant 0 : i32
    %dma_start3A_2142 = arith.constant 0 : i32
    %dma_start3A_2143 = arith.constant 0 : i32
    %dma_start3A_2144 = tpu.memref_slice %arg5[%dma_start3A_2126, %dma_start3A_2141, %dma_start3A_2142, %dma_start3A_2143] : memref<3x32x8x128xf32, #tpu.memory_space<vmem>> -> memref<1x32x8x128xf32, #tpu.memory_space<vmem>>
    %dma_start3A_2145 = tpu.memref_squeeze %dma_start3A_2144 : memref<1x32x8x128xf32, #tpu.memory_space<vmem>> -> memref<32x8x128xf32, #tpu.memory_space<vmem>>
    tpu.enqueue_dma source(%dma_start3A_2145 : memref<32x8x128xf32, #tpu.memory_space<vmem>>) target(%dma_start3A_2140 : memref<32x8x128xf32, #tpu.memory_space<hbm>>) target_semaphore(%arg7 : memref<!tpu.dma_semaphore, #tpu.memory_space<semaphore_mem>>)
    %dma_start3A_2146 = arith.constant 0 : i32
    %dma_start3A_2147 = arith.constant 5 : i32
    %dma_start3A_2148 = arith.constant 0 : i32
    %dma_start3A_2149 = arith.constant 0 : i32
    %dma_start3A_2150 = arith.constant 0 : i32
    %dma_start3A_2151 = tpu.memref_slice %arg5[%dma_start3A_2146, %dma_start3A_2148, %dma_start3A_2149, %dma_start3A_2150] : memref<3x32x8x128xf32, #tpu.memory_space<vmem>> -> memref<1x32x8x128xf32, #tpu.memory_space<vmem>>
    %dma_start3A_2152 = tpu.memref_squeeze %dma_start3A_2151 : memref<1x32x8x128xf32, #tpu.memory_space<vmem>> -> memref<32x8x128xf32, #tpu.memory_space<vmem>>
    %dma_start3A_2153 = arith.constant 0 : i32
    %dma_start3A_2154 = arith.constant 128 : i32
    %dma_start3A_2155 = tpu.memref_slice %arg4[%add3A_2045, %dma_start3A_2153, %dma_start3A_2147, %dma_start3A_2154] : memref<4096x8x8x256xf32, #tpu.memory_space<hbm>> -> memref<32x8x1x128xf32, #tpu.memory_space<hbm>>
    %dma_start3A_2156 = tpu.memref_squeeze %dma_start3A_2155 : memref<32x8x1x128xf32, #tpu.memory_space<hbm>> -> memref<32x8x128xf32, #tpu.memory_space<hbm>>
    %dma_start3A_2157 = arith.constant 0 : i32
    %dma_start3A_2158 = arith.constant 128 : i32
    %dma_start3A_2159 = tpu.memref_slice %arg4[%add3A_2045, %dma_start3A_2157, %dma_start3A_2147, %dma_start3A_2158] : memref<4096x8x8x256xf32, #tpu.memory_space<hbm>> -> memref<32x8x1x128xf32, #tpu.memory_space<hbm>>
    %dma_start3A_2160 = tpu.memref_squeeze %dma_start3A_2159 : memref<32x8x1x128xf32, #tpu.memory_space<hbm>> -> memref<32x8x128xf32, #tpu.memory_space<hbm>>
    %dma_start3A_2161 = arith.constant 0 : i32
    %dma_start3A_2162 = arith.constant 0 : i32
    %dma_start3A_2163 = arith.constant 0 : i32
    %dma_start3A_2164 = tpu.memref_slice %arg5[%dma_start3A_2146, %dma_start3A_2161, %dma_start3A_2162, %dma_start3A_2163] : memref<3x32x8x128xf32, #tpu.memory_space<vmem>> -> memref<1x32x8x128xf32, #tpu.memory_space<vmem>>
    %dma_start3A_2165 = tpu.memref_squeeze %dma_start3A_2164 : memref<1x32x8x128xf32, #tpu.memory_space<vmem>> -> memref<32x8x128xf32, #tpu.memory_space<vmem>>
    tpu.enqueue_dma source(%dma_start3A_2165 : memref<32x8x128xf32, #tpu.memory_space<vmem>>) target(%dma_start3A_2160 : memref<32x8x128xf32, #tpu.memory_space<hbm>>) target_semaphore(%arg7 : memref<!tpu.dma_semaphore, #tpu.memory_space<semaphore_mem>>)
    %dma_start3A_2166 = arith.constant 0 : i32
    %dma_start3A_2167 = arith.constant 6 : i32
    %dma_start3A_2168 = arith.constant 0 : i32
    %dma_start3A_2169 = arith.constant 0 : i32
    %dma_start3A_2170 = arith.constant 0 : i32
    %dma_start3A_2171 = tpu.memref_slice %arg5[%dma_start3A_2166, %dma_start3A_2168, %dma_start3A_2169, %dma_start3A_2170] : memref<3x32x8x128xf32, #tpu.memory_space<vmem>> -> memref<1x32x8x128xf32, #tpu.memory_space<vmem>>
    %dma_start3A_2172 = tpu.memref_squeeze %dma_start3A_2171 : memref<1x32x8x128xf32, #tpu.memory_space<vmem>> -> memref<32x8x128xf32, #tpu.memory_space<vmem>>
    %dma_start3A_2173 = arith.constant 0 : i32
    %dma_start3A_2174 = arith.constant 128 : i32
    %dma_start3A_2175 = tpu.memref_slice %arg4[%add3A_2045, %dma_start3A_2173, %dma_start3A_2167, %dma_start3A_2174] : memref<4096x8x8x256xf32, #tpu.memory_space<hbm>> -> memref<32x8x1x128xf32, #tpu.memory_space<hbm>>
    %dma_start3A_2176 = tpu.memref_squeeze %dma_start3A_2175 : memref<32x8x1x128xf32, #tpu.memory_space<hbm>> -> memref<32x8x128xf32, #tpu.memory_space<hbm>>
    %dma_start3A_2177 = arith.constant 0 : i32
    %dma_start3A_2178 = arith.constant 128 : i32
    %dma_start3A_2179 = tpu.memref_slice %arg4[%add3A_2045, %dma_start3A_2177, %dma_start3A_2167, %dma_start3A_2178] : memref<4096x8x8x256xf32, #tpu.memory_space<hbm>> -> memref<32x8x1x128xf32, #tpu.memory_space<hbm>>
    %dma_start3A_2180 = tpu.memref_squeeze %dma_start3A_2179 : memref<32x8x1x128xf32, #tpu.memory_space<hbm>> -> memref<32x8x128xf32, #tpu.memory_space<hbm>>
    %dma_start3A_2181 = arith.constant 0 : i32
    %dma_start3A_2182 = arith.constant 0 : i32
    %dma_start3A_2183 = arith.constant 0 : i32
    %dma_start3A_2184 = tpu.memref_slice %arg5[%dma_start3A_2166, %dma_start3A_2181, %dma_start3A_2182, %dma_start3A_2183] : memref<3x32x8x128xf32, #tpu.memory_space<vmem>> -> memref<1x32x8x128xf32, #tpu.memory_space<vmem>>
    %dma_start3A_2185 = tpu.memref_squeeze %dma_start3A_2184 : memref<1x32x8x128xf32, #tpu.memory_space<vmem>> -> memref<32x8x128xf32, #tpu.memory_space<vmem>>
    tpu.enqueue_dma source(%dma_start3A_2185 : memref<32x8x128xf32, #tpu.memory_space<vmem>>) target(%dma_start3A_2180 : memref<32x8x128xf32, #tpu.memory_space<hbm>>) target_semaphore(%arg7 : memref<!tpu.dma_semaphore, #tpu.memory_space<semaphore_mem>>)
    %dma_start3A_2186 = arith.constant 0 : i32
    %dma_start3A_2187 = arith.constant 7 : i32
    %dma_start3A_2188 = arith.constant 0 : i32
    %dma_start3A_2189 = arith.constant 0 : i32
    %dma_start3A_2190 = arith.constant 0 : i32
    %dma_start3A_2191 = tpu.memref_slice %arg5[%dma_start3A_2186, %dma_start3A_2188, %dma_start3A_2189, %dma_start3A_2190] : memref<3x32x8x128xf32, #tpu.memory_space<vmem>> -> memref<1x32x8x128xf32, #tpu.memory_space<vmem>>
    %dma_start3A_2192 = tpu.memref_squeeze %dma_start3A_2191 : memref<1x32x8x128xf32, #tpu.memory_space<vmem>> -> memref<32x8x128xf32, #tpu.memory_space<vmem>>
    %dma_start3A_2193 = arith.constant 0 : i32
    %dma_start3A_2194 = arith.constant 128 : i32
    %dma_start3A_2195 = tpu.memref_slice %arg4[%add3A_2045, %dma_start3A_2193, %dma_start3A_2187, %dma_start3A_2194] : memref<4096x8x8x256xf32, #tpu.memory_space<hbm>> -> memref<32x8x1x128xf32, #tpu.memory_space<hbm>>
    %dma_start3A_2196 = tpu.memref_squeeze %dma_start3A_2195 : memref<32x8x1x128xf32, #tpu.memory_space<hbm>> -> memref<32x8x128xf32, #tpu.memory_space<hbm>>
    %dma_start3A_2197 = arith.constant 0 : i32
    %dma_start3A_2198 = arith.constant 128 : i32
    %dma_start3A_2199 = tpu.memref_slice %arg4[%add3A_2045, %dma_start3A_2197, %dma_start3A_2187, %dma_start3A_2198] : memref<4096x8x8x256xf32, #tpu.memory_space<hbm>> -> memref<32x8x1x128xf32, #tpu.memory_space<hbm>>
    %dma_start3A_2200 = tpu.memref_squeeze %dma_start3A_2199 : memref<32x8x1x128xf32, #tpu.memory_space<hbm>> -> memref<32x8x128xf32, #tpu.memory_space<hbm>>
    %dma_start3A_2201 = arith.constant 0 : i32
    %dma_start3A_2202 = arith.constant 0 : i32
    %dma_start3A_2203 = arith.constant 0 : i32
    %dma_start3A_2204 = tpu.memref_slice %arg5[%dma_start3A_2186, %dma_start3A_2201, %dma_start3A_2202, %dma_start3A_2203] : memref<3x32x8x128xf32, #tpu.memory_space<vmem>> -> memref<1x32x8x128xf32, #tpu.memory_space<vmem>>
    %dma_start3A_2205 = tpu.memref_squeeze %dma_start3A_2204 : memref<1x32x8x128xf32, #tpu.memory_space<vmem>> -> memref<32x8x128xf32, #tpu.memory_space<vmem>>
    tpu.enqueue_dma source(%dma_start3A_2205 : memref<32x8x128xf32, #tpu.memory_space<vmem>>) target(%dma_start3A_2200 : memref<32x8x128xf32, #tpu.memory_space<hbm>>) target_semaphore(%arg7 : memref<!tpu.dma_semaphore, #tpu.memory_space<semaphore_mem>>)
    %dma_wait3A_2206 = arith.constant 2 : i32
    %dma_wait3A_2207 = arith.constant 0 : i32
    %dma_wait3A_2208 = arith.constant 0 : i32
    %dma_wait3A_2209 = arith.constant 0 : i32
    %dma_wait3A_2210 = arith.constant 0 : i32
    %dma_wait3A_2211 = tpu.memref_slice %arg5[%dma_wait3A_2206, %dma_wait3A_2208, %dma_wait3A_2209, %dma_wait3A_2210] : memref<3x32x8x128xf32, #tpu.memory_space<vmem>> -> memref<1x32x8x128xf32, #tpu.memory_space<vmem>>
    %dma_wait3A_2212 = tpu.memref_squeeze %dma_wait3A_2211 : memref<1x32x8x128xf32, #tpu.memory_space<vmem>> -> memref<32x8x128xf32, #tpu.memory_space<vmem>>
    %dma_wait3A_2213 = arith.constant 0 : i32
    %dma_wait3A_2214 = arith.constant 128 : i32
    %dma_wait3A_2215 = tpu.memref_slice %arg4[%add3A_1687, %dma_wait3A_2213, %dma_wait3A_2207, %dma_wait3A_2214] : memref<4096x8x8x256xf32, #tpu.memory_space<hbm>> -> memref<32x8x1x128xf32, #tpu.memory_space<hbm>>
    %dma_wait3A_2216 = tpu.memref_squeeze %dma_wait3A_2215 : memref<32x8x1x128xf32, #tpu.memory_space<hbm>> -> memref<32x8x128xf32, #tpu.memory_space<hbm>>
    %dma_wait3A_2217 = arith.constant 0 : i32
    %dma_wait3A_2218 = arith.constant 128 : i32
    %dma_wait3A_2219 = tpu.memref_slice %arg4[%add3A_1687, %dma_wait3A_2217, %dma_wait3A_2207, %dma_wait3A_2218] : memref<4096x8x8x256xf32, #tpu.memory_space<hbm>> -> memref<32x8x1x128xf32, #tpu.memory_space<hbm>>
    %dma_wait3A_2220 = tpu.memref_squeeze %dma_wait3A_2219 : memref<32x8x1x128xf32, #tpu.memory_space<hbm>> -> memref<32x8x128xf32, #tpu.memory_space<hbm>>
    %dma_wait3A_2221 = arith.constant 0 : i32
    %dma_wait3A_2222 = arith.constant 0 : i32
    %dma_wait3A_2223 = arith.constant 0 : i32
    %dma_wait3A_2224 = tpu.memref_slice %arg5[%dma_wait3A_2206, %dma_wait3A_2221, %dma_wait3A_2222, %dma_wait3A_2223] : memref<3x32x8x128xf32, #tpu.memory_space<vmem>> -> memref<1x32x8x128xf32, #tpu.memory_space<vmem>>
    %dma_wait3A_2225 = tpu.memref_squeeze %dma_wait3A_2224 : memref<1x32x8x128xf32, #tpu.memory_space<vmem>> -> memref<32x8x128xf32, #tpu.memory_space<vmem>>
    tpu.wait_dma2 semaphore(%arg7 : memref<!tpu.dma_semaphore, #tpu.memory_space<semaphore_mem>>) src(%dma_wait3A_2225 : memref<32x8x128xf32, #tpu.memory_space<vmem>>) dst(%dma_wait3A_2220 : memref<32x8x128xf32, #tpu.memory_space<hbm>>)
    %dma_wait3A_2226 = arith.constant 2 : i32
    %dma_wait3A_2227 = arith.constant 1 : i32
    %dma_wait3A_2228 = arith.constant 0 : i32
    %dma_wait3A_2229 = arith.constant 0 : i32
    %dma_wait3A_2230 = arith.constant 0 : i32
    %dma_wait3A_2231 = tpu.memref_slice %arg5[%dma_wait3A_2226, %dma_wait3A_2228, %dma_wait3A_2229, %dma_wait3A_2230] : memref<3x32x8x128xf32, #tpu.memory_space<vmem>> -> memref<1x32x8x128xf32, #tpu.memory_space<vmem>>
    %dma_wait3A_2232 = tpu.memref_squeeze %dma_wait3A_2231 : memref<1x32x8x128xf32, #tpu.memory_space<vmem>> -> memref<32x8x128xf32, #tpu.memory_space<vmem>>
    %dma_wait3A_2233 = arith.constant 0 : i32
    %dma_wait3A_2234 = arith.constant 128 : i32
    %dma_wait3A_2235 = tpu.memref_slice %arg4[%add3A_1687, %dma_wait3A_2233, %dma_wait3A_2227, %dma_wait3A_2234] : memref<4096x8x8x256xf32, #tpu.memory_space<hbm>> -> memref<32x8x1x128xf32, #tpu.memory_space<hbm>>
    %dma_wait3A_2236 = tpu.memref_squeeze %dma_wait3A_2235 : memref<32x8x1x128xf32, #tpu.memory_space<hbm>> -> memref<32x8x128xf32, #tpu.memory_space<hbm>>
    %dma_wait3A_2237 = arith.constant 0 : i32
    %dma_wait3A_2238 = arith.constant 128 : i32
    %dma_wait3A_2239 = tpu.memref_slice %arg4[%add3A_1687, %dma_wait3A_2237, %dma_wait3A_2227, %dma_wait3A_2238] : memref<4096x8x8x256xf32, #tpu.memory_space<hbm>> -> memref<32x8x1x128xf32, #tpu.memory_space<hbm>>
    %dma_wait3A_2240 = tpu.memref_squeeze %dma_wait3A_2239 : memref<32x8x1x128xf32, #tpu.memory_space<hbm>> -> memref<32x8x128xf32, #tpu.memory_space<hbm>>
    %dma_wait3A_2241 = arith.constant 0 : i32
    %dma_wait3A_2242 = arith.constant 0 : i32
    %dma_wait3A_2243 = arith.constant 0 : i32
    %dma_wait3A_2244 = tpu.memref_slice %arg5[%dma_wait3A_2226, %dma_wait3A_2241, %dma_wait3A_2242, %dma_wait3A_2243] : memref<3x32x8x128xf32, #tpu.memory_space<vmem>> -> memref<1x32x8x128xf32, #tpu.memory_space<vmem>>
    %dma_wait3A_2245 = tpu.memref_squeeze %dma_wait3A_2244 : memref<1x32x8x128xf32, #tpu.memory_space<vmem>> -> memref<32x8x128xf32, #tpu.memory_space<vmem>>
    tpu.wait_dma2 semaphore(%arg7 : memref<!tpu.dma_semaphore, #tpu.memory_space<semaphore_mem>>) src(%dma_wait3A_2245 : memref<32x8x128xf32, #tpu.memory_space<vmem>>) dst(%dma_wait3A_2240 : memref<32x8x128xf32, #tpu.memory_space<hbm>>)
    %dma_wait3A_2246 = arith.constant 2 : i32
    %dma_wait3A_2247 = arith.constant 2 : i32
    %dma_wait3A_2248 = arith.constant 0 : i32
    %dma_wait3A_2249 = arith.constant 0 : i32
    %dma_wait3A_2250 = arith.constant 0 : i32
    %dma_wait3A_2251 = tpu.memref_slice %arg5[%dma_wait3A_2246, %dma_wait3A_2248, %dma_wait3A_2249, %dma_wait3A_2250] : memref<3x32x8x128xf32, #tpu.memory_space<vmem>> -> memref<1x32x8x128xf32, #tpu.memory_space<vmem>>
    %dma_wait3A_2252 = tpu.memref_squeeze %dma_wait3A_2251 : memref<1x32x8x128xf32, #tpu.memory_space<vmem>> -> memref<32x8x128xf32, #tpu.memory_space<vmem>>
    %dma_wait3A_2253 = arith.constant 0 : i32
    %dma_wait3A_2254 = arith.constant 128 : i32
    %dma_wait3A_2255 = tpu.memref_slice %arg4[%add3A_1687, %dma_wait3A_2253, %dma_wait3A_2247, %dma_wait3A_2254] : memref<4096x8x8x256xf32, #tpu.memory_space<hbm>> -> memref<32x8x1x128xf32, #tpu.memory_space<hbm>>
    %dma_wait3A_2256 = tpu.memref_squeeze %dma_wait3A_2255 : memref<32x8x1x128xf32, #tpu.memory_space<hbm>> -> memref<32x8x128xf32, #tpu.memory_space<hbm>>
    %dma_wait3A_2257 = arith.constant 0 : i32
    %dma_wait3A_2258 = arith.constant 128 : i32
    %dma_wait3A_2259 = tpu.memref_slice %arg4[%add3A_1687, %dma_wait3A_2257, %dma_wait3A_2247, %dma_wait3A_2258] : memref<4096x8x8x256xf32, #tpu.memory_space<hbm>> -> memref<32x8x1x128xf32, #tpu.memory_space<hbm>>
    %dma_wait3A_2260 = tpu.memref_squeeze %dma_wait3A_2259 : memref<32x8x1x128xf32, #tpu.memory_space<hbm>> -> memref<32x8x128xf32, #tpu.memory_space<hbm>>
    %dma_wait3A_2261 = arith.constant 0 : i32
    %dma_wait3A_2262 = arith.constant 0 : i32
    %dma_wait3A_2263 = arith.constant 0 : i32
    %dma_wait3A_2264 = tpu.memref_slice %arg5[%dma_wait3A_2246, %dma_wait3A_2261, %dma_wait3A_2262, %dma_wait3A_2263] : memref<3x32x8x128xf32, #tpu.memory_space<vmem>> -> memref<1x32x8x128xf32, #tpu.memory_space<vmem>>
    %dma_wait3A_2265 = tpu.memref_squeeze %dma_wait3A_2264 : memref<1x32x8x128xf32, #tpu.memory_space<vmem>> -> memref<32x8x128xf32, #tpu.memory_space<vmem>>
    tpu.wait_dma2 semaphore(%arg7 : memref<!tpu.dma_semaphore, #tpu.memory_space<semaphore_mem>>) src(%dma_wait3A_2265 : memref<32x8x128xf32, #tpu.memory_space<vmem>>) dst(%dma_wait3A_2260 : memref<32x8x128xf32, #tpu.memory_space<hbm>>)
    %dma_wait3A_2266 = arith.constant 2 : i32
    %dma_wait3A_2267 = arith.constant 3 : i32
    %dma_wait3A_2268 = arith.constant 0 : i32
    %dma_wait3A_2269 = arith.constant 0 : i32
    %dma_wait3A_2270 = arith.constant 0 : i32
    %dma_wait3A_2271 = tpu.memref_slice %arg5[%dma_wait3A_2266, %dma_wait3A_2268, %dma_wait3A_2269, %dma_wait3A_2270] : memref<3x32x8x128xf32, #tpu.memory_space<vmem>> -> memref<1x32x8x128xf32, #tpu.memory_space<vmem>>
    %dma_wait3A_2272 = tpu.memref_squeeze %dma_wait3A_2271 : memref<1x32x8x128xf32, #tpu.memory_space<vmem>> -> memref<32x8x128xf32, #tpu.memory_space<vmem>>
    %dma_wait3A_2273 = arith.constant 0 : i32
    %dma_wait3A_2274 = arith.constant 128 : i32
    %dma_wait3A_2275 = tpu.memref_slice %arg4[%add3A_1687, %dma_wait3A_2273, %dma_wait3A_2267, %dma_wait3A_2274] : memref<4096x8x8x256xf32, #tpu.memory_space<hbm>> -> memref<32x8x1x128xf32, #tpu.memory_space<hbm>>
    %dma_wait3A_2276 = tpu.memref_squeeze %dma_wait3A_2275 : memref<32x8x1x128xf32, #tpu.memory_space<hbm>> -> memref<32x8x128xf32, #tpu.memory_space<hbm>>
    %dma_wait3A_2277 = arith.constant 0 : i32
    %dma_wait3A_2278 = arith.constant 128 : i32
    %dma_wait3A_2279 = tpu.memref_slice %arg4[%add3A_1687, %dma_wait3A_2277, %dma_wait3A_2267, %dma_wait3A_2278] : memref<4096x8x8x256xf32, #tpu.memory_space<hbm>> -> memref<32x8x1x128xf32, #tpu.memory_space<hbm>>
    %dma_wait3A_2280 = tpu.memref_squeeze %dma_wait3A_2279 : memref<32x8x1x128xf32, #tpu.memory_space<hbm>> -> memref<32x8x128xf32, #tpu.memory_space<hbm>>
    %dma_wait3A_2281 = arith.constant 0 : i32
    %dma_wait3A_2282 = arith.constant 0 : i32
    %dma_wait3A_2283 = arith.constant 0 : i32
    %dma_wait3A_2284 = tpu.memref_slice %arg5[%dma_wait3A_2266, %dma_wait3A_2281, %dma_wait3A_2282, %dma_wait3A_2283] : memref<3x32x8x128xf32, #tpu.memory_space<vmem>> -> memref<1x32x8x128xf32, #tpu.memory_space<vmem>>
    %dma_wait3A_2285 = tpu.memref_squeeze %dma_wait3A_2284 : memref<1x32x8x128xf32, #tpu.memory_space<vmem>> -> memref<32x8x128xf32, #tpu.memory_space<vmem>>
    tpu.wait_dma2 semaphore(%arg7 : memref<!tpu.dma_semaphore, #tpu.memory_space<semaphore_mem>>) src(%dma_wait3A_2285 : memref<32x8x128xf32, #tpu.memory_space<vmem>>) dst(%dma_wait3A_2280 : memref<32x8x128xf32, #tpu.memory_space<hbm>>)
    %dma_wait3A_2286 = arith.constant 2 : i32
    %dma_wait3A_2287 = arith.constant 4 : i32
    %dma_wait3A_2288 = arith.constant 0 : i32
    %dma_wait3A_2289 = arith.constant 0 : i32
    %dma_wait3A_2290 = arith.constant 0 : i32
    %dma_wait3A_2291 = tpu.memref_slice %arg5[%dma_wait3A_2286, %dma_wait3A_2288, %dma_wait3A_2289, %dma_wait3A_2290] : memref<3x32x8x128xf32, #tpu.memory_space<vmem>> -> memref<1x32x8x128xf32, #tpu.memory_space<vmem>>
    %dma_wait3A_2292 = tpu.memref_squeeze %dma_wait3A_2291 : memref<1x32x8x128xf32, #tpu.memory_space<vmem>> -> memref<32x8x128xf32, #tpu.memory_space<vmem>>
    %dma_wait3A_2293 = arith.constant 0 : i32
    %dma_wait3A_2294 = arith.constant 128 : i32
    %dma_wait3A_2295 = tpu.memref_slice %arg4[%add3A_1687, %dma_wait3A_2293, %dma_wait3A_2287, %dma_wait3A_2294] : memref<4096x8x8x256xf32, #tpu.memory_space<hbm>> -> memref<32x8x1x128xf32, #tpu.memory_space<hbm>>
    %dma_wait3A_2296 = tpu.memref_squeeze %dma_wait3A_2295 : memref<32x8x1x128xf32, #tpu.memory_space<hbm>> -> memref<32x8x128xf32, #tpu.memory_space<hbm>>
    %dma_wait3A_2297 = arith.constant 0 : i32
    %dma_wait3A_2298 = arith.constant 128 : i32
    %dma_wait3A_2299 = tpu.memref_slice %arg4[%add3A_1687, %dma_wait3A_2297, %dma_wait3A_2287, %dma_wait3A_2298] : memref<4096x8x8x256xf32, #tpu.memory_space<hbm>> -> memref<32x8x1x128xf32, #tpu.memory_space<hbm>>
    %dma_wait3A_2300 = tpu.memref_squeeze %dma_wait3A_2299 : memref<32x8x1x128xf32, #tpu.memory_space<hbm>> -> memref<32x8x128xf32, #tpu.memory_space<hbm>>
    %dma_wait3A_2301 = arith.constant 0 : i32
    %dma_wait3A_2302 = arith.constant 0 : i32
    %dma_wait3A_2303 = arith.constant 0 : i32
    %dma_wait3A_2304 = tpu.memref_slice %arg5[%dma_wait3A_2286, %dma_wait3A_2301, %dma_wait3A_2302, %dma_wait3A_2303] : memref<3x32x8x128xf32, #tpu.memory_space<vmem>> -> memref<1x32x8x128xf32, #tpu.memory_space<vmem>>
    %dma_wait3A_2305 = tpu.memref_squeeze %dma_wait3A_2304 : memref<1x32x8x128xf32, #tpu.memory_space<vmem>> -> memref<32x8x128xf32, #tpu.memory_space<vmem>>
    tpu.wait_dma2 semaphore(%arg7 : memref<!tpu.dma_semaphore, #tpu.memory_space<semaphore_mem>>) src(%dma_wait3A_2305 : memref<32x8x128xf32, #tpu.memory_space<vmem>>) dst(%dma_wait3A_2300 : memref<32x8x128xf32, #tpu.memory_space<hbm>>)
    %dma_wait3A_2306 = arith.constant 2 : i32
    %dma_wait3A_2307 = arith.constant 5 : i32
    %dma_wait3A_2308 = arith.constant 0 : i32
    %dma_wait3A_2309 = arith.constant 0 : i32
    %dma_wait3A_2310 = arith.constant 0 : i32
    %dma_wait3A_2311 = tpu.memref_slice %arg5[%dma_wait3A_2306, %dma_wait3A_2308, %dma_wait3A_2309, %dma_wait3A_2310] : memref<3x32x8x128xf32, #tpu.memory_space<vmem>> -> memref<1x32x8x128xf32, #tpu.memory_space<vmem>>
    %dma_wait3A_2312 = tpu.memref_squeeze %dma_wait3A_2311 : memref<1x32x8x128xf32, #tpu.memory_space<vmem>> -> memref<32x8x128xf32, #tpu.memory_space<vmem>>
    %dma_wait3A_2313 = arith.constant 0 : i32
    %dma_wait3A_2314 = arith.constant 128 : i32
    %dma_wait3A_2315 = tpu.memref_slice %arg4[%add3A_1687, %dma_wait3A_2313, %dma_wait3A_2307, %dma_wait3A_2314] : memref<4096x8x8x256xf32, #tpu.memory_space<hbm>> -> memref<32x8x1x128xf32, #tpu.memory_space<hbm>>
    %dma_wait3A_2316 = tpu.memref_squeeze %dma_wait3A_2315 : memref<32x8x1x128xf32, #tpu.memory_space<hbm>> -> memref<32x8x128xf32, #tpu.memory_space<hbm>>
    %dma_wait3A_2317 = arith.constant 0 : i32
    %dma_wait3A_2318 = arith.constant 128 : i32
    %dma_wait3A_2319 = tpu.memref_slice %arg4[%add3A_1687, %dma_wait3A_2317, %dma_wait3A_2307, %dma_wait3A_2318] : memref<4096x8x8x256xf32, #tpu.memory_space<hbm>> -> memref<32x8x1x128xf32, #tpu.memory_space<hbm>>
    %dma_wait3A_2320 = tpu.memref_squeeze %dma_wait3A_2319 : memref<32x8x1x128xf32, #tpu.memory_space<hbm>> -> memref<32x8x128xf32, #tpu.memory_space<hbm>>
    %dma_wait3A_2321 = arith.constant 0 : i32
    %dma_wait3A_2322 = arith.constant 0 : i32
    %dma_wait3A_2323 = arith.constant 0 : i32
    %dma_wait3A_2324 = tpu.memref_slice %arg5[%dma_wait3A_2306, %dma_wait3A_2321, %dma_wait3A_2322, %dma_wait3A_2323] : memref<3x32x8x128xf32, #tpu.memory_space<vmem>> -> memref<1x32x8x128xf32, #tpu.memory_space<vmem>>
    %dma_wait3A_2325 = tpu.memref_squeeze %dma_wait3A_2324 : memref<1x32x8x128xf32, #tpu.memory_space<vmem>> -> memref<32x8x128xf32, #tpu.memory_space<vmem>>
    tpu.wait_dma2 semaphore(%arg7 : memref<!tpu.dma_semaphore, #tpu.memory_space<semaphore_mem>>) src(%dma_wait3A_2325 : memref<32x8x128xf32, #tpu.memory_space<vmem>>) dst(%dma_wait3A_2320 : memref<32x8x128xf32, #tpu.memory_space<hbm>>)
    %dma_wait3A_2326 = arith.constant 2 : i32
    %dma_wait3A_2327 = arith.constant 6 : i32
    %dma_wait3A_2328 = arith.constant 0 : i32
    %dma_wait3A_2329 = arith.constant 0 : i32
    %dma_wait3A_2330 = arith.constant 0 : i32
    %dma_wait3A_2331 = tpu.memref_slice %arg5[%dma_wait3A_2326, %dma_wait3A_2328, %dma_wait3A_2329, %dma_wait3A_2330] : memref<3x32x8x128xf32, #tpu.memory_space<vmem>> -> memref<1x32x8x128xf32, #tpu.memory_space<vmem>>
    %dma_wait3A_2332 = tpu.memref_squeeze %dma_wait3A_2331 : memref<1x32x8x128xf32, #tpu.memory_space<vmem>> -> memref<32x8x128xf32, #tpu.memory_space<vmem>>
    %dma_wait3A_2333 = arith.constant 0 : i32
    %dma_wait3A_2334 = arith.constant 128 : i32
    %dma_wait3A_2335 = tpu.memref_slice %arg4[%add3A_1687, %dma_wait3A_2333, %dma_wait3A_2327, %dma_wait3A_2334] : memref<4096x8x8x256xf32, #tpu.memory_space<hbm>> -> memref<32x8x1x128xf32, #tpu.memory_space<hbm>>
    %dma_wait3A_2336 = tpu.memref_squeeze %dma_wait3A_2335 : memref<32x8x1x128xf32, #tpu.memory_space<hbm>> -> memref<32x8x128xf32, #tpu.memory_space<hbm>>
    %dma_wait3A_2337 = arith.constant 0 : i32
    %dma_wait3A_2338 = arith.constant 128 : i32
    %dma_wait3A_2339 = tpu.memref_slice %arg4[%add3A_1687, %dma_wait3A_2337, %dma_wait3A_2327, %dma_wait3A_2338] : memref<4096x8x8x256xf32, #tpu.memory_space<hbm>> -> memref<32x8x1x128xf32, #tpu.memory_space<hbm>>
    %dma_wait3A_2340 = tpu.memref_squeeze %dma_wait3A_2339 : memref<32x8x1x128xf32, #tpu.memory_space<hbm>> -> memref<32x8x128xf32, #tpu.memory_space<hbm>>
    %dma_wait3A_2341 = arith.constant 0 : i32
    %dma_wait3A_2342 = arith.constant 0 : i32
    %dma_wait3A_2343 = arith.constant 0 : i32
    %dma_wait3A_2344 = tpu.memref_slice %arg5[%dma_wait3A_2326, %dma_wait3A_2341, %dma_wait3A_2342, %dma_wait3A_2343] : memref<3x32x8x128xf32, #tpu.memory_space<vmem>> -> memref<1x32x8x128xf32, #tpu.memory_space<vmem>>
    %dma_wait3A_2345 = tpu.memref_squeeze %dma_wait3A_2344 : memref<1x32x8x128xf32, #tpu.memory_space<vmem>> -> memref<32x8x128xf32, #tpu.memory_space<vmem>>
    tpu.wait_dma2 semaphore(%arg7 : memref<!tpu.dma_semaphore, #tpu.memory_space<semaphore_mem>>) src(%dma_wait3A_2345 : memref<32x8x128xf32, #tpu.memory_space<vmem>>) dst(%dma_wait3A_2340 : memref<32x8x128xf32, #tpu.memory_space<hbm>>)
    %dma_wait3A_2346 = arith.constant 2 : i32
    %dma_wait3A_2347 = arith.constant 7 : i32
    %dma_wait3A_2348 = arith.constant 0 : i32
    %dma_wait3A_2349 = arith.constant 0 : i32
    %dma_wait3A_2350 = arith.constant 0 : i32
    %dma_wait3A_2351 = tpu.memref_slice %arg5[%dma_wait3A_2346, %dma_wait3A_2348, %dma_wait3A_2349, %dma_wait3A_2350] : memref<3x32x8x128xf32, #tpu.memory_space<vmem>> -> memref<1x32x8x128xf32, #tpu.memory_space<vmem>>
    %dma_wait3A_2352 = tpu.memref_squeeze %dma_wait3A_2351 : memref<1x32x8x128xf32, #tpu.memory_space<vmem>> -> memref<32x8x128xf32, #tpu.memory_space<vmem>>
    %dma_wait3A_2353 = arith.constant 0 : i32
    %dma_wait3A_2354 = arith.constant 128 : i32
    %dma_wait3A_2355 = tpu.memref_slice %arg4[%add3A_1687, %dma_wait3A_2353, %dma_wait3A_2347, %dma_wait3A_2354] : memref<4096x8x8x256xf32, #tpu.memory_space<hbm>> -> memref<32x8x1x128xf32, #tpu.memory_space<hbm>>
    %dma_wait3A_2356 = tpu.memref_squeeze %dma_wait3A_2355 : memref<32x8x1x128xf32, #tpu.memory_space<hbm>> -> memref<32x8x128xf32, #tpu.memory_space<hbm>>
    %dma_wait3A_2357 = arith.constant 0 : i32
    %dma_wait3A_2358 = arith.constant 128 : i32
    %dma_wait3A_2359 = tpu.memref_slice %arg4[%add3A_1687, %dma_wait3A_2357, %dma_wait3A_2347, %dma_wait3A_2358] : memref<4096x8x8x256xf32, #tpu.memory_space<hbm>> -> memref<32x8x1x128xf32, #tpu.memory_space<hbm>>
    %dma_wait3A_2360 = tpu.memref_squeeze %dma_wait3A_2359 : memref<32x8x1x128xf32, #tpu.memory_space<hbm>> -> memref<32x8x128xf32, #tpu.memory_space<hbm>>
    %dma_wait3A_2361 = arith.constant 0 : i32
    %dma_wait3A_2362 = arith.constant 0 : i32
    %dma_wait3A_2363 = arith.constant 0 : i32
    %dma_wait3A_2364 = tpu.memref_slice %arg5[%dma_wait3A_2346, %dma_wait3A_2361, %dma_wait3A_2362, %dma_wait3A_2363] : memref<3x32x8x128xf32, #tpu.memory_space<vmem>> -> memref<1x32x8x128xf32, #tpu.memory_space<vmem>>
    %dma_wait3A_2365 = tpu.memref_squeeze %dma_wait3A_2364 : memref<1x32x8x128xf32, #tpu.memory_space<vmem>> -> memref<32x8x128xf32, #tpu.memory_space<vmem>>
    tpu.wait_dma2 semaphore(%arg7 : memref<!tpu.dma_semaphore, #tpu.memory_space<semaphore_mem>>) src(%dma_wait3A_2365 : memref<32x8x128xf32, #tpu.memory_space<vmem>>) dst(%dma_wait3A_2360 : memref<32x8x128xf32, #tpu.memory_space<hbm>>)
    %dma_wait3A_2366 = arith.constant 1 : i32
    %dma_wait3A_2367 = arith.constant 0 : i32
    %dma_wait3A_2368 = arith.constant 0 : i32
    %dma_wait3A_2369 = arith.constant 0 : i32
    %dma_wait3A_2370 = tpu.memref_slice %arg5[%dma_wait3A_2366, %dma_wait3A_2367, %dma_wait3A_2368, %dma_wait3A_2369] : memref<3x32x8x128xf32, #tpu.memory_space<vmem>> -> memref<1x32x8x128xf32, #tpu.memory_space<vmem>>
    %dma_wait3A_2371 = tpu.memref_squeeze %dma_wait3A_2370 : memref<1x32x8x128xf32, #tpu.memory_space<vmem>> -> memref<32x8x128xf32, #tpu.memory_space<vmem>>
    %dma_wait3A_2372 = arith.constant 0 : i32
    %dma_wait3A_2373 = arith.constant 0 : i32
    %dma_wait3A_2374 = tpu.memref_slice %arg3[%add3A_2009, %dma_wait3A_2372, %dma_wait3A_2373] : memref<4096x8x128xf32, #tpu.memory_space<hbm>> -> memref<32x8x128xf32, #tpu.memory_space<hbm>>
    %dma_wait3A_2375 = arith.constant 0 : i32
    %dma_wait3A_2376 = arith.constant 0 : i32
    %dma_wait3A_2377 = arith.constant 0 : i32
    %dma_wait3A_2378 = tpu.memref_slice %arg5[%dma_wait3A_2366, %dma_wait3A_2375, %dma_wait3A_2376, %dma_wait3A_2377] : memref<3x32x8x128xf32, #tpu.memory_space<vmem>> -> memref<1x32x8x128xf32, #tpu.memory_space<vmem>>
    %dma_wait3A_2379 = tpu.memref_squeeze %dma_wait3A_2378 : memref<1x32x8x128xf32, #tpu.memory_space<vmem>> -> memref<32x8x128xf32, #tpu.memory_space<vmem>>
    %dma_wait3A_2380 = arith.constant 0 : i32
    %dma_wait3A_2381 = arith.constant 0 : i32
    %dma_wait3A_2382 = tpu.memref_slice %arg3[%add3A_2009, %dma_wait3A_2380, %dma_wait3A_2381] : memref<4096x8x128xf32, #tpu.memory_space<hbm>> -> memref<32x8x128xf32, #tpu.memory_space<hbm>>
    tpu.wait_dma2 semaphore(%arg6 : memref<!tpu.dma_semaphore, #tpu.memory_space<semaphore_mem>>) src(%dma_wait3A_2382 : memref<32x8x128xf32, #tpu.memory_space<hbm>>) dst(%dma_wait3A_2379 : memref<32x8x128xf32, #tpu.memory_space<vmem>>)
    %add3A_2383 = arith.constant 96 : i32
    %add3A_2384 = arith.addi %mul3A_2, %add3A_2383 : i32
    %dma_start3A_2385 = arith.constant 1 : i32
    %dma_start3A_2386 = arith.constant 0 : i32
    %dma_start3A_2387 = arith.constant 0 : i32
    %dma_start3A_2388 = arith.constant 0 : i32
    %dma_start3A_2389 = arith.constant 0 : i32
    %dma_start3A_2390 = tpu.memref_slice %arg5[%dma_start3A_2385, %dma_start3A_2387, %dma_start3A_2388, %dma_start3A_2389] : memref<3x32x8x128xf32, #tpu.memory_space<vmem>> -> memref<1x32x8x128xf32, #tpu.memory_space<vmem>>
    %dma_start3A_2391 = tpu.memref_squeeze %dma_start3A_2390 : memref<1x32x8x128xf32, #tpu.memory_space<vmem>> -> memref<32x8x128xf32, #tpu.memory_space<vmem>>
    %dma_start3A_2392 = arith.constant 0 : i32
    %dma_start3A_2393 = arith.constant 128 : i32
    %dma_start3A_2394 = tpu.memref_slice %arg4[%add3A_2384, %dma_start3A_2392, %dma_start3A_2386, %dma_start3A_2393] : memref<4096x8x8x256xf32, #tpu.memory_space<hbm>> -> memref<32x8x1x128xf32, #tpu.memory_space<hbm>>
    %dma_start3A_2395 = tpu.memref_squeeze %dma_start3A_2394 : memref<32x8x1x128xf32, #tpu.memory_space<hbm>> -> memref<32x8x128xf32, #tpu.memory_space<hbm>>
    %dma_start3A_2396 = arith.constant 0 : i32
    %dma_start3A_2397 = arith.constant 128 : i32
    %dma_start3A_2398 = tpu.memref_slice %arg4[%add3A_2384, %dma_start3A_2396, %dma_start3A_2386, %dma_start3A_2397] : memref<4096x8x8x256xf32, #tpu.memory_space<hbm>> -> memref<32x8x1x128xf32, #tpu.memory_space<hbm>>
    %dma_start3A_2399 = tpu.memref_squeeze %dma_start3A_2398 : memref<32x8x1x128xf32, #tpu.memory_space<hbm>> -> memref<32x8x128xf32, #tpu.memory_space<hbm>>
    %dma_start3A_2400 = arith.constant 0 : i32
    %dma_start3A_2401 = arith.constant 0 : i32
    %dma_start3A_2402 = arith.constant 0 : i32
    %dma_start3A_2403 = tpu.memref_slice %arg5[%dma_start3A_2385, %dma_start3A_2400, %dma_start3A_2401, %dma_start3A_2402] : memref<3x32x8x128xf32, #tpu.memory_space<vmem>> -> memref<1x32x8x128xf32, #tpu.memory_space<vmem>>
    %dma_start3A_2404 = tpu.memref_squeeze %dma_start3A_2403 : memref<1x32x8x128xf32, #tpu.memory_space<vmem>> -> memref<32x8x128xf32, #tpu.memory_space<vmem>>
    tpu.enqueue_dma source(%dma_start3A_2404 : memref<32x8x128xf32, #tpu.memory_space<vmem>>) target(%dma_start3A_2399 : memref<32x8x128xf32, #tpu.memory_space<hbm>>) target_semaphore(%arg7 : memref<!tpu.dma_semaphore, #tpu.memory_space<semaphore_mem>>)
    %dma_start3A_2405 = arith.constant 1 : i32
    %dma_start3A_2406 = arith.constant 1 : i32
    %dma_start3A_2407 = arith.constant 0 : i32
    %dma_start3A_2408 = arith.constant 0 : i32
    %dma_start3A_2409 = arith.constant 0 : i32
    %dma_start3A_2410 = tpu.memref_slice %arg5[%dma_start3A_2405, %dma_start3A_2407, %dma_start3A_2408, %dma_start3A_2409] : memref<3x32x8x128xf32, #tpu.memory_space<vmem>> -> memref<1x32x8x128xf32, #tpu.memory_space<vmem>>
    %dma_start3A_2411 = tpu.memref_squeeze %dma_start3A_2410 : memref<1x32x8x128xf32, #tpu.memory_space<vmem>> -> memref<32x8x128xf32, #tpu.memory_space<vmem>>
    %dma_start3A_2412 = arith.constant 0 : i32
    %dma_start3A_2413 = arith.constant 128 : i32
    %dma_start3A_2414 = tpu.memref_slice %arg4[%add3A_2384, %dma_start3A_2412, %dma_start3A_2406, %dma_start3A_2413] : memref<4096x8x8x256xf32, #tpu.memory_space<hbm>> -> memref<32x8x1x128xf32, #tpu.memory_space<hbm>>
    %dma_start3A_2415 = tpu.memref_squeeze %dma_start3A_2414 : memref<32x8x1x128xf32, #tpu.memory_space<hbm>> -> memref<32x8x128xf32, #tpu.memory_space<hbm>>
    %dma_start3A_2416 = arith.constant 0 : i32
    %dma_start3A_2417 = arith.constant 128 : i32
    %dma_start3A_2418 = tpu.memref_slice %arg4[%add3A_2384, %dma_start3A_2416, %dma_start3A_2406, %dma_start3A_2417] : memref<4096x8x8x256xf32, #tpu.memory_space<hbm>> -> memref<32x8x1x128xf32, #tpu.memory_space<hbm>>
    %dma_start3A_2419 = tpu.memref_squeeze %dma_start3A_2418 : memref<32x8x1x128xf32, #tpu.memory_space<hbm>> -> memref<32x8x128xf32, #tpu.memory_space<hbm>>
    %dma_start3A_2420 = arith.constant 0 : i32
    %dma_start3A_2421 = arith.constant 0 : i32
    %dma_start3A_2422 = arith.constant 0 : i32
    %dma_start3A_2423 = tpu.memref_slice %arg5[%dma_start3A_2405, %dma_start3A_2420, %dma_start3A_2421, %dma_start3A_2422] : memref<3x32x8x128xf32, #tpu.memory_space<vmem>> -> memref<1x32x8x128xf32, #tpu.memory_space<vmem>>
    %dma_start3A_2424 = tpu.memref_squeeze %dma_start3A_2423 : memref<1x32x8x128xf32, #tpu.memory_space<vmem>> -> memref<32x8x128xf32, #tpu.memory_space<vmem>>
    tpu.enqueue_dma source(%dma_start3A_2424 : memref<32x8x128xf32, #tpu.memory_space<vmem>>) target(%dma_start3A_2419 : memref<32x8x128xf32, #tpu.memory_space<hbm>>) target_semaphore(%arg7 : memref<!tpu.dma_semaphore, #tpu.memory_space<semaphore_mem>>)
    %dma_start3A_2425 = arith.constant 1 : i32
    %dma_start3A_2426 = arith.constant 2 : i32
    %dma_start3A_2427 = arith.constant 0 : i32
    %dma_start3A_2428 = arith.constant 0 : i32
    %dma_start3A_2429 = arith.constant 0 : i32
    %dma_start3A_2430 = tpu.memref_slice %arg5[%dma_start3A_2425, %dma_start3A_2427, %dma_start3A_2428, %dma_start3A_2429] : memref<3x32x8x128xf32, #tpu.memory_space<vmem>> -> memref<1x32x8x128xf32, #tpu.memory_space<vmem>>
    %dma_start3A_2431 = tpu.memref_squeeze %dma_start3A_2430 : memref<1x32x8x128xf32, #tpu.memory_space<vmem>> -> memref<32x8x128xf32, #tpu.memory_space<vmem>>
    %dma_start3A_2432 = arith.constant 0 : i32
    %dma_start3A_2433 = arith.constant 128 : i32
    %dma_start3A_2434 = tpu.memref_slice %arg4[%add3A_2384, %dma_start3A_2432, %dma_start3A_2426, %dma_start3A_2433] : memref<4096x8x8x256xf32, #tpu.memory_space<hbm>> -> memref<32x8x1x128xf32, #tpu.memory_space<hbm>>
    %dma_start3A_2435 = tpu.memref_squeeze %dma_start3A_2434 : memref<32x8x1x128xf32, #tpu.memory_space<hbm>> -> memref<32x8x128xf32, #tpu.memory_space<hbm>>
    %dma_start3A_2436 = arith.constant 0 : i32
    %dma_start3A_2437 = arith.constant 128 : i32
    %dma_start3A_2438 = tpu.memref_slice %arg4[%add3A_2384, %dma_start3A_2436, %dma_start3A_2426, %dma_start3A_2437] : memref<4096x8x8x256xf32, #tpu.memory_space<hbm>> -> memref<32x8x1x128xf32, #tpu.memory_space<hbm>>
    %dma_start3A_2439 = tpu.memref_squeeze %dma_start3A_2438 : memref<32x8x1x128xf32, #tpu.memory_space<hbm>> -> memref<32x8x128xf32, #tpu.memory_space<hbm>>
    %dma_start3A_2440 = arith.constant 0 : i32
    %dma_start3A_2441 = arith.constant 0 : i32
    %dma_start3A_2442 = arith.constant 0 : i32
    %dma_start3A_2443 = tpu.memref_slice %arg5[%dma_start3A_2425, %dma_start3A_2440, %dma_start3A_2441, %dma_start3A_2442] : memref<3x32x8x128xf32, #tpu.memory_space<vmem>> -> memref<1x32x8x128xf32, #tpu.memory_space<vmem>>
    %dma_start3A_2444 = tpu.memref_squeeze %dma_start3A_2443 : memref<1x32x8x128xf32, #tpu.memory_space<vmem>> -> memref<32x8x128xf32, #tpu.memory_space<vmem>>
    tpu.enqueue_dma source(%dma_start3A_2444 : memref<32x8x128xf32, #tpu.memory_space<vmem>>) target(%dma_start3A_2439 : memref<32x8x128xf32, #tpu.memory_space<hbm>>) target_semaphore(%arg7 : memref<!tpu.dma_semaphore, #tpu.memory_space<semaphore_mem>>)
    %dma_start3A_2445 = arith.constant 1 : i32
    %dma_start3A_2446 = arith.constant 3 : i32
    %dma_start3A_2447 = arith.constant 0 : i32
    %dma_start3A_2448 = arith.constant 0 : i32
    %dma_start3A_2449 = arith.constant 0 : i32
    %dma_start3A_2450 = tpu.memref_slice %arg5[%dma_start3A_2445, %dma_start3A_2447, %dma_start3A_2448, %dma_start3A_2449] : memref<3x32x8x128xf32, #tpu.memory_space<vmem>> -> memref<1x32x8x128xf32, #tpu.memory_space<vmem>>
    %dma_start3A_2451 = tpu.memref_squeeze %dma_start3A_2450 : memref<1x32x8x128xf32, #tpu.memory_space<vmem>> -> memref<32x8x128xf32, #tpu.memory_space<vmem>>
    %dma_start3A_2452 = arith.constant 0 : i32
    %dma_start3A_2453 = arith.constant 128 : i32
    %dma_start3A_2454 = tpu.memref_slice %arg4[%add3A_2384, %dma_start3A_2452, %dma_start3A_2446, %dma_start3A_2453] : memref<4096x8x8x256xf32, #tpu.memory_space<hbm>> -> memref<32x8x1x128xf32, #tpu.memory_space<hbm>>
    %dma_start3A_2455 = tpu.memref_squeeze %dma_start3A_2454 : memref<32x8x1x128xf32, #tpu.memory_space<hbm>> -> memref<32x8x128xf32, #tpu.memory_space<hbm>>
    %dma_start3A_2456 = arith.constant 0 : i32
    %dma_start3A_2457 = arith.constant 128 : i32
    %dma_start3A_2458 = tpu.memref_slice %arg4[%add3A_2384, %dma_start3A_2456, %dma_start3A_2446, %dma_start3A_2457] : memref<4096x8x8x256xf32, #tpu.memory_space<hbm>> -> memref<32x8x1x128xf32, #tpu.memory_space<hbm>>
    %dma_start3A_2459 = tpu.memref_squeeze %dma_start3A_2458 : memref<32x8x1x128xf32, #tpu.memory_space<hbm>> -> memref<32x8x128xf32, #tpu.memory_space<hbm>>
    %dma_start3A_2460 = arith.constant 0 : i32
    %dma_start3A_2461 = arith.constant 0 : i32
    %dma_start3A_2462 = arith.constant 0 : i32
    %dma_start3A_2463 = tpu.memref_slice %arg5[%dma_start3A_2445, %dma_start3A_2460, %dma_start3A_2461, %dma_start3A_2462] : memref<3x32x8x128xf32, #tpu.memory_space<vmem>> -> memref<1x32x8x128xf32, #tpu.memory_space<vmem>>
    %dma_start3A_2464 = tpu.memref_squeeze %dma_start3A_2463 : memref<1x32x8x128xf32, #tpu.memory_space<vmem>> -> memref<32x8x128xf32, #tpu.memory_space<vmem>>
    tpu.enqueue_dma source(%dma_start3A_2464 : memref<32x8x128xf32, #tpu.memory_space<vmem>>) target(%dma_start3A_2459 : memref<32x8x128xf32, #tpu.memory_space<hbm>>) target_semaphore(%arg7 : memref<!tpu.dma_semaphore, #tpu.memory_space<semaphore_mem>>)
    %dma_start3A_2465 = arith.constant 1 : i32
    %dma_start3A_2466 = arith.constant 4 : i32
    %dma_start3A_2467 = arith.constant 0 : i32
    %dma_start3A_2468 = arith.constant 0 : i32
    %dma_start3A_2469 = arith.constant 0 : i32
    %dma_start3A_2470 = tpu.memref_slice %arg5[%dma_start3A_2465, %dma_start3A_2467, %dma_start3A_2468, %dma_start3A_2469] : memref<3x32x8x128xf32, #tpu.memory_space<vmem>> -> memref<1x32x8x128xf32, #tpu.memory_space<vmem>>
    %dma_start3A_2471 = tpu.memref_squeeze %dma_start3A_2470 : memref<1x32x8x128xf32, #tpu.memory_space<vmem>> -> memref<32x8x128xf32, #tpu.memory_space<vmem>>
    %dma_start3A_2472 = arith.constant 0 : i32
    %dma_start3A_2473 = arith.constant 128 : i32
    %dma_start3A_2474 = tpu.memref_slice %arg4[%add3A_2384, %dma_start3A_2472, %dma_start3A_2466, %dma_start3A_2473] : memref<4096x8x8x256xf32, #tpu.memory_space<hbm>> -> memref<32x8x1x128xf32, #tpu.memory_space<hbm>>
    %dma_start3A_2475 = tpu.memref_squeeze %dma_start3A_2474 : memref<32x8x1x128xf32, #tpu.memory_space<hbm>> -> memref<32x8x128xf32, #tpu.memory_space<hbm>>
    %dma_start3A_2476 = arith.constant 0 : i32
    %dma_start3A_2477 = arith.constant 128 : i32
    %dma_start3A_2478 = tpu.memref_slice %arg4[%add3A_2384, %dma_start3A_2476, %dma_start3A_2466, %dma_start3A_2477] : memref<4096x8x8x256xf32, #tpu.memory_space<hbm>> -> memref<32x8x1x128xf32, #tpu.memory_space<hbm>>
    %dma_start3A_2479 = tpu.memref_squeeze %dma_start3A_2478 : memref<32x8x1x128xf32, #tpu.memory_space<hbm>> -> memref<32x8x128xf32, #tpu.memory_space<hbm>>
    %dma_start3A_2480 = arith.constant 0 : i32
    %dma_start3A_2481 = arith.constant 0 : i32
    %dma_start3A_2482 = arith.constant 0 : i32
    %dma_start3A_2483 = tpu.memref_slice %arg5[%dma_start3A_2465, %dma_start3A_2480, %dma_start3A_2481, %dma_start3A_2482] : memref<3x32x8x128xf32, #tpu.memory_space<vmem>> -> memref<1x32x8x128xf32, #tpu.memory_space<vmem>>
    %dma_start3A_2484 = tpu.memref_squeeze %dma_start3A_2483 : memref<1x32x8x128xf32, #tpu.memory_space<vmem>> -> memref<32x8x128xf32, #tpu.memory_space<vmem>>
    tpu.enqueue_dma source(%dma_start3A_2484 : memref<32x8x128xf32, #tpu.memory_space<vmem>>) target(%dma_start3A_2479 : memref<32x8x128xf32, #tpu.memory_space<hbm>>) target_semaphore(%arg7 : memref<!tpu.dma_semaphore, #tpu.memory_space<semaphore_mem>>)
    %dma_start3A_2485 = arith.constant 1 : i32
    %dma_start3A_2486 = arith.constant 5 : i32
    %dma_start3A_2487 = arith.constant 0 : i32
    %dma_start3A_2488 = arith.constant 0 : i32
    %dma_start3A_2489 = arith.constant 0 : i32
    %dma_start3A_2490 = tpu.memref_slice %arg5[%dma_start3A_2485, %dma_start3A_2487, %dma_start3A_2488, %dma_start3A_2489] : memref<3x32x8x128xf32, #tpu.memory_space<vmem>> -> memref<1x32x8x128xf32, #tpu.memory_space<vmem>>
    %dma_start3A_2491 = tpu.memref_squeeze %dma_start3A_2490 : memref<1x32x8x128xf32, #tpu.memory_space<vmem>> -> memref<32x8x128xf32, #tpu.memory_space<vmem>>
    %dma_start3A_2492 = arith.constant 0 : i32
    %dma_start3A_2493 = arith.constant 128 : i32
    %dma_start3A_2494 = tpu.memref_slice %arg4[%add3A_2384, %dma_start3A_2492, %dma_start3A_2486, %dma_start3A_2493] : memref<4096x8x8x256xf32, #tpu.memory_space<hbm>> -> memref<32x8x1x128xf32, #tpu.memory_space<hbm>>
    %dma_start3A_2495 = tpu.memref_squeeze %dma_start3A_2494 : memref<32x8x1x128xf32, #tpu.memory_space<hbm>> -> memref<32x8x128xf32, #tpu.memory_space<hbm>>
    %dma_start3A_2496 = arith.constant 0 : i32
    %dma_start3A_2497 = arith.constant 128 : i32
    %dma_start3A_2498 = tpu.memref_slice %arg4[%add3A_2384, %dma_start3A_2496, %dma_start3A_2486, %dma_start3A_2497] : memref<4096x8x8x256xf32, #tpu.memory_space<hbm>> -> memref<32x8x1x128xf32, #tpu.memory_space<hbm>>
    %dma_start3A_2499 = tpu.memref_squeeze %dma_start3A_2498 : memref<32x8x1x128xf32, #tpu.memory_space<hbm>> -> memref<32x8x128xf32, #tpu.memory_space<hbm>>
    %dma_start3A_2500 = arith.constant 0 : i32
    %dma_start3A_2501 = arith.constant 0 : i32
    %dma_start3A_2502 = arith.constant 0 : i32
    %dma_start3A_2503 = tpu.memref_slice %arg5[%dma_start3A_2485, %dma_start3A_2500, %dma_start3A_2501, %dma_start3A_2502] : memref<3x32x8x128xf32, #tpu.memory_space<vmem>> -> memref<1x32x8x128xf32, #tpu.memory_space<vmem>>
    %dma_start3A_2504 = tpu.memref_squeeze %dma_start3A_2503 : memref<1x32x8x128xf32, #tpu.memory_space<vmem>> -> memref<32x8x128xf32, #tpu.memory_space<vmem>>
    tpu.enqueue_dma source(%dma_start3A_2504 : memref<32x8x128xf32, #tpu.memory_space<vmem>>) target(%dma_start3A_2499 : memref<32x8x128xf32, #tpu.memory_space<hbm>>) target_semaphore(%arg7 : memref<!tpu.dma_semaphore, #tpu.memory_space<semaphore_mem>>)
    %dma_start3A_2505 = arith.constant 1 : i32
    %dma_start3A_2506 = arith.constant 6 : i32
    %dma_start3A_2507 = arith.constant 0 : i32
    %dma_start3A_2508 = arith.constant 0 : i32
    %dma_start3A_2509 = arith.constant 0 : i32
    %dma_start3A_2510 = tpu.memref_slice %arg5[%dma_start3A_2505, %dma_start3A_2507, %dma_start3A_2508, %dma_start3A_2509] : memref<3x32x8x128xf32, #tpu.memory_space<vmem>> -> memref<1x32x8x128xf32, #tpu.memory_space<vmem>>
    %dma_start3A_2511 = tpu.memref_squeeze %dma_start3A_2510 : memref<1x32x8x128xf32, #tpu.memory_space<vmem>> -> memref<32x8x128xf32, #tpu.memory_space<vmem>>
    %dma_start3A_2512 = arith.constant 0 : i32
    %dma_start3A_2513 = arith.constant 128 : i32
    %dma_start3A_2514 = tpu.memref_slice %arg4[%add3A_2384, %dma_start3A_2512, %dma_start3A_2506, %dma_start3A_2513] : memref<4096x8x8x256xf32, #tpu.memory_space<hbm>> -> memref<32x8x1x128xf32, #tpu.memory_space<hbm>>
    %dma_start3A_2515 = tpu.memref_squeeze %dma_start3A_2514 : memref<32x8x1x128xf32, #tpu.memory_space<hbm>> -> memref<32x8x128xf32, #tpu.memory_space<hbm>>
    %dma_start3A_2516 = arith.constant 0 : i32
    %dma_start3A_2517 = arith.constant 128 : i32
    %dma_start3A_2518 = tpu.memref_slice %arg4[%add3A_2384, %dma_start3A_2516, %dma_start3A_2506, %dma_start3A_2517] : memref<4096x8x8x256xf32, #tpu.memory_space<hbm>> -> memref<32x8x1x128xf32, #tpu.memory_space<hbm>>
    %dma_start3A_2519 = tpu.memref_squeeze %dma_start3A_2518 : memref<32x8x1x128xf32, #tpu.memory_space<hbm>> -> memref<32x8x128xf32, #tpu.memory_space<hbm>>
    %dma_start3A_2520 = arith.constant 0 : i32
    %dma_start3A_2521 = arith.constant 0 : i32
    %dma_start3A_2522 = arith.constant 0 : i32
    %dma_start3A_2523 = tpu.memref_slice %arg5[%dma_start3A_2505, %dma_start3A_2520, %dma_start3A_2521, %dma_start3A_2522] : memref<3x32x8x128xf32, #tpu.memory_space<vmem>> -> memref<1x32x8x128xf32, #tpu.memory_space<vmem>>
    %dma_start3A_2524 = tpu.memref_squeeze %dma_start3A_2523 : memref<1x32x8x128xf32, #tpu.memory_space<vmem>> -> memref<32x8x128xf32, #tpu.memory_space<vmem>>
    tpu.enqueue_dma source(%dma_start3A_2524 : memref<32x8x128xf32, #tpu.memory_space<vmem>>) target(%dma_start3A_2519 : memref<32x8x128xf32, #tpu.memory_space<hbm>>) target_semaphore(%arg7 : memref<!tpu.dma_semaphore, #tpu.memory_space<semaphore_mem>>)
    %dma_start3A_2525 = arith.constant 1 : i32
    %dma_start3A_2526 = arith.constant 7 : i32
    %dma_start3A_2527 = arith.constant 0 : i32
    %dma_start3A_2528 = arith.constant 0 : i32
    %dma_start3A_2529 = arith.constant 0 : i32
    %dma_start3A_2530 = tpu.memref_slice %arg5[%dma_start3A_2525, %dma_start3A_2527, %dma_start3A_2528, %dma_start3A_2529] : memref<3x32x8x128xf32, #tpu.memory_space<vmem>> -> memref<1x32x8x128xf32, #tpu.memory_space<vmem>>
    %dma_start3A_2531 = tpu.memref_squeeze %dma_start3A_2530 : memref<1x32x8x128xf32, #tpu.memory_space<vmem>> -> memref<32x8x128xf32, #tpu.memory_space<vmem>>
    %dma_start3A_2532 = arith.constant 0 : i32
    %dma_start3A_2533 = arith.constant 128 : i32
    %dma_start3A_2534 = tpu.memref_slice %arg4[%add3A_2384, %dma_start3A_2532, %dma_start3A_2526, %dma_start3A_2533] : memref<4096x8x8x256xf32, #tpu.memory_space<hbm>> -> memref<32x8x1x128xf32, #tpu.memory_space<hbm>>
    %dma_start3A_2535 = tpu.memref_squeeze %dma_start3A_2534 : memref<32x8x1x128xf32, #tpu.memory_space<hbm>> -> memref<32x8x128xf32, #tpu.memory_space<hbm>>
    %dma_start3A_2536 = arith.constant 0 : i32
    %dma_start3A_2537 = arith.constant 128 : i32
    %dma_start3A_2538 = tpu.memref_slice %arg4[%add3A_2384, %dma_start3A_2536, %dma_start3A_2526, %dma_start3A_2537] : memref<4096x8x8x256xf32, #tpu.memory_space<hbm>> -> memref<32x8x1x128xf32, #tpu.memory_space<hbm>>
    %dma_start3A_2539 = tpu.memref_squeeze %dma_start3A_2538 : memref<32x8x1x128xf32, #tpu.memory_space<hbm>> -> memref<32x8x128xf32, #tpu.memory_space<hbm>>
    %dma_start3A_2540 = arith.constant 0 : i32
    %dma_start3A_2541 = arith.constant 0 : i32
    %dma_start3A_2542 = arith.constant 0 : i32
    %dma_start3A_2543 = tpu.memref_slice %arg5[%dma_start3A_2525, %dma_start3A_2540, %dma_start3A_2541, %dma_start3A_2542] : memref<3x32x8x128xf32, #tpu.memory_space<vmem>> -> memref<1x32x8x128xf32, #tpu.memory_space<vmem>>
    %dma_start3A_2544 = tpu.memref_squeeze %dma_start3A_2543 : memref<1x32x8x128xf32, #tpu.memory_space<vmem>> -> memref<32x8x128xf32, #tpu.memory_space<vmem>>
    tpu.enqueue_dma source(%dma_start3A_2544 : memref<32x8x128xf32, #tpu.memory_space<vmem>>) target(%dma_start3A_2539 : memref<32x8x128xf32, #tpu.memory_space<hbm>>) target_semaphore(%arg7 : memref<!tpu.dma_semaphore, #tpu.memory_space<semaphore_mem>>)
    %dma_wait3A_2545 = arith.constant 0 : i32
    %dma_wait3A_2546 = arith.constant 0 : i32
    %dma_wait3A_2547 = arith.constant 0 : i32
    %dma_wait3A_2548 = arith.constant 0 : i32
    %dma_wait3A_2549 = arith.constant 0 : i32
    %dma_wait3A_2550 = tpu.memref_slice %arg5[%dma_wait3A_2545, %dma_wait3A_2547, %dma_wait3A_2548, %dma_wait3A_2549] : memref<3x32x8x128xf32, #tpu.memory_space<vmem>> -> memref<1x32x8x128xf32, #tpu.memory_space<vmem>>
    %dma_wait3A_2551 = tpu.memref_squeeze %dma_wait3A_2550 : memref<1x32x8x128xf32, #tpu.memory_space<vmem>> -> memref<32x8x128xf32, #tpu.memory_space<vmem>>
    %dma_wait3A_2552 = arith.constant 0 : i32
    %dma_wait3A_2553 = arith.constant 128 : i32
    %dma_wait3A_2554 = tpu.memref_slice %arg4[%add3A_2045, %dma_wait3A_2552, %dma_wait3A_2546, %dma_wait3A_2553] : memref<4096x8x8x256xf32, #tpu.memory_space<hbm>> -> memref<32x8x1x128xf32, #tpu.memory_space<hbm>>
    %dma_wait3A_2555 = tpu.memref_squeeze %dma_wait3A_2554 : memref<32x8x1x128xf32, #tpu.memory_space<hbm>> -> memref<32x8x128xf32, #tpu.memory_space<hbm>>
    %dma_wait3A_2556 = arith.constant 0 : i32
    %dma_wait3A_2557 = arith.constant 128 : i32
    %dma_wait3A_2558 = tpu.memref_slice %arg4[%add3A_2045, %dma_wait3A_2556, %dma_wait3A_2546, %dma_wait3A_2557] : memref<4096x8x8x256xf32, #tpu.memory_space<hbm>> -> memref<32x8x1x128xf32, #tpu.memory_space<hbm>>
    %dma_wait3A_2559 = tpu.memref_squeeze %dma_wait3A_2558 : memref<32x8x1x128xf32, #tpu.memory_space<hbm>> -> memref<32x8x128xf32, #tpu.memory_space<hbm>>
    %dma_wait3A_2560 = arith.constant 0 : i32
    %dma_wait3A_2561 = arith.constant 0 : i32
    %dma_wait3A_2562 = arith.constant 0 : i32
    %dma_wait3A_2563 = tpu.memref_slice %arg5[%dma_wait3A_2545, %dma_wait3A_2560, %dma_wait3A_2561, %dma_wait3A_2562] : memref<3x32x8x128xf32, #tpu.memory_space<vmem>> -> memref<1x32x8x128xf32, #tpu.memory_space<vmem>>
    %dma_wait3A_2564 = tpu.memref_squeeze %dma_wait3A_2563 : memref<1x32x8x128xf32, #tpu.memory_space<vmem>> -> memref<32x8x128xf32, #tpu.memory_space<vmem>>
    tpu.wait_dma2 semaphore(%arg7 : memref<!tpu.dma_semaphore, #tpu.memory_space<semaphore_mem>>) src(%dma_wait3A_2564 : memref<32x8x128xf32, #tpu.memory_space<vmem>>) dst(%dma_wait3A_2559 : memref<32x8x128xf32, #tpu.memory_space<hbm>>)
    %dma_wait3A_2565 = arith.constant 0 : i32
    %dma_wait3A_2566 = arith.constant 1 : i32
    %dma_wait3A_2567 = arith.constant 0 : i32
    %dma_wait3A_2568 = arith.constant 0 : i32
    %dma_wait3A_2569 = arith.constant 0 : i32
    %dma_wait3A_2570 = tpu.memref_slice %arg5[%dma_wait3A_2565, %dma_wait3A_2567, %dma_wait3A_2568, %dma_wait3A_2569] : memref<3x32x8x128xf32, #tpu.memory_space<vmem>> -> memref<1x32x8x128xf32, #tpu.memory_space<vmem>>
    %dma_wait3A_2571 = tpu.memref_squeeze %dma_wait3A_2570 : memref<1x32x8x128xf32, #tpu.memory_space<vmem>> -> memref<32x8x128xf32, #tpu.memory_space<vmem>>
    %dma_wait3A_2572 = arith.constant 0 : i32
    %dma_wait3A_2573 = arith.constant 128 : i32
    %dma_wait3A_2574 = tpu.memref_slice %arg4[%add3A_2045, %dma_wait3A_2572, %dma_wait3A_2566, %dma_wait3A_2573] : memref<4096x8x8x256xf32, #tpu.memory_space<hbm>> -> memref<32x8x1x128xf32, #tpu.memory_space<hbm>>
    %dma_wait3A_2575 = tpu.memref_squeeze %dma_wait3A_2574 : memref<32x8x1x128xf32, #tpu.memory_space<hbm>> -> memref<32x8x128xf32, #tpu.memory_space<hbm>>
    %dma_wait3A_2576 = arith.constant 0 : i32
    %dma_wait3A_2577 = arith.constant 128 : i32
    %dma_wait3A_2578 = tpu.memref_slice %arg4[%add3A_2045, %dma_wait3A_2576, %dma_wait3A_2566, %dma_wait3A_2577] : memref<4096x8x8x256xf32, #tpu.memory_space<hbm>> -> memref<32x8x1x128xf32, #tpu.memory_space<hbm>>
    %dma_wait3A_2579 = tpu.memref_squeeze %dma_wait3A_2578 : memref<32x8x1x128xf32, #tpu.memory_space<hbm>> -> memref<32x8x128xf32, #tpu.memory_space<hbm>>
    %dma_wait3A_2580 = arith.constant 0 : i32
    %dma_wait3A_2581 = arith.constant 0 : i32
    %dma_wait3A_2582 = arith.constant 0 : i32
    %dma_wait3A_2583 = tpu.memref_slice %arg5[%dma_wait3A_2565, %dma_wait3A_2580, %dma_wait3A_2581, %dma_wait3A_2582] : memref<3x32x8x128xf32, #tpu.memory_space<vmem>> -> memref<1x32x8x128xf32, #tpu.memory_space<vmem>>
    %dma_wait3A_2584 = tpu.memref_squeeze %dma_wait3A_2583 : memref<1x32x8x128xf32, #tpu.memory_space<vmem>> -> memref<32x8x128xf32, #tpu.memory_space<vmem>>
    tpu.wait_dma2 semaphore(%arg7 : memref<!tpu.dma_semaphore, #tpu.memory_space<semaphore_mem>>) src(%dma_wait3A_2584 : memref<32x8x128xf32, #tpu.memory_space<vmem>>) dst(%dma_wait3A_2579 : memref<32x8x128xf32, #tpu.memory_space<hbm>>)
    %dma_wait3A_2585 = arith.constant 0 : i32
    %dma_wait3A_2586 = arith.constant 2 : i32
    %dma_wait3A_2587 = arith.constant 0 : i32
    %dma_wait3A_2588 = arith.constant 0 : i32
    %dma_wait3A_2589 = arith.constant 0 : i32
    %dma_wait3A_2590 = tpu.memref_slice %arg5[%dma_wait3A_2585, %dma_wait3A_2587, %dma_wait3A_2588, %dma_wait3A_2589] : memref<3x32x8x128xf32, #tpu.memory_space<vmem>> -> memref<1x32x8x128xf32, #tpu.memory_space<vmem>>
    %dma_wait3A_2591 = tpu.memref_squeeze %dma_wait3A_2590 : memref<1x32x8x128xf32, #tpu.memory_space<vmem>> -> memref<32x8x128xf32, #tpu.memory_space<vmem>>
    %dma_wait3A_2592 = arith.constant 0 : i32
    %dma_wait3A_2593 = arith.constant 128 : i32
    %dma_wait3A_2594 = tpu.memref_slice %arg4[%add3A_2045, %dma_wait3A_2592, %dma_wait3A_2586, %dma_wait3A_2593] : memref<4096x8x8x256xf32, #tpu.memory_space<hbm>> -> memref<32x8x1x128xf32, #tpu.memory_space<hbm>>
    %dma_wait3A_2595 = tpu.memref_squeeze %dma_wait3A_2594 : memref<32x8x1x128xf32, #tpu.memory_space<hbm>> -> memref<32x8x128xf32, #tpu.memory_space<hbm>>
    %dma_wait3A_2596 = arith.constant 0 : i32
    %dma_wait3A_2597 = arith.constant 128 : i32
    %dma_wait3A_2598 = tpu.memref_slice %arg4[%add3A_2045, %dma_wait3A_2596, %dma_wait3A_2586, %dma_wait3A_2597] : memref<4096x8x8x256xf32, #tpu.memory_space<hbm>> -> memref<32x8x1x128xf32, #tpu.memory_space<hbm>>
    %dma_wait3A_2599 = tpu.memref_squeeze %dma_wait3A_2598 : memref<32x8x1x128xf32, #tpu.memory_space<hbm>> -> memref<32x8x128xf32, #tpu.memory_space<hbm>>
    %dma_wait3A_2600 = arith.constant 0 : i32
    %dma_wait3A_2601 = arith.constant 0 : i32
    %dma_wait3A_2602 = arith.constant 0 : i32
    %dma_wait3A_2603 = tpu.memref_slice %arg5[%dma_wait3A_2585, %dma_wait3A_2600, %dma_wait3A_2601, %dma_wait3A_2602] : memref<3x32x8x128xf32, #tpu.memory_space<vmem>> -> memref<1x32x8x128xf32, #tpu.memory_space<vmem>>
    %dma_wait3A_2604 = tpu.memref_squeeze %dma_wait3A_2603 : memref<1x32x8x128xf32, #tpu.memory_space<vmem>> -> memref<32x8x128xf32, #tpu.memory_space<vmem>>
    tpu.wait_dma2 semaphore(%arg7 : memref<!tpu.dma_semaphore, #tpu.memory_space<semaphore_mem>>) src(%dma_wait3A_2604 : memref<32x8x128xf32, #tpu.memory_space<vmem>>) dst(%dma_wait3A_2599 : memref<32x8x128xf32, #tpu.memory_space<hbm>>)
    %dma_wait3A_2605 = arith.constant 0 : i32
    %dma_wait3A_2606 = arith.constant 3 : i32
    %dma_wait3A_2607 = arith.constant 0 : i32
    %dma_wait3A_2608 = arith.constant 0 : i32
    %dma_wait3A_2609 = arith.constant 0 : i32
    %dma_wait3A_2610 = tpu.memref_slice %arg5[%dma_wait3A_2605, %dma_wait3A_2607, %dma_wait3A_2608, %dma_wait3A_2609] : memref<3x32x8x128xf32, #tpu.memory_space<vmem>> -> memref<1x32x8x128xf32, #tpu.memory_space<vmem>>
    %dma_wait3A_2611 = tpu.memref_squeeze %dma_wait3A_2610 : memref<1x32x8x128xf32, #tpu.memory_space<vmem>> -> memref<32x8x128xf32, #tpu.memory_space<vmem>>
    %dma_wait3A_2612 = arith.constant 0 : i32
    %dma_wait3A_2613 = arith.constant 128 : i32
    %dma_wait3A_2614 = tpu.memref_slice %arg4[%add3A_2045, %dma_wait3A_2612, %dma_wait3A_2606, %dma_wait3A_2613] : memref<4096x8x8x256xf32, #tpu.memory_space<hbm>> -> memref<32x8x1x128xf32, #tpu.memory_space<hbm>>
    %dma_wait3A_2615 = tpu.memref_squeeze %dma_wait3A_2614 : memref<32x8x1x128xf32, #tpu.memory_space<hbm>> -> memref<32x8x128xf32, #tpu.memory_space<hbm>>
    %dma_wait3A_2616 = arith.constant 0 : i32
    %dma_wait3A_2617 = arith.constant 128 : i32
    %dma_wait3A_2618 = tpu.memref_slice %arg4[%add3A_2045, %dma_wait3A_2616, %dma_wait3A_2606, %dma_wait3A_2617] : memref<4096x8x8x256xf32, #tpu.memory_space<hbm>> -> memref<32x8x1x128xf32, #tpu.memory_space<hbm>>
    %dma_wait3A_2619 = tpu.memref_squeeze %dma_wait3A_2618 : memref<32x8x1x128xf32, #tpu.memory_space<hbm>> -> memref<32x8x128xf32, #tpu.memory_space<hbm>>
    %dma_wait3A_2620 = arith.constant 0 : i32
    %dma_wait3A_2621 = arith.constant 0 : i32
    %dma_wait3A_2622 = arith.constant 0 : i32
    %dma_wait3A_2623 = tpu.memref_slice %arg5[%dma_wait3A_2605, %dma_wait3A_2620, %dma_wait3A_2621, %dma_wait3A_2622] : memref<3x32x8x128xf32, #tpu.memory_space<vmem>> -> memref<1x32x8x128xf32, #tpu.memory_space<vmem>>
    %dma_wait3A_2624 = tpu.memref_squeeze %dma_wait3A_2623 : memref<1x32x8x128xf32, #tpu.memory_space<vmem>> -> memref<32x8x128xf32, #tpu.memory_space<vmem>>
    tpu.wait_dma2 semaphore(%arg7 : memref<!tpu.dma_semaphore, #tpu.memory_space<semaphore_mem>>) src(%dma_wait3A_2624 : memref<32x8x128xf32, #tpu.memory_space<vmem>>) dst(%dma_wait3A_2619 : memref<32x8x128xf32, #tpu.memory_space<hbm>>)
    %dma_wait3A_2625 = arith.constant 0 : i32
    %dma_wait3A_2626 = arith.constant 4 : i32
    %dma_wait3A_2627 = arith.constant 0 : i32
    %dma_wait3A_2628 = arith.constant 0 : i32
    %dma_wait3A_2629 = arith.constant 0 : i32
    %dma_wait3A_2630 = tpu.memref_slice %arg5[%dma_wait3A_2625, %dma_wait3A_2627, %dma_wait3A_2628, %dma_wait3A_2629] : memref<3x32x8x128xf32, #tpu.memory_space<vmem>> -> memref<1x32x8x128xf32, #tpu.memory_space<vmem>>
    %dma_wait3A_2631 = tpu.memref_squeeze %dma_wait3A_2630 : memref<1x32x8x128xf32, #tpu.memory_space<vmem>> -> memref<32x8x128xf32, #tpu.memory_space<vmem>>
    %dma_wait3A_2632 = arith.constant 0 : i32
    %dma_wait3A_2633 = arith.constant 128 : i32
    %dma_wait3A_2634 = tpu.memref_slice %arg4[%add3A_2045, %dma_wait3A_2632, %dma_wait3A_2626, %dma_wait3A_2633] : memref<4096x8x8x256xf32, #tpu.memory_space<hbm>> -> memref<32x8x1x128xf32, #tpu.memory_space<hbm>>
    %dma_wait3A_2635 = tpu.memref_squeeze %dma_wait3A_2634 : memref<32x8x1x128xf32, #tpu.memory_space<hbm>> -> memref<32x8x128xf32, #tpu.memory_space<hbm>>
    %dma_wait3A_2636 = arith.constant 0 : i32
    %dma_wait3A_2637 = arith.constant 128 : i32
    %dma_wait3A_2638 = tpu.memref_slice %arg4[%add3A_2045, %dma_wait3A_2636, %dma_wait3A_2626, %dma_wait3A_2637] : memref<4096x8x8x256xf32, #tpu.memory_space<hbm>> -> memref<32x8x1x128xf32, #tpu.memory_space<hbm>>
    %dma_wait3A_2639 = tpu.memref_squeeze %dma_wait3A_2638 : memref<32x8x1x128xf32, #tpu.memory_space<hbm>> -> memref<32x8x128xf32, #tpu.memory_space<hbm>>
    %dma_wait3A_2640 = arith.constant 0 : i32
    %dma_wait3A_2641 = arith.constant 0 : i32
    %dma_wait3A_2642 = arith.constant 0 : i32
    %dma_wait3A_2643 = tpu.memref_slice %arg5[%dma_wait3A_2625, %dma_wait3A_2640, %dma_wait3A_2641, %dma_wait3A_2642] : memref<3x32x8x128xf32, #tpu.memory_space<vmem>> -> memref<1x32x8x128xf32, #tpu.memory_space<vmem>>
    %dma_wait3A_2644 = tpu.memref_squeeze %dma_wait3A_2643 : memref<1x32x8x128xf32, #tpu.memory_space<vmem>> -> memref<32x8x128xf32, #tpu.memory_space<vmem>>
    tpu.wait_dma2 semaphore(%arg7 : memref<!tpu.dma_semaphore, #tpu.memory_space<semaphore_mem>>) src(%dma_wait3A_2644 : memref<32x8x128xf32, #tpu.memory_space<vmem>>) dst(%dma_wait3A_2639 : memref<32x8x128xf32, #tpu.memory_space<hbm>>)
    %dma_wait3A_2645 = arith.constant 0 : i32
    %dma_wait3A_2646 = arith.constant 5 : i32
    %dma_wait3A_2647 = arith.constant 0 : i32
    %dma_wait3A_2648 = arith.constant 0 : i32
    %dma_wait3A_2649 = arith.constant 0 : i32
    %dma_wait3A_2650 = tpu.memref_slice %arg5[%dma_wait3A_2645, %dma_wait3A_2647, %dma_wait3A_2648, %dma_wait3A_2649] : memref<3x32x8x128xf32, #tpu.memory_space<vmem>> -> memref<1x32x8x128xf32, #tpu.memory_space<vmem>>
    %dma_wait3A_2651 = tpu.memref_squeeze %dma_wait3A_2650 : memref<1x32x8x128xf32, #tpu.memory_space<vmem>> -> memref<32x8x128xf32, #tpu.memory_space<vmem>>
    %dma_wait3A_2652 = arith.constant 0 : i32
    %dma_wait3A_2653 = arith.constant 128 : i32
    %dma_wait3A_2654 = tpu.memref_slice %arg4[%add3A_2045, %dma_wait3A_2652, %dma_wait3A_2646, %dma_wait3A_2653] : memref<4096x8x8x256xf32, #tpu.memory_space<hbm>> -> memref<32x8x1x128xf32, #tpu.memory_space<hbm>>
    %dma_wait3A_2655 = tpu.memref_squeeze %dma_wait3A_2654 : memref<32x8x1x128xf32, #tpu.memory_space<hbm>> -> memref<32x8x128xf32, #tpu.memory_space<hbm>>
    %dma_wait3A_2656 = arith.constant 0 : i32
    %dma_wait3A_2657 = arith.constant 128 : i32
    %dma_wait3A_2658 = tpu.memref_slice %arg4[%add3A_2045, %dma_wait3A_2656, %dma_wait3A_2646, %dma_wait3A_2657] : memref<4096x8x8x256xf32, #tpu.memory_space<hbm>> -> memref<32x8x1x128xf32, #tpu.memory_space<hbm>>
    %dma_wait3A_2659 = tpu.memref_squeeze %dma_wait3A_2658 : memref<32x8x1x128xf32, #tpu.memory_space<hbm>> -> memref<32x8x128xf32, #tpu.memory_space<hbm>>
    %dma_wait3A_2660 = arith.constant 0 : i32
    %dma_wait3A_2661 = arith.constant 0 : i32
    %dma_wait3A_2662 = arith.constant 0 : i32
    %dma_wait3A_2663 = tpu.memref_slice %arg5[%dma_wait3A_2645, %dma_wait3A_2660, %dma_wait3A_2661, %dma_wait3A_2662] : memref<3x32x8x128xf32, #tpu.memory_space<vmem>> -> memref<1x32x8x128xf32, #tpu.memory_space<vmem>>
    %dma_wait3A_2664 = tpu.memref_squeeze %dma_wait3A_2663 : memref<1x32x8x128xf32, #tpu.memory_space<vmem>> -> memref<32x8x128xf32, #tpu.memory_space<vmem>>
    tpu.wait_dma2 semaphore(%arg7 : memref<!tpu.dma_semaphore, #tpu.memory_space<semaphore_mem>>) src(%dma_wait3A_2664 : memref<32x8x128xf32, #tpu.memory_space<vmem>>) dst(%dma_wait3A_2659 : memref<32x8x128xf32, #tpu.memory_space<hbm>>)
    %dma_wait3A_2665 = arith.constant 0 : i32
    %dma_wait3A_2666 = arith.constant 6 : i32
    %dma_wait3A_2667 = arith.constant 0 : i32
    %dma_wait3A_2668 = arith.constant 0 : i32
    %dma_wait3A_2669 = arith.constant 0 : i32
    %dma_wait3A_2670 = tpu.memref_slice %arg5[%dma_wait3A_2665, %dma_wait3A_2667, %dma_wait3A_2668, %dma_wait3A_2669] : memref<3x32x8x128xf32, #tpu.memory_space<vmem>> -> memref<1x32x8x128xf32, #tpu.memory_space<vmem>>
    %dma_wait3A_2671 = tpu.memref_squeeze %dma_wait3A_2670 : memref<1x32x8x128xf32, #tpu.memory_space<vmem>> -> memref<32x8x128xf32, #tpu.memory_space<vmem>>
    %dma_wait3A_2672 = arith.constant 0 : i32
    %dma_wait3A_2673 = arith.constant 128 : i32
    %dma_wait3A_2674 = tpu.memref_slice %arg4[%add3A_2045, %dma_wait3A_2672, %dma_wait3A_2666, %dma_wait3A_2673] : memref<4096x8x8x256xf32, #tpu.memory_space<hbm>> -> memref<32x8x1x128xf32, #tpu.memory_space<hbm>>
    %dma_wait3A_2675 = tpu.memref_squeeze %dma_wait3A_2674 : memref<32x8x1x128xf32, #tpu.memory_space<hbm>> -> memref<32x8x128xf32, #tpu.memory_space<hbm>>
    %dma_wait3A_2676 = arith.constant 0 : i32
    %dma_wait3A_2677 = arith.constant 128 : i32
    %dma_wait3A_2678 = tpu.memref_slice %arg4[%add3A_2045, %dma_wait3A_2676, %dma_wait3A_2666, %dma_wait3A_2677] : memref<4096x8x8x256xf32, #tpu.memory_space<hbm>> -> memref<32x8x1x128xf32, #tpu.memory_space<hbm>>
    %dma_wait3A_2679 = tpu.memref_squeeze %dma_wait3A_2678 : memref<32x8x1x128xf32, #tpu.memory_space<hbm>> -> memref<32x8x128xf32, #tpu.memory_space<hbm>>
    %dma_wait3A_2680 = arith.constant 0 : i32
    %dma_wait3A_2681 = arith.constant 0 : i32
    %dma_wait3A_2682 = arith.constant 0 : i32
    %dma_wait3A_2683 = tpu.memref_slice %arg5[%dma_wait3A_2665, %dma_wait3A_2680, %dma_wait3A_2681, %dma_wait3A_2682] : memref<3x32x8x128xf32, #tpu.memory_space<vmem>> -> memref<1x32x8x128xf32, #tpu.memory_space<vmem>>
    %dma_wait3A_2684 = tpu.memref_squeeze %dma_wait3A_2683 : memref<1x32x8x128xf32, #tpu.memory_space<vmem>> -> memref<32x8x128xf32, #tpu.memory_space<vmem>>
    tpu.wait_dma2 semaphore(%arg7 : memref<!tpu.dma_semaphore, #tpu.memory_space<semaphore_mem>>) src(%dma_wait3A_2684 : memref<32x8x128xf32, #tpu.memory_space<vmem>>) dst(%dma_wait3A_2679 : memref<32x8x128xf32, #tpu.memory_space<hbm>>)
    %dma_wait3A_2685 = arith.constant 0 : i32
    %dma_wait3A_2686 = arith.constant 7 : i32
    %dma_wait3A_2687 = arith.constant 0 : i32
    %dma_wait3A_2688 = arith.constant 0 : i32
    %dma_wait3A_2689 = arith.constant 0 : i32
    %dma_wait3A_2690 = tpu.memref_slice %arg5[%dma_wait3A_2685, %dma_wait3A_2687, %dma_wait3A_2688, %dma_wait3A_2689] : memref<3x32x8x128xf32, #tpu.memory_space<vmem>> -> memref<1x32x8x128xf32, #tpu.memory_space<vmem>>
    %dma_wait3A_2691 = tpu.memref_squeeze %dma_wait3A_2690 : memref<1x32x8x128xf32, #tpu.memory_space<vmem>> -> memref<32x8x128xf32, #tpu.memory_space<vmem>>
    %dma_wait3A_2692 = arith.constant 0 : i32
    %dma_wait3A_2693 = arith.constant 128 : i32
    %dma_wait3A_2694 = tpu.memref_slice %arg4[%add3A_2045, %dma_wait3A_2692, %dma_wait3A_2686, %dma_wait3A_2693] : memref<4096x8x8x256xf32, #tpu.memory_space<hbm>> -> memref<32x8x1x128xf32, #tpu.memory_space<hbm>>
    %dma_wait3A_2695 = tpu.memref_squeeze %dma_wait3A_2694 : memref<32x8x1x128xf32, #tpu.memory_space<hbm>> -> memref<32x8x128xf32, #tpu.memory_space<hbm>>
    %dma_wait3A_2696 = arith.constant 0 : i32
    %dma_wait3A_2697 = arith.constant 128 : i32
    %dma_wait3A_2698 = tpu.memref_slice %arg4[%add3A_2045, %dma_wait3A_2696, %dma_wait3A_2686, %dma_wait3A_2697] : memref<4096x8x8x256xf32, #tpu.memory_space<hbm>> -> memref<32x8x1x128xf32, #tpu.memory_space<hbm>>
    %dma_wait3A_2699 = tpu.memref_squeeze %dma_wait3A_2698 : memref<32x8x1x128xf32, #tpu.memory_space<hbm>> -> memref<32x8x128xf32, #tpu.memory_space<hbm>>
    %dma_wait3A_2700 = arith.constant 0 : i32
    %dma_wait3A_2701 = arith.constant 0 : i32
    %dma_wait3A_2702 = arith.constant 0 : i32
    %dma_wait3A_2703 = tpu.memref_slice %arg5[%dma_wait3A_2685, %dma_wait3A_2700, %dma_wait3A_2701, %dma_wait3A_2702] : memref<3x32x8x128xf32, #tpu.memory_space<vmem>> -> memref<1x32x8x128xf32, #tpu.memory_space<vmem>>
    %dma_wait3A_2704 = tpu.memref_squeeze %dma_wait3A_2703 : memref<1x32x8x128xf32, #tpu.memory_space<vmem>> -> memref<32x8x128xf32, #tpu.memory_space<vmem>>
    tpu.wait_dma2 semaphore(%arg7 : memref<!tpu.dma_semaphore, #tpu.memory_space<semaphore_mem>>) src(%dma_wait3A_2704 : memref<32x8x128xf32, #tpu.memory_space<vmem>>) dst(%dma_wait3A_2699 : memref<32x8x128xf32, #tpu.memory_space<hbm>>)
    %dma_wait3A_2705 = arith.constant 1 : i32
    %dma_wait3A_2706 = arith.constant 0 : i32
    %dma_wait3A_2707 = arith.constant 0 : i32
    %dma_wait3A_2708 = arith.constant 0 : i32
    %dma_wait3A_2709 = arith.constant 0 : i32
    %dma_wait3A_2710 = tpu.memref_slice %arg5[%dma_wait3A_2705, %dma_wait3A_2707, %dma_wait3A_2708, %dma_wait3A_2709] : memref<3x32x8x128xf32, #tpu.memory_space<vmem>> -> memref<1x32x8x128xf32, #tpu.memory_space<vmem>>
    %dma_wait3A_2711 = tpu.memref_squeeze %dma_wait3A_2710 : memref<1x32x8x128xf32, #tpu.memory_space<vmem>> -> memref<32x8x128xf32, #tpu.memory_space<vmem>>
    %dma_wait3A_2712 = arith.constant 0 : i32
    %dma_wait3A_2713 = arith.constant 128 : i32
    %dma_wait3A_2714 = tpu.memref_slice %arg4[%add3A_2384, %dma_wait3A_2712, %dma_wait3A_2706, %dma_wait3A_2713] : memref<4096x8x8x256xf32, #tpu.memory_space<hbm>> -> memref<32x8x1x128xf32, #tpu.memory_space<hbm>>
    %dma_wait3A_2715 = tpu.memref_squeeze %dma_wait3A_2714 : memref<32x8x1x128xf32, #tpu.memory_space<hbm>> -> memref<32x8x128xf32, #tpu.memory_space<hbm>>
    %dma_wait3A_2716 = arith.constant 0 : i32
    %dma_wait3A_2717 = arith.constant 128 : i32
    %dma_wait3A_2718 = tpu.memref_slice %arg4[%add3A_2384, %dma_wait3A_2716, %dma_wait3A_2706, %dma_wait3A_2717] : memref<4096x8x8x256xf32, #tpu.memory_space<hbm>> -> memref<32x8x1x128xf32, #tpu.memory_space<hbm>>
    %dma_wait3A_2719 = tpu.memref_squeeze %dma_wait3A_2718 : memref<32x8x1x128xf32, #tpu.memory_space<hbm>> -> memref<32x8x128xf32, #tpu.memory_space<hbm>>
    %dma_wait3A_2720 = arith.constant 0 : i32
    %dma_wait3A_2721 = arith.constant 0 : i32
    %dma_wait3A_2722 = arith.constant 0 : i32
    %dma_wait3A_2723 = tpu.memref_slice %arg5[%dma_wait3A_2705, %dma_wait3A_2720, %dma_wait3A_2721, %dma_wait3A_2722] : memref<3x32x8x128xf32, #tpu.memory_space<vmem>> -> memref<1x32x8x128xf32, #tpu.memory_space<vmem>>
    %dma_wait3A_2724 = tpu.memref_squeeze %dma_wait3A_2723 : memref<1x32x8x128xf32, #tpu.memory_space<vmem>> -> memref<32x8x128xf32, #tpu.memory_space<vmem>>
    tpu.wait_dma2 semaphore(%arg7 : memref<!tpu.dma_semaphore, #tpu.memory_space<semaphore_mem>>) src(%dma_wait3A_2724 : memref<32x8x128xf32, #tpu.memory_space<vmem>>) dst(%dma_wait3A_2719 : memref<32x8x128xf32, #tpu.memory_space<hbm>>)
    %dma_wait3A_2725 = arith.constant 1 : i32
    %dma_wait3A_2726 = arith.constant 1 : i32
    %dma_wait3A_2727 = arith.constant 0 : i32
    %dma_wait3A_2728 = arith.constant 0 : i32
    %dma_wait3A_2729 = arith.constant 0 : i32
    %dma_wait3A_2730 = tpu.memref_slice %arg5[%dma_wait3A_2725, %dma_wait3A_2727, %dma_wait3A_2728, %dma_wait3A_2729] : memref<3x32x8x128xf32, #tpu.memory_space<vmem>> -> memref<1x32x8x128xf32, #tpu.memory_space<vmem>>
    %dma_wait3A_2731 = tpu.memref_squeeze %dma_wait3A_2730 : memref<1x32x8x128xf32, #tpu.memory_space<vmem>> -> memref<32x8x128xf32, #tpu.memory_space<vmem>>
    %dma_wait3A_2732 = arith.constant 0 : i32
    %dma_wait3A_2733 = arith.constant 128 : i32
    %dma_wait3A_2734 = tpu.memref_slice %arg4[%add3A_2384, %dma_wait3A_2732, %dma_wait3A_2726, %dma_wait3A_2733] : memref<4096x8x8x256xf32, #tpu.memory_space<hbm>> -> memref<32x8x1x128xf32, #tpu.memory_space<hbm>>
    %dma_wait3A_2735 = tpu.memref_squeeze %dma_wait3A_2734 : memref<32x8x1x128xf32, #tpu.memory_space<hbm>> -> memref<32x8x128xf32, #tpu.memory_space<hbm>>
    %dma_wait3A_2736 = arith.constant 0 : i32
    %dma_wait3A_2737 = arith.constant 128 : i32
    %dma_wait3A_2738 = tpu.memref_slice %arg4[%add3A_2384, %dma_wait3A_2736, %dma_wait3A_2726, %dma_wait3A_2737] : memref<4096x8x8x256xf32, #tpu.memory_space<hbm>> -> memref<32x8x1x128xf32, #tpu.memory_space<hbm>>
    %dma_wait3A_2739 = tpu.memref_squeeze %dma_wait3A_2738 : memref<32x8x1x128xf32, #tpu.memory_space<hbm>> -> memref<32x8x128xf32, #tpu.memory_space<hbm>>
    %dma_wait3A_2740 = arith.constant 0 : i32
    %dma_wait3A_2741 = arith.constant 0 : i32
    %dma_wait3A_2742 = arith.constant 0 : i32
    %dma_wait3A_2743 = tpu.memref_slice %arg5[%dma_wait3A_2725, %dma_wait3A_2740, %dma_wait3A_2741, %dma_wait3A_2742] : memref<3x32x8x128xf32, #tpu.memory_space<vmem>> -> memref<1x32x8x128xf32, #tpu.memory_space<vmem>>
    %dma_wait3A_2744 = tpu.memref_squeeze %dma_wait3A_2743 : memref<1x32x8x128xf32, #tpu.memory_space<vmem>> -> memref<32x8x128xf32, #tpu.memory_space<vmem>>
    tpu.wait_dma2 semaphore(%arg7 : memref<!tpu.dma_semaphore, #tpu.memory_space<semaphore_mem>>) src(%dma_wait3A_2744 : memref<32x8x128xf32, #tpu.memory_space<vmem>>) dst(%dma_wait3A_2739 : memref<32x8x128xf32, #tpu.memory_space<hbm>>)
    %dma_wait3A_2745 = arith.constant 1 : i32
    %dma_wait3A_2746 = arith.constant 2 : i32
    %dma_wait3A_2747 = arith.constant 0 : i32
    %dma_wait3A_2748 = arith.constant 0 : i32
    %dma_wait3A_2749 = arith.constant 0 : i32
    %dma_wait3A_2750 = tpu.memref_slice %arg5[%dma_wait3A_2745, %dma_wait3A_2747, %dma_wait3A_2748, %dma_wait3A_2749] : memref<3x32x8x128xf32, #tpu.memory_space<vmem>> -> memref<1x32x8x128xf32, #tpu.memory_space<vmem>>
    %dma_wait3A_2751 = tpu.memref_squeeze %dma_wait3A_2750 : memref<1x32x8x128xf32, #tpu.memory_space<vmem>> -> memref<32x8x128xf32, #tpu.memory_space<vmem>>
    %dma_wait3A_2752 = arith.constant 0 : i32
    %dma_wait3A_2753 = arith.constant 128 : i32
    %dma_wait3A_2754 = tpu.memref_slice %arg4[%add3A_2384, %dma_wait3A_2752, %dma_wait3A_2746, %dma_wait3A_2753] : memref<4096x8x8x256xf32, #tpu.memory_space<hbm>> -> memref<32x8x1x128xf32, #tpu.memory_space<hbm>>
    %dma_wait3A_2755 = tpu.memref_squeeze %dma_wait3A_2754 : memref<32x8x1x128xf32, #tpu.memory_space<hbm>> -> memref<32x8x128xf32, #tpu.memory_space<hbm>>
    %dma_wait3A_2756 = arith.constant 0 : i32
    %dma_wait3A_2757 = arith.constant 128 : i32
    %dma_wait3A_2758 = tpu.memref_slice %arg4[%add3A_2384, %dma_wait3A_2756, %dma_wait3A_2746, %dma_wait3A_2757] : memref<4096x8x8x256xf32, #tpu.memory_space<hbm>> -> memref<32x8x1x128xf32, #tpu.memory_space<hbm>>
    %dma_wait3A_2759 = tpu.memref_squeeze %dma_wait3A_2758 : memref<32x8x1x128xf32, #tpu.memory_space<hbm>> -> memref<32x8x128xf32, #tpu.memory_space<hbm>>
    %dma_wait3A_2760 = arith.constant 0 : i32
    %dma_wait3A_2761 = arith.constant 0 : i32
    %dma_wait3A_2762 = arith.constant 0 : i32
    %dma_wait3A_2763 = tpu.memref_slice %arg5[%dma_wait3A_2745, %dma_wait3A_2760, %dma_wait3A_2761, %dma_wait3A_2762] : memref<3x32x8x128xf32, #tpu.memory_space<vmem>> -> memref<1x32x8x128xf32, #tpu.memory_space<vmem>>
    %dma_wait3A_2764 = tpu.memref_squeeze %dma_wait3A_2763 : memref<1x32x8x128xf32, #tpu.memory_space<vmem>> -> memref<32x8x128xf32, #tpu.memory_space<vmem>>
    tpu.wait_dma2 semaphore(%arg7 : memref<!tpu.dma_semaphore, #tpu.memory_space<semaphore_mem>>) src(%dma_wait3A_2764 : memref<32x8x128xf32, #tpu.memory_space<vmem>>) dst(%dma_wait3A_2759 : memref<32x8x128xf32, #tpu.memory_space<hbm>>)
    %dma_wait3A_2765 = arith.constant 1 : i32
    %dma_wait3A_2766 = arith.constant 3 : i32
    %dma_wait3A_2767 = arith.constant 0 : i32
    %dma_wait3A_2768 = arith.constant 0 : i32
    %dma_wait3A_2769 = arith.constant 0 : i32
    %dma_wait3A_2770 = tpu.memref_slice %arg5[%dma_wait3A_2765, %dma_wait3A_2767, %dma_wait3A_2768, %dma_wait3A_2769] : memref<3x32x8x128xf32, #tpu.memory_space<vmem>> -> memref<1x32x8x128xf32, #tpu.memory_space<vmem>>
    %dma_wait3A_2771 = tpu.memref_squeeze %dma_wait3A_2770 : memref<1x32x8x128xf32, #tpu.memory_space<vmem>> -> memref<32x8x128xf32, #tpu.memory_space<vmem>>
    %dma_wait3A_2772 = arith.constant 0 : i32
    %dma_wait3A_2773 = arith.constant 128 : i32
    %dma_wait3A_2774 = tpu.memref_slice %arg4[%add3A_2384, %dma_wait3A_2772, %dma_wait3A_2766, %dma_wait3A_2773] : memref<4096x8x8x256xf32, #tpu.memory_space<hbm>> -> memref<32x8x1x128xf32, #tpu.memory_space<hbm>>
    %dma_wait3A_2775 = tpu.memref_squeeze %dma_wait3A_2774 : memref<32x8x1x128xf32, #tpu.memory_space<hbm>> -> memref<32x8x128xf32, #tpu.memory_space<hbm>>
    %dma_wait3A_2776 = arith.constant 0 : i32
    %dma_wait3A_2777 = arith.constant 128 : i32
    %dma_wait3A_2778 = tpu.memref_slice %arg4[%add3A_2384, %dma_wait3A_2776, %dma_wait3A_2766, %dma_wait3A_2777] : memref<4096x8x8x256xf32, #tpu.memory_space<hbm>> -> memref<32x8x1x128xf32, #tpu.memory_space<hbm>>
    %dma_wait3A_2779 = tpu.memref_squeeze %dma_wait3A_2778 : memref<32x8x1x128xf32, #tpu.memory_space<hbm>> -> memref<32x8x128xf32, #tpu.memory_space<hbm>>
    %dma_wait3A_2780 = arith.constant 0 : i32
    %dma_wait3A_2781 = arith.constant 0 : i32
    %dma_wait3A_2782 = arith.constant 0 : i32
    %dma_wait3A_2783 = tpu.memref_slice %arg5[%dma_wait3A_2765, %dma_wait3A_2780, %dma_wait3A_2781, %dma_wait3A_2782] : memref<3x32x8x128xf32, #tpu.memory_space<vmem>> -> memref<1x32x8x128xf32, #tpu.memory_space<vmem>>
    %dma_wait3A_2784 = tpu.memref_squeeze %dma_wait3A_2783 : memref<1x32x8x128xf32, #tpu.memory_space<vmem>> -> memref<32x8x128xf32, #tpu.memory_space<vmem>>
    tpu.wait_dma2 semaphore(%arg7 : memref<!tpu.dma_semaphore, #tpu.memory_space<semaphore_mem>>) src(%dma_wait3A_2784 : memref<32x8x128xf32, #tpu.memory_space<vmem>>) dst(%dma_wait3A_2779 : memref<32x8x128xf32, #tpu.memory_space<hbm>>)
    %dma_wait3A_2785 = arith.constant 1 : i32
    %dma_wait3A_2786 = arith.constant 4 : i32
    %dma_wait3A_2787 = arith.constant 0 : i32
    %dma_wait3A_2788 = arith.constant 0 : i32
    %dma_wait3A_2789 = arith.constant 0 : i32
    %dma_wait3A_2790 = tpu.memref_slice %arg5[%dma_wait3A_2785, %dma_wait3A_2787, %dma_wait3A_2788, %dma_wait3A_2789] : memref<3x32x8x128xf32, #tpu.memory_space<vmem>> -> memref<1x32x8x128xf32, #tpu.memory_space<vmem>>
    %dma_wait3A_2791 = tpu.memref_squeeze %dma_wait3A_2790 : memref<1x32x8x128xf32, #tpu.memory_space<vmem>> -> memref<32x8x128xf32, #tpu.memory_space<vmem>>
    %dma_wait3A_2792 = arith.constant 0 : i32
    %dma_wait3A_2793 = arith.constant 128 : i32
    %dma_wait3A_2794 = tpu.memref_slice %arg4[%add3A_2384, %dma_wait3A_2792, %dma_wait3A_2786, %dma_wait3A_2793] : memref<4096x8x8x256xf32, #tpu.memory_space<hbm>> -> memref<32x8x1x128xf32, #tpu.memory_space<hbm>>
    %dma_wait3A_2795 = tpu.memref_squeeze %dma_wait3A_2794 : memref<32x8x1x128xf32, #tpu.memory_space<hbm>> -> memref<32x8x128xf32, #tpu.memory_space<hbm>>
    %dma_wait3A_2796 = arith.constant 0 : i32
    %dma_wait3A_2797 = arith.constant 128 : i32
    %dma_wait3A_2798 = tpu.memref_slice %arg4[%add3A_2384, %dma_wait3A_2796, %dma_wait3A_2786, %dma_wait3A_2797] : memref<4096x8x8x256xf32, #tpu.memory_space<hbm>> -> memref<32x8x1x128xf32, #tpu.memory_space<hbm>>
    %dma_wait3A_2799 = tpu.memref_squeeze %dma_wait3A_2798 : memref<32x8x1x128xf32, #tpu.memory_space<hbm>> -> memref<32x8x128xf32, #tpu.memory_space<hbm>>
    %dma_wait3A_2800 = arith.constant 0 : i32
    %dma_wait3A_2801 = arith.constant 0 : i32
    %dma_wait3A_2802 = arith.constant 0 : i32
    %dma_wait3A_2803 = tpu.memref_slice %arg5[%dma_wait3A_2785, %dma_wait3A_2800, %dma_wait3A_2801, %dma_wait3A_2802] : memref<3x32x8x128xf32, #tpu.memory_space<vmem>> -> memref<1x32x8x128xf32, #tpu.memory_space<vmem>>
    %dma_wait3A_2804 = tpu.memref_squeeze %dma_wait3A_2803 : memref<1x32x8x128xf32, #tpu.memory_space<vmem>> -> memref<32x8x128xf32, #tpu.memory_space<vmem>>
    tpu.wait_dma2 semaphore(%arg7 : memref<!tpu.dma_semaphore, #tpu.memory_space<semaphore_mem>>) src(%dma_wait3A_2804 : memref<32x8x128xf32, #tpu.memory_space<vmem>>) dst(%dma_wait3A_2799 : memref<32x8x128xf32, #tpu.memory_space<hbm>>)
    %dma_wait3A_2805 = arith.constant 1 : i32
    %dma_wait3A_2806 = arith.constant 5 : i32
    %dma_wait3A_2807 = arith.constant 0 : i32
    %dma_wait3A_2808 = arith.constant 0 : i32
    %dma_wait3A_2809 = arith.constant 0 : i32
    %dma_wait3A_2810 = tpu.memref_slice %arg5[%dma_wait3A_2805, %dma_wait3A_2807, %dma_wait3A_2808, %dma_wait3A_2809] : memref<3x32x8x128xf32, #tpu.memory_space<vmem>> -> memref<1x32x8x128xf32, #tpu.memory_space<vmem>>
    %dma_wait3A_2811 = tpu.memref_squeeze %dma_wait3A_2810 : memref<1x32x8x128xf32, #tpu.memory_space<vmem>> -> memref<32x8x128xf32, #tpu.memory_space<vmem>>
    %dma_wait3A_2812 = arith.constant 0 : i32
    %dma_wait3A_2813 = arith.constant 128 : i32
    %dma_wait3A_2814 = tpu.memref_slice %arg4[%add3A_2384, %dma_wait3A_2812, %dma_wait3A_2806, %dma_wait3A_2813] : memref<4096x8x8x256xf32, #tpu.memory_space<hbm>> -> memref<32x8x1x128xf32, #tpu.memory_space<hbm>>
    %dma_wait3A_2815 = tpu.memref_squeeze %dma_wait3A_2814 : memref<32x8x1x128xf32, #tpu.memory_space<hbm>> -> memref<32x8x128xf32, #tpu.memory_space<hbm>>
    %dma_wait3A_2816 = arith.constant 0 : i32
    %dma_wait3A_2817 = arith.constant 128 : i32
    %dma_wait3A_2818 = tpu.memref_slice %arg4[%add3A_2384, %dma_wait3A_2816, %dma_wait3A_2806, %dma_wait3A_2817] : memref<4096x8x8x256xf32, #tpu.memory_space<hbm>> -> memref<32x8x1x128xf32, #tpu.memory_space<hbm>>
    %dma_wait3A_2819 = tpu.memref_squeeze %dma_wait3A_2818 : memref<32x8x1x128xf32, #tpu.memory_space<hbm>> -> memref<32x8x128xf32, #tpu.memory_space<hbm>>
    %dma_wait3A_2820 = arith.constant 0 : i32
    %dma_wait3A_2821 = arith.constant 0 : i32
    %dma_wait3A_2822 = arith.constant 0 : i32
    %dma_wait3A_2823 = tpu.memref_slice %arg5[%dma_wait3A_2805, %dma_wait3A_2820, %dma_wait3A_2821, %dma_wait3A_2822] : memref<3x32x8x128xf32, #tpu.memory_space<vmem>> -> memref<1x32x8x128xf32, #tpu.memory_space<vmem>>
    %dma_wait3A_2824 = tpu.memref_squeeze %dma_wait3A_2823 : memref<1x32x8x128xf32, #tpu.memory_space<vmem>> -> memref<32x8x128xf32, #tpu.memory_space<vmem>>
    tpu.wait_dma2 semaphore(%arg7 : memref<!tpu.dma_semaphore, #tpu.memory_space<semaphore_mem>>) src(%dma_wait3A_2824 : memref<32x8x128xf32, #tpu.memory_space<vmem>>) dst(%dma_wait3A_2819 : memref<32x8x128xf32, #tpu.memory_space<hbm>>)
    %dma_wait3A_2825 = arith.constant 1 : i32
    %dma_wait3A_2826 = arith.constant 6 : i32
    %dma_wait3A_2827 = arith.constant 0 : i32
    %dma_wait3A_2828 = arith.constant 0 : i32
    %dma_wait3A_2829 = arith.constant 0 : i32
    %dma_wait3A_2830 = tpu.memref_slice %arg5[%dma_wait3A_2825, %dma_wait3A_2827, %dma_wait3A_2828, %dma_wait3A_2829] : memref<3x32x8x128xf32, #tpu.memory_space<vmem>> -> memref<1x32x8x128xf32, #tpu.memory_space<vmem>>
    %dma_wait3A_2831 = tpu.memref_squeeze %dma_wait3A_2830 : memref<1x32x8x128xf32, #tpu.memory_space<vmem>> -> memref<32x8x128xf32, #tpu.memory_space<vmem>>
    %dma_wait3A_2832 = arith.constant 0 : i32
    %dma_wait3A_2833 = arith.constant 128 : i32
    %dma_wait3A_2834 = tpu.memref_slice %arg4[%add3A_2384, %dma_wait3A_2832, %dma_wait3A_2826, %dma_wait3A_2833] : memref<4096x8x8x256xf32, #tpu.memory_space<hbm>> -> memref<32x8x1x128xf32, #tpu.memory_space<hbm>>
    %dma_wait3A_2835 = tpu.memref_squeeze %dma_wait3A_2834 : memref<32x8x1x128xf32, #tpu.memory_space<hbm>> -> memref<32x8x128xf32, #tpu.memory_space<hbm>>
    %dma_wait3A_2836 = arith.constant 0 : i32
    %dma_wait3A_2837 = arith.constant 128 : i32
    %dma_wait3A_2838 = tpu.memref_slice %arg4[%add3A_2384, %dma_wait3A_2836, %dma_wait3A_2826, %dma_wait3A_2837] : memref<4096x8x8x256xf32, #tpu.memory_space<hbm>> -> memref<32x8x1x128xf32, #tpu.memory_space<hbm>>
    %dma_wait3A_2839 = tpu.memref_squeeze %dma_wait3A_2838 : memref<32x8x1x128xf32, #tpu.memory_space<hbm>> -> memref<32x8x128xf32, #tpu.memory_space<hbm>>
    %dma_wait3A_2840 = arith.constant 0 : i32
    %dma_wait3A_2841 = arith.constant 0 : i32
    %dma_wait3A_2842 = arith.constant 0 : i32
    %dma_wait3A_2843 = tpu.memref_slice %arg5[%dma_wait3A_2825, %dma_wait3A_2840, %dma_wait3A_2841, %dma_wait3A_2842] : memref<3x32x8x128xf32, #tpu.memory_space<vmem>> -> memref<1x32x8x128xf32, #tpu.memory_space<vmem>>
    %dma_wait3A_2844 = tpu.memref_squeeze %dma_wait3A_2843 : memref<1x32x8x128xf32, #tpu.memory_space<vmem>> -> memref<32x8x128xf32, #tpu.memory_space<vmem>>
    tpu.wait_dma2 semaphore(%arg7 : memref<!tpu.dma_semaphore, #tpu.memory_space<semaphore_mem>>) src(%dma_wait3A_2844 : memref<32x8x128xf32, #tpu.memory_space<vmem>>) dst(%dma_wait3A_2839 : memref<32x8x128xf32, #tpu.memory_space<hbm>>)
    %dma_wait3A_2845 = arith.constant 1 : i32
    %dma_wait3A_2846 = arith.constant 7 : i32
    %dma_wait3A_2847 = arith.constant 0 : i32
    %dma_wait3A_2848 = arith.constant 0 : i32
    %dma_wait3A_2849 = arith.constant 0 : i32
    %dma_wait3A_2850 = tpu.memref_slice %arg5[%dma_wait3A_2845, %dma_wait3A_2847, %dma_wait3A_2848, %dma_wait3A_2849] : memref<3x32x8x128xf32, #tpu.memory_space<vmem>> -> memref<1x32x8x128xf32, #tpu.memory_space<vmem>>
    %dma_wait3A_2851 = tpu.memref_squeeze %dma_wait3A_2850 : memref<1x32x8x128xf32, #tpu.memory_space<vmem>> -> memref<32x8x128xf32, #tpu.memory_space<vmem>>
    %dma_wait3A_2852 = arith.constant 0 : i32
    %dma_wait3A_2853 = arith.constant 128 : i32
    %dma_wait3A_2854 = tpu.memref_slice %arg4[%add3A_2384, %dma_wait3A_2852, %dma_wait3A_2846, %dma_wait3A_2853] : memref<4096x8x8x256xf32, #tpu.memory_space<hbm>> -> memref<32x8x1x128xf32, #tpu.memory_space<hbm>>
    %dma_wait3A_2855 = tpu.memref_squeeze %dma_wait3A_2854 : memref<32x8x1x128xf32, #tpu.memory_space<hbm>> -> memref<32x8x128xf32, #tpu.memory_space<hbm>>
    %dma_wait3A_2856 = arith.constant 0 : i32
    %dma_wait3A_2857 = arith.constant 128 : i32
    %dma_wait3A_2858 = tpu.memref_slice %arg4[%add3A_2384, %dma_wait3A_2856, %dma_wait3A_2846, %dma_wait3A_2857] : memref<4096x8x8x256xf32, #tpu.memory_space<hbm>> -> memref<32x8x1x128xf32, #tpu.memory_space<hbm>>
    %dma_wait3A_2859 = tpu.memref_squeeze %dma_wait3A_2858 : memref<32x8x1x128xf32, #tpu.memory_space<hbm>> -> memref<32x8x128xf32, #tpu.memory_space<hbm>>
    %dma_wait3A_2860 = arith.constant 0 : i32
    %dma_wait3A_2861 = arith.constant 0 : i32
    %dma_wait3A_2862 = arith.constant 0 : i32
    %dma_wait3A_2863 = tpu.memref_slice %arg5[%dma_wait3A_2845, %dma_wait3A_2860, %dma_wait3A_2861, %dma_wait3A_2862] : memref<3x32x8x128xf32, #tpu.memory_space<vmem>> -> memref<1x32x8x128xf32, #tpu.memory_space<vmem>>
    %dma_wait3A_2864 = tpu.memref_squeeze %dma_wait3A_2863 : memref<1x32x8x128xf32, #tpu.memory_space<vmem>> -> memref<32x8x128xf32, #tpu.memory_space<vmem>>
    tpu.wait_dma2 semaphore(%arg7 : memref<!tpu.dma_semaphore, #tpu.memory_space<semaphore_mem>>) src(%dma_wait3A_2864 : memref<32x8x128xf32, #tpu.memory_space<vmem>>) dst(%dma_wait3A_2859 : memref<32x8x128xf32, #tpu.memory_space<hbm>>)
    return
  }
}

</mosaic_0001>

<sc_bundles>
// kernel: kernel.3.cloned.1.call-start
scs
__scs_entry_jumppad:
0x0: {  	(pc) =	sbr.rel $0x88, $3  }
0x1: {  	(tag) =	ssettag $0x0;
	lr =	simm.s32 $0x1  }
0x2: {  	[smem:$0x3F9F] =	sst lr;
	_ =	strace $0xD0000000  }
0x3: {  	_ = 	snop  }
0x4: {  	_ = 	snop  }
0x5: {  	_ = 	snop  }
0x6: {  	_ = 	snop  }
0x7: {  	_ = 	snop  }
__scs_overlays_trampoline_lowered:
0x8: {  	[smem:$0x3FAE] =	sst s0  }
0x9: {  	[smem:$0x3FAF] =	sst s1  }
0xa: {  	[smem:$0x3FB0] =	sst s2  }
0xb: {  	[smem:$0x3FB1] =	sst s3  }
0xc: {  	[smem:$0x3FB2] =	sst s4  }
0xd: {  	[smem:$0x3FB3] =	sst s5  }
0xe: {  	[smem:$0x3FB4] =	sst s6  }
0xf: {  	[smem:$0x3FB5] =	sst s7  }
0x10: {  	[smem:$0x3FB6] =	sst s8  }
0x11: {  	[smem:$0x3FB7] =	sst s9;
	s0 =	simm.s32 @!p0 $0x0  }
0x12: {  	s1 =	sld [smem:$0x3F9D];
	s0 =	simm.s32 @p0 $0x1  }
0x13: {  	[smem:$0x3FB8] =	sst s0;
	s0 =	simm.s32 @!p1 $0x0  }
0x14: {  	s2 =	sld [smem:$0x3F9C];
	s0 =	simm.s32 @p1 $0x1  }
0x15: {  	[smem:$0x3FB9] =	sst s0;
	s0 =	simm.s32 @!p2 $0x0  }
0x16: {  	s3 =	sld [smem:$0x3FDB];
	s0 =	simm.s32 @p2 $0x1  }
0x17: {  	s4 =	simm.s32 $0x1BF5;
	[smem:$0x3FBB] =	sst s0  }
0x18: {  	s0 =	sld [smem:$0x3F9E];
	_ =	swait.ge [sflag:s4], $0x0  }
0x19: {  	s7 =	sld [smem:$0x3F9F]  }
0x1a: {  	s8 =	sadd.s32 $0xFFFFE003, lr  }
0x1b: {  	s9 =	sadd.s32 $0xFFFFFEF7, lr;
	s5 =	simm.s32 $0xFFFFFFFF;
	p2 =	slt.u32 s8, $0xFFFFF086  }
0x1c: {  	p1 =	slt.u32 s9, $0xF7A;
	s5 =	simm.s32 @!p2 $0x0  }
0x1d: {  	s5 =	simm.s32 @p1 $0x1;
	p0 =	seq.s32 s7, s2  }
0x1e: {  	s7 =	smul.u32 @!p0 $0xF7A, s2;
	p2 =	seq.s32 @!p0 s5, $0x0  }
0x1f: {  	s9 =	smul.u32 $0xF7A, s1;
	s8 =	simm.s32 @!p0 $0x1BF5;
	p2 =	por !p2, p0  }
0x20: {  	[sflag:s8] =	ssyncset.s32 @!p0 $0xFFFFF086;
	s6 =	sadd.s32 @!p0 s3, s7;
	s7 =	simm.s32 @!p0 $0x108  }
0x21: {  	s3 =	sadd.s32 s3, s9;
	s6 =	sadd.s32 @!p0 $0x88, s6;
	s7 =	simm.s32 @p2 $0x1082  }
0x22: {  	[simem:s7], [sflag:s8] =	dma.local @!p0 [hbm:s6], $0xF7A  }
0x23: {  	s9 =	sor.u32 $0xD0000000, s2;
	s6 =	simm.s32 $0x108;
	_ =	swait.ge @!p0 [sflag:s8], $0x0  }
0x24: {  	s3 =	sadd.s32 $0x88, s3;
	s6 =	simm.s32 @!p1 $0x1082;
	[sflag:s4] =	ssyncset.s32 $0xFFFFF086  }
0x25: {  	[simem:s6], [sflag:s4] =	dma.local [hbm:s3], $0xF7A  }
0x26: {  	[smem:$0x3F9F] =	sst s1;
	(tag) =	ssettag s2;
	_ =	strace s9  }
0x27: {  	s1 =	sld [smem:$0x3FAF]  }
0x28: {  	s2 =	sld [smem:$0x3FB0]  }
0x29: {  	s4 =	sld [smem:$0x3FB2]  }
0x2a: {  	p0 =	seq.s32 s5, $0x0;
	s5 =	sld [smem:$0x3FB3]  }
0x2b: {  	s6 =	sld [smem:$0x3FB4]  }
0x2c: {  	s7 =	sld [smem:$0x3FB5]  }
0x2d: {  	s3 =	simm.s32 $0x108;
	s8 =	sld [smem:$0x3FB6]  }
0x2e: {  	s3 =	simm.s32 @!p0 $0x1082;
	s9 =	sld [smem:$0x3FB7]  }
0x2f: {  	lr =	sadd.s32 s0, s3;
	s0 =	sld [smem:$0x3FAE]  }
0x30: {  	s3 =	sld [smem:$0x3FB1]  }
0x31: {  	[smem:$0x3FBA] =	sst s10  }
0x32: {  	s10 =	sld [smem:$0x3FB8];
	_ =	sdelay $0x3  }
0x33: {  	p0 =	seq.s32 s10, $0x1;
	s10 =	sld [smem:$0x3FBA];
	_ =	sdelay $0x3  }
0x34: {  	[smem:$0x3FBA] =	sst s10  }
0x35: {  	s10 =	sld [smem:$0x3FB9];
	_ =	sdelay $0x3  }
0x36: {  	p1 =	seq.s32 s10, $0x1;
	s10 =	sld [smem:$0x3FBA];
	_ =	sdelay $0x3  }
0x37: {  	[smem:$0x3FBA] =	sst s10  }
0x38: {  	s10 =	sld [smem:$0x3FBB]  }
0x39: {  	_ = 	snop;
	(pc) =	sbr.ind lr, $3  }
0x3a: {  	_ = 	snop  }
0x3b: {  	_ = 	snop  }
0x3c: {  	p2 =	seq.s32 s10, $0x1;
	s10 =	sld [smem:$0x3FBA]  }
0x3d: {  	_ =	shalt  }
0x3e: {  	_ =	shalt  }
0x3f: {  	_ =	shalt  }
0x40: {  	_ =	shalt  }
0x41: {  	_ =	shalt  }
0x42: {  	_ =	shalt  }
0x43: {  	_ =	shalt  }
0x44: {  	_ =	shalt  }
0x45: {  	_ =	shalt  }
0x46: {  	_ =	shalt  }
0x47: {  	_ =	shalt  }
0x48: {  	_ =	shalt  }
0x49: {  	_ =	shalt  }
0x4a: {  	_ =	shalt  }
0x4b: {  	_ =	shalt  }
0x4c: {  	_ =	shalt  }
0x4d: {  	_ =	shalt  }
0x4e: {  	_ =	shalt  }
0x4f: {  	_ =	shalt  }
0x50: {  	_ =	shalt  }
0x51: {  	_ =	shalt  }
0x52: {  	_ =	shalt  }
0x53: {  	_ =	shalt  }
0x54: {  	_ =	shalt  }
0x55: {  	_ =	shalt  }
0x56: {  	_ =	shalt  }
0x57: {  	_ =	shalt  }
0x58: {  	_ =	shalt  }
0x59: {  	_ =	shalt  }
0x5a: {  	_ =	shalt  }
0x5b: {  	_ =	shalt  }
0x5c: {  	_ =	shalt  }
0x5d: {  	_ =	shalt  }
0x5e: {  	_ =	shalt  }
0x5f: {  	_ =	shalt  }
0x60: {  	_ =	shalt  }
0x61: {  	_ =	shalt  }
0x62: {  	_ =	shalt  }
0x63: {  	_ =	shalt  }
0x64: {  	_ =	shalt  }
0x65: {  	_ =	shalt  }
0x66: {  	_ =	shalt  }
0x67: {  	_ =	shalt  }
0x68: {  	_ =	shalt  }
0x69: {  	_ =	shalt  }
0x6a: {  	_ =	shalt  }
0x6b: {  	_ =	shalt  }
0x6c: {  	_ =	shalt  }
0x6d: {  	_ =	shalt  }
0x6e: {  	_ =	shalt  }
0x6f: {  	_ =	shalt  }
0x70: {  	_ =	shalt  }
0x71: {  	_ =	shalt  }
0x72: {  	_ =	shalt  }
0x73: {  	_ =	shalt  }
0x74: {  	_ =	shalt  }
0x75: {  	_ =	shalt  }
0x76: {  	_ =	shalt  }
0x77: {  	_ =	shalt  }
0x78: {  	_ =	shalt  }
0x79: {  	_ =	shalt  }
0x7a: {  	_ =	shalt  }
0x7b: {  	_ =	shalt  }
0x7c: {  	_ =	shalt  }
0x7d: {  	_ =	shalt  }
0x7e: {  	_ =	shalt  }
0x7f: {  	_ =	shalt  }
0x80: {  	_ =	shalt  }
0x81: {  	_ =	shalt  }
0x82: {  	_ =	shalt  }
0x83: {  	_ =	shalt  }
0x84: {  	_ =	shalt  }
0x85: {  	_ =	shalt  }
0x86: {  	_ =	shalt  }
0x87: {  	_ =	shalt  }
.Lfunc_end0:
.L_simem_size_0:
called_computation_lowered:
.L_overlay_start_0:
0x88: {  	s2 =	sld [smem:$0x3FD9]  }
0x89: {  	s3 =	sld [smem:$0x3FFE];
	_ =	sdelay $0x1  }
0x8a: {  	s1 =	srdreg.scid  }
0x8b: {  	s0 =	sand.u32 $0x1, s1  }
0x8c: {  	s18 =	sshll.u32 s0, $0xA;
	s2 =	sadd.s32 s3, s2  }
0x8d: {  	s2 =	sadd.s32 s2, s18  }
0x8e: {  	[smem:$0x3FC6] =	sst s2  }
0x8f: {  	_ = 	snop  }
0x90: {  	s2 =	sld [smem:$0x3FC9]  }
0x91: {  	s19 =	sld [smem:$0x3FC8]  }
0x92: {  	s4 =	sld [smem:$0x3FD0];
	(tm) =	ssettm $0x1  }
0x93: {  	s5 =	sld [smem:$0x3FFB];
	_ =	sdelay $0x3  }
0x94: {  	_ =	strace s5  }
0x95: {  	s5 =	sld [smem:$0x3FFC];
	_ =	sdelay $0x3  }
0x96: {  	_ =	strace s5  }
0x97: {  	s5 =	sld [smem:$0x3FFD];
	_ =	sdelay $0x3  }
0x98: {  	_ =	strace s5  }
0x99: {  	_ =	strace $0x8FFFFFFF  }
0x9a: {  	s20 =	sld [smem:$0x3FDB];
	_ =	sdelay $0x1  }
0x9b: {  	s6 =	simm.s32 $_scs_section_size  }
0x9c: {  	s7 =	simm.s32 $_size__tile_overlayer_lowered;
	s8 =	simm.s32 $_tile_overlayer_lowered  }
0x9d: {  	s23 =	simm.s32 $0x1BFF;
	s22 =	sshll.u32 s8, $0x1;
	s5 =	sadd.s32 s6, s20  }
0x9e: {  	s9 =	simm.s32 $0x0;
	s21 =	sshll.u32 s7, $0x1;
	s7 =	sadd.s32 s22, s5  }
0x9f: {  	[timem:s9], [sflag:s23] =	dma.local [hbm:s7], s21  }
0xa0: {  	_ =	swait.ge [sflag:s23], s21  }
0xa1: {  	s6 =	ssub.s32 $0x0, s21;
	[sflag:s23] =	ssyncset.done $0x0  }
0xa2: {  	[sflag:s23] =	ssyncadd.s32 s6;
	_ =	sdelay $0x1  }
0xa3: {  	s24 =	simm.s32 $0x1B8B  }
0xa4: {  	_ =	swait.ge [sflag:s24], $0x1  }
0xa5: {  	[sflag:s24] =	ssyncset.done $0x0  }
0xa6: {  	s25 =	simm.s32 $0x1B8E;
	[sflag:s24] =	ssyncadd.s32 $0xFFFFFFFF  }
0xa7: {  	s26 =	simm.s32 $execute0_lowered;
	[smem:$0x3FD2] =	sst s25  }
0xa8: {  	s6 =	sshll.u32 s26, $0x1;
	_ =	strace $0x80000046;
	[dreg:$0x1] =	wrdreg $0xFFFFFFFF  }
0xa9: {  	s28 =	simm.s32 $_size_execute0_lowered;
	s5 =	sadd.s32 s5, s6;
	[dreg:$0x0] =	wrdreg $0x0  }
0xaa: {  	s6 =	sshll.u32 s28, $0x1;
	[dreg:$0x2] =	wrdreg s5  }
0xab: {  	[dreg:$0x3] =	wrdreg s6  }
0xac: {  	[dreg:$0x4] =	wrdreg $0xC0  }
0xad: {  	_ =	task [dreg:s9], $0x5FFFF  }
0xae: {  	[dreg:$0x1] =	wrdreg $0xFFFFFFFF  }
0xaf: {  	[dreg:$0x0] =	wrdreg $0x60  }
0xb0: {  	[dreg:$0x2] =	wrdreg s2  }
0xb1: {  	[dreg:$0x3] =	wrdreg s19  }
0xb2: {  	[dreg:$0x4] =	wrdreg s4  }
0xb3: {  	[dreg:$0x5] =	wrdreg $0x9  }
0xb4: {  	_ =	task.clear_ibuf [dreg:s9], $0x6FFFF;
	_ =	strace $0x90000046  }
0xb5: {  	s29 =	simm.s32 $0x9;
	_ =	strace $0x80000048  }
0xb6: {  	_ =	swait.ge [sflag:s29], $0x1  }
0xb7: {  	[sflag:s29] =	ssyncadd.s32 $0xFFFFFFFF  }
0xb8: {  	_ =	strace $0x90000048  }
0xb9: {  	_ =	sfence  }
0xba: {  	s30 =	sld [smem:$0x0];
	_ =	sdelay $0x2  }
0xbb: {  	s31 =	sshll.u32 s1, $0xD;
	s1 =	sshrl.u32 s1, $0x2  }
0xbc: {  	s3 =	sand.u32 $0x4000, s31;
	s1 =	sadd.s32 s1, s30  }
0xbd: {  	s0 =	sor.u32 s3, s0;
	s1 =	sshll.u32 s1, $0x11  }
0xbe: {  	s0 =	sor.u32 s1, s0  }
0xbf: {  	s0 =	sadd.s32 $0x8F2B, s0  }
0xc0: {  	[sflag:s0] =	ssyncadd.remote.s32 $0x1  }
0xc1: {  	_ =	sfence.sel $0xFFFF  }
0xc2: {  	[dreg:$0x0] =	wrdreg $0xFFFFFFFF;
	(pc) =	sbr.abs _section_cstart, $3  }
0xc3: {  	[dreg:$0x1] =	wrdreg $0xFFFFFFFF  }
0xc4: {  	_ =	task.clear_ibuf [dreg:s9], $0x2FFFF;
	_ =	strace $0x9FFFFFFF  }
0xc5: {  	(tm) =	ssettm $0x7FFFFFFF  }
tec
execute0_lowered:
.L_overlay_start_1:
0x0: {  	(tag) =	ssettag $0x1  }
0x1: {  	s0 =	srdreg.scid;
	s2 =	stileid.u32  }
0x2: {  	s8 =	rddreg [dreg:$0x0];
	s3 =	sand.u32 $0x1, s0;
	s15 =	sshll.u32 s2, $0x1  }
0x3: {  	s1 =	rddreg [dreg:$0x1];
	s0 =	sor.u32 s3, s15  }
0x4: {  	s4 =	rddreg [dreg:$0x2];
	s2 =	simm.s32 $0x0;
	s10 =	sshll.u32 s0, $0x7  }
0x5: {  	[smem:$0x7FF] =	sst s2;
	s11 =	sshll.u32 s0, $0xE;
	s6 =	sor.u32 $0x20, s10  }
0x6: {  	_ =	strace $0x80000047;
	s5 =	sadd.s32 s8, s11;
	s7 =	sshll.u32 s6, $0x7  }
0x7: {  	[dreg:$0x4] =	wrdreg s5;
	s5 =	sshll.u32 s0, $0x12;
	s9 =	sadd.s32 s8, s7  }
0x8: {  	s12 =	sadd.s32 $0x100, s4;
	s0 =	sadd.s32 s4, s5;
	[dreg:$0x5] =	wrdreg s9  }
0x9: {  	s13 =	sadd.s32 $0x200, s4;
	s16 =	sadd.s32 s5, s12;
	[dreg:$0x6] =	wrdreg s0  }
0xa: {  	s14 =	sadd.s32 $0x300, s4;
	s17 =	sadd.s32 s5, s13;
	[dreg:$0x7] =	wrdreg s16  }
0xb: {  	s15 =	sadd.s32 $0x400, s4;
	s18 =	sadd.s32 s5, s14;
	[dreg:$0x8] =	wrdreg s17  }
0xc: {  	s6 =	sshll.u32 s6, $0xB;
	s19 =	sadd.s32 s5, s15;
	[dreg:$0x9] =	wrdreg s18  }
0xd: {  	s24 =	sadd.s32 s4, s6;
	[dreg:$0xa] =	wrdreg s19  }
0xe: {  	s25 =	sadd.s32 s6, s12;
	[dreg:$0xf] =	wrdreg s24  }
0xf: {  	s26 =	sadd.s32 s6, s13;
	[dreg:$0x10] =	wrdreg s25  }
0x10: {  	s16 =	sadd.s32 $0x500, s4;
	[dreg:$0x11] =	wrdreg s26  }
0x11: {  	s17 =	sadd.s32 $0x600, s4;
	s0 =	rddreg [dreg:$0x4];
	s20 =	sadd.s32 s5, s16  }
0x12: {  	s18 =	sadd.s32 $0x700, s4;
	s21 =	sadd.s32 s5, s17;
	[dreg:$0xb] =	wrdreg s20  }
0x13: {  	s19 =	sor.u32 $0x40, s10;
	s22 =	sadd.s32 s5, s18;
	[dreg:$0xc] =	wrdreg s21  }
0x14: {  	s9 =	sshll.u32 s19, $0x7;
	s24 =	sadd.s32 s6, s18;
	[dreg:$0xd] =	wrdreg s22  }
0x15: {  	s23 =	sadd.s32 s8, s9;
	[dreg:$0x16] =	wrdreg s24  }
0x16: {  	s20 =	sadd.s32 s6, s14;
	[dreg:$0xe] =	wrdreg s23  }
0x17: {  	s21 =	sadd.s32 s6, s15;
	[dreg:$0x12] =	wrdreg s20  }
0x18: {  	s22 =	sadd.s32 s6, s16;
	[dreg:$0x13] =	wrdreg s21;
	s20 =	sor.u32 $0x60, s10  }
0x19: {  	[dreg:$0x14] =	wrdreg s22;
	s23 =	sadd.s32 s6, s17;
	s10 =	sshll.u32 s20, $0x7  }
0x1a: {  	[dreg:$0x15] =	wrdreg s23;
	s25 =	sadd.s32 s8, s10;
	s8 =	sshll.u32 s19, $0xB  }
0x1b: {  	[dreg:$0x17] =	wrdreg s25;
	s26 =	sadd.s32 s4, s8  }
0x1c: {  	s19 =	sadd.s32 s8, s12;
	[dreg:$0x18] =	wrdreg s26  }
0x1d: {  	s21 =	sadd.s32 s8, s13;
	[dreg:$0x19] =	wrdreg s19  }
0x1e: {  	s22 =	sadd.s32 s8, s14;
	[dreg:$0x1a] =	wrdreg s21  }
0x1f: {  	s23 =	sadd.s32 s8, s15;
	[dreg:$0x1b] =	wrdreg s22  }
0x20: {  	s24 =	sadd.s32 s8, s16;
	[dreg:$0x1c] =	wrdreg s23  }
0x21: {  	s25 =	sadd.s32 s8, s17;
	[dreg:$0x1d] =	wrdreg s24  }
0x22: {  	[dreg:$0x1e] =	wrdreg s25;
	s26 =	sadd.s32 s8, s18  }
0x23: {  	s29 =	sadd.s32 $0xD0, s4;
	s19 =	sadd.s32 s1, s11;
	[dreg:$0x1f] =	wrdreg s26  }
0x24: {  	s11 =	sshll.u32 s20, $0xB;
	s20 =	sadd.s32 s5, s29;
	[smem:$0x7E6] =	sst s19  }
0x25: {  	s21 =	sadd.s32 s4, s11;
	[smem:$0x7F5] =	sst s20  }
0x26: {  	s22 =	sadd.s32 s11, s12;
	[smem:$0x7E7] =	sst s21  }
0x27: {  	s23 =	sadd.s32 s11, s13;
	[smem:$0x7E8] =	sst s22  }
0x28: {  	s24 =	sadd.s32 s11, s14;
	[smem:$0x7E9] =	sst s23  }
0x29: {  	s25 =	sadd.s32 s11, s15;
	[smem:$0x7EA] =	sst s24  }
0x2a: {  	p0 =	por $0x0, $0x0;
	s26 =	sadd.s32 s11, s16;
	[smem:$0x7EB] =	sst s25  }
0x2b: {  	s30 =	sadd.s32 $0xE0, s4;
	s12 =	sadd.s32 s11, s17;
	[smem:$0x7EC] =	sst s26  }
0x2c: {  	s31 =	sadd.s32 $0xF0, s4;
	s13 =	sadd.s32 s11, s18;
	[smem:$0x7ED] =	sst s12  }
0x2d: {  	s14 =	sadd.s32 s1, s7;
	s7 =	sadd.s32 $0x80, s4;
	[smem:$0x7EE] =	sst s13  }
0x2e: {  	s3 =	ssub.s32 $0x2, s3;
	[smem:$0x7EF] =	sst s14;
	s15 =	sadd.s32 s5, s7  }
0x2f: {  	s28 =	sadd.s32 s6, s31;
	s21 =	sadd.s32 s5, s30;
	[smem:$0x7F0] =	sst s15  }
0x30: {  	s12 =	sadd.s32 $0x90, s4;
	s22 =	sadd.s32 s5, s31;
	[smem:$0x7F6] =	sst s21  }
0x31: {  	s13 =	sadd.s32 $0xA0, s4;
	s23 =	sadd.s32 s1, s9;
	[smem:$0x7F7] =	sst s22  }
0x32: {  	s14 =	sadd.s32 $0xB0, s4;
	s24 =	sadd.s32 s6, s7;
	[smem:$0x7F8] =	sst s23  }
0x33: {  	s16 =	sadd.s32 s5, s12;
	s17 =	sadd.s32 s5, s13;
	[smem:$0x7F9] =	sst s24  }
0x34: {  	s18 =	sadd.s32 s5, s14;
	s15 =	sadd.s32 $0xC0, s4;
	[smem:$0x7F1] =	sst s16  }
0x35: {  	s25 =	sadd.s32 s6, s12;
	s26 =	sadd.s32 s6, s13;
	[smem:$0x7F2] =	sst s17  }
0x36: {  	s4 =	sadd.s32 s6, s14;
	s24 =	sadd.s32 s1, s10;
	[smem:$0x7F3] =	sst s18  }
0x37: {  	s21 =	sadd.s32 s8, s29;
	s22 =	sadd.s32 s8, s30;
	[smem:$0x7FA] =	sst s25  }
0x38: {  	s23 =	sadd.s32 s8, s31;
	s10 =	sadd.s32 s11, s30;
	[smem:$0x7FB] =	sst s26  }
0x39: {  	s19 =	sadd.s32 s5, s15;
	s5 =	sshrl.u32 s3, $0x1;
	[smem:$0x7FC] =	sst s4  }
0x3a: {  	s9 =	sadd.s32 s6, s15;
	s25 =	sadd.s32 s6, s29;
	s26 =	sadd.s32 s6, s30  }
0x3b: {  	s16 =	sadd.s32 s8, s7;
	s17 =	sadd.s32 s8, s12;
	s18 =	sadd.s32 s8, s13  }
0x3c: {  	s20 =	sadd.s32 s8, s15;
	[smem:$0x7F4] =	sst s19;
	s3 =	ssub.s32 s3, s5  }
0x3d: {  	s19 =	sadd.s32 s8, s14;
	s8 =	sadd.s32 s11, s15;
	s15 =	smax.u32 s3, $0x1  }
0x3e: {  	s4 =	sadd.s32 s11, s7;
	s6 =	sadd.s32 s11, s13;
	p1 =	sne.s32 s15, $0x1  }
.Ltmp0:
0x3f: {  	s7 =	sadd.s32 s11, s14;
	s13 =	simm.s32 $0x1;
	(pc) =	sbr.rel @!p1 .LBB2_3-.Ltmp0, $4  }
0x40: {  	s30 =	simm.s32 $0x400;
	[smem:$0x7FD] =	sst s9;
	s5 =	sadd.s32 s11, s12  }
0x41: {  	s9 =	sadd.s32 s11, s29;
	s11 =	sadd.s32 s11, s31;
	s12 =	simm.s32 $0x8000  }
0x42: {  	s31 =	simm.s32 $0x4000;
	s29 =	simm.s32 $0x10000;
	s14 =	simm.s32 $0x80  }
0x43: {  	s3 =	simm.s32 $0x2;
	s1 =	sadd.s32 $0xFFFFFFFF, s15;
	s15 =	simm.s32 $0x800  }
0x44: {  	[smem:$0x7E4] =	sst s1  }
0x45: {  	[tilespmem:s2], [sflag:$0x1] =	stream.linear.gather [hbm4b:s0+s2], $0x8000, $0x38;
	[tilespmem:$0x18000] =	vst v63  }
0x46: {  	s1 =	rddreg [dreg:$0x5]  }
0x47: {  	[tilespmem:s12], [sflag:$0x1] =	stream.linear.gather [hbm4b:s1+s2], $0x8000, $0x38;
	[tilespmem:$0x18000] =	vst v63  }
0x48: {  	_ =	swait.ge [sflag:s13], $0x8000  }
0x49: {  	[sflag:s13] =	ssyncset.done $0x0  }
0x4a: {  	s0 =	rddreg [dreg:$0x6];
	[sflag:s13] =	ssyncadd.s32 $0xFFFF8000  }
0x4b: {  	[hbm4b:s0+s30] =	stream.strided.scatter [tilespmem:s2], [sflag:$0x2], $0x8000, s31, s30, $0x38;
	[tilespmem:$0x18000] =	vst v63  }
0x4c: {  	s1 =	rddreg [dreg:$0x7]  }
0x4d: {  	[hbm4b:s1+s30] =	stream.strided.scatter [tilespmem:s2], [sflag:$0x2], $0x8000, s31, s30, $0x38;
	[tilespmem:$0x18000] =	vst v63  }
0x4e: {  	s0 =	rddreg [dreg:$0x8]  }
0x4f: {  	[hbm4b:s0+s30] =	stream.strided.scatter [tilespmem:s2], [sflag:$0x2], $0x8000, s31, s30, $0x38;
	[tilespmem:$0x18000] =	vst v63  }
0x50: {  	s1 =	rddreg [dreg:$0x9]  }
0x51: {  	[hbm4b:s1+s30] =	stream.strided.scatter [tilespmem:s2], [sflag:$0x2], $0x8000, s31, s30, $0x38;
	[tilespmem:$0x18000] =	vst v63  }
0x52: {  	s0 =	rddreg [dreg:$0xa]  }
0x53: {  	[hbm4b:s0+s30] =	stream.strided.scatter [tilespmem:s2], [sflag:$0x2], $0x8000, s31, s30, $0x38;
	[tilespmem:$0x18000] =	vst v63  }
0x54: {  	s1 =	rddreg [dreg:$0xb]  }
0x55: {  	[hbm4b:s1+s30] =	stream.strided.scatter [tilespmem:s2], [sflag:$0x2], $0x8000, s31, s30, $0x38;
	[tilespmem:$0x18000] =	vst v63  }
0x56: {  	s0 =	rddreg [dreg:$0xc]  }
0x57: {  	[hbm4b:s0+s30] =	stream.strided.scatter [tilespmem:s2], [sflag:$0x2], $0x8000, s31, s30, $0x38;
	[tilespmem:$0x18000] =	vst v63  }
0x58: {  	s1 =	rddreg [dreg:$0xd]  }
0x59: {  	[hbm4b:s1+s30] =	stream.strided.scatter [tilespmem:s2], [sflag:$0x2], $0x8000, s31, s30, $0x38;
	[tilespmem:$0x18000] =	vst v63  }
0x5a: {  	s0 =	rddreg [dreg:$0xe]  }
0x5b: {  	[tilespmem:s29], [sflag:$0x1] =	stream.linear.gather [hbm4b:s0+s2], $0x8000, $0x38;
	[tilespmem:$0x18000] =	vst v63  }
0x5c: {  	_ =	swait.ge [sflag:s13], $0x8000  }
0x5d: {  	[sflag:s13] =	ssyncset.done $0x0  }
0x5e: {  	s0 =	rddreg [dreg:$0xf];
	[sflag:s13] =	ssyncadd.s32 $0xFFFF8000  }
0x5f: {  	[hbm4b:s0+s30] =	stream.strided.scatter [tilespmem:s12], [sflag:$0x2], $0x8000, s31, s30, $0x38;
	[tilespmem:$0x18000] =	vst v63  }
0x60: {  	s1 =	rddreg [dreg:$0x10]  }
0x61: {  	[hbm4b:s1+s30] =	stream.strided.scatter [tilespmem:s12], [sflag:$0x2], $0x8000, s31, s30, $0x38;
	[tilespmem:$0x18000] =	vst v63  }
0x62: {  	s0 =	rddreg [dreg:$0x11]  }
0x63: {  	[hbm4b:s0+s30] =	stream.strided.scatter [tilespmem:s12], [sflag:$0x2], $0x8000, s31, s30, $0x38;
	[tilespmem:$0x18000] =	vst v63  }
0x64: {  	s1 =	rddreg [dreg:$0x12]  }
0x65: {  	[hbm4b:s1+s30] =	stream.strided.scatter [tilespmem:s12], [sflag:$0x2], $0x8000, s31, s30, $0x38;
	[tilespmem:$0x18000] =	vst v63  }
0x66: {  	s0 =	rddreg [dreg:$0x13]  }
0x67: {  	[hbm4b:s0+s30] =	stream.strided.scatter [tilespmem:s12], [sflag:$0x2], $0x8000, s31, s30, $0x38;
	[tilespmem:$0x18000] =	vst v63  }
0x68: {  	s1 =	rddreg [dreg:$0x14]  }
0x69: {  	[hbm4b:s1+s30] =	stream.strided.scatter [tilespmem:s12], [sflag:$0x2], $0x8000, s31, s30, $0x38;
	[tilespmem:$0x18000] =	vst v63  }
0x6a: {  	s0 =	rddreg [dreg:$0x15]  }
0x6b: {  	[hbm4b:s0+s30] =	stream.strided.scatter [tilespmem:s12], [sflag:$0x2], $0x8000, s31, s30, $0x38;
	[tilespmem:$0x18000] =	vst v63  }
0x6c: {  	s1 =	rddreg [dreg:$0x16]  }
0x6d: {  	[hbm4b:s1+s30] =	stream.strided.scatter [tilespmem:s12], [sflag:$0x2], $0x8000, s31, s30, $0x38;
	[tilespmem:$0x18000] =	vst v63  }
0x6e: {  	_ =	swait.ge [sflag:s3], $0x8000  }
0x6f: {  	[sflag:s3] =	ssyncset.done $0x0  }
0x70: {  	[sflag:s3] =	ssyncadd.s32 $0xFFFF8000  }
0x71: {  	_ =	swait.ge [sflag:s3], $0x8000  }
0x72: {  	[sflag:s3] =	ssyncset.done $0x0  }
0x73: {  	[sflag:s3] =	ssyncadd.s32 $0xFFFF8000  }
0x74: {  	_ =	swait.ge [sflag:s3], $0x8000  }
0x75: {  	[sflag:s3] =	ssyncset.done $0x0  }
0x76: {  	[sflag:s3] =	ssyncadd.s32 $0xFFFF8000  }
0x77: {  	_ =	swait.ge [sflag:s3], $0x8000  }
0x78: {  	[sflag:s3] =	ssyncset.done $0x0  }
0x79: {  	[sflag:s3] =	ssyncadd.s32 $0xFFFF8000  }
0x7a: {  	_ =	swait.ge [sflag:s3], $0x8000  }
0x7b: {  	[sflag:s3] =	ssyncset.done $0x0  }
0x7c: {  	[sflag:s3] =	ssyncadd.s32 $0xFFFF8000  }
0x7d: {  	_ =	swait.ge [sflag:s3], $0x8000  }
0x7e: {  	[sflag:s3] =	ssyncset.done $0x0  }
0x7f: {  	[sflag:s3] =	ssyncadd.s32 $0xFFFF8000  }
0x80: {  	_ =	swait.ge [sflag:s3], $0x8000  }
0x81: {  	[sflag:s3] =	ssyncset.done $0x0  }
0x82: {  	[sflag:s3] =	ssyncadd.s32 $0xFFFF8000  }
0x83: {  	_ =	swait.ge [sflag:s3], $0x8000  }
0x84: {  	[sflag:s3] =	ssyncset.done $0x0  }
0x85: {  	s1 =	rddreg [dreg:$0x17];
	[sflag:s3] =	ssyncadd.s32 $0xFFFF8000  }
0x86: {  	[tilespmem:s2], [sflag:$0x1] =	stream.linear.gather [hbm4b:s1+s2], $0x8000, $0x38;
	[tilespmem:$0x18000] =	vst v63  }
0x87: {  	_ =	swait.ge [sflag:s13], $0x8000  }
0x88: {  	[sflag:s13] =	ssyncset.done $0x0  }
0x89: {  	s0 =	rddreg [dreg:$0x18];
	[sflag:s13] =	ssyncadd.s32 $0xFFFF8000  }
0x8a: {  	[hbm4b:s0+s30] =	stream.strided.scatter [tilespmem:s29], [sflag:$0x2], $0x8000, s31, s30, $0x38;
	[tilespmem:$0x18000] =	vst v63  }
0x8b: {  	s1 =	rddreg [dreg:$0x19]  }
0x8c: {  	[hbm4b:s1+s30] =	stream.strided.scatter [tilespmem:s29], [sflag:$0x2], $0x8000, s31, s30, $0x38;
	[tilespmem:$0x18000] =	vst v63  }
0x8d: {  	s0 =	rddreg [dreg:$0x1a]  }
0x8e: {  	[hbm4b:s0+s30] =	stream.strided.scatter [tilespmem:s29], [sflag:$0x2], $0x8000, s31, s30, $0x38;
	[tilespmem:$0x18000] =	vst v63  }
0x8f: {  	s1 =	rddreg [dreg:$0x1b]  }
0x90: {  	[hbm4b:s1+s30] =	stream.strided.scatter [tilespmem:s29], [sflag:$0x2], $0x8000, s31, s30, $0x38;
	[tilespmem:$0x18000] =	vst v63  }
0x91: {  	s0 =	rddreg [dreg:$0x1c]  }
0x92: {  	[hbm4b:s0+s30] =	stream.strided.scatter [tilespmem:s29], [sflag:$0x2], $0x8000, s31, s30, $0x38;
	[tilespmem:$0x18000] =	vst v63  }
0x93: {  	s1 =	rddreg [dreg:$0x1d]  }
0x94: {  	[hbm4b:s1+s30] =	stream.strided.scatter [tilespmem:s29], [sflag:$0x2], $0x8000, s31, s30, $0x38;
	[tilespmem:$0x18000] =	vst v63  }
0x95: {  	s0 =	rddreg [dreg:$0x1e]  }
0x96: {  	[hbm4b:s0+s30] =	stream.strided.scatter [tilespmem:s29], [sflag:$0x2], $0x8000, s31, s30, $0x38;
	[tilespmem:$0x18000] =	vst v63  }
0x97: {  	s1 =	rddreg [dreg:$0x1f]  }
0x98: {  	[hbm4b:s1+s30] =	stream.strided.scatter [tilespmem:s29], [sflag:$0x2], $0x8000, s31, s30, $0x38;
	[tilespmem:$0x18000] =	vst v63  }
0x99: {  	_ =	swait.ge [sflag:s3], $0x8000  }
0x9a: {  	[sflag:s3] =	ssyncset.done $0x0  }
0x9b: {  	[sflag:s3] =	ssyncadd.s32 $0xFFFF8000  }
0x9c: {  	_ =	swait.ge [sflag:s3], $0x8000  }
0x9d: {  	[sflag:s3] =	ssyncset.done $0x0  }
0x9e: {  	[sflag:s3] =	ssyncadd.s32 $0xFFFF8000  }
0x9f: {  	_ =	swait.ge [sflag:s3], $0x8000  }
0xa0: {  	[sflag:s3] =	ssyncset.done $0x0  }
0xa1: {  	[sflag:s3] =	ssyncadd.s32 $0xFFFF8000  }
0xa2: {  	_ =	swait.ge [sflag:s3], $0x8000  }
0xa3: {  	[sflag:s3] =	ssyncset.done $0x0  }
0xa4: {  	[sflag:s3] =	ssyncadd.s32 $0xFFFF8000  }
0xa5: {  	_ =	swait.ge [sflag:s3], $0x8000  }
0xa6: {  	[sflag:s3] =	ssyncset.done $0x0  }
0xa7: {  	[sflag:s3] =	ssyncadd.s32 $0xFFFF8000  }
0xa8: {  	_ =	swait.ge [sflag:s3], $0x8000  }
0xa9: {  	[sflag:s3] =	ssyncset.done $0x0  }
0xaa: {  	[sflag:s3] =	ssyncadd.s32 $0xFFFF8000  }
0xab: {  	_ =	swait.ge [sflag:s3], $0x8000  }
0xac: {  	[sflag:s3] =	ssyncset.done $0x0  }
0xad: {  	[sflag:s3] =	ssyncadd.s32 $0xFFFF8000  }
0xae: {  	_ =	swait.ge [sflag:s3], $0x8000  }
0xaf: {  	s1 =	sld [smem:$0x7E6]  }
0xb0: {  	[sflag:s3] =	ssyncset.done $0x0  }
0xb1: {  	[sflag:s3] =	ssyncadd.s32 $0xFFFF8000  }
0xb2: {  	[tilespmem:s12], [sflag:$0x1] =	stream.linear.gather [hbm4b:s1+s2], $0x8000, $0x38;
	[tilespmem:$0x18000] =	vst v63  }
0xb3: {  	_ =	swait.ge [sflag:s13], $0x8000  }
0xb4: {  	s0 =	sld [smem:$0x7E7]  }
0xb5: {  	[sflag:s13] =	ssyncset.done $0x0  }
0xb6: {  	s1 =	sld [smem:$0x7E8];
	[sflag:s13] =	ssyncadd.s32 $0xFFFF8000  }
0xb7: {  	[hbm4b:s0+s30] =	stream.strided.scatter [tilespmem:s2], [sflag:$0x2], $0x8000, s31, s30, $0x38;
	[tilespmem:$0x18000] =	vst v63  }
0xb8: {  	s0 =	sld [smem:$0x7E9]  }
0xb9: {  	[hbm4b:s1+s30] =	stream.strided.scatter [tilespmem:s2], [sflag:$0x2], $0x8000, s31, s30, $0x38;
	[tilespmem:$0x18000] =	vst v63  }
0xba: {  	s1 =	sld [smem:$0x7EA]  }
0xbb: {  	[hbm4b:s0+s30] =	stream.strided.scatter [tilespmem:s2], [sflag:$0x2], $0x8000, s31, s30, $0x38;
	[tilespmem:$0x18000] =	vst v63  }
0xbc: {  	s0 =	sld [smem:$0x7EB]  }
0xbd: {  	[hbm4b:s1+s30] =	stream.strided.scatter [tilespmem:s2], [sflag:$0x2], $0x8000, s31, s30, $0x38;
	[tilespmem:$0x18000] =	vst v63  }
0xbe: {  	s1 =	sld [smem:$0x7EC]  }
0xbf: {  	[hbm4b:s0+s30] =	stream.strided.scatter [tilespmem:s2], [sflag:$0x2], $0x8000, s31, s30, $0x38;
	[tilespmem:$0x18000] =	vst v63  }
0xc0: {  	s0 =	sld [smem:$0x7ED]  }
0xc1: {  	[hbm4b:s1+s30] =	stream.strided.scatter [tilespmem:s2], [sflag:$0x2], $0x8000, s31, s30, $0x38;
	[tilespmem:$0x18000] =	vst v63  }
0xc2: {  	s1 =	sld [smem:$0x7EE]  }
0xc3: {  	[hbm4b:s0+s30] =	stream.strided.scatter [tilespmem:s2], [sflag:$0x2], $0x8000, s31, s30, $0x38;
	[tilespmem:$0x18000] =	vst v63  }
0xc4: {  	_ = 	snop  }
0xc5: {  	[hbm4b:s1+s30] =	stream.strided.scatter [tilespmem:s2], [sflag:$0x2], $0x8000, s31, s30, $0x38;
	[tilespmem:$0x18000] =	vst v63  }
0xc6: {  	_ =	swait.ge [sflag:s3], $0x8000  }
0xc7: {  	[sflag:s3] =	ssyncset.done $0x0  }
0xc8: {  	[sflag:s3] =	ssyncadd.s32 $0xFFFF8000  }
0xc9: {  	_ =	swait.ge [sflag:s3], $0x8000  }
0xca: {  	[sflag:s3] =	ssyncset.done $0x0  }
0xcb: {  	[sflag:s3] =	ssyncadd.s32 $0xFFFF8000  }
0xcc: {  	_ =	swait.ge [sflag:s3], $0x8000  }
0xcd: {  	[sflag:s3] =	ssyncset.done $0x0  }
0xce: {  	[sflag:s3] =	ssyncadd.s32 $0xFFFF8000  }
0xcf: {  	_ =	swait.ge [sflag:s3], $0x8000  }
0xd0: {  	[sflag:s3] =	ssyncset.done $0x0  }
0xd1: {  	[sflag:s3] =	ssyncadd.s32 $0xFFFF8000  }
0xd2: {  	_ =	swait.ge [sflag:s3], $0x8000  }
0xd3: {  	[sflag:s3] =	ssyncset.done $0x0  }
0xd4: {  	[sflag:s3] =	ssyncadd.s32 $0xFFFF8000  }
0xd5: {  	_ =	swait.ge [sflag:s3], $0x8000  }
0xd6: {  	[sflag:s3] =	ssyncset.done $0x0  }
0xd7: {  	[sflag:s3] =	ssyncadd.s32 $0xFFFF8000  }
0xd8: {  	_ =	swait.ge [sflag:s3], $0x8000  }
0xd9: {  	[sflag:s3] =	ssyncset.done $0x0  }
0xda: {  	[sflag:s3] =	ssyncadd.s32 $0xFFFF8000  }
0xdb: {  	_ =	swait.ge [sflag:s3], $0x8000  }
0xdc: {  	s1 =	sld [smem:$0x7EF]  }
0xdd: {  	[sflag:s3] =	ssyncset.done $0x0  }
0xde: {  	[sflag:s3] =	ssyncadd.s32 $0xFFFF8000  }
0xdf: {  	[tilespmem:s29], [sflag:$0x1] =	stream.linear.gather [hbm4b:s1+s2], $0x8000, $0x38;
	[tilespmem:$0x18000] =	vst v63  }
0xe0: {  	_ =	swait.ge [sflag:s13], $0x8000  }
0xe1: {  	s0 =	sld [smem:$0x7F0]  }
0xe2: {  	[sflag:s13] =	ssyncset.done $0x0  }
0xe3: {  	s1 =	sld [smem:$0x7F1];
	[sflag:s13] =	ssyncadd.s32 $0xFFFF8000  }
0xe4: {  	[hbm4b:s0+s14] =	stream.strided.scatter [tilespmem:s12], [sflag:$0x2], $0x8000, s15, s14, $0x38;
	[tilespmem:$0x18000] =	vst v63  }
0xe5: {  	s0 =	sld [smem:$0x7F2]  }
0xe6: {  	[hbm4b:s1+s14] =	stream.strided.scatter [tilespmem:s12], [sflag:$0x2], $0x8000, s15, s14, $0x38;
	[tilespmem:$0x18000] =	vst v63  }
0xe7: {  	s1 =	sld [smem:$0x7F3]  }
0xe8: {  	[hbm4b:s0+s14] =	stream.strided.scatter [tilespmem:s12], [sflag:$0x2], $0x8000, s15, s14, $0x38;
	[tilespmem:$0x18000] =	vst v63  }
0xe9: {  	s0 =	sld [smem:$0x7F4]  }
0xea: {  	[hbm4b:s1+s14] =	stream.strided.scatter [tilespmem:s12], [sflag:$0x2], $0x8000, s15, s14, $0x38;
	[tilespmem:$0x18000] =	vst v63  }
0xeb: {  	s1 =	sld [smem:$0x7F5]  }
0xec: {  	[hbm4b:s0+s14] =	stream.strided.scatter [tilespmem:s12], [sflag:$0x2], $0x8000, s15, s14, $0x38;
	[tilespmem:$0x18000] =	vst v63  }
0xed: {  	s0 =	sld [smem:$0x7F6]  }
0xee: {  	[hbm4b:s1+s14] =	stream.strided.scatter [tilespmem:s12], [sflag:$0x2], $0x8000, s15, s14, $0x38;
	[tilespmem:$0x18000] =	vst v63  }
0xef: {  	s1 =	sld [smem:$0x7F7]  }
0xf0: {  	[hbm4b:s0+s14] =	stream.strided.scatter [tilespmem:s12], [sflag:$0x2], $0x8000, s15, s14, $0x38;
	[tilespmem:$0x18000] =	vst v63  }
0xf1: {  	_ = 	snop  }
0xf2: {  	[hbm4b:s1+s14] =	stream.strided.scatter [tilespmem:s12], [sflag:$0x2], $0x8000, s15, s14, $0x38;
	[tilespmem:$0x18000] =	vst v63  }
0xf3: {  	_ =	swait.ge [sflag:s3], $0x8000  }
0xf4: {  	[sflag:s3] =	ssyncset.done $0x0  }
0xf5: {  	[sflag:s3] =	ssyncadd.s32 $0xFFFF8000  }
0xf6: {  	_ =	swait.ge [sflag:s3], $0x8000  }
0xf7: {  	[sflag:s3] =	ssyncset.done $0x0  }
0xf8: {  	[sflag:s3] =	ssyncadd.s32 $0xFFFF8000  }
0xf9: {  	_ =	swait.ge [sflag:s3], $0x8000  }
0xfa: {  	[sflag:s3] =	ssyncset.done $0x0  }
0xfb: {  	[sflag:s3] =	ssyncadd.s32 $0xFFFF8000  }
0xfc: {  	_ =	swait.ge [sflag:s3], $0x8000  }
0xfd: {  	[sflag:s3] =	ssyncset.done $0x0  }
0xfe: {  	[sflag:s3] =	ssyncadd.s32 $0xFFFF8000  }
0xff: {  	_ =	swait.ge [sflag:s3], $0x8000  }
0x100: {  	[sflag:s3] =	ssyncset.done $0x0  }
0x101: {  	[sflag:s3] =	ssyncadd.s32 $0xFFFF8000  }
0x102: {  	_ =	swait.ge [sflag:s3], $0x8000  }
0x103: {  	[sflag:s3] =	ssyncset.done $0x0  }
0x104: {  	[sflag:s3] =	ssyncadd.s32 $0xFFFF8000  }
0x105: {  	_ =	swait.ge [sflag:s3], $0x8000  }
0x106: {  	[sflag:s3] =	ssyncset.done $0x0  }
0x107: {  	[sflag:s3] =	ssyncadd.s32 $0xFFFF8000  }
0x108: {  	_ =	swait.ge [sflag:s3], $0x8000  }
0x109: {  	s1 =	sld [smem:$0x7F8]  }
0x10a: {  	[sflag:s3] =	ssyncset.done $0x0  }
0x10b: {  	[sflag:s3] =	ssyncadd.s32 $0xFFFF8000  }
0x10c: {  	[tilespmem:s2], [sflag:$0x1] =	stream.linear.gather [hbm4b:s1+s2], $0x8000, $0x38;
	[tilespmem:$0x18000] =	vst v63  }
0x10d: {  	_ =	swait.ge [sflag:s13], $0x8000  }
0x10e: {  	s0 =	sld [smem:$0x7F9]  }
0x10f: {  	[sflag:s13] =	ssyncset.done $0x0  }
0x110: {  	s1 =	sld [smem:$0x7FA];
	[sflag:s13] =	ssyncadd.s32 $0xFFFF8000  }
0x111: {  	[hbm4b:s0+s14] =	stream.strided.scatter [tilespmem:s29], [sflag:$0x2], $0x8000, s15, s14, $0x38;
	[tilespmem:$0x18000] =	vst v63  }
0x112: {  	s0 =	sld [smem:$0x7FB]  }
0x113: {  	[hbm4b:s1+s14] =	stream.strided.scatter [tilespmem:s29], [sflag:$0x2], $0x8000, s15, s14, $0x38;
	[tilespmem:$0x18000] =	vst v63  }
0x114: {  	s1 =	sld [smem:$0x7FC]  }
0x115: {  	[hbm4b:s0+s14] =	stream.strided.scatter [tilespmem:s29], [sflag:$0x2], $0x8000, s15, s14, $0x38;
	[tilespmem:$0x18000] =	vst v63  }
0x116: {  	s0 =	sld [smem:$0x7FD]  }
0x117: {  	[hbm4b:s1+s14] =	stream.strided.scatter [tilespmem:s29], [sflag:$0x2], $0x8000, s15, s14, $0x38;
	[tilespmem:$0x18000] =	vst v63  }
0x118: {  	_ = 	snop  }
0x119: {  	[hbm4b:s0+s14] =	stream.strided.scatter [tilespmem:s29], [sflag:$0x2], $0x8000, s15, s14, $0x38;
	[tilespmem:$0x18000] =	vst v63  }
0x11a: {  	_ = 	snop  }
0x11b: {  	[hbm4b:s25+s14] =	stream.strided.scatter [tilespmem:s29], [sflag:$0x2], $0x8000, s15, s14, $0x38;
	[tilespmem:$0x18000] =	vst v63  }
0x11c: {  	_ = 	snop  }
0x11d: {  	[hbm4b:s26+s14] =	stream.strided.scatter [tilespmem:s29], [sflag:$0x2], $0x8000, s15, s14, $0x38;
	[tilespmem:$0x18000] =	vst v63  }
0x11e: {  	_ = 	snop  }
0x11f: {  	[hbm4b:s28+s14] =	stream.strided.scatter [tilespmem:s29], [sflag:$0x2], $0x8000, s15, s14, $0x38;
	[tilespmem:$0x18000] =	vst v63  }
0x120: {  	_ =	swait.ge [sflag:s3], $0x8000  }
0x121: {  	[sflag:s3] =	ssyncset.done $0x0  }
0x122: {  	[sflag:s3] =	ssyncadd.s32 $0xFFFF8000  }
0x123: {  	_ =	swait.ge [sflag:s3], $0x8000  }
0x124: {  	[sflag:s3] =	ssyncset.done $0x0  }
0x125: {  	[sflag:s3] =	ssyncadd.s32 $0xFFFF8000  }
0x126: {  	_ =	swait.ge [sflag:s3], $0x8000  }
0x127: {  	[sflag:s3] =	ssyncset.done $0x0  }
0x128: {  	[sflag:s3] =	ssyncadd.s32 $0xFFFF8000  }
0x129: {  	_ =	swait.ge [sflag:s3], $0x8000  }
0x12a: {  	[sflag:s3] =	ssyncset.done $0x0  }
0x12b: {  	[sflag:s3] =	ssyncadd.s32 $0xFFFF8000  }
0x12c: {  	_ =	swait.ge [sflag:s3], $0x8000  }
0x12d: {  	[sflag:s3] =	ssyncset.done $0x0  }
0x12e: {  	[sflag:s3] =	ssyncadd.s32 $0xFFFF8000  }
0x12f: {  	_ =	swait.ge [sflag:s3], $0x8000  }
0x130: {  	[sflag:s3] =	ssyncset.done $0x0  }
0x131: {  	[sflag:s3] =	ssyncadd.s32 $0xFFFF8000  }
0x132: {  	_ =	swait.ge [sflag:s3], $0x8000  }
0x133: {  	[sflag:s3] =	ssyncset.done $0x0  }
0x134: {  	[sflag:s3] =	ssyncadd.s32 $0xFFFF8000  }
0x135: {  	_ =	swait.ge [sflag:s3], $0x8000  }
0x136: {  	[sflag:s3] =	ssyncset.done $0x0  }
0x137: {  	[sflag:s3] =	ssyncadd.s32 $0xFFFF8000  }
0x138: {  	[tilespmem:s12], [sflag:$0x1] =	stream.linear.gather [hbm4b:s24+s2], $0x8000, $0x38;
	[tilespmem:$0x18000] =	vst v63  }
0x139: {  	_ =	swait.ge [sflag:s13], $0x8000  }
0x13a: {  	[sflag:s13] =	ssyncset.done $0x0  }
0x13b: {  	[sflag:s13] =	ssyncadd.s32 $0xFFFF8000  }
0x13c: {  	[hbm4b:s16+s14] =	stream.strided.scatter [tilespmem:s2], [sflag:$0x2], $0x8000, s15, s14, $0x38;
	[tilespmem:$0x18000] =	vst v63  }
0x13d: {  	_ = 	snop  }
0x13e: {  	[hbm4b:s17+s14] =	stream.strided.scatter [tilespmem:s2], [sflag:$0x2], $0x8000, s15, s14, $0x38;
	[tilespmem:$0x18000] =	vst v63  }
0x13f: {  	_ = 	snop  }
0x140: {  	[hbm4b:s18+s14] =	stream.strided.scatter [tilespmem:s2], [sflag:$0x2], $0x8000, s15, s14, $0x38;
	[tilespmem:$0x18000] =	vst v63  }
0x141: {  	_ = 	snop  }
0x142: {  	[hbm4b:s19+s14] =	stream.strided.scatter [tilespmem:s2], [sflag:$0x2], $0x8000, s15, s14, $0x38;
	[tilespmem:$0x18000] =	vst v63  }
0x143: {  	_ = 	snop  }
0x144: {  	[hbm4b:s20+s14] =	stream.strided.scatter [tilespmem:s2], [sflag:$0x2], $0x8000, s15, s14, $0x38;
	[tilespmem:$0x18000] =	vst v63  }
0x145: {  	_ = 	snop  }
0x146: {  	[hbm4b:s21+s14] =	stream.strided.scatter [tilespmem:s2], [sflag:$0x2], $0x8000, s15, s14, $0x38;
	[tilespmem:$0x18000] =	vst v63  }
0x147: {  	_ = 	snop  }
0x148: {  	[hbm4b:s22+s14] =	stream.strided.scatter [tilespmem:s2], [sflag:$0x2], $0x8000, s15, s14, $0x38;
	[tilespmem:$0x18000] =	vst v63  }
0x149: {  	_ = 	snop  }
0x14a: {  	[hbm4b:s23+s14] =	stream.strided.scatter [tilespmem:s2], [sflag:$0x2], $0x8000, s15, s14, $0x38;
	[tilespmem:$0x18000] =	vst v63  }
0x14b: {  	_ =	swait.ge [sflag:s3], $0x8000  }
0x14c: {  	[sflag:s3] =	ssyncset.done $0x0  }
0x14d: {  	[sflag:s3] =	ssyncadd.s32 $0xFFFF8000  }
0x14e: {  	_ =	swait.ge [sflag:s3], $0x8000  }
0x14f: {  	[sflag:s3] =	ssyncset.done $0x0  }
0x150: {  	[sflag:s3] =	ssyncadd.s32 $0xFFFF8000  }
0x151: {  	_ =	swait.ge [sflag:s3], $0x8000  }
0x152: {  	[sflag:s3] =	ssyncset.done $0x0  }
0x153: {  	[sflag:s3] =	ssyncadd.s32 $0xFFFF8000  }
0x154: {  	_ =	swait.ge [sflag:s3], $0x8000  }
0x155: {  	[sflag:s3] =	ssyncset.done $0x0  }
0x156: {  	[sflag:s3] =	ssyncadd.s32 $0xFFFF8000  }
0x157: {  	_ =	swait.ge [sflag:s3], $0x8000  }
0x158: {  	[sflag:s3] =	ssyncset.done $0x0  }
0x159: {  	[sflag:s3] =	ssyncadd.s32 $0xFFFF8000  }
0x15a: {  	_ =	swait.ge [sflag:s3], $0x8000  }
0x15b: {  	[sflag:s3] =	ssyncset.done $0x0  }
0x15c: {  	[sflag:s3] =	ssyncadd.s32 $0xFFFF8000  }
0x15d: {  	_ =	swait.ge [sflag:s3], $0x8000  }
0x15e: {  	[sflag:s3] =	ssyncset.done $0x0  }
0x15f: {  	[sflag:s3] =	ssyncadd.s32 $0xFFFF8000  }
0x160: {  	_ =	swait.ge [sflag:s3], $0x8000  }
0x161: {  	[sflag:s3] =	ssyncset.done $0x0  }
0x162: {  	[sflag:s3] =	ssyncadd.s32 $0xFFFF8000  }
0x163: {  	_ =	swait.ge [sflag:s13], $0x8000  }
0x164: {  	[sflag:s13] =	ssyncset.done $0x0  }
0x165: {  	[sflag:s13] =	ssyncadd.s32 $0xFFFF8000  }
0x166: {  	[hbm4b:s4+s14] =	stream.strided.scatter [tilespmem:s12], [sflag:$0x2], $0x8000, s15, s14, $0x38;
	[tilespmem:$0x18000] =	vst v63  }
0x167: {  	_ = 	snop  }
0x168: {  	[hbm4b:s5+s14] =	stream.strided.scatter [tilespmem:s12], [sflag:$0x2], $0x8000, s15, s14, $0x38;
	[tilespmem:$0x18000] =	vst v63  }
0x169: {  	_ = 	snop  }
0x16a: {  	[hbm4b:s6+s14] =	stream.strided.scatter [tilespmem:s12], [sflag:$0x2], $0x8000, s15, s14, $0x38;
	[tilespmem:$0x18000] =	vst v63  }
0x16b: {  	_ = 	snop  }
0x16c: {  	[hbm4b:s7+s14] =	stream.strided.scatter [tilespmem:s12], [sflag:$0x2], $0x8000, s15, s14, $0x38;
	[tilespmem:$0x18000] =	vst v63  }
0x16d: {  	_ = 	snop  }
0x16e: {  	[hbm4b:s8+s14] =	stream.strided.scatter [tilespmem:s12], [sflag:$0x2], $0x8000, s15, s14, $0x38;
	[tilespmem:$0x18000] =	vst v63  }
0x16f: {  	_ = 	snop  }
0x170: {  	[hbm4b:s9+s14] =	stream.strided.scatter [tilespmem:s12], [sflag:$0x2], $0x8000, s15, s14, $0x38;
	[tilespmem:$0x18000] =	vst v63  }
0x171: {  	_ = 	snop  }
0x172: {  	[hbm4b:s10+s14] =	stream.strided.scatter [tilespmem:s12], [sflag:$0x2], $0x8000, s15, s14, $0x38;
	[tilespmem:$0x18000] =	vst v63  }
0x173: {  	_ = 	snop  }
0x174: {  	[hbm4b:s11+s14] =	stream.strided.scatter [tilespmem:s12], [sflag:$0x2], $0x8000, s15, s14, $0x38;
	[tilespmem:$0x18000] =	vst v63  }
0x175: {  	_ =	swait.ge [sflag:s3], $0x8000  }
0x176: {  	[sflag:s3] =	ssyncset.done $0x0  }
0x177: {  	[sflag:s3] =	ssyncadd.s32 $0xFFFF8000  }
0x178: {  	_ =	swait.ge [sflag:s3], $0x8000  }
0x179: {  	[sflag:s3] =	ssyncset.done $0x0  }
0x17a: {  	[sflag:s3] =	ssyncadd.s32 $0xFFFF8000  }
0x17b: {  	_ =	swait.ge [sflag:s3], $0x8000  }
0x17c: {  	[sflag:s3] =	ssyncset.done $0x0  }
0x17d: {  	[sflag:s3] =	ssyncadd.s32 $0xFFFF8000  }
0x17e: {  	_ =	swait.ge [sflag:s3], $0x8000  }
0x17f: {  	[sflag:s3] =	ssyncset.done $0x0  }
0x180: {  	[sflag:s3] =	ssyncadd.s32 $0xFFFF8000  }
0x181: {  	_ =	swait.ge [sflag:s3], $0x8000  }
0x182: {  	[sflag:s3] =	ssyncset.done $0x0  }
0x183: {  	[sflag:s3] =	ssyncadd.s32 $0xFFFF8000  }
0x184: {  	_ =	swait.ge [sflag:s3], $0x8000  }
0x185: {  	[sflag:s3] =	ssyncset.done $0x0  }
0x186: {  	[sflag:s3] =	ssyncadd.s32 $0xFFFF8000  }
0x187: {  	_ =	swait.ge [sflag:s3], $0x8000  }
0x188: {  	[sflag:s3] =	ssyncset.done $0x0  }
0x189: {  	[sflag:s3] =	ssyncadd.s32 $0xFFFF8000  }
0x18a: {  	_ =	swait.ge [sflag:s3], $0x8000  }
0x18b: {  	[sflag:s3] =	ssyncset.done $0x0  }
0x18c: {  	[sflag:s3] =	ssyncadd.s32 $0xFFFF8000  }
0x18d: {  	_ =	swait.ge [sflag:s3], $0x8000  }
0x18e: {  	[sflag:s3] =	ssyncset.done $0x0  }
0x18f: {  	[sflag:s3] =	ssyncadd.s32 $0xFFFF8000  }
0x190: {  	_ =	swait.ge [sflag:s3], $0x8000  }
0x191: {  	[sflag:s3] =	ssyncset.done $0x0  }
0x192: {  	[sflag:s3] =	ssyncadd.s32 $0xFFFF8000  }
0x193: {  	_ =	swait.ge [sflag:s3], $0x8000  }
0x194: {  	[sflag:s3] =	ssyncset.done $0x0  }
0x195: {  	[sflag:s3] =	ssyncadd.s32 $0xFFFF8000  }
0x196: {  	_ =	swait.ge [sflag:s3], $0x8000  }
0x197: {  	[sflag:s3] =	ssyncset.done $0x0  }
0x198: {  	[sflag:s3] =	ssyncadd.s32 $0xFFFF8000  }
0x199: {  	_ =	swait.ge [sflag:s3], $0x8000  }
0x19a: {  	[sflag:s3] =	ssyncset.done $0x0  }
0x19b: {  	[sflag:s3] =	ssyncadd.s32 $0xFFFF8000  }
0x19c: {  	_ =	swait.ge [sflag:s3], $0x8000  }
0x19d: {  	[sflag:s3] =	ssyncset.done $0x0  }
0x19e: {  	[sflag:s3] =	ssyncadd.s32 $0xFFFF8000  }
0x19f: {  	_ =	swait.ge [sflag:s3], $0x8000  }
0x1a0: {  	s1 =	sld [smem:$0x7E4];
	_ =	sdelay $0x2  }
0x1a1: {  	p1 =	sne.s32 s1, $0x1  }
.Ltmp1:
0x1a2: {  	[sflag:s3] =	ssyncset.done $0x0;
	(pc) =	sbr.rel @!p1 .LBB2_3-.Ltmp1, $4  }
0x1a3: {  	[sflag:s3] =	ssyncadd.s32 $0xFFFF8000  }
0x1a4: {  	_ =	swait.ge [sflag:s3], $0x8000  }
0x1a5: {  	p0 =	por $0x1, $0x1;
	s0 =	rddreg [dreg:$0x4]  }
0x1a6: {  	s1 =	sadd.s32 $0xFFFFFFFF, s1;
	[sflag:s3] =	ssyncset.done $0x0;
	[smem:$0x7E5] =	sst s28  }
.LBB2_2:
0x1a7: {  	[sflag:s3] =	ssyncadd.s32 $0xFFFF8000;
	s28 =	smov.u32 s26;
	s26 =	smov.u32 s25  }
0x1a8: {  	s25 =	smov.u32 s24;
	s24 =	smov.u32 s23;
	s23 =	smov.u32 s22  }
0x1a9: {  	s22 =	smov.u32 s21;
	s21 =	smov.u32 s20;
	s20 =	smov.u32 s19  }
0x1aa: {  	s19 =	smov.u32 s18;
	s18 =	smov.u32 s17;
	s17 =	smov.u32 s16  }
0x1ab: {  	s16 =	smov.u32 s11;
	s11 =	smov.u32 s10;
	s10 =	smov.u32 s9  }
0x1ac: {  	s9 =	smov.u32 s8;
	s8 =	smov.u32 s7;
	s7 =	smov.u32 s6  }
0x1ad: {  	[tilespmem:s2], [sflag:$0x1] =	stream.linear.gather [hbm4b:s0+s2], $0x8000, $0x38;
	[tilespmem:$0x18000] =	vst v63  }
0x1ae: {  	s6 =	smov.u32 s5;
	s5 =	smov.u32 s4;
	s4 =	rddreg [dreg:$0x5]  }
0x1af: {  	[tilespmem:s12], [sflag:$0x1] =	stream.linear.gather [hbm4b:s4+s2], $0x8000, $0x38;
	[tilespmem:$0x18000] =	vst v63  }
0x1b0: {  	_ =	swait.ge [sflag:s13], $0x8000  }
0x1b1: {  	[sflag:s13] =	ssyncset.done $0x0  }
0x1b2: {  	s0 =	rddreg [dreg:$0x6];
	[sflag:s13] =	ssyncadd.s32 $0xFFFF8000  }
0x1b3: {  	[hbm4b:s0+s30] =	stream.strided.scatter [tilespmem:s2], [sflag:$0x2], $0x8000, s31, s30, $0x38;
	[tilespmem:$0x18000] =	vst v63  }
0x1b4: {  	s4 =	rddreg [dreg:$0x7]  }
0x1b5: {  	[hbm4b:s4+s30] =	stream.strided.scatter [tilespmem:s2], [sflag:$0x2], $0x8000, s31, s30, $0x38;
	[tilespmem:$0x18000] =	vst v63  }
0x1b6: {  	s0 =	rddreg [dreg:$0x8]  }
0x1b7: {  	[hbm4b:s0+s30] =	stream.strided.scatter [tilespmem:s2], [sflag:$0x2], $0x8000, s31, s30, $0x38;
	[tilespmem:$0x18000] =	vst v63  }
0x1b8: {  	s4 =	rddreg [dreg:$0x9]  }
0x1b9: {  	[hbm4b:s4+s30] =	stream.strided.scatter [tilespmem:s2], [sflag:$0x2], $0x8000, s31, s30, $0x38;
	[tilespmem:$0x18000] =	vst v63  }
0x1ba: {  	s0 =	rddreg [dreg:$0xa]  }
0x1bb: {  	[hbm4b:s0+s30] =	stream.strided.scatter [tilespmem:s2], [sflag:$0x2], $0x8000, s31, s30, $0x38;
	[tilespmem:$0x18000] =	vst v63  }
0x1bc: {  	s4 =	rddreg [dreg:$0xb]  }
0x1bd: {  	[hbm4b:s4+s30] =	stream.strided.scatter [tilespmem:s2], [sflag:$0x2], $0x8000, s31, s30, $0x38;
	[tilespmem:$0x18000] =	vst v63  }
0x1be: {  	s0 =	rddreg [dreg:$0xc]  }
0x1bf: {  	[hbm4b:s0+s30] =	stream.strided.scatter [tilespmem:s2], [sflag:$0x2], $0x8000, s31, s30, $0x38;
	[tilespmem:$0x18000] =	vst v63  }
0x1c0: {  	s4 =	rddreg [dreg:$0xd]  }
0x1c1: {  	[hbm4b:s4+s30] =	stream.strided.scatter [tilespmem:s2], [sflag:$0x2], $0x8000, s31, s30, $0x38;
	[tilespmem:$0x18000] =	vst v63  }
0x1c2: {  	s0 =	rddreg [dreg:$0xe]  }
0x1c3: {  	[tilespmem:s29], [sflag:$0x1] =	stream.linear.gather [hbm4b:s0+s2], $0x8000, $0x38;
	[tilespmem:$0x18000] =	vst v63  }
0x1c4: {  	_ =	swait.ge [sflag:s13], $0x8000  }
0x1c5: {  	[sflag:s13] =	ssyncset.done $0x0  }
0x1c6: {  	s0 =	rddreg [dreg:$0xf];
	[sflag:s13] =	ssyncadd.s32 $0xFFFF8000  }
0x1c7: {  	[hbm4b:s0+s30] =	stream.strided.scatter [tilespmem:s12], [sflag:$0x2], $0x8000, s31, s30, $0x38;
	[tilespmem:$0x18000] =	vst v63  }
0x1c8: {  	s4 =	rddreg [dreg:$0x10]  }
0x1c9: {  	[hbm4b:s4+s30] =	stream.strided.scatter [tilespmem:s12], [sflag:$0x2], $0x8000, s31, s30, $0x38;
	[tilespmem:$0x18000] =	vst v63  }
0x1ca: {  	s0 =	rddreg [dreg:$0x11]  }
0x1cb: {  	[hbm4b:s0+s30] =	stream.strided.scatter [tilespmem:s12], [sflag:$0x2], $0x8000, s31, s30, $0x38;
	[tilespmem:$0x18000] =	vst v63  }
0x1cc: {  	s4 =	rddreg [dreg:$0x12]  }
0x1cd: {  	[hbm4b:s4+s30] =	stream.strided.scatter [tilespmem:s12], [sflag:$0x2], $0x8000, s31, s30, $0x38;
	[tilespmem:$0x18000] =	vst v63  }
0x1ce: {  	s0 =	rddreg [dreg:$0x13]  }
0x1cf: {  	[hbm4b:s0+s30] =	stream.strided.scatter [tilespmem:s12], [sflag:$0x2], $0x8000, s31, s30, $0x38;
	[tilespmem:$0x18000] =	vst v63  }
0x1d0: {  	s4 =	rddreg [dreg:$0x14]  }
0x1d1: {  	[hbm4b:s4+s30] =	stream.strided.scatter [tilespmem:s12], [sflag:$0x2], $0x8000, s31, s30, $0x38;
	[tilespmem:$0x18000] =	vst v63  }
0x1d2: {  	s0 =	rddreg [dreg:$0x15]  }
0x1d3: {  	[hbm4b:s0+s30] =	stream.strided.scatter [tilespmem:s12], [sflag:$0x2], $0x8000, s31, s30, $0x38;
	[tilespmem:$0x18000] =	vst v63  }
0x1d4: {  	s4 =	rddreg [dreg:$0x16]  }
0x1d5: {  	[hbm4b:s4+s30] =	stream.strided.scatter [tilespmem:s12], [sflag:$0x2], $0x8000, s31, s30, $0x38;
	[tilespmem:$0x18000] =	vst v63  }
0x1d6: {  	_ =	swait.ge [sflag:s3], $0x8000  }
0x1d7: {  	[sflag:s3] =	ssyncset.done $0x0  }
0x1d8: {  	[sflag:s3] =	ssyncadd.s32 $0xFFFF8000  }
0x1d9: {  	_ =	swait.ge [sflag:s3], $0x8000  }
0x1da: {  	[sflag:s3] =	ssyncset.done $0x0  }
0x1db: {  	[sflag:s3] =	ssyncadd.s32 $0xFFFF8000  }
0x1dc: {  	_ =	swait.ge [sflag:s3], $0x8000  }
0x1dd: {  	[sflag:s3] =	ssyncset.done $0x0  }
0x1de: {  	[sflag:s3] =	ssyncadd.s32 $0xFFFF8000  }
0x1df: {  	_ =	swait.ge [sflag:s3], $0x8000  }
0x1e0: {  	[sflag:s3] =	ssyncset.done $0x0  }
0x1e1: {  	[sflag:s3] =	ssyncadd.s32 $0xFFFF8000  }
0x1e2: {  	_ =	swait.ge [sflag:s3], $0x8000  }
0x1e3: {  	[sflag:s3] =	ssyncset.done $0x0  }
0x1e4: {  	[sflag:s3] =	ssyncadd.s32 $0xFFFF8000  }
0x1e5: {  	_ =	swait.ge [sflag:s3], $0x8000  }
0x1e6: {  	[sflag:s3] =	ssyncset.done $0x0  }
0x1e7: {  	[sflag:s3] =	ssyncadd.s32 $0xFFFF8000  }
0x1e8: {  	_ =	swait.ge [sflag:s3], $0x8000  }
0x1e9: {  	[sflag:s3] =	ssyncset.done $0x0  }
0x1ea: {  	[sflag:s3] =	ssyncadd.s32 $0xFFFF8000  }
0x1eb: {  	_ =	swait.ge [sflag:s3], $0x8000  }
0x1ec: {  	[sflag:s3] =	ssyncset.done $0x0  }
0x1ed: {  	s4 =	rddreg [dreg:$0x17];
	[sflag:s3] =	ssyncadd.s32 $0xFFFF8000  }
0x1ee: {  	[tilespmem:s2], [sflag:$0x1] =	stream.linear.gather [hbm4b:s4+s2], $0x8000, $0x38;
	[tilespmem:$0x18000] =	vst v63  }
0x1ef: {  	_ =	swait.ge [sflag:s13], $0x8000  }
0x1f0: {  	[sflag:s13] =	ssyncset.done $0x0  }
0x1f1: {  	s0 =	rddreg [dreg:$0x18];
	[sflag:s13] =	ssyncadd.s32 $0xFFFF8000  }
0x1f2: {  	[hbm4b:s0+s30] =	stream.strided.scatter [tilespmem:s29], [sflag:$0x2], $0x8000, s31, s30, $0x38;
	[tilespmem:$0x18000] =	vst v63  }
0x1f3: {  	s4 =	rddreg [dreg:$0x19]  }
0x1f4: {  	[hbm4b:s4+s30] =	stream.strided.scatter [tilespmem:s29], [sflag:$0x2], $0x8000, s31, s30, $0x38;
	[tilespmem:$0x18000] =	vst v63  }
0x1f5: {  	s0 =	rddreg [dreg:$0x1a]  }
0x1f6: {  	[hbm4b:s0+s30] =	stream.strided.scatter [tilespmem:s29], [sflag:$0x2], $0x8000, s31, s30, $0x38;
	[tilespmem:$0x18000] =	vst v63  }
0x1f7: {  	s4 =	rddreg [dreg:$0x1b]  }
0x1f8: {  	[hbm4b:s4+s30] =	stream.strided.scatter [tilespmem:s29], [sflag:$0x2], $0x8000, s31, s30, $0x38;
	[tilespmem:$0x18000] =	vst v63  }
0x1f9: {  	s0 =	rddreg [dreg:$0x1c]  }
0x1fa: {  	[hbm4b:s0+s30] =	stream.strided.scatter [tilespmem:s29], [sflag:$0x2], $0x8000, s31, s30, $0x38;
	[tilespmem:$0x18000] =	vst v63  }
0x1fb: {  	s4 =	rddreg [dreg:$0x1d]  }
0x1fc: {  	[hbm4b:s4+s30] =	stream.strided.scatter [tilespmem:s29], [sflag:$0x2], $0x8000, s31, s30, $0x38;
	[tilespmem:$0x18000] =	vst v63  }
0x1fd: {  	s0 =	rddreg [dreg:$0x1e]  }
0x1fe: {  	[hbm4b:s0+s30] =	stream.strided.scatter [tilespmem:s29], [sflag:$0x2], $0x8000, s31, s30, $0x38;
	[tilespmem:$0x18000] =	vst v63  }
0x1ff: {  	s4 =	rddreg [dreg:$0x1f]  }
0x200: {  	[hbm4b:s4+s30] =	stream.strided.scatter [tilespmem:s29], [sflag:$0x2], $0x8000, s31, s30, $0x38;
	[tilespmem:$0x18000] =	vst v63  }
0x201: {  	_ =	swait.ge [sflag:s3], $0x8000  }
0x202: {  	[sflag:s3] =	ssyncset.done $0x0  }
0x203: {  	[sflag:s3] =	ssyncadd.s32 $0xFFFF8000  }
0x204: {  	_ =	swait.ge [sflag:s3], $0x8000  }
0x205: {  	[sflag:s3] =	ssyncset.done $0x0  }
0x206: {  	[sflag:s3] =	ssyncadd.s32 $0xFFFF8000  }
0x207: {  	_ =	swait.ge [sflag:s3], $0x8000  }
0x208: {  	[sflag:s3] =	ssyncset.done $0x0  }
0x209: {  	[sflag:s3] =	ssyncadd.s32 $0xFFFF8000  }
0x20a: {  	_ =	swait.ge [sflag:s3], $0x8000  }
0x20b: {  	[sflag:s3] =	ssyncset.done $0x0  }
0x20c: {  	[sflag:s3] =	ssyncadd.s32 $0xFFFF8000  }
0x20d: {  	_ =	swait.ge [sflag:s3], $0x8000  }
0x20e: {  	[sflag:s3] =	ssyncset.done $0x0  }
0x20f: {  	[sflag:s3] =	ssyncadd.s32 $0xFFFF8000  }
0x210: {  	_ =	swait.ge [sflag:s3], $0x8000  }
0x211: {  	[sflag:s3] =	ssyncset.done $0x0  }
0x212: {  	[sflag:s3] =	ssyncadd.s32 $0xFFFF8000  }
0x213: {  	_ =	swait.ge [sflag:s3], $0x8000  }
0x214: {  	[sflag:s3] =	ssyncset.done $0x0  }
0x215: {  	[sflag:s3] =	ssyncadd.s32 $0xFFFF8000  }
0x216: {  	_ =	swait.ge [sflag:s3], $0x8000  }
0x217: {  	s4 =	sld [smem:$0x7E6]  }
0x218: {  	[sflag:s3] =	ssyncset.done $0x0  }
0x219: {  	[sflag:s3] =	ssyncadd.s32 $0xFFFF8000  }
0x21a: {  	[tilespmem:s12], [sflag:$0x1] =	stream.linear.gather [hbm4b:s4+s2], $0x8000, $0x38;
	[tilespmem:$0x18000] =	vst v63  }
0x21b: {  	_ =	swait.ge [sflag:s13], $0x8000  }
0x21c: {  	s0 =	sld [smem:$0x7E7]  }
0x21d: {  	[sflag:s13] =	ssyncset.done $0x0  }
0x21e: {  	s4 =	sld [smem:$0x7E8];
	[sflag:s13] =	ssyncadd.s32 $0xFFFF8000  }
0x21f: {  	[hbm4b:s0+s30] =	stream.strided.scatter [tilespmem:s2], [sflag:$0x2], $0x8000, s31, s30, $0x38;
	[tilespmem:$0x18000] =	vst v63  }
0x220: {  	s0 =	sld [smem:$0x7E9]  }
0x221: {  	[hbm4b:s4+s30] =	stream.strided.scatter [tilespmem:s2], [sflag:$0x2], $0x8000, s31, s30, $0x38;
	[tilespmem:$0x18000] =	vst v63  }
0x222: {  	s4 =	sld [smem:$0x7EA]  }
0x223: {  	[hbm4b:s0+s30] =	stream.strided.scatter [tilespmem:s2], [sflag:$0x2], $0x8000, s31, s30, $0x38;
	[tilespmem:$0x18000] =	vst v63  }
0x224: {  	s0 =	sld [smem:$0x7EB]  }
0x225: {  	[hbm4b:s4+s30] =	stream.strided.scatter [tilespmem:s2], [sflag:$0x2], $0x8000, s31, s30, $0x38;
	[tilespmem:$0x18000] =	vst v63  }
0x226: {  	s4 =	sld [smem:$0x7EC]  }
0x227: {  	[hbm4b:s0+s30] =	stream.strided.scatter [tilespmem:s2], [sflag:$0x2], $0x8000, s31, s30, $0x38;
	[tilespmem:$0x18000] =	vst v63  }
0x228: {  	s0 =	sld [smem:$0x7ED]  }
0x229: {  	[hbm4b:s4+s30] =	stream.strided.scatter [tilespmem:s2], [sflag:$0x2], $0x8000, s31, s30, $0x38;
	[tilespmem:$0x18000] =	vst v63  }
0x22a: {  	s4 =	sld [smem:$0x7EE]  }
0x22b: {  	[hbm4b:s0+s30] =	stream.strided.scatter [tilespmem:s2], [sflag:$0x2], $0x8000, s31, s30, $0x38;
	[tilespmem:$0x18000] =	vst v63  }
0x22c: {  	_ = 	snop  }
0x22d: {  	[hbm4b:s4+s30] =	stream.strided.scatter [tilespmem:s2], [sflag:$0x2], $0x8000, s31, s30, $0x38;
	[tilespmem:$0x18000] =	vst v63  }
0x22e: {  	_ =	swait.ge [sflag:s3], $0x8000  }
0x22f: {  	[sflag:s3] =	ssyncset.done $0x0  }
0x230: {  	[sflag:s3] =	ssyncadd.s32 $0xFFFF8000  }
0x231: {  	_ =	swait.ge [sflag:s3], $0x8000  }
0x232: {  	[sflag:s3] =	ssyncset.done $0x0  }
0x233: {  	[sflag:s3] =	ssyncadd.s32 $0xFFFF8000  }
0x234: {  	_ =	swait.ge [sflag:s3], $0x8000  }
0x235: {  	[sflag:s3] =	ssyncset.done $0x0  }
0x236: {  	[sflag:s3] =	ssyncadd.s32 $0xFFFF8000  }
0x237: {  	_ =	swait.ge [sflag:s3], $0x8000  }
0x238: {  	[sflag:s3] =	ssyncset.done $0x0  }
0x239: {  	[sflag:s3] =	ssyncadd.s32 $0xFFFF8000  }
0x23a: {  	_ =	swait.ge [sflag:s3], $0x8000  }
0x23b: {  	[sflag:s3] =	ssyncset.done $0x0  }
0x23c: {  	[sflag:s3] =	ssyncadd.s32 $0xFFFF8000  }
0x23d: {  	_ =	swait.ge [sflag:s3], $0x8000  }
0x23e: {  	[sflag:s3] =	ssyncset.done $0x0  }
0x23f: {  	[sflag:s3] =	ssyncadd.s32 $0xFFFF8000  }
0x240: {  	_ =	swait.ge [sflag:s3], $0x8000  }
0x241: {  	[sflag:s3] =	ssyncset.done $0x0  }
0x242: {  	[sflag:s3] =	ssyncadd.s32 $0xFFFF8000  }
0x243: {  	_ =	swait.ge [sflag:s3], $0x8000  }
0x244: {  	s4 =	sld [smem:$0x7EF]  }
0x245: {  	[sflag:s3] =	ssyncset.done $0x0  }
0x246: {  	[sflag:s3] =	ssyncadd.s32 $0xFFFF8000  }
0x247: {  	[tilespmem:s29], [sflag:$0x1] =	stream.linear.gather [hbm4b:s4+s2], $0x8000, $0x38;
	[tilespmem:$0x18000] =	vst v63  }
0x248: {  	_ =	swait.ge [sflag:s13], $0x8000  }
0x249: {  	s0 =	sld [smem:$0x7F0]  }
0x24a: {  	[sflag:s13] =	ssyncset.done $0x0  }
0x24b: {  	s4 =	sld [smem:$0x7F1];
	[sflag:s13] =	ssyncadd.s32 $0xFFFF8000  }
0x24c: {  	[hbm4b:s0+s14] =	stream.strided.scatter [tilespmem:s12], [sflag:$0x2], $0x8000, s15, s14, $0x38;
	[tilespmem:$0x18000] =	vst v63  }
0x24d: {  	s0 =	sld [smem:$0x7F2]  }
0x24e: {  	[hbm4b:s4+s14] =	stream.strided.scatter [tilespmem:s12], [sflag:$0x2], $0x8000, s15, s14, $0x38;
	[tilespmem:$0x18000] =	vst v63  }
0x24f: {  	s4 =	sld [smem:$0x7F3]  }
0x250: {  	[hbm4b:s0+s14] =	stream.strided.scatter [tilespmem:s12], [sflag:$0x2], $0x8000, s15, s14, $0x38;
	[tilespmem:$0x18000] =	vst v63  }
0x251: {  	s0 =	sld [smem:$0x7F4]  }
0x252: {  	[hbm4b:s4+s14] =	stream.strided.scatter [tilespmem:s12], [sflag:$0x2], $0x8000, s15, s14, $0x38;
	[tilespmem:$0x18000] =	vst v63  }
0x253: {  	s4 =	sld [smem:$0x7F5]  }
0x254: {  	[hbm4b:s0+s14] =	stream.strided.scatter [tilespmem:s12], [sflag:$0x2], $0x8000, s15, s14, $0x38;
	[tilespmem:$0x18000] =	vst v63  }
0x255: {  	s0 =	sld [smem:$0x7F6]  }
0x256: {  	[hbm4b:s4+s14] =	stream.strided.scatter [tilespmem:s12], [sflag:$0x2], $0x8000, s15, s14, $0x38;
	[tilespmem:$0x18000] =	vst v63  }
0x257: {  	s4 =	sld [smem:$0x7F7]  }
0x258: {  	[hbm4b:s0+s14] =	stream.strided.scatter [tilespmem:s12], [sflag:$0x2], $0x8000, s15, s14, $0x38;
	[tilespmem:$0x18000] =	vst v63  }
0x259: {  	_ = 	snop  }
0x25a: {  	[hbm4b:s4+s14] =	stream.strided.scatter [tilespmem:s12], [sflag:$0x2], $0x8000, s15, s14, $0x38;
	[tilespmem:$0x18000] =	vst v63  }
0x25b: {  	_ =	swait.ge [sflag:s3], $0x8000  }
0x25c: {  	[sflag:s3] =	ssyncset.done $0x0  }
0x25d: {  	[sflag:s3] =	ssyncadd.s32 $0xFFFF8000  }
0x25e: {  	_ =	swait.ge [sflag:s3], $0x8000  }
0x25f: {  	[sflag:s3] =	ssyncset.done $0x0  }
0x260: {  	[sflag:s3] =	ssyncadd.s32 $0xFFFF8000  }
0x261: {  	_ =	swait.ge [sflag:s3], $0x8000  }
0x262: {  	[sflag:s3] =	ssyncset.done $0x0  }
0x263: {  	[sflag:s3] =	ssyncadd.s32 $0xFFFF8000  }
0x264: {  	_ =	swait.ge [sflag:s3], $0x8000  }
0x265: {  	[sflag:s3] =	ssyncset.done $0x0  }
0x266: {  	[sflag:s3] =	ssyncadd.s32 $0xFFFF8000  }
0x267: {  	_ =	swait.ge [sflag:s3], $0x8000  }
0x268: {  	[sflag:s3] =	ssyncset.done $0x0  }
0x269: {  	[sflag:s3] =	ssyncadd.s32 $0xFFFF8000  }
0x26a: {  	_ =	swait.ge [sflag:s3], $0x8000  }
0x26b: {  	[sflag:s3] =	ssyncset.done $0x0  }
0x26c: {  	[sflag:s3] =	ssyncadd.s32 $0xFFFF8000  }
0x26d: {  	_ =	swait.ge [sflag:s3], $0x8000  }
0x26e: {  	[sflag:s3] =	ssyncset.done $0x0  }
0x26f: {  	[sflag:s3] =	ssyncadd.s32 $0xFFFF8000  }
0x270: {  	_ =	swait.ge [sflag:s3], $0x8000  }
0x271: {  	s4 =	sld [smem:$0x7F8]  }
0x272: {  	[sflag:s3] =	ssyncset.done $0x0  }
0x273: {  	[sflag:s3] =	ssyncadd.s32 $0xFFFF8000  }
0x274: {  	[tilespmem:s2], [sflag:$0x1] =	stream.linear.gather [hbm4b:s4+s2], $0x8000, $0x38;
	[tilespmem:$0x18000] =	vst v63  }
0x275: {  	_ =	swait.ge [sflag:s13], $0x8000  }
0x276: {  	s0 =	sld [smem:$0x7F9]  }
0x277: {  	[sflag:s13] =	ssyncset.done $0x0  }
0x278: {  	s4 =	sld [smem:$0x7FA];
	[sflag:s13] =	ssyncadd.s32 $0xFFFF8000  }
0x279: {  	[hbm4b:s0+s14] =	stream.strided.scatter [tilespmem:s29], [sflag:$0x2], $0x8000, s15, s14, $0x38;
	[tilespmem:$0x18000] =	vst v63  }
0x27a: {  	s0 =	sld [smem:$0x7FB]  }
0x27b: {  	[hbm4b:s4+s14] =	stream.strided.scatter [tilespmem:s29], [sflag:$0x2], $0x8000, s15, s14, $0x38;
	[tilespmem:$0x18000] =	vst v63  }
0x27c: {  	s4 =	sld [smem:$0x7FC]  }
0x27d: {  	[hbm4b:s0+s14] =	stream.strided.scatter [tilespmem:s29], [sflag:$0x2], $0x8000, s15, s14, $0x38;
	[tilespmem:$0x18000] =	vst v63  }
0x27e: {  	s0 =	sld [smem:$0x7FD]  }
0x27f: {  	[hbm4b:s4+s14] =	stream.strided.scatter [tilespmem:s29], [sflag:$0x2], $0x8000, s15, s14, $0x38;
	[tilespmem:$0x18000] =	vst v63  }
0x280: {  	s4 =	smov.u32 s5;
	s5 =	smov.u32 s6;
	s6 =	smov.u32 s7  }
0x281: {  	s7 =	smov.u32 s8;
	s8 =	smov.u32 s9;
	s9 =	smov.u32 s10  }
0x282: {  	s10 =	smov.u32 s11;
	s11 =	smov.u32 s16;
	s16 =	smov.u32 s17  }
0x283: {  	s17 =	smov.u32 s18;
	s18 =	smov.u32 s19;
	s19 =	smov.u32 s20  }
0x284: {  	s20 =	smov.u32 s21;
	s21 =	smov.u32 s22;
	s22 =	smov.u32 s23  }
0x285: {  	[hbm4b:s0+s14] =	stream.strided.scatter [tilespmem:s29], [sflag:$0x2], $0x8000, s15, s14, $0x38;
	[tilespmem:$0x18000] =	vst v63  }
0x286: {  	s23 =	smov.u32 s24;
	s24 =	smov.u32 s25;
	s25 =	smov.u32 s26  }
0x287: {  	[hbm4b:s25+s14] =	stream.strided.scatter [tilespmem:s29], [sflag:$0x2], $0x8000, s15, s14, $0x38;
	[tilespmem:$0x18000] =	vst v63  }
0x288: {  	s26 =	smov.u32 s28;
	s28 =	sld [smem:$0x7E5]  }
0x289: {  	[hbm4b:s26+s14] =	stream.strided.scatter [tilespmem:s29], [sflag:$0x2], $0x8000, s15, s14, $0x38;
	[tilespmem:$0x18000] =	vst v63  }
0x28a: {  	_ = 	snop  }
0x28b: {  	[hbm4b:s28+s14] =	stream.strided.scatter [tilespmem:s29], [sflag:$0x2], $0x8000, s15, s14, $0x38;
	[tilespmem:$0x18000] =	vst v63  }
0x28c: {  	_ =	swait.ge [sflag:s3], $0x8000  }
0x28d: {  	[sflag:s3] =	ssyncset.done $0x0  }
0x28e: {  	[sflag:s3] =	ssyncadd.s32 $0xFFFF8000  }
0x28f: {  	_ =	swait.ge [sflag:s3], $0x8000  }
0x290: {  	[sflag:s3] =	ssyncset.done $0x0  }
0x291: {  	[sflag:s3] =	ssyncadd.s32 $0xFFFF8000  }
0x292: {  	_ =	swait.ge [sflag:s3], $0x8000  }
0x293: {  	[sflag:s3] =	ssyncset.done $0x0  }
0x294: {  	[sflag:s3] =	ssyncadd.s32 $0xFFFF8000  }
0x295: {  	_ =	swait.ge [sflag:s3], $0x8000  }
0x296: {  	[sflag:s3] =	ssyncset.done $0x0  }
0x297: {  	[sflag:s3] =	ssyncadd.s32 $0xFFFF8000  }
0x298: {  	_ =	swait.ge [sflag:s3], $0x8000  }
0x299: {  	[sflag:s3] =	ssyncset.done $0x0  }
0x29a: {  	[sflag:s3] =	ssyncadd.s32 $0xFFFF8000  }
0x29b: {  	_ =	swait.ge [sflag:s3], $0x8000  }
0x29c: {  	[sflag:s3] =	ssyncset.done $0x0  }
0x29d: {  	[sflag:s3] =	ssyncadd.s32 $0xFFFF8000  }
0x29e: {  	_ =	swait.ge [sflag:s3], $0x8000  }
0x29f: {  	[sflag:s3] =	ssyncset.done $0x0  }
0x2a0: {  	[sflag:s3] =	ssyncadd.s32 $0xFFFF8000  }
0x2a1: {  	_ =	swait.ge [sflag:s3], $0x8000  }
0x2a2: {  	[sflag:s3] =	ssyncset.done $0x0  }
0x2a3: {  	[sflag:s3] =	ssyncadd.s32 $0xFFFF8000  }
0x2a4: {  	[tilespmem:s12], [sflag:$0x1] =	stream.linear.gather [hbm4b:s24+s2], $0x8000, $0x38;
	[tilespmem:$0x18000] =	vst v63  }
0x2a5: {  	_ =	swait.ge [sflag:s13], $0x8000  }
0x2a6: {  	[sflag:s13] =	ssyncset.done $0x0  }
0x2a7: {  	[sflag:s13] =	ssyncadd.s32 $0xFFFF8000  }
0x2a8: {  	[hbm4b:s16+s14] =	stream.strided.scatter [tilespmem:s2], [sflag:$0x2], $0x8000, s15, s14, $0x38;
	[tilespmem:$0x18000] =	vst v63  }
0x2a9: {  	_ = 	snop  }
0x2aa: {  	[hbm4b:s17+s14] =	stream.strided.scatter [tilespmem:s2], [sflag:$0x2], $0x8000, s15, s14, $0x38;
	[tilespmem:$0x18000] =	vst v63  }
0x2ab: {  	_ = 	snop  }
0x2ac: {  	[hbm4b:s18+s14] =	stream.strided.scatter [tilespmem:s2], [sflag:$0x2], $0x8000, s15, s14, $0x38;
	[tilespmem:$0x18000] =	vst v63  }
0x2ad: {  	_ = 	snop  }
0x2ae: {  	[hbm4b:s19+s14] =	stream.strided.scatter [tilespmem:s2], [sflag:$0x2], $0x8000, s15, s14, $0x38;
	[tilespmem:$0x18000] =	vst v63  }
0x2af: {  	_ = 	snop  }
0x2b0: {  	[hbm4b:s20+s14] =	stream.strided.scatter [tilespmem:s2], [sflag:$0x2], $0x8000, s15, s14, $0x38;
	[tilespmem:$0x18000] =	vst v63  }
0x2b1: {  	_ = 	snop  }
0x2b2: {  	[hbm4b:s21+s14] =	stream.strided.scatter [tilespmem:s2], [sflag:$0x2], $0x8000, s15, s14, $0x38;
	[tilespmem:$0x18000] =	vst v63  }
0x2b3: {  	_ = 	snop  }
0x2b4: {  	[hbm4b:s22+s14] =	stream.strided.scatter [tilespmem:s2], [sflag:$0x2], $0x8000, s15, s14, $0x38;
	[tilespmem:$0x18000] =	vst v63  }
0x2b5: {  	_ = 	snop  }
0x2b6: {  	[hbm4b:s23+s14] =	stream.strided.scatter [tilespmem:s2], [sflag:$0x2], $0x8000, s15, s14, $0x38;
	[tilespmem:$0x18000] =	vst v63  }
0x2b7: {  	_ =	swait.ge [sflag:s3], $0x8000  }
0x2b8: {  	[sflag:s3] =	ssyncset.done $0x0  }
0x2b9: {  	[sflag:s3] =	ssyncadd.s32 $0xFFFF8000  }
0x2ba: {  	_ =	swait.ge [sflag:s3], $0x8000  }
0x2bb: {  	[sflag:s3] =	ssyncset.done $0x0  }
0x2bc: {  	[sflag:s3] =	ssyncadd.s32 $0xFFFF8000  }
0x2bd: {  	_ =	swait.ge [sflag:s3], $0x8000  }
0x2be: {  	[sflag:s3] =	ssyncset.done $0x0  }
0x2bf: {  	[sflag:s3] =	ssyncadd.s32 $0xFFFF8000  }
0x2c0: {  	_ =	swait.ge [sflag:s3], $0x8000  }
0x2c1: {  	[sflag:s3] =	ssyncset.done $0x0  }
0x2c2: {  	[sflag:s3] =	ssyncadd.s32 $0xFFFF8000  }
0x2c3: {  	_ =	swait.ge [sflag:s3], $0x8000  }
0x2c4: {  	[sflag:s3] =	ssyncset.done $0x0  }
0x2c5: {  	[sflag:s3] =	ssyncadd.s32 $0xFFFF8000  }
0x2c6: {  	_ =	swait.ge [sflag:s3], $0x8000  }
0x2c7: {  	[sflag:s3] =	ssyncset.done $0x0  }
0x2c8: {  	[sflag:s3] =	ssyncadd.s32 $0xFFFF8000  }
0x2c9: {  	_ =	swait.ge [sflag:s3], $0x8000  }
0x2ca: {  	[sflag:s3] =	ssyncset.done $0x0  }
0x2cb: {  	[sflag:s3] =	ssyncadd.s32 $0xFFFF8000  }
0x2cc: {  	_ =	swait.ge [sflag:s3], $0x8000  }
0x2cd: {  	[sflag:s3] =	ssyncset.done $0x0  }
0x2ce: {  	[sflag:s3] =	ssyncadd.s32 $0xFFFF8000  }
0x2cf: {  	_ =	swait.ge [sflag:s13], $0x8000  }
0x2d0: {  	[sflag:s13] =	ssyncset.done $0x0  }
0x2d1: {  	[sflag:s13] =	ssyncadd.s32 $0xFFFF8000  }
0x2d2: {  	[hbm4b:s4+s14] =	stream.strided.scatter [tilespmem:s12], [sflag:$0x2], $0x8000, s15, s14, $0x38;
	[tilespmem:$0x18000] =	vst v63  }
0x2d3: {  	_ = 	snop  }
0x2d4: {  	[hbm4b:s5+s14] =	stream.strided.scatter [tilespmem:s12], [sflag:$0x2], $0x8000, s15, s14, $0x38;
	[tilespmem:$0x18000] =	vst v63  }
0x2d5: {  	_ = 	snop  }
0x2d6: {  	[hbm4b:s6+s14] =	stream.strided.scatter [tilespmem:s12], [sflag:$0x2], $0x8000, s15, s14, $0x38;
	[tilespmem:$0x18000] =	vst v63  }
0x2d7: {  	_ = 	snop  }
0x2d8: {  	[hbm4b:s7+s14] =	stream.strided.scatter [tilespmem:s12], [sflag:$0x2], $0x8000, s15, s14, $0x38;
	[tilespmem:$0x18000] =	vst v63  }
0x2d9: {  	_ = 	snop  }
0x2da: {  	[hbm4b:s8+s14] =	stream.strided.scatter [tilespmem:s12], [sflag:$0x2], $0x8000, s15, s14, $0x38;
	[tilespmem:$0x18000] =	vst v63  }
0x2db: {  	_ = 	snop  }
0x2dc: {  	[hbm4b:s9+s14] =	stream.strided.scatter [tilespmem:s12], [sflag:$0x2], $0x8000, s15, s14, $0x38;
	[tilespmem:$0x18000] =	vst v63  }
0x2dd: {  	_ = 	snop  }
0x2de: {  	[hbm4b:s10+s14] =	stream.strided.scatter [tilespmem:s12], [sflag:$0x2], $0x8000, s15, s14, $0x38;
	[tilespmem:$0x18000] =	vst v63  }
0x2df: {  	_ = 	snop  }
0x2e0: {  	[hbm4b:s11+s14] =	stream.strided.scatter [tilespmem:s12], [sflag:$0x2], $0x8000, s15, s14, $0x38;
	[tilespmem:$0x18000] =	vst v63  }
0x2e1: {  	_ =	swait.ge [sflag:s3], $0x8000  }
0x2e2: {  	[sflag:s3] =	ssyncset.done $0x0  }
0x2e3: {  	[sflag:s3] =	ssyncadd.s32 $0xFFFF8000  }
0x2e4: {  	_ =	swait.ge [sflag:s3], $0x8000  }
0x2e5: {  	[sflag:s3] =	ssyncset.done $0x0  }
0x2e6: {  	[sflag:s3] =	ssyncadd.s32 $0xFFFF8000  }
0x2e7: {  	_ =	swait.ge [sflag:s3], $0x8000  }
0x2e8: {  	[sflag:s3] =	ssyncset.done $0x0  }
0x2e9: {  	[sflag:s3] =	ssyncadd.s32 $0xFFFF8000  }
0x2ea: {  	_ =	swait.ge [sflag:s3], $0x8000  }
0x2eb: {  	[sflag:s3] =	ssyncset.done $0x0  }
0x2ec: {  	[sflag:s3] =	ssyncadd.s32 $0xFFFF8000  }
0x2ed: {  	_ =	swait.ge [sflag:s3], $0x8000  }
0x2ee: {  	[sflag:s3] =	ssyncset.done $0x0  }
0x2ef: {  	[sflag:s3] =	ssyncadd.s32 $0xFFFF8000  }
0x2f0: {  	_ =	swait.ge [sflag:s3], $0x8000  }
0x2f1: {  	[sflag:s3] =	ssyncset.done $0x0  }
0x2f2: {  	[sflag:s3] =	ssyncadd.s32 $0xFFFF8000  }
0x2f3: {  	_ =	swait.ge [sflag:s3], $0x8000  }
0x2f4: {  	[sflag:s3] =	ssyncset.done $0x0  }
0x2f5: {  	[sflag:s3] =	ssyncadd.s32 $0xFFFF8000  }
0x2f6: {  	_ =	swait.ge [sflag:s3], $0x8000  }
0x2f7: {  	[sflag:s3] =	ssyncset.done $0x0  }
0x2f8: {  	[sflag:s3] =	ssyncadd.s32 $0xFFFF8000  }
0x2f9: {  	_ =	swait.ge [sflag:s3], $0x8000  }
0x2fa: {  	[sflag:s3] =	ssyncset.done $0x0  }
0x2fb: {  	[sflag:s3] =	ssyncadd.s32 $0xFFFF8000  }
0x2fc: {  	_ =	swait.ge [sflag:s3], $0x8000  }
0x2fd: {  	[sflag:s3] =	ssyncset.done $0x0  }
0x2fe: {  	[sflag:s3] =	ssyncadd.s32 $0xFFFF8000  }
0x2ff: {  	_ =	swait.ge [sflag:s3], $0x8000  }
0x300: {  	[sflag:s3] =	ssyncset.done $0x0  }
0x301: {  	[sflag:s3] =	ssyncadd.s32 $0xFFFF8000  }
0x302: {  	_ =	swait.ge [sflag:s3], $0x8000  }
0x303: {  	[sflag:s3] =	ssyncset.done $0x0  }
0x304: {  	[sflag:s3] =	ssyncadd.s32 $0xFFFF8000  }
0x305: {  	_ =	swait.ge [sflag:s3], $0x8000  }
0x306: {  	[sflag:s3] =	ssyncset.done $0x0  }
0x307: {  	[sflag:s3] =	ssyncadd.s32 $0xFFFF8000  }
0x308: {  	_ =	swait.ge [sflag:s3], $0x8000  }
0x309: {  	[sflag:s3] =	ssyncset.done $0x0  }
0x30a: {  	p1 =	sne.s32 s1, $0x1;
	[sflag:s3] =	ssyncadd.s32 $0xFFFF8000  }
.Ltmp2:
0x30b: {  	_ =	swait.ge [sflag:s3], $0x8000;
	(pc) =	sbr.rel @p1 .LBB2_2-.Ltmp2, $4  }
0x30c: {  	[sflag:s3] =	ssyncset.done $0x0  }
0x30d: {  	[sflag:s3] =	ssyncadd.s32 $0xFFFF8000  }
0x30e: {  	_ =	swait.ge [sflag:s3], $0x8000  }
0x30f: {  	s1 =	sadd.s32 $0xFFFFFFFF, s1;
	s0 =	rddreg [dreg:$0x4];
	[sflag:s3] =	ssyncset.done $0x0  }
.LBB2_3:
0x310: {  	[sflag:s3] =	ssyncadd.s32 @p0 $0xFFFF8000  }
0x311: {  	[tilespmem:s2], [sflag:$0x1] =	stream.linear.gather [hbm4b:s0+s2], $0x8000, $0x38;
	[tilespmem:$0x18000] =	vst v63  }
0x312: {  	s1 =	rddreg [dreg:$0x5]  }
0x313: {  	[tilespmem:s12], [sflag:$0x1] =	stream.linear.gather [hbm4b:s1+s2], $0x8000, $0x38;
	[tilespmem:$0x18000] =	vst v63  }
0x314: {  	_ =	swait.ge [sflag:s13], $0x8000  }
0x315: {  	[sflag:s13] =	ssyncset.done $0x0  }
0x316: {  	s0 =	rddreg [dreg:$0x6];
	[sflag:s13] =	ssyncadd.s32 $0xFFFF8000  }
0x317: {  	[hbm4b:s0+s30] =	stream.strided.scatter [tilespmem:s2], [sflag:$0x2], $0x8000, s31, s30, $0x38;
	[tilespmem:$0x18000] =	vst v63  }
0x318: {  	s1 =	rddreg [dreg:$0x7]  }
0x319: {  	[hbm4b:s1+s30] =	stream.strided.scatter [tilespmem:s2], [sflag:$0x2], $0x8000, s31, s30, $0x38;
	[tilespmem:$0x18000] =	vst v63  }
0x31a: {  	s0 =	rddreg [dreg:$0x8]  }
0x31b: {  	[hbm4b:s0+s30] =	stream.strided.scatter [tilespmem:s2], [sflag:$0x2], $0x8000, s31, s30, $0x38;
	[tilespmem:$0x18000] =	vst v63  }
0x31c: {  	s1 =	rddreg [dreg:$0x9]  }
0x31d: {  	[hbm4b:s1+s30] =	stream.strided.scatter [tilespmem:s2], [sflag:$0x2], $0x8000, s31, s30, $0x38;
	[tilespmem:$0x18000] =	vst v63  }
0x31e: {  	s0 =	rddreg [dreg:$0xa]  }
0x31f: {  	[hbm4b:s0+s30] =	stream.strided.scatter [tilespmem:s2], [sflag:$0x2], $0x8000, s31, s30, $0x38;
	[tilespmem:$0x18000] =	vst v63  }
0x320: {  	s1 =	rddreg [dreg:$0xb]  }
0x321: {  	[hbm4b:s1+s30] =	stream.strided.scatter [tilespmem:s2], [sflag:$0x2], $0x8000, s31, s30, $0x38;
	[tilespmem:$0x18000] =	vst v63  }
0x322: {  	s0 =	rddreg [dreg:$0xc]  }
0x323: {  	[hbm4b:s0+s30] =	stream.strided.scatter [tilespmem:s2], [sflag:$0x2], $0x8000, s31, s30, $0x38;
	[tilespmem:$0x18000] =	vst v63  }
0x324: {  	s1 =	rddreg [dreg:$0xd]  }
0x325: {  	[hbm4b:s1+s30] =	stream.strided.scatter [tilespmem:s2], [sflag:$0x2], $0x8000, s31, s30, $0x38;
	[tilespmem:$0x18000] =	vst v63  }
0x326: {  	s0 =	rddreg [dreg:$0xe]  }
0x327: {  	[tilespmem:s29], [sflag:$0x1] =	stream.linear.gather [hbm4b:s0+s2], $0x8000, $0x38;
	[tilespmem:$0x18000] =	vst v63  }
0x328: {  	_ =	swait.ge [sflag:s13], $0x8000  }
0x329: {  	[sflag:s13] =	ssyncset.done $0x0  }
0x32a: {  	s0 =	rddreg [dreg:$0xf];
	[sflag:s13] =	ssyncadd.s32 $0xFFFF8000  }
0x32b: {  	[hbm4b:s0+s30] =	stream.strided.scatter [tilespmem:s12], [sflag:$0x2], $0x8000, s31, s30, $0x38;
	[tilespmem:$0x18000] =	vst v63  }
0x32c: {  	s1 =	rddreg [dreg:$0x10]  }
0x32d: {  	[hbm4b:s1+s30] =	stream.strided.scatter [tilespmem:s12], [sflag:$0x2], $0x8000, s31, s30, $0x38;
	[tilespmem:$0x18000] =	vst v63  }
0x32e: {  	s0 =	rddreg [dreg:$0x11]  }
0x32f: {  	[hbm4b:s0+s30] =	stream.strided.scatter [tilespmem:s12], [sflag:$0x2], $0x8000, s31, s30, $0x38;
	[tilespmem:$0x18000] =	vst v63  }
0x330: {  	s1 =	rddreg [dreg:$0x12]  }
0x331: {  	[hbm4b:s1+s30] =	stream.strided.scatter [tilespmem:s12], [sflag:$0x2], $0x8000, s31, s30, $0x38;
	[tilespmem:$0x18000] =	vst v63  }
0x332: {  	s0 =	rddreg [dreg:$0x13]  }
0x333: {  	[hbm4b:s0+s30] =	stream.strided.scatter [tilespmem:s12], [sflag:$0x2], $0x8000, s31, s30, $0x38;
	[tilespmem:$0x18000] =	vst v63  }
0x334: {  	s1 =	rddreg [dreg:$0x14]  }
0x335: {  	[hbm4b:s1+s30] =	stream.strided.scatter [tilespmem:s12], [sflag:$0x2], $0x8000, s31, s30, $0x38;
	[tilespmem:$0x18000] =	vst v63  }
0x336: {  	s0 =	rddreg [dreg:$0x15]  }
0x337: {  	[hbm4b:s0+s30] =	stream.strided.scatter [tilespmem:s12], [sflag:$0x2], $0x8000, s31, s30, $0x38;
	[tilespmem:$0x18000] =	vst v63  }
0x338: {  	s1 =	rddreg [dreg:$0x16]  }
0x339: {  	[hbm4b:s1+s30] =	stream.strided.scatter [tilespmem:s12], [sflag:$0x2], $0x8000, s31, s30, $0x38;
	[tilespmem:$0x18000] =	vst v63  }
0x33a: {  	_ =	swait.ge [sflag:s3], $0x8000  }
0x33b: {  	[sflag:s3] =	ssyncset.done $0x0  }
0x33c: {  	[sflag:s3] =	ssyncadd.s32 $0xFFFF8000  }
0x33d: {  	_ =	swait.ge [sflag:s3], $0x8000  }
0x33e: {  	[sflag:s3] =	ssyncset.done $0x0  }
0x33f: {  	[sflag:s3] =	ssyncadd.s32 $0xFFFF8000  }
0x340: {  	_ =	swait.ge [sflag:s3], $0x8000  }
0x341: {  	[sflag:s3] =	ssyncset.done $0x0  }
0x342: {  	[sflag:s3] =	ssyncadd.s32 $0xFFFF8000  }
0x343: {  	_ =	swait.ge [sflag:s3], $0x8000  }
0x344: {  	[sflag:s3] =	ssyncset.done $0x0  }
0x345: {  	[sflag:s3] =	ssyncadd.s32 $0xFFFF8000  }
0x346: {  	_ =	swait.ge [sflag:s3], $0x8000  }
0x347: {  	[sflag:s3] =	ssyncset.done $0x0  }
0x348: {  	[sflag:s3] =	ssyncadd.s32 $0xFFFF8000  }
0x349: {  	_ =	swait.ge [sflag:s3], $0x8000  }
0x34a: {  	[sflag:s3] =	ssyncset.done $0x0  }
0x34b: {  	[sflag:s3] =	ssyncadd.s32 $0xFFFF8000  }
0x34c: {  	_ =	swait.ge [sflag:s3], $0x8000  }
0x34d: {  	[sflag:s3] =	ssyncset.done $0x0  }
0x34e: {  	[sflag:s3] =	ssyncadd.s32 $0xFFFF8000  }
0x34f: {  	_ =	swait.ge [sflag:s3], $0x8000  }
0x350: {  	[sflag:s3] =	ssyncset.done $0x0  }
0x351: {  	s1 =	rddreg [dreg:$0x17];
	[sflag:s3] =	ssyncadd.s32 $0xFFFF8000  }
0x352: {  	[tilespmem:s2], [sflag:$0x1] =	stream.linear.gather [hbm4b:s1+s2], $0x8000, $0x38;
	[tilespmem:$0x18000] =	vst v63  }
0x353: {  	_ =	swait.ge [sflag:s13], $0x8000  }
0x354: {  	[sflag:s13] =	ssyncset.done $0x0  }
0x355: {  	s0 =	rddreg [dreg:$0x18];
	[sflag:s13] =	ssyncadd.s32 $0xFFFF8000  }
0x356: {  	[hbm4b:s0+s30] =	stream.strided.scatter [tilespmem:s29], [sflag:$0x2], $0x8000, s31, s30, $0x38;
	[tilespmem:$0x18000] =	vst v63  }
0x357: {  	s1 =	rddreg [dreg:$0x19]  }
0x358: {  	[hbm4b:s1+s30] =	stream.strided.scatter [tilespmem:s29], [sflag:$0x2], $0x8000, s31, s30, $0x38;
	[tilespmem:$0x18000] =	vst v63  }
0x359: {  	s0 =	rddreg [dreg:$0x1a]  }
0x35a: {  	[hbm4b:s0+s30] =	stream.strided.scatter [tilespmem:s29], [sflag:$0x2], $0x8000, s31, s30, $0x38;
	[tilespmem:$0x18000] =	vst v63  }
0x35b: {  	s1 =	rddreg [dreg:$0x1b]  }
0x35c: {  	[hbm4b:s1+s30] =	stream.strided.scatter [tilespmem:s29], [sflag:$0x2], $0x8000, s31, s30, $0x38;
	[tilespmem:$0x18000] =	vst v63  }
0x35d: {  	s0 =	rddreg [dreg:$0x1c]  }
0x35e: {  	[hbm4b:s0+s30] =	stream.strided.scatter [tilespmem:s29], [sflag:$0x2], $0x8000, s31, s30, $0x38;
	[tilespmem:$0x18000] =	vst v63  }
0x35f: {  	s1 =	rddreg [dreg:$0x1d]  }
0x360: {  	[hbm4b:s1+s30] =	stream.strided.scatter [tilespmem:s29], [sflag:$0x2], $0x8000, s31, s30, $0x38;
	[tilespmem:$0x18000] =	vst v63  }
0x361: {  	s0 =	rddreg [dreg:$0x1e]  }
0x362: {  	[hbm4b:s0+s30] =	stream.strided.scatter [tilespmem:s29], [sflag:$0x2], $0x8000, s31, s30, $0x38;
	[tilespmem:$0x18000] =	vst v63  }
0x363: {  	s1 =	rddreg [dreg:$0x1f]  }
0x364: {  	[hbm4b:s1+s30] =	stream.strided.scatter [tilespmem:s29], [sflag:$0x2], $0x8000, s31, s30, $0x38;
	[tilespmem:$0x18000] =	vst v63  }
0x365: {  	_ =	swait.ge [sflag:s3], $0x8000  }
0x366: {  	[sflag:s3] =	ssyncset.done $0x0  }
0x367: {  	[sflag:s3] =	ssyncadd.s32 $0xFFFF8000  }
0x368: {  	_ =	swait.ge [sflag:s3], $0x8000  }
0x369: {  	[sflag:s3] =	ssyncset.done $0x0  }
0x36a: {  	[sflag:s3] =	ssyncadd.s32 $0xFFFF8000  }
0x36b: {  	_ =	swait.ge [sflag:s3], $0x8000  }
0x36c: {  	[sflag:s3] =	ssyncset.done $0x0  }
0x36d: {  	[sflag:s3] =	ssyncadd.s32 $0xFFFF8000  }
0x36e: {  	_ =	swait.ge [sflag:s3], $0x8000  }
0x36f: {  	[sflag:s3] =	ssyncset.done $0x0  }
0x370: {  	[sflag:s3] =	ssyncadd.s32 $0xFFFF8000  }
0x371: {  	_ =	swait.ge [sflag:s3], $0x8000  }
0x372: {  	[sflag:s3] =	ssyncset.done $0x0  }
0x373: {  	[sflag:s3] =	ssyncadd.s32 $0xFFFF8000  }
0x374: {  	_ =	swait.ge [sflag:s3], $0x8000  }
0x375: {  	[sflag:s3] =	ssyncset.done $0x0  }
0x376: {  	[sflag:s3] =	ssyncadd.s32 $0xFFFF8000  }
0x377: {  	_ =	swait.ge [sflag:s3], $0x8000  }
0x378: {  	[sflag:s3] =	ssyncset.done $0x0  }
0x379: {  	[sflag:s3] =	ssyncadd.s32 $0xFFFF8000  }
0x37a: {  	_ =	swait.ge [sflag:s3], $0x8000  }
0x37b: {  	s1 =	sld [smem:$0x7E6]  }
0x37c: {  	[sflag:s3] =	ssyncset.done $0x0  }
0x37d: {  	[sflag:s3] =	ssyncadd.s32 $0xFFFF8000  }
0x37e: {  	[tilespmem:s12], [sflag:$0x1] =	stream.linear.gather [hbm4b:s1+s2], $0x8000, $0x38;
	[tilespmem:$0x18000] =	vst v63  }
0x37f: {  	_ =	swait.ge [sflag:s13], $0x8000  }
0x380: {  	s0 =	sld [smem:$0x7E7]  }
0x381: {  	[sflag:s13] =	ssyncset.done $0x0  }
0x382: {  	s1 =	sld [smem:$0x7E8];
	[sflag:s13] =	ssyncadd.s32 $0xFFFF8000  }
0x383: {  	[hbm4b:s0+s30] =	stream.strided.scatter [tilespmem:s2], [sflag:$0x2], $0x8000, s31, s30, $0x38;
	[tilespmem:$0x18000] =	vst v63  }
0x384: {  	s0 =	sld [smem:$0x7E9]  }
0x385: {  	[hbm4b:s1+s30] =	stream.strided.scatter [tilespmem:s2], [sflag:$0x2], $0x8000, s31, s30, $0x38;
	[tilespmem:$0x18000] =	vst v63  }
0x386: {  	s1 =	sld [smem:$0x7EA]  }
0x387: {  	[hbm4b:s0+s30] =	stream.strided.scatter [tilespmem:s2], [sflag:$0x2], $0x8000, s31, s30, $0x38;
	[tilespmem:$0x18000] =	vst v63  }
0x388: {  	s0 =	sld [smem:$0x7EB]  }
0x389: {  	[hbm4b:s1+s30] =	stream.strided.scatter [tilespmem:s2], [sflag:$0x2], $0x8000, s31, s30, $0x38;
	[tilespmem:$0x18000] =	vst v63  }
0x38a: {  	s1 =	sld [smem:$0x7EC]  }
0x38b: {  	[hbm4b:s0+s30] =	stream.strided.scatter [tilespmem:s2], [sflag:$0x2], $0x8000, s31, s30, $0x38;
	[tilespmem:$0x18000] =	vst v63  }
0x38c: {  	s0 =	sld [smem:$0x7ED]  }
0x38d: {  	[hbm4b:s1+s30] =	stream.strided.scatter [tilespmem:s2], [sflag:$0x2], $0x8000, s31, s30, $0x38;
	[tilespmem:$0x18000] =	vst v63  }
0x38e: {  	s1 =	sld [smem:$0x7EE]  }
0x38f: {  	[hbm4b:s0+s30] =	stream.strided.scatter [tilespmem:s2], [sflag:$0x2], $0x8000, s31, s30, $0x38;
	[tilespmem:$0x18000] =	vst v63  }
0x390: {  	_ = 	snop  }
0x391: {  	[hbm4b:s1+s30] =	stream.strided.scatter [tilespmem:s2], [sflag:$0x2], $0x8000, s31, s30, $0x38;
	[tilespmem:$0x18000] =	vst v63  }
0x392: {  	_ =	swait.ge [sflag:s3], $0x8000  }
0x393: {  	[sflag:s3] =	ssyncset.done $0x0  }
0x394: {  	[sflag:s3] =	ssyncadd.s32 $0xFFFF8000  }
0x395: {  	_ =	swait.ge [sflag:s3], $0x8000  }
0x396: {  	[sflag:s3] =	ssyncset.done $0x0  }
0x397: {  	[sflag:s3] =	ssyncadd.s32 $0xFFFF8000  }
0x398: {  	_ =	swait.ge [sflag:s3], $0x8000  }
0x399: {  	[sflag:s3] =	ssyncset.done $0x0  }
0x39a: {  	[sflag:s3] =	ssyncadd.s32 $0xFFFF8000  }
0x39b: {  	_ =	swait.ge [sflag:s3], $0x8000  }
0x39c: {  	[sflag:s3] =	ssyncset.done $0x0  }
0x39d: {  	[sflag:s3] =	ssyncadd.s32 $0xFFFF8000  }
0x39e: {  	_ =	swait.ge [sflag:s3], $0x8000  }
0x39f: {  	[sflag:s3] =	ssyncset.done $0x0  }
0x3a0: {  	[sflag:s3] =	ssyncadd.s32 $0xFFFF8000  }
0x3a1: {  	_ =	swait.ge [sflag:s3], $0x8000  }
0x3a2: {  	[sflag:s3] =	ssyncset.done $0x0  }
0x3a3: {  	[sflag:s3] =	ssyncadd.s32 $0xFFFF8000  }
0x3a4: {  	_ =	swait.ge [sflag:s3], $0x8000  }
0x3a5: {  	[sflag:s3] =	ssyncset.done $0x0  }
0x3a6: {  	[sflag:s3] =	ssyncadd.s32 $0xFFFF8000  }
0x3a7: {  	_ =	swait.ge [sflag:s3], $0x8000  }
0x3a8: {  	s1 =	sld [smem:$0x7EF]  }
0x3a9: {  	[sflag:s3] =	ssyncset.done $0x0  }
0x3aa: {  	[sflag:s3] =	ssyncadd.s32 $0xFFFF8000  }
0x3ab: {  	[tilespmem:s29], [sflag:$0x1] =	stream.linear.gather [hbm4b:s1+s2], $0x8000, $0x38;
	[tilespmem:$0x18000] =	vst v63  }
0x3ac: {  	_ =	swait.ge [sflag:s13], $0x8000  }
0x3ad: {  	s30 =	sld [smem:$0x7F0]  }
0x3ae: {  	[sflag:s13] =	ssyncset.done $0x0  }
0x3af: {  	s31 =	sld [smem:$0x7F1];
	[sflag:s13] =	ssyncadd.s32 $0xFFFF8000  }
0x3b0: {  	[hbm4b:s30+s14] =	stream.strided.scatter [tilespmem:s12], [sflag:$0x2], $0x8000, s15, s14, $0x38;
	[tilespmem:$0x18000] =	vst v63  }
0x3b1: {  	s30 =	sld [smem:$0x7F2]  }
0x3b2: {  	[hbm4b:s31+s14] =	stream.strided.scatter [tilespmem:s12], [sflag:$0x2], $0x8000, s15, s14, $0x38;
	[tilespmem:$0x18000] =	vst v63  }
0x3b3: {  	s31 =	sld [smem:$0x7F3]  }
0x3b4: {  	[hbm4b:s30+s14] =	stream.strided.scatter [tilespmem:s12], [sflag:$0x2], $0x8000, s15, s14, $0x38;
	[tilespmem:$0x18000] =	vst v63  }
0x3b5: {  	s30 =	sld [smem:$0x7F4]  }
0x3b6: {  	[hbm4b:s31+s14] =	stream.strided.scatter [tilespmem:s12], [sflag:$0x2], $0x8000, s15, s14, $0x38;
	[tilespmem:$0x18000] =	vst v63  }
0x3b7: {  	s31 =	sld [smem:$0x7F5]  }
0x3b8: {  	[hbm4b:s30+s14] =	stream.strided.scatter [tilespmem:s12], [sflag:$0x2], $0x8000, s15, s14, $0x38;
	[tilespmem:$0x18000] =	vst v63  }
0x3b9: {  	s30 =	sld [smem:$0x7F6]  }
0x3ba: {  	[hbm4b:s31+s14] =	stream.strided.scatter [tilespmem:s12], [sflag:$0x2], $0x8000, s15, s14, $0x38;
	[tilespmem:$0x18000] =	vst v63  }
0x3bb: {  	s31 =	sld [smem:$0x7F7]  }
0x3bc: {  	[hbm4b:s30+s14] =	stream.strided.scatter [tilespmem:s12], [sflag:$0x2], $0x8000, s15, s14, $0x38;
	[tilespmem:$0x18000] =	vst v63  }
0x3bd: {  	_ = 	snop  }
0x3be: {  	[hbm4b:s31+s14] =	stream.strided.scatter [tilespmem:s12], [sflag:$0x2], $0x8000, s15, s14, $0x38;
	[tilespmem:$0x18000] =	vst v63  }
0x3bf: {  	_ =	swait.ge [sflag:s3], $0x8000  }
0x3c0: {  	[sflag:s3] =	ssyncset.done $0x0  }
0x3c1: {  	[sflag:s3] =	ssyncadd.s32 $0xFFFF8000  }
0x3c2: {  	_ =	swait.ge [sflag:s3], $0x8000  }
0x3c3: {  	[sflag:s3] =	ssyncset.done $0x0  }
0x3c4: {  	[sflag:s3] =	ssyncadd.s32 $0xFFFF8000  }
0x3c5: {  	_ =	swait.ge [sflag:s3], $0x8000  }
0x3c6: {  	[sflag:s3] =	ssyncset.done $0x0  }
0x3c7: {  	[sflag:s3] =	ssyncadd.s32 $0xFFFF8000  }
0x3c8: {  	_ =	swait.ge [sflag:s3], $0x8000  }
0x3c9: {  	[sflag:s3] =	ssyncset.done $0x0  }
0x3ca: {  	[sflag:s3] =	ssyncadd.s32 $0xFFFF8000  }
0x3cb: {  	_ =	swait.ge [sflag:s3], $0x8000  }
0x3cc: {  	[sflag:s3] =	ssyncset.done $0x0  }
0x3cd: {  	[sflag:s3] =	ssyncadd.s32 $0xFFFF8000  }
0x3ce: {  	_ =	swait.ge [sflag:s3], $0x8000  }
0x3cf: {  	[sflag:s3] =	ssyncset.done $0x0  }
0x3d0: {  	[sflag:s3] =	ssyncadd.s32 $0xFFFF8000  }
0x3d1: {  	_ =	swait.ge [sflag:s3], $0x8000  }
0x3d2: {  	[sflag:s3] =	ssyncset.done $0x0  }
0x3d3: {  	[sflag:s3] =	ssyncadd.s32 $0xFFFF8000  }
0x3d4: {  	_ =	swait.ge [sflag:s3], $0x8000  }
0x3d5: {  	s1 =	sld [smem:$0x7F8]  }
0x3d6: {  	[sflag:s3] =	ssyncset.done $0x0  }
0x3d7: {  	[sflag:s3] =	ssyncadd.s32 $0xFFFF8000  }
0x3d8: {  	[tilespmem:s2], [sflag:$0x1] =	stream.linear.gather [hbm4b:s1+s2], $0x8000, $0x38;
	[tilespmem:$0x18000] =	vst v63  }
0x3d9: {  	_ =	swait.ge [sflag:s13], $0x8000  }
0x3da: {  	s30 =	sld [smem:$0x7F9]  }
0x3db: {  	[sflag:s13] =	ssyncset.done $0x0  }
0x3dc: {  	s31 =	sld [smem:$0x7FA];
	[sflag:s13] =	ssyncadd.s32 $0xFFFF8000  }
0x3dd: {  	[hbm4b:s30+s14] =	stream.strided.scatter [tilespmem:s29], [sflag:$0x2], $0x8000, s15, s14, $0x38;
	[tilespmem:$0x18000] =	vst v63  }
0x3de: {  	s30 =	sld [smem:$0x7FB]  }
0x3df: {  	[hbm4b:s31+s14] =	stream.strided.scatter [tilespmem:s29], [sflag:$0x2], $0x8000, s15, s14, $0x38;
	[tilespmem:$0x18000] =	vst v63  }
0x3e0: {  	s31 =	sld [smem:$0x7FC]  }
0x3e1: {  	[hbm4b:s30+s14] =	stream.strided.scatter [tilespmem:s29], [sflag:$0x2], $0x8000, s15, s14, $0x38;
	[tilespmem:$0x18000] =	vst v63  }
0x3e2: {  	s30 =	sld [smem:$0x7FD]  }
0x3e3: {  	[hbm4b:s31+s14] =	stream.strided.scatter [tilespmem:s29], [sflag:$0x2], $0x8000, s15, s14, $0x38;
	[tilespmem:$0x18000] =	vst v63  }
0x3e4: {  	_ = 	snop  }
0x3e5: {  	[hbm4b:s30+s14] =	stream.strided.scatter [tilespmem:s29], [sflag:$0x2], $0x8000, s15, s14, $0x38;
	[tilespmem:$0x18000] =	vst v63  }
0x3e6: {  	_ = 	snop  }
0x3e7: {  	[hbm4b:s25+s14] =	stream.strided.scatter [tilespmem:s29], [sflag:$0x2], $0x8000, s15, s14, $0x38;
	[tilespmem:$0x18000] =	vst v63  }
0x3e8: {  	_ = 	snop  }
0x3e9: {  	[hbm4b:s26+s14] =	stream.strided.scatter [tilespmem:s29], [sflag:$0x2], $0x8000, s15, s14, $0x38;
	[tilespmem:$0x18000] =	vst v63  }
0x3ea: {  	_ = 	snop  }
0x3eb: {  	[hbm4b:s28+s14] =	stream.strided.scatter [tilespmem:s29], [sflag:$0x2], $0x8000, s15, s14, $0x38;
	[tilespmem:$0x18000] =	vst v63  }
0x3ec: {  	_ =	swait.ge [sflag:s3], $0x8000  }
0x3ed: {  	[sflag:s3] =	ssyncset.done $0x0  }
0x3ee: {  	[sflag:s3] =	ssyncadd.s32 $0xFFFF8000  }
0x3ef: {  	_ =	swait.ge [sflag:s3], $0x8000  }
0x3f0: {  	[sflag:s3] =	ssyncset.done $0x0  }
0x3f1: {  	[sflag:s3] =	ssyncadd.s32 $0xFFFF8000  }
0x3f2: {  	_ =	swait.ge [sflag:s3], $0x8000  }
0x3f3: {  	[sflag:s3] =	ssyncset.done $0x0  }
0x3f4: {  	[sflag:s3] =	ssyncadd.s32 $0xFFFF8000  }
0x3f5: {  	_ =	swait.ge [sflag:s3], $0x8000  }
0x3f6: {  	[sflag:s3] =	ssyncset.done $0x0  }
0x3f7: {  	[sflag:s3] =	ssyncadd.s32 $0xFFFF8000  }
0x3f8: {  	_ =	swait.ge [sflag:s3], $0x8000  }
0x3f9: {  	[sflag:s3] =	ssyncset.done $0x0  }
0x3fa: {  	[sflag:s3] =	ssyncadd.s32 $0xFFFF8000  }
0x3fb: {  	_ =	swait.ge [sflag:s3], $0x8000  }
0x3fc: {  	[sflag:s3] =	ssyncset.done $0x0  }
0x3fd: {  	[sflag:s3] =	ssyncadd.s32 $0xFFFF8000  }
0x3fe: {  	_ =	swait.ge [sflag:s3], $0x8000  }
0x3ff: {  	[sflag:s3] =	ssyncset.done $0x0  }
0x400: {  	[sflag:s3] =	ssyncadd.s32 $0xFFFF8000  }
0x401: {  	_ =	swait.ge [sflag:s3], $0x8000  }
0x402: {  	[sflag:s3] =	ssyncset.done $0x0  }
0x403: {  	[sflag:s3] =	ssyncadd.s32 $0xFFFF8000  }
0x404: {  	[tilespmem:s12], [sflag:$0x1] =	stream.linear.gather [hbm4b:s24+s2], $0x8000, $0x38;
	[tilespmem:$0x18000] =	vst v63  }
0x405: {  	_ =	swait.ge [sflag:s13], $0x8000  }
0x406: {  	[sflag:s13] =	ssyncset.done $0x0  }
0x407: {  	[sflag:s13] =	ssyncadd.s32 $0xFFFF8000  }
0x408: {  	[hbm4b:s16+s14] =	stream.strided.scatter [tilespmem:s2], [sflag:$0x2], $0x8000, s15, s14, $0x38;
	[tilespmem:$0x18000] =	vst v63  }
0x409: {  	_ = 	snop  }
0x40a: {  	[hbm4b:s17+s14] =	stream.strided.scatter [tilespmem:s2], [sflag:$0x2], $0x8000, s15, s14, $0x38;
	[tilespmem:$0x18000] =	vst v63  }
0x40b: {  	_ = 	snop  }
0x40c: {  	[hbm4b:s18+s14] =	stream.strided.scatter [tilespmem:s2], [sflag:$0x2], $0x8000, s15, s14, $0x38;
	[tilespmem:$0x18000] =	vst v63  }
0x40d: {  	_ = 	snop  }
0x40e: {  	[hbm4b:s19+s14] =	stream.strided.scatter [tilespmem:s2], [sflag:$0x2], $0x8000, s15, s14, $0x38;
	[tilespmem:$0x18000] =	vst v63  }
0x40f: {  	_ = 	snop  }
0x410: {  	[hbm4b:s20+s14] =	stream.strided.scatter [tilespmem:s2], [sflag:$0x2], $0x8000, s15, s14, $0x38;
	[tilespmem:$0x18000] =	vst v63  }
0x411: {  	_ = 	snop  }
0x412: {  	[hbm4b:s21+s14] =	stream.strided.scatter [tilespmem:s2], [sflag:$0x2], $0x8000, s15, s14, $0x38;
	[tilespmem:$0x18000] =	vst v63  }
0x413: {  	_ = 	snop  }
0x414: {  	[hbm4b:s22+s14] =	stream.strided.scatter [tilespmem:s2], [sflag:$0x2], $0x8000, s15, s14, $0x38;
	[tilespmem:$0x18000] =	vst v63  }
0x415: {  	_ = 	snop  }
0x416: {  	[hbm4b:s23+s14] =	stream.strided.scatter [tilespmem:s2], [sflag:$0x2], $0x8000, s15, s14, $0x38;
	[tilespmem:$0x18000] =	vst v63  }
0x417: {  	_ =	swait.ge [sflag:s3], $0x8000  }
0x418: {  	[sflag:s3] =	ssyncset.done $0x0  }
0x419: {  	[sflag:s3] =	ssyncadd.s32 $0xFFFF8000  }
0x41a: {  	_ =	swait.ge [sflag:s3], $0x8000  }
0x41b: {  	[sflag:s3] =	ssyncset.done $0x0  }
0x41c: {  	[sflag:s3] =	ssyncadd.s32 $0xFFFF8000  }
0x41d: {  	_ =	swait.ge [sflag:s3], $0x8000  }
0x41e: {  	[sflag:s3] =	ssyncset.done $0x0  }
0x41f: {  	[sflag:s3] =	ssyncadd.s32 $0xFFFF8000  }
0x420: {  	_ =	swait.ge [sflag:s3], $0x8000  }
0x421: {  	[sflag:s3] =	ssyncset.done $0x0  }
0x422: {  	[sflag:s3] =	ssyncadd.s32 $0xFFFF8000  }
0x423: {  	_ =	swait.ge [sflag:s3], $0x8000  }
0x424: {  	[sflag:s3] =	ssyncset.done $0x0  }
0x425: {  	[sflag:s3] =	ssyncadd.s32 $0xFFFF8000  }
0x426: {  	_ =	swait.ge [sflag:s3], $0x8000  }
0x427: {  	[sflag:s3] =	ssyncset.done $0x0  }
0x428: {  	[sflag:s3] =	ssyncadd.s32 $0xFFFF8000  }
0x429: {  	_ =	swait.ge [sflag:s3], $0x8000  }
0x42a: {  	[sflag:s3] =	ssyncset.done $0x0  }
0x42b: {  	[sflag:s3] =	ssyncadd.s32 $0xFFFF8000  }
0x42c: {  	_ =	swait.ge [sflag:s3], $0x8000  }
0x42d: {  	[sflag:s3] =	ssyncset.done $0x0  }
0x42e: {  	[sflag:s3] =	ssyncadd.s32 $0xFFFF8000  }
0x42f: {  	_ =	swait.ge [sflag:s13], $0x8000  }
0x430: {  	[sflag:s13] =	ssyncset.done $0x0  }
0x431: {  	[sflag:s13] =	ssyncadd.s32 $0xFFFF8000  }
0x432: {  	[hbm4b:s4+s14] =	stream.strided.scatter [tilespmem:s12], [sflag:$0x2], $0x8000, s15, s14, $0x38;
	[tilespmem:$0x18000] =	vst v63  }
0x433: {  	_ = 	snop  }
0x434: {  	[hbm4b:s5+s14] =	stream.strided.scatter [tilespmem:s12], [sflag:$0x2], $0x8000, s15, s14, $0x38;
	[tilespmem:$0x18000] =	vst v63  }
0x435: {  	_ = 	snop  }
0x436: {  	[hbm4b:s6+s14] =	stream.strided.scatter [tilespmem:s12], [sflag:$0x2], $0x8000, s15, s14, $0x38;
	[tilespmem:$0x18000] =	vst v63  }
0x437: {  	_ = 	snop  }
0x438: {  	[hbm4b:s7+s14] =	stream.strided.scatter [tilespmem:s12], [sflag:$0x2], $0x8000, s15, s14, $0x38;
	[tilespmem:$0x18000] =	vst v63  }
0x439: {  	_ = 	snop  }
0x43a: {  	[hbm4b:s8+s14] =	stream.strided.scatter [tilespmem:s12], [sflag:$0x2], $0x8000, s15, s14, $0x38;
	[tilespmem:$0x18000] =	vst v63  }
0x43b: {  	_ = 	snop  }
0x43c: {  	[hbm4b:s9+s14] =	stream.strided.scatter [tilespmem:s12], [sflag:$0x2], $0x8000, s15, s14, $0x38;
	[tilespmem:$0x18000] =	vst v63  }
0x43d: {  	_ = 	snop  }
0x43e: {  	[hbm4b:s10+s14] =	stream.strided.scatter [tilespmem:s12], [sflag:$0x2], $0x8000, s15, s14, $0x38;
	[tilespmem:$0x18000] =	vst v63  }
0x43f: {  	_ = 	snop  }
0x440: {  	[hbm4b:s11+s14] =	stream.strided.scatter [tilespmem:s12], [sflag:$0x2], $0x8000, s15, s14, $0x38;
	[tilespmem:$0x18000] =	vst v63  }
0x441: {  	_ =	swait.ge [sflag:s3], $0x8000  }
0x442: {  	[sflag:s3] =	ssyncset.done $0x0  }
0x443: {  	[sflag:s3] =	ssyncadd.s32 $0xFFFF8000  }
0x444: {  	_ =	swait.ge [sflag:s3], $0x8000  }
0x445: {  	[sflag:s3] =	ssyncset.done $0x0  }
0x446: {  	[sflag:s3] =	ssyncadd.s32 $0xFFFF8000  }
0x447: {  	_ =	swait.ge [sflag:s3], $0x8000  }
0x448: {  	[sflag:s3] =	ssyncset.done $0x0  }
0x449: {  	[sflag:s3] =	ssyncadd.s32 $0xFFFF8000  }
0x44a: {  	_ =	swait.ge [sflag:s3], $0x8000  }
0x44b: {  	[sflag:s3] =	ssyncset.done $0x0  }
0x44c: {  	[sflag:s3] =	ssyncadd.s32 $0xFFFF8000  }
0x44d: {  	_ =	swait.ge [sflag:s3], $0x8000  }
0x44e: {  	[sflag:s3] =	ssyncset.done $0x0  }
0x44f: {  	[sflag:s3] =	ssyncadd.s32 $0xFFFF8000  }
0x450: {  	_ =	swait.ge [sflag:s3], $0x8000  }
0x451: {  	[sflag:s3] =	ssyncset.done $0x0  }
0x452: {  	[sflag:s3] =	ssyncadd.s32 $0xFFFF8000  }
0x453: {  	_ =	swait.ge [sflag:s3], $0x8000  }
0x454: {  	[sflag:s3] =	ssyncset.done $0x0  }
0x455: {  	[sflag:s3] =	ssyncadd.s32 $0xFFFF8000  }
0x456: {  	_ =	swait.ge [sflag:s3], $0x8000  }
0x457: {  	[sflag:s3] =	ssyncset.done $0x0  }
0x458: {  	[sflag:s3] =	ssyncadd.s32 $0xFFFF8000  }
0x459: {  	_ =	swait.ge [sflag:s3], $0x8000  }
0x45a: {  	[sflag:s3] =	ssyncset.done $0x0  }
0x45b: {  	[sflag:s3] =	ssyncadd.s32 $0xFFFF8000  }
0x45c: {  	_ =	swait.ge [sflag:s3], $0x8000  }
0x45d: {  	[sflag:s3] =	ssyncset.done $0x0  }
0x45e: {  	[sflag:s3] =	ssyncadd.s32 $0xFFFF8000  }
0x45f: {  	_ =	swait.ge [sflag:s3], $0x8000  }
0x460: {  	[sflag:s3] =	ssyncset.done $0x0  }
0x461: {  	[sflag:s3] =	ssyncadd.s32 $0xFFFF8000  }
0x462: {  	_ =	swait.ge [sflag:s3], $0x8000  }
0x463: {  	[sflag:s3] =	ssyncset.done $0x0  }
0x464: {  	[sflag:s3] =	ssyncadd.s32 $0xFFFF8000  }
0x465: {  	_ =	swait.ge [sflag:s3], $0x8000  }
0x466: {  	[sflag:s3] =	ssyncset.done $0x0  }
0x467: {  	[sflag:s3] =	ssyncadd.s32 $0xFFFF8000  }
0x468: {  	_ =	swait.ge [sflag:s3], $0x8000  }
0x469: {  	[sflag:s3] =	ssyncset.done $0x0  }
0x46a: {  	[sflag:s3] =	ssyncadd.s32 $0xFFFF8000  }
0x46b: {  	_ =	swait.ge [sflag:s3], $0x8000  }
0x46c: {  	[sflag:s3] =	ssyncset.done $0x0  }
0x46d: {  	[sflag:s3] =	ssyncadd.s32 $0xFFFF8000  }
0x46e: {  	_ =	swait.ge [sflag:s3], $0x8000  }
0x46f: {  	[sflag:s3] =	ssyncset.done $0x0  }
0x470: {  	[sflag:s3] =	ssyncadd.s32 $0xFFFF8000  }
0x471: {  	_ =	sfence.sel $0x180000  }
0x472: {  	[bflag:$0x0] =	sbarrier.arrive $0xFFFF  }
0x473: {  	_ =	strace $0x90000047  }
0x474: {  	s31 =	stileid.u32;
	[bflag:$0x2] =	sbarrier.arrive $0xFFFF  }
0x475: {  	p0 =	sne.s32 s31, $0x0;
	s0 =	rddreg [dreg:$0x3]  }
0x476: {  	s0 =	sadd.s32 @!p0 $0x100000, s0  }
0x477: {  	[sflag:s0] =	ssyncadd.tile.s32 @!p0 $0x1;
	_ =	shalt  }
.Lfunc_end2:
_tile_overlayer_lowered:
.L_overlay_start_2:
0x478: {  	(tag) =	ssettag $0x2  }
0x479: {  	s0 =	rddreg [dreg:$0x0];
	s2 =	stileid.u32  }
0x47a: {  	s1 =	rddreg [dreg:$0x1];
	p0 =	sne.s32 s2, $0x0  }
0x47b: {  	s3 =	rddreg [dreg:$0x2];
	[bflag:$0x3] =	sbarrier.arrive $0xFFFF;
	s2 =	simm.s32 @!p0 $0x1C03  }
0x47c: {  	[timem:s3], [sflag:s2] =	dma.local @!p0 [hbm:s0], s1  }
0x47d: {  	s0 =	simm.s32 @!p0 $0x3  }
0x47e: {  	_ =	swait.ge @!p0 [sflag:s0], s1  }
0x47f: {  	s1 =	ssub.s32 @!p0 $0x0, s1;
	[sflag:s0] =	ssyncset.done @!p0 $0x0  }
0x480: {  	[sflag:s0] =	ssyncadd.s32 @!p0 s1  }
0x481: {  	[bflag:$0x3] =	sbarrier.arrive $0xFFFF  }
0x482: {  	_ =	shalt  }

</sc_bundles>
